<compile_context>
chip_gen: v7x
topology: tpu7x:2x2x1
jax: 0.10.2.dev20260603
libtpu: 0.0.44.dev20260713+nightly
codegen_flags: <defaults>
</compile_context>

<pallas_src>
import functools

import jax
import jax.numpy as jnp
from jax import lax
from jax.experimental import pallas as pl
from jax.experimental.pallas import tpu as pltpu
from jax.experimental.pallas import tpu_sc as plsc

T = 8
N = 10000
E = 320000
D = 128
H = 128
HL = 128
C = 10
G = 16

HALF = 5120
APAD = 5376
JUNK = 5120
NPAD = 10240
EP = 327680
CCONV = 160
CDEG = 80
NB = 2

_f32 = jnp.float32
_i32 = jnp.int32

_mesh = plsc.VectorSubcoreMesh(core_axis_name="c", subcore_axis_name="s")



_EW = EP // 32


_HR = NPAD * 8 // 128


@functools.partial(
    pl.kernel,
    out_type=jax.ShapeDtypeStruct((2, 16, T, _HR, 128), _f32),
    mesh=_mesh,
    scratch_types=[
        pltpu.VMEM((_HR, 128), _f32),
        pltpu.VMEM((_EW,), _i32),
        pltpu.VMEM((_EW,), _i32),
    ],
    compiler_params=pltpu.CompilerParams(needs_layout_passes=False),
)
def _deg_sc(idxr_hbm, idxc_hbm, zeros_hbm, out_hbm, hist_v, idxr_v, idxc_v):
    cid = lax.axis_index("c")
    sid = lax.axis_index("s")
    wid = cid * 16 + sid
    ones = jnp.ones((16,), _f32)
    for t in range(T):
        pltpu.sync_copy(zeros_hbm, hist_v)
        pltpu.sync_copy(idxr_hbm.at[t, wid], idxr_v)
        pltpu.sync_copy(idxc_hbm.at[t, wid], idxc_v)

        def it(i, carry):
            ids_r = idxr_v[pl.ds(i * 16, 16)]
            ids_c = idxc_v[pl.ds(i * 16, 16)]
            plsc.addupdate_scatter(hist_v, [ids_r, ids_c], ones)
            return carry

        lax.fori_loop(0, _EW // 16, it, 0)
        pltpu.sync_copy(hist_v, out_hbm.at[cid, sid, t])


@functools.partial(
    pl.kernel,
    out_type=jax.ShapeDtypeStruct((T * N, 128), _f32),
    mesh=_mesh,
    scratch_types=[
        pltpu.VMEM((CCONV, 128), _i32),
        pltpu.VMEM((CCONV, 128), _i32),
        pltpu.VMEM((NB, 128, 128), _f32),
        pltpu.VMEM((80, 128), _f32),
        pltpu.VMEM_SHARED((APAD, 128), _f32),
        pltpu.SemaphoreType.DMA,
    ],
)
def _conv_sc(y_hbm, srcc_hbm, dstc_hbm, out_hbm, src_v, dst_v, bufs_v, stage_v, acc_sh, gsem):
    cid = lax.axis_index("c")
    sid = lax.axis_index("s")
    last1 = jnp.logical_and(cid == 1, sid == 15)
    for t in range(T):
        base = t * N + cid * HALF + sid * 320

        @pl.when(jnp.logical_not(last1))
        def _():
            pltpu.sync_copy(y_hbm.at[pl.ds(base, 320)], acc_sh.at[pl.ds(sid * 320, 320)])

        @pl.when(last1)
        def _():
            pltpu.sync_copy(y_hbm.at[pl.ds(base, 80)], acc_sh.at[pl.ds(15 * 320, 80)])

        plsc.subcore_barrier()
        pltpu.sync_copy(srcc_hbm.at[t, sid], src_v)
        pltpu.sync_copy(dstc_hbm.at[t, cid, sid], dst_v)
        for b in range(NB):
            pltpu.async_copy(y_hbm.at[src_v.at[b]], bufs_v.at[b], gsem)

        def group(gi, carry):
            for b in range(NB):
                j = gi * NB + b
                pltpu.make_async_copy(y_hbm.at[src_v.at[j]], bufs_v.at[b], gsem).wait()
                pltpu.sync_copy(bufs_v.at[b], acc_sh.at[dst_v.at[j]], add=True)
                nj = j + NB

                @pl.when(nj < CCONV)
                def _():
                    pltpu.async_copy(y_hbm.at[src_v.at[nj]], bufs_v.at[b], gsem)
            return carry

        lax.fori_loop(0, CCONV // NB, group, 0)
        plsc.subcore_barrier()

        @pl.when(jnp.logical_not(last1))
        def _():
            for hh in range(4):
                pltpu.sync_copy(acc_sh.at[pl.ds(sid * 320 + hh * 80, 80)], stage_v)
                pltpu.sync_copy(stage_v, out_hbm.at[pl.ds(base + hh * 80, 80)])

        @pl.when(last1)
        def _():
            pltpu.sync_copy(acc_sh.at[pl.ds(15 * 320, 80)], stage_v)
            pltpu.sync_copy(stage_v, out_hbm.at[pl.ds(base, 80)])



_BLK = 640
_NBLK = (T * N) // _BLK


def _tc_xw_body(x_ref, w_ref, o_ref):
    o_ref[...] = jnp.dot(x_ref[...], w_ref[...], preferred_element_type=_f32)


def _tc_xw(x, w):
    return pl.pallas_call(
        _tc_xw_body,
        grid=(_NBLK,),
        in_specs=[
            pl.BlockSpec((_BLK, 128), lambda i: (i, 0)),
            pl.BlockSpec((128, 128), lambda i: (0, 0)),
        ],
        out_specs=pl.BlockSpec((_BLK, 128), lambda i: (i, 0)),
        out_shape=jax.ShapeDtypeStruct((T * N, 128), _f32),
    )(x, w)


def _tc_scale_body(y_ref, degp_ref, yp_ref, dinv_ref):
    s = degp_ref[0, 0]
    for w in range(1, 32):
        s = s + degp_ref[w, 0]
    deg = jnp.sum(s, axis=1, keepdims=True) + 1.0
    dinv = lax.rsqrt(deg)
    yp_ref[...] = y_ref[...] * dinv
    dinv_ref[...] = jnp.broadcast_to(dinv, (400, 16))


def _tc_scale(y1, degp):
    return pl.pallas_call(
        _tc_scale_body,
        grid=(T, 25),
        in_specs=[
            pl.BlockSpec((400, 128), lambda t, i: (t * 25 + i, 0)),
            pl.BlockSpec((32, 1, 400, 8), lambda t, i: (0, t, i, 0)),
        ],
        out_specs=[
            pl.BlockSpec((400, 128), lambda t, i: (t * 25 + i, 0)),
            pl.BlockSpec((400, 16), lambda t, i: (t * 25 + i, 0)),
        ],
        out_shape=[
            jax.ShapeDtypeStruct((T * N, 128), _f32),
            jax.ShapeDtypeStruct((T * N, 16), _f32),
        ],
    )(y1, degp)


def _tc_mid_body(acc_ref, dinv_ref, b_ref, w_ref, yp_ref):
    dinv = dinv_ref[:, 0:1]
    h = acc_ref[...] * dinv + b_ref[...]
    h = jnp.maximum(h, 0.0)
    yp_ref[...] = jnp.dot(h, w_ref[...], preferred_element_type=_f32) * dinv


def _tc_mid(acc1, dinv16, b1, W2):
    return pl.pallas_call(
        _tc_mid_body,
        grid=(_NBLK,),
        in_specs=[
            pl.BlockSpec((_BLK, 128), lambda i: (i, 0)),
            pl.BlockSpec((_BLK, 16), lambda i: (i, 0)),
            pl.BlockSpec((1, 128), lambda i: (0, 0)),
            pl.BlockSpec((128, 128), lambda i: (0, 0)),
        ],
        out_specs=pl.BlockSpec((_BLK, 128), lambda i: (i, 0)),
        out_shape=jax.ShapeDtypeStruct((T * N, 128), _f32),
    )(acc1, dinv16, b1, W2)


def _sigmoid(x):
    return 1.0 / (1.0 + jnp.exp(-x))


def _tc_tail_body(acc_ref, dinv_ref, b_ref, batch_ref, wih0, whh0, b0, wih1,
                  whh1, b1l, wlin, blin, out_ref, seq_s, y0_s, xg_s):
    t = pl.program_id(0)
    h2 = acc_ref[...] * dinv_ref[:, 0:1] + b_ref[...]
    h2 = jnp.maximum(h2, 0.0)
    bt = jnp.broadcast_to(batch_ref[0], (G, N))
    gid = lax.broadcasted_iota(_i32, (G, 1), 0)
    P = (bt == gid).astype(_f32)
    sums = jnp.dot(P, h2, preferred_element_type=_f32)
    counts = jnp.sum(P, axis=1, keepdims=True)
    seq_s[pl.ds(t * G, G), :] = sums / jnp.maximum(counts, 1.0)

    @pl.when(t == T - 1)
    def _():
        def cell(gates, h, c, whh):
            g = gates + jnp.dot(h, whh[...], preferred_element_type=_f32)
            i = _sigmoid(g[:, 0:HL])
            f = _sigmoid(g[:, HL:2 * HL])
            gg = jnp.tanh(g[:, 2 * HL:3 * HL])
            o = _sigmoid(g[:, 3 * HL:4 * HL])
            c_new = f * c + i * gg
            return o * jnp.tanh(c_new), c_new

        z = jnp.zeros((1, HL), _f32)
        xg_s[...] = jnp.dot(seq_s[...], wih0[...], preferred_element_type=_f32) + b0[...]

        def step0(i, carry):
            h, c = carry
            h, c = cell(xg_s[pl.ds(i, 1), :], h, c, whh0)
            y0_s[pl.ds(i, 1), :] = h
            return (h, c)

        lax.fori_loop(0, T * G, step0, (z, z))
        xg_s[...] = jnp.dot(y0_s[...], wih1[...], preferred_element_type=_f32) + b1l[...]

        def step1(i, carry):
            h, c = carry
            return cell(xg_s[pl.ds(i, 1), :], h, c, whh1)

        hf, _cf = lax.fori_loop(0, T * G, step1, (z, z))
        res = jnp.dot(hf, wlin[...], preferred_element_type=_f32) + blin[...]
        out_ref[...] = jnp.broadcast_to(res, (8, 128))


def _tc_tail(acc2, dinv16, b2, batch3, wih0T, whh0T, b0, wih1T, whh1T, b1l, wlin_pad, blin_pad):
    full = lambda shape: pl.BlockSpec(shape, lambda t: tuple(0 for _ in shape))
    return pl.pallas_call(
        _tc_tail_body,
        grid=(T,),
        in_specs=[
            pl.BlockSpec((N, 128), lambda t: (t, 0)),
            pl.BlockSpec((N, 16), lambda t: (t, 0)),
            full((1, 128)),
            pl.BlockSpec((1, 1, N), lambda t: (t, 0, 0)),
            full((128, 4 * HL)),
            full((HL, 4 * HL)),
            full((1, 4 * HL)),
            full((HL, 4 * HL)),
            full((HL, 4 * HL)),
            full((1, 4 * HL)),
            full((HL, 128)),
            full((1, 128)),
        ],
        out_specs=pl.BlockSpec((8, 128), lambda t: (0, 0)),
        out_shape=jax.ShapeDtypeStruct((8, 128), _f32),
        scratch_shapes=[
            pltpu.VMEM((T * G, H), _f32),
            pltpu.VMEM((T * G, HL), _f32),
            pltpu.VMEM((T * G, 4 * HL), _f32),
        ],
    )(acc2, dinv16, b2, batch3, wih0T, whh0T, b0, wih1T, whh1T, b1l, wlin_pad, blin_pad)



def kernel(x_list, edge_index_list, batch_list, W1, b1, W2, b2, Wih0, Whh0,
           bih0, bhh0, Wih1, Whh1, bih1, bhh1, Wlin, blin):
    ei = edge_index_list.astype(_i32)
    pad = EP - E
    src = jnp.concatenate([ei[:, 0, :], jnp.zeros((T, pad), _i32)], axis=1)
    dst = jnp.concatenate([ei[:, 1, :], jnp.full((T, pad), N, _i32)], axis=1)
    src_g = src + (jnp.arange(T, dtype=_i32) * N)[:, None]
    src_conv = src_g.reshape(T, 16, CCONV, 128)
    dst_c0 = jnp.where(dst < HALF, dst, JUNK)
    dst_c1 = jnp.where(dst >= HALF, dst - HALF, JUNK)
    dst_conv = jnp.stack([dst_c0, dst_c1], axis=1).reshape(T, 2, 16, CCONV, 128)
    dst_deg = dst.reshape(T, 32, CDEG, 128)
    ones16 = jnp.ones((128, 16), _f32)
    zeros16 = jnp.zeros((128, 16), _f32)
    iota_np = jnp.arange(NPAD, dtype=_i32).reshape(NPAD // 128, 128)
    batch3 = batch_list.astype(_i32).reshape(T, 1, N)

    xflat = x_list.reshape(T * N, D)
    y1 = _tc_xw(xflat, W1)
    idx8 = dst * 8 + (jnp.arange(EP, dtype=_i32) % 8)[None, :]
    idxr = (idx8 >> 7).reshape(T, 32, _EW)
    idxc = (idx8 & 127).reshape(T, 32, _EW)
    zerosh = jnp.zeros((_HR, 128), _f32)
    degp = _deg_sc(idxr, idxc, zerosh).reshape(32, T, NPAD, 8)
    yp1, dinv16 = _tc_scale(y1, degp)
    tN = (jnp.arange(T, dtype=_i32) * N)[:, None]
    flat_dst = jnp.where(dst < N, dst + tN, T * N).reshape(-1)
    flat_src = src_g.reshape(-1)

    def _conv_jnp(yp):
        return yp.at[flat_dst].add(jnp.take(yp, flat_src, axis=0), mode="drop")

    acc1 = _conv_jnp(yp1)
    yp2 = _tc_mid(acc1, dinv16, b1.reshape(1, 128), W2)
    acc2 = _conv_jnp(yp2)

    b0 = (bih0 + bhh0).reshape(1, 4 * HL)
    b1l = (bih1 + bhh1).reshape(1, 4 * HL)
    wlin_pad = jnp.zeros((HL, 128), _f32).at[:, :C].set(Wlin.T)
    blin_pad = jnp.zeros((1, 128), _f32).at[:, :C].set(blin[None, :])
    out8 = _tc_tail(acc2, dinv16, b2.reshape(1, 128), batch3, Wih0.T, Whh0.T,
                    b0, Wih1.T, Whh1.T, b1l, wlin_pad, blin_pad)
    return out8[0:1, 0:C]

# --- scband reference (transcript-rebuilt; emitter-appended) ---
"""Pipeline reference for scband-tgcn-77129022702011 (READ-ONLY COPY).

The authoritative reference and input builder live on the scoring server;
editing this copy changes nothing except your own understanding.
"""

import jax, jax.numpy as jnp
import numpy as np

T = 8
N = 10000
E = 320000
D = 128
H = 128
HL = 128
C = 10
G = 16


def setup_inputs(seed: int = 0) -> dict:
    key = jax.random.key(seed)
    ks = jax.random.split(key, 24)
    inp = {}
    inp["x_list"] = jax.random.normal(ks[0], (T, N, D), dtype=jnp.float32)
    inp["edge_index_list"] = jax.random.randint(ks[1], (T, 2, E), 0, N)
    inp["batch_list"] = jnp.sort(jax.random.randint(ks[2], (T, N), 0, G), axis=-1)
    # GCN layer 1: in D -> H
    inp["W1"] = jax.random.normal(ks[3], (D, H), dtype=jnp.float32) / np.float32(np.sqrt(D))
    inp["b1"] = jnp.zeros((H,), dtype=jnp.float32)
    # GCN layer 2: H -> H
    inp["W2"] = jax.random.normal(ks[4], (H, H), dtype=jnp.float32) / np.float32(np.sqrt(H))
    inp["b2"] = jnp.zeros((H,), dtype=jnp.float32)
    # LSTM layer 0: input H -> hidden HL (gate order i,f,g,o as in torch)
    inp["Wih0"] = jax.random.normal(ks[5], (4 * HL, H), dtype=jnp.float32) / np.float32(np.sqrt(H))
    inp["Whh0"] = jax.random.normal(ks[6], (4 * HL, HL), dtype=jnp.float32) / np.float32(np.sqrt(HL))
    inp["bih0"] = jnp.zeros((4 * HL,), dtype=jnp.float32)
    inp["bhh0"] = jnp.zeros((4 * HL,), dtype=jnp.float32)
    # LSTM layer 1: input HL -> hidden HL
    inp["Wih1"] = jax.random.normal(ks[7], (4 * HL, HL), dtype=jnp.float32) / np.float32(np.sqrt(HL))
    inp["Whh1"] = jax.random.normal(ks[8], (4 * HL, HL), dtype=jnp.float32) / np.float32(np.sqrt(HL))
    inp["bih1"] = jnp.zeros((4 * HL,), dtype=jnp.float32)
    inp["bhh1"] = jnp.zeros((4 * HL,), dtype=jnp.float32)
    # final linear HL -> C
    inp["Wlin"] = jax.random.normal(ks[9], (C, HL), dtype=jnp.float32) / np.float32(np.sqrt(HL))
    inp["blin"] = jnp.zeros((C,), dtype=jnp.float32)
    return inp


def gcn_conv(x, edge_index, W, b):
    # PyG GCNConv: add self loops, symmetric normalization D^-1/2 (A+I) D^-1/2 (X W) + b
    num_nodes = x.shape[0]
    loop = jnp.arange(num_nodes)
    src = jnp.concatenate([edge_index[0], loop])
    dst = jnp.concatenate([edge_index[1], loop])
    deg = jnp.zeros((num_nodes,), dtype=x.dtype).at[dst].add(1.0)
    dinv = jax.lax.rsqrt(deg)
    norm = dinv[src] * dinv[dst]
    xw = x @ W
    msg = jnp.take(xw, src, axis=0) * norm[:, None]
    out = jnp.zeros((num_nodes, W.shape[1]), dtype=x.dtype).at[dst].add(msg)
    return out + b


def global_mean_pool(x, batch, num_graphs):
    sums = jax.ops.segment_sum(x, batch, num_segments=num_graphs)
    counts = jax.ops.segment_sum(jnp.ones((x.shape[0],), dtype=x.dtype), batch, num_segments=num_graphs)
    return sums / jnp.maximum(counts, 1.0)[:, None]


def lstm_layer(x_seq, Wih, Whh, bih, bhh):
    Hd = Whh.shape[1]
    def step(carry, xt):
        h, c = carry
        g = xt @ Wih.T + h @ Whh.T + bih + bhh
        i, f, gg, o = jnp.split(g, 4)
        i = jax.nn.sigmoid(i)
        f = jax.nn.sigmoid(f)
        gg = jnp.tanh(gg)
        o = jax.nn.sigmoid(o)
        c_new = f * c + i * gg
        h_new = o * jnp.tanh(c_new)
        return (h_new, c_new), h_new
    init = (jnp.zeros((Hd,), dtype=x_seq.dtype), jnp.zeros((Hd,), dtype=x_seq.dtype))
    _, ys = jax.lax.scan(step, init, x_seq)
    return ys


def reference(x_list, edge_index_list, batch_list, W1, b1, W2, b2, Wih0, Whh0, bih0, bhh0, Wih1, Whh1, bih1, bhh1, Wlin, blin):
    embs = []
    for i in range(x_list.shape[0]):
        x = jax.nn.relu(gcn_conv(x_list[i], edge_index_list[i], W1, b1))
        x = jax.nn.relu(gcn_conv(x, edge_index_list[i], W2, b2))
        embs.append(global_mean_pool(x, batch_list[i], G))
    seq = jnp.concatenate(embs, axis=0)  # [T*G, H] ; batch dim of LSTM is 1
    y0 = lstm_layer(seq, Wih0, Whh0, bih0, bhh0)
    y1 = lstm_layer(y0, Wih1, Whh1, bih1, bhh1)
    last = y1[-1]
    out = last @ Wlin.T + blin
    return out[None, :]

if __name__ == "__main__":
    import jax
    _d = setup_inputs()
    print(jax.jit(kernel)(*tuple(_d.values())))

</pallas_src>

<mosaic_0001>
#map = affine_map<(d0, d1) -> (0, 0, 0)>
#map1 = affine_map<(d0, d1) -> (0, 0)>
#map2 = affine_map<(d0, d1) -> (0, 0, 0, 0, 0)>
module attributes {stable_mosaic.version = 14 : i64} {
  func.func @_deg_sc(%arg0: i32, %arg1: i32, %arg2: memref<8x32x10240xi32, #tpu.memory_space<hbm>>, %arg3: memref<8x32x10240xi32, #tpu.memory_space<hbm>>, %arg4: memref<640x128xf32, #tpu.memory_space<hbm>>, %arg5: memref<2x16x8x640x128xf32, #tpu.memory_space<hbm>>, %arg6: memref<640x128xf32, #tpu.memory_space<vmem>>, %arg7: memref<10240xi32, #tpu.memory_space<vmem>>, %arg8: memref<10240xi32, #tpu.memory_space<vmem>>) attributes {dimension_semantics = [#tpu.dimension_semantics<core_parallel>, #tpu.dimension_semantics<subcore_parallel>], iteration_bounds = array<i64: 2, 16>, scalar_prefetch = 0 : i64, scratch_operands = 3 : i64, tpu.core_type = #tpu.core_type<sc_vector_subcore>, window_params = [{transform_indices = #map}, {transform_indices = #map}, {transform_indices = #map1}, {transform_indices = #map2}]} {
    %mul3A = arith.constant 16 : i32
    %mul3A_0 = arith.muli %arg0, %mul3A : i32
    %add3A = arith.addi %mul3A_0, %arg1 : i32
    %broadcast_in_dim3A = arith.constant 1.000000e+00 : f32
    %broadcast_in_dim3A_1 = vector.broadcast %broadcast_in_dim3A : f32 to vector<16xf32>
    "tpu.region"() ({
      %run_scoped3A_72 = tpu.sem_alloc : memref<!tpu.dma_semaphore, #tpu.memory_space<semaphore_mem>>
      tpu.enqueue_dma source(%arg4 : memref<640x128xf32, #tpu.memory_space<hbm>>) target(%arg6 : memref<640x128xf32, #tpu.memory_space<vmem>>) target_semaphore(%run_scoped3A_72 : memref<!tpu.dma_semaphore, #tpu.memory_space<semaphore_mem>>)
      tpu.wait_dma2 semaphore(%run_scoped3A_72 : memref<!tpu.dma_semaphore, #tpu.memory_space<semaphore_mem>>) src(%arg4 : memref<640x128xf32, #tpu.memory_space<hbm>>) dst(%arg6 : memref<640x128xf32, #tpu.memory_space<vmem>>)
      tpu.yield
    }) : () -> ()
    %run_scoped3A = arith.constant 0 : i32
    "tpu.region"() ({
      %run_scoped3A_72 = tpu.sem_alloc : memref<!tpu.dma_semaphore, #tpu.memory_space<semaphore_mem>>
      %dma_start3A = arith.constant 0 : i32
      %dma_start3A_73 = tpu.memref_slice %arg2[%run_scoped3A, %add3A, %dma_start3A] : memref<8x32x10240xi32, #tpu.memory_space<hbm>> -> memref<1x1x10240xi32, #tpu.memory_space<hbm>>
      %dma_start3A_74 = tpu.memref_squeeze %dma_start3A_73 : memref<1x1x10240xi32, #tpu.memory_space<hbm>> -> memref<10240xi32, #tpu.memory_space<hbm>>
      %dma_start3A_75 = arith.constant 0 : i32
      %dma_start3A_76 = tpu.memref_slice %arg2[%run_scoped3A, %add3A, %dma_start3A_75] : memref<8x32x10240xi32, #tpu.memory_space<hbm>> -> memref<1x1x10240xi32, #tpu.memory_space<hbm>>
      %dma_start3A_77 = tpu.memref_squeeze %dma_start3A_76 : memref<1x1x10240xi32, #tpu.memory_space<hbm>> -> memref<10240xi32, #tpu.memory_space<hbm>>
      tpu.enqueue_dma source(%dma_start3A_77 : memref<10240xi32, #tpu.memory_space<hbm>>) target(%arg7 : memref<10240xi32, #tpu.memory_space<vmem>>) target_semaphore(%run_scoped3A_72 : memref<!tpu.dma_semaphore, #tpu.memory_space<semaphore_mem>>)
      %dma_wait3A = arith.constant 0 : i32
      %dma_wait3A_78 = tpu.memref_slice %arg2[%run_scoped3A, %add3A, %dma_wait3A] : memref<8x32x10240xi32, #tpu.memory_space<hbm>> -> memref<1x1x10240xi32, #tpu.memory_space<hbm>>
      %dma_wait3A_79 = tpu.memref_squeeze %dma_wait3A_78 : memref<1x1x10240xi32, #tpu.memory_space<hbm>> -> memref<10240xi32, #tpu.memory_space<hbm>>
      %dma_wait3A_80 = arith.constant 0 : i32
      %dma_wait3A_81 = tpu.memref_slice %arg2[%run_scoped3A, %add3A, %dma_wait3A_80] : memref<8x32x10240xi32, #tpu.memory_space<hbm>> -> memref<1x1x10240xi32, #tpu.memory_space<hbm>>
      %dma_wait3A_82 = tpu.memref_squeeze %dma_wait3A_81 : memref<1x1x10240xi32, #tpu.memory_space<hbm>> -> memref<10240xi32, #tpu.memory_space<hbm>>
      tpu.wait_dma2 semaphore(%run_scoped3A_72 : memref<!tpu.dma_semaphore, #tpu.memory_space<semaphore_mem>>) src(%dma_wait3A_82 : memref<10240xi32, #tpu.memory_space<hbm>>) dst(%arg7 : memref<10240xi32, #tpu.memory_space<vmem>>)
      tpu.yield
    }) : () -> ()
    %run_scoped3A_2 = arith.constant 0 : i32
    "tpu.region"() ({
      %run_scoped3A_72 = tpu.sem_alloc : memref<!tpu.dma_semaphore, #tpu.memory_space<semaphore_mem>>
      %dma_start3A = arith.constant 0 : i32
      %dma_start3A_73 = tpu.memref_slice %arg3[%run_scoped3A_2, %add3A, %dma_start3A] : memref<8x32x10240xi32, #tpu.memory_space<hbm>> -> memref<1x1x10240xi32, #tpu.memory_space<hbm>>
      %dma_start3A_74 = tpu.memref_squeeze %dma_start3A_73 : memref<1x1x10240xi32, #tpu.memory_space<hbm>> -> memref<10240xi32, #tpu.memory_space<hbm>>
      %dma_start3A_75 = arith.constant 0 : i32
      %dma_start3A_76 = tpu.memref_slice %arg3[%run_scoped3A_2, %add3A, %dma_start3A_75] : memref<8x32x10240xi32, #tpu.memory_space<hbm>> -> memref<1x1x10240xi32, #tpu.memory_space<hbm>>
      %dma_start3A_77 = tpu.memref_squeeze %dma_start3A_76 : memref<1x1x10240xi32, #tpu.memory_space<hbm>> -> memref<10240xi32, #tpu.memory_space<hbm>>
      tpu.enqueue_dma source(%dma_start3A_77 : memref<10240xi32, #tpu.memory_space<hbm>>) target(%arg8 : memref<10240xi32, #tpu.memory_space<vmem>>) target_semaphore(%run_scoped3A_72 : memref<!tpu.dma_semaphore, #tpu.memory_space<semaphore_mem>>)
      %dma_wait3A = arith.constant 0 : i32
      %dma_wait3A_78 = tpu.memref_slice %arg3[%run_scoped3A_2, %add3A, %dma_wait3A] : memref<8x32x10240xi32, #tpu.memory_space<hbm>> -> memref<1x1x10240xi32, #tpu.memory_space<hbm>>
      %dma_wait3A_79 = tpu.memref_squeeze %dma_wait3A_78 : memref<1x1x10240xi32, #tpu.memory_space<hbm>> -> memref<10240xi32, #tpu.memory_space<hbm>>
      %dma_wait3A_80 = arith.constant 0 : i32
      %dma_wait3A_81 = tpu.memref_slice %arg3[%run_scoped3A_2, %add3A, %dma_wait3A_80] : memref<8x32x10240xi32, #tpu.memory_space<hbm>> -> memref<1x1x10240xi32, #tpu.memory_space<hbm>>
      %dma_wait3A_82 = tpu.memref_squeeze %dma_wait3A_81 : memref<1x1x10240xi32, #tpu.memory_space<hbm>> -> memref<10240xi32, #tpu.memory_space<hbm>>
      tpu.wait_dma2 semaphore(%run_scoped3A_72 : memref<!tpu.dma_semaphore, #tpu.memory_space<semaphore_mem>>) src(%dma_wait3A_82 : memref<10240xi32, #tpu.memory_space<hbm>>) dst(%arg8 : memref<10240xi32, #tpu.memory_space<vmem>>)
      tpu.yield
    }) : () -> ()
    %scan3A = arith.constant 0 : i32
    %scan3A_3 = arith.constant 0 : i32
    %scan3A_4 = arith.constant 640 : i32
    %scan3A_5 = arith.addi %scan3A_3, %scan3A_4 : i32
    %scan3A_6 = arith.constant 1 : i32
    scf.for %scan3A_72 = %scan3A_3 to %scan3A_5 step %scan3A_6  : i32 {
      %mul3A_73 = arith.constant 16 : i32
      %mul3A_74 = arith.muli %scan3A_72, %mul3A_73 : i32
      %get3A = arith.index_cast %mul3A_74 : i32 to index
      %get3A_75 = tpu.vector_load %arg7[%get3A] {strides = array<i32>} : memref<10240xi32, #tpu.memory_space<vmem>>, vector<16xi32>,
      %mul3A_76 = arith.constant 16 : i32
      %mul3A_77 = arith.muli %scan3A_72, %mul3A_76 : i32
      %get3A_78 = arith.index_cast %mul3A_77 : i32 to index
      %get3A_79 = tpu.vector_load %arg8[%get3A_78] {strides = array<i32>} : memref<10240xi32, #tpu.memory_space<vmem>>, vector<16xi32>,
      tpu.vector_store_idx %arg6[%get3A_75, %get3A_79], %broadcast_in_dim3A_1 {add = true} : memref<640x128xf32, #tpu.memory_space<vmem>>[vector<16xi32>, vector<16xi32>], vector<16xf32>,
    }
    %scan3A_7 = arith.constant 640 : i32
    %run_scoped3A_8 = arith.constant 0 : i32
    "tpu.region"() ({
      %run_scoped3A_72 = tpu.sem_alloc : memref<!tpu.dma_semaphore, #tpu.memory_space<semaphore_mem>>
      %dma_start3A = arith.constant 0 : i32
      %dma_start3A_73 = arith.constant 0 : i32
      %dma_start3A_74 = tpu.memref_slice %arg5[%arg0, %arg1, %run_scoped3A_8, %dma_start3A, %dma_start3A_73] : memref<2x16x8x640x128xf32, #tpu.memory_space<hbm>> -> memref<1x1x1x640x128xf32, #tpu.memory_space<hbm>>
      %dma_start3A_75 = tpu.memref_squeeze %dma_start3A_74 : memref<1x1x1x640x128xf32, #tpu.memory_space<hbm>> -> memref<640x128xf32, #tpu.memory_space<hbm>>
      %dma_start3A_76 = arith.constant 0 : i32
      %dma_start3A_77 = arith.constant 0 : i32
      %dma_start3A_78 = tpu.memref_slice %arg5[%arg0, %arg1, %run_scoped3A_8, %dma_start3A_76, %dma_start3A_77] : memref<2x16x8x640x128xf32, #tpu.memory_space<hbm>> -> memref<1x1x1x640x128xf32, #tpu.memory_space<hbm>>
      %dma_start3A_79 = tpu.memref_squeeze %dma_start3A_78 : memref<1x1x1x640x128xf32, #tpu.memory_space<hbm>> -> memref<640x128xf32, #tpu.memory_space<hbm>>
      tpu.enqueue_dma source(%arg6 : memref<640x128xf32, #tpu.memory_space<vmem>>) target(%dma_start3A_79 : memref<640x128xf32, #tpu.memory_space<hbm>>) target_semaphore(%run_scoped3A_72 : memref<!tpu.dma_semaphore, #tpu.memory_space<semaphore_mem>>)
      %dma_wait3A = arith.constant 0 : i32
      %dma_wait3A_80 = arith.constant 0 : i32
      %dma_wait3A_81 = tpu.memref_slice %arg5[%arg0, %arg1, %run_scoped3A_8, %dma_wait3A, %dma_wait3A_80] : memref<2x16x8x640x128xf32, #tpu.memory_space<hbm>> -> memref<1x1x1x640x128xf32, #tpu.memory_space<hbm>>
      %dma_wait3A_82 = tpu.memref_squeeze %dma_wait3A_81 : memref<1x1x1x640x128xf32, #tpu.memory_space<hbm>> -> memref<640x128xf32, #tpu.memory_space<hbm>>
      %dma_wait3A_83 = arith.constant 0 : i32
      %dma_wait3A_84 = arith.constant 0 : i32
      %dma_wait3A_85 = tpu.memref_slice %arg5[%arg0, %arg1, %run_scoped3A_8, %dma_wait3A_83, %dma_wait3A_84] : memref<2x16x8x640x128xf32, #tpu.memory_space<hbm>> -> memref<1x1x1x640x128xf32, #tpu.memory_space<hbm>>
      %dma_wait3A_86 = tpu.memref_squeeze %dma_wait3A_85 : memref<1x1x1x640x128xf32, #tpu.memory_space<hbm>> -> memref<640x128xf32, #tpu.memory_space<hbm>>
      tpu.wait_dma2 semaphore(%run_scoped3A_72 : memref<!tpu.dma_semaphore, #tpu.memory_space<semaphore_mem>>) src(%arg6 : memref<640x128xf32, #tpu.memory_space<vmem>>) dst(%dma_wait3A_86 : memref<640x128xf32, #tpu.memory_space<hbm>>)
      tpu.yield
    }) : () -> ()
    "tpu.region"() ({
      %run_scoped3A_72 = tpu.sem_alloc : memref<!tpu.dma_semaphore, #tpu.memory_space<semaphore_mem>>
      tpu.enqueue_dma source(%arg4 : memref<640x128xf32, #tpu.memory_space<hbm>>) target(%arg6 : memref<640x128xf32, #tpu.memory_space<vmem>>) target_semaphore(%run_scoped3A_72 : memref<!tpu.dma_semaphore, #tpu.memory_space<semaphore_mem>>)
      tpu.wait_dma2 semaphore(%run_scoped3A_72 : memref<!tpu.dma_semaphore, #tpu.memory_space<semaphore_mem>>) src(%arg4 : memref<640x128xf32, #tpu.memory_space<hbm>>) dst(%arg6 : memref<640x128xf32, #tpu.memory_space<vmem>>)
      tpu.yield
    }) : () -> ()
    %run_scoped3A_9 = arith.constant 1 : i32
    "tpu.region"() ({
      %run_scoped3A_72 = tpu.sem_alloc : memref<!tpu.dma_semaphore, #tpu.memory_space<semaphore_mem>>
      %dma_start3A = arith.constant 0 : i32
      %dma_start3A_73 = tpu.memref_slice %arg2[%run_scoped3A_9, %add3A, %dma_start3A] : memref<8x32x10240xi32, #tpu.memory_space<hbm>> -> memref<1x1x10240xi32, #tpu.memory_space<hbm>>
      %dma_start3A_74 = tpu.memref_squeeze %dma_start3A_73 : memref<1x1x10240xi32, #tpu.memory_space<hbm>> -> memref<10240xi32, #tpu.memory_space<hbm>>
      %dma_start3A_75 = arith.constant 0 : i32
      %dma_start3A_76 = tpu.memref_slice %arg2[%run_scoped3A_9, %add3A, %dma_start3A_75] : memref<8x32x10240xi32, #tpu.memory_space<hbm>> -> memref<1x1x10240xi32, #tpu.memory_space<hbm>>
      %dma_start3A_77 = tpu.memref_squeeze %dma_start3A_76 : memref<1x1x10240xi32, #tpu.memory_space<hbm>> -> memref<10240xi32, #tpu.memory_space<hbm>>
      tpu.enqueue_dma source(%dma_start3A_77 : memref<10240xi32, #tpu.memory_space<hbm>>) target(%arg7 : memref<10240xi32, #tpu.memory_space<vmem>>) target_semaphore(%run_scoped3A_72 : memref<!tpu.dma_semaphore, #tpu.memory_space<semaphore_mem>>)
      %dma_wait3A = arith.constant 0 : i32
      %dma_wait3A_78 = tpu.memref_slice %arg2[%run_scoped3A_9, %add3A, %dma_wait3A] : memref<8x32x10240xi32, #tpu.memory_space<hbm>> -> memref<1x1x10240xi32, #tpu.memory_space<hbm>>
      %dma_wait3A_79 = tpu.memref_squeeze %dma_wait3A_78 : memref<1x1x10240xi32, #tpu.memory_space<hbm>> -> memref<10240xi32, #tpu.memory_space<hbm>>
      %dma_wait3A_80 = arith.constant 0 : i32
      %dma_wait3A_81 = tpu.memref_slice %arg2[%run_scoped3A_9, %add3A, %dma_wait3A_80] : memref<8x32x10240xi32, #tpu.memory_space<hbm>> -> memref<1x1x10240xi32, #tpu.memory_space<hbm>>
      %dma_wait3A_82 = tpu.memref_squeeze %dma_wait3A_81 : memref<1x1x10240xi32, #tpu.memory_space<hbm>> -> memref<10240xi32, #tpu.memory_space<hbm>>
      tpu.wait_dma2 semaphore(%run_scoped3A_72 : memref<!tpu.dma_semaphore, #tpu.memory_space<semaphore_mem>>) src(%dma_wait3A_82 : memref<10240xi32, #tpu.memory_space<hbm>>) dst(%arg7 : memref<10240xi32, #tpu.memory_space<vmem>>)
      tpu.yield
    }) : () -> ()
    %run_scoped3A_10 = arith.constant 1 : i32
    "tpu.region"() ({
      %run_scoped3A_72 = tpu.sem_alloc : memref<!tpu.dma_semaphore, #tpu.memory_space<semaphore_mem>>
      %dma_start3A = arith.constant 0 : i32
      %dma_start3A_73 = tpu.memref_slice %arg3[%run_scoped3A_10, %add3A, %dma_start3A] : memref<8x32x10240xi32, #tpu.memory_space<hbm>> -> memref<1x1x10240xi32, #tpu.memory_space<hbm>>
      %dma_start3A_74 = tpu.memref_squeeze %dma_start3A_73 : memref<1x1x10240xi32, #tpu.memory_space<hbm>> -> memref<10240xi32, #tpu.memory_space<hbm>>
      %dma_start3A_75 = arith.constant 0 : i32
      %dma_start3A_76 = tpu.memref_slice %arg3[%run_scoped3A_10, %add3A, %dma_start3A_75] : memref<8x32x10240xi32, #tpu.memory_space<hbm>> -> memref<1x1x10240xi32, #tpu.memory_space<hbm>>
      %dma_start3A_77 = tpu.memref_squeeze %dma_start3A_76 : memref<1x1x10240xi32, #tpu.memory_space<hbm>> -> memref<10240xi32, #tpu.memory_space<hbm>>
      tpu.enqueue_dma source(%dma_start3A_77 : memref<10240xi32, #tpu.memory_space<hbm>>) target(%arg8 : memref<10240xi32, #tpu.memory_space<vmem>>) target_semaphore(%run_scoped3A_72 : memref<!tpu.dma_semaphore, #tpu.memory_space<semaphore_mem>>)
      %dma_wait3A = arith.constant 0 : i32
      %dma_wait3A_78 = tpu.memref_slice %arg3[%run_scoped3A_10, %add3A, %dma_wait3A] : memref<8x32x10240xi32, #tpu.memory_space<hbm>> -> memref<1x1x10240xi32, #tpu.memory_space<hbm>>
      %dma_wait3A_79 = tpu.memref_squeeze %dma_wait3A_78 : memref<1x1x10240xi32, #tpu.memory_space<hbm>> -> memref<10240xi32, #tpu.memory_space<hbm>>
      %dma_wait3A_80 = arith.constant 0 : i32
      %dma_wait3A_81 = tpu.memref_slice %arg3[%run_scoped3A_10, %add3A, %dma_wait3A_80] : memref<8x32x10240xi32, #tpu.memory_space<hbm>> -> memref<1x1x10240xi32, #tpu.memory_space<hbm>>
      %dma_wait3A_82 = tpu.memref_squeeze %dma_wait3A_81 : memref<1x1x10240xi32, #tpu.memory_space<hbm>> -> memref<10240xi32, #tpu.memory_space<hbm>>
      tpu.wait_dma2 semaphore(%run_scoped3A_72 : memref<!tpu.dma_semaphore, #tpu.memory_space<semaphore_mem>>) src(%dma_wait3A_82 : memref<10240xi32, #tpu.memory_space<hbm>>) dst(%arg8 : memref<10240xi32, #tpu.memory_space<vmem>>)
      tpu.yield
    }) : () -> ()
    %scan3A_11 = arith.constant 0 : i32
    %scan3A_12 = arith.constant 0 : i32
    %scan3A_13 = arith.constant 640 : i32
    %scan3A_14 = arith.addi %scan3A_12, %scan3A_13 : i32
    %scan3A_15 = arith.constant 1 : i32
    scf.for %scan3A_72 = %scan3A_12 to %scan3A_14 step %scan3A_15  : i32 {
      %mul3A_73 = arith.constant 16 : i32
      %mul3A_74 = arith.muli %scan3A_72, %mul3A_73 : i32
      %get3A = arith.index_cast %mul3A_74 : i32 to index
      %get3A_75 = tpu.vector_load %arg7[%get3A] {strides = array<i32>} : memref<10240xi32, #tpu.memory_space<vmem>>, vector<16xi32>,
      %mul3A_76 = arith.constant 16 : i32
      %mul3A_77 = arith.muli %scan3A_72, %mul3A_76 : i32
      %get3A_78 = arith.index_cast %mul3A_77 : i32 to index
      %get3A_79 = tpu.vector_load %arg8[%get3A_78] {strides = array<i32>} : memref<10240xi32, #tpu.memory_space<vmem>>, vector<16xi32>,
      tpu.vector_store_idx %arg6[%get3A_75, %get3A_79], %broadcast_in_dim3A_1 {add = true} : memref<640x128xf32, #tpu.memory_space<vmem>>[vector<16xi32>, vector<16xi32>], vector<16xf32>,
    }
    %scan3A_16 = arith.constant 640 : i32
    %run_scoped3A_17 = arith.constant 1 : i32
    "tpu.region"() ({
      %run_scoped3A_72 = tpu.sem_alloc : memref<!tpu.dma_semaphore, #tpu.memory_space<semaphore_mem>>
      %dma_start3A = arith.constant 0 : i32
      %dma_start3A_73 = arith.constant 0 : i32
      %dma_start3A_74 = tpu.memref_slice %arg5[%arg0, %arg1, %run_scoped3A_17, %dma_start3A, %dma_start3A_73] : memref<2x16x8x640x128xf32, #tpu.memory_space<hbm>> -> memref<1x1x1x640x128xf32, #tpu.memory_space<hbm>>
      %dma_start3A_75 = tpu.memref_squeeze %dma_start3A_74 : memref<1x1x1x640x128xf32, #tpu.memory_space<hbm>> -> memref<640x128xf32, #tpu.memory_space<hbm>>
      %dma_start3A_76 = arith.constant 0 : i32
      %dma_start3A_77 = arith.constant 0 : i32
      %dma_start3A_78 = tpu.memref_slice %arg5[%arg0, %arg1, %run_scoped3A_17, %dma_start3A_76, %dma_start3A_77] : memref<2x16x8x640x128xf32, #tpu.memory_space<hbm>> -> memref<1x1x1x640x128xf32, #tpu.memory_space<hbm>>
      %dma_start3A_79 = tpu.memref_squeeze %dma_start3A_78 : memref<1x1x1x640x128xf32, #tpu.memory_space<hbm>> -> memref<640x128xf32, #tpu.memory_space<hbm>>
      tpu.enqueue_dma source(%arg6 : memref<640x128xf32, #tpu.memory_space<vmem>>) target(%dma_start3A_79 : memref<640x128xf32, #tpu.memory_space<hbm>>) target_semaphore(%run_scoped3A_72 : memref<!tpu.dma_semaphore, #tpu.memory_space<semaphore_mem>>)
      %dma_wait3A = arith.constant 0 : i32
      %dma_wait3A_80 = arith.constant 0 : i32
      %dma_wait3A_81 = tpu.memref_slice %arg5[%arg0, %arg1, %run_scoped3A_17, %dma_wait3A, %dma_wait3A_80] : memref<2x16x8x640x128xf32, #tpu.memory_space<hbm>> -> memref<1x1x1x640x128xf32, #tpu.memory_space<hbm>>
      %dma_wait3A_82 = tpu.memref_squeeze %dma_wait3A_81 : memref<1x1x1x640x128xf32, #tpu.memory_space<hbm>> -> memref<640x128xf32, #tpu.memory_space<hbm>>
      %dma_wait3A_83 = arith.constant 0 : i32
      %dma_wait3A_84 = arith.constant 0 : i32
      %dma_wait3A_85 = tpu.memref_slice %arg5[%arg0, %arg1, %run_scoped3A_17, %dma_wait3A_83, %dma_wait3A_84] : memref<2x16x8x640x128xf32, #tpu.memory_space<hbm>> -> memref<1x1x1x640x128xf32, #tpu.memory_space<hbm>>
      %dma_wait3A_86 = tpu.memref_squeeze %dma_wait3A_85 : memref<1x1x1x640x128xf32, #tpu.memory_space<hbm>> -> memref<640x128xf32, #tpu.memory_space<hbm>>
      tpu.wait_dma2 semaphore(%run_scoped3A_72 : memref<!tpu.dma_semaphore, #tpu.memory_space<semaphore_mem>>) src(%arg6 : memref<640x128xf32, #tpu.memory_space<vmem>>) dst(%dma_wait3A_86 : memref<640x128xf32, #tpu.memory_space<hbm>>)
      tpu.yield
    }) : () -> ()
    "tpu.region"() ({
      %run_scoped3A_72 = tpu.sem_alloc : memref<!tpu.dma_semaphore, #tpu.memory_space<semaphore_mem>>
      tpu.enqueue_dma source(%arg4 : memref<640x128xf32, #tpu.memory_space<hbm>>) target(%arg6 : memref<640x128xf32, #tpu.memory_space<vmem>>) target_semaphore(%run_scoped3A_72 : memref<!tpu.dma_semaphore, #tpu.memory_space<semaphore_mem>>)
      tpu.wait_dma2 semaphore(%run_scoped3A_72 : memref<!tpu.dma_semaphore, #tpu.memory_space<semaphore_mem>>) src(%arg4 : memref<640x128xf32, #tpu.memory_space<hbm>>) dst(%arg6 : memref<640x128xf32, #tpu.memory_space<vmem>>)
      tpu.yield
    }) : () -> ()
    %run_scoped3A_18 = arith.constant 2 : i32
    "tpu.region"() ({
      %run_scoped3A_72 = tpu.sem_alloc : memref<!tpu.dma_semaphore, #tpu.memory_space<semaphore_mem>>
      %dma_start3A = arith.constant 0 : i32
      %dma_start3A_73 = tpu.memref_slice %arg2[%run_scoped3A_18, %add3A, %dma_start3A] : memref<8x32x10240xi32, #tpu.memory_space<hbm>> -> memref<1x1x10240xi32, #tpu.memory_space<hbm>>
      %dma_start3A_74 = tpu.memref_squeeze %dma_start3A_73 : memref<1x1x10240xi32, #tpu.memory_space<hbm>> -> memref<10240xi32, #tpu.memory_space<hbm>>
      %dma_start3A_75 = arith.constant 0 : i32
      %dma_start3A_76 = tpu.memref_slice %arg2[%run_scoped3A_18, %add3A, %dma_start3A_75] : memref<8x32x10240xi32, #tpu.memory_space<hbm>> -> memref<1x1x10240xi32, #tpu.memory_space<hbm>>
      %dma_start3A_77 = tpu.memref_squeeze %dma_start3A_76 : memref<1x1x10240xi32, #tpu.memory_space<hbm>> -> memref<10240xi32, #tpu.memory_space<hbm>>
      tpu.enqueue_dma source(%dma_start3A_77 : memref<10240xi32, #tpu.memory_space<hbm>>) target(%arg7 : memref<10240xi32, #tpu.memory_space<vmem>>) target_semaphore(%run_scoped3A_72 : memref<!tpu.dma_semaphore, #tpu.memory_space<semaphore_mem>>)
      %dma_wait3A = arith.constant 0 : i32
      %dma_wait3A_78 = tpu.memref_slice %arg2[%run_scoped3A_18, %add3A, %dma_wait3A] : memref<8x32x10240xi32, #tpu.memory_space<hbm>> -> memref<1x1x10240xi32, #tpu.memory_space<hbm>>
      %dma_wait3A_79 = tpu.memref_squeeze %dma_wait3A_78 : memref<1x1x10240xi32, #tpu.memory_space<hbm>> -> memref<10240xi32, #tpu.memory_space<hbm>>
      %dma_wait3A_80 = arith.constant 0 : i32
      %dma_wait3A_81 = tpu.memref_slice %arg2[%run_scoped3A_18, %add3A, %dma_wait3A_80] : memref<8x32x10240xi32, #tpu.memory_space<hbm>> -> memref<1x1x10240xi32, #tpu.memory_space<hbm>>
      %dma_wait3A_82 = tpu.memref_squeeze %dma_wait3A_81 : memref<1x1x10240xi32, #tpu.memory_space<hbm>> -> memref<10240xi32, #tpu.memory_space<hbm>>
      tpu.wait_dma2 semaphore(%run_scoped3A_72 : memref<!tpu.dma_semaphore, #tpu.memory_space<semaphore_mem>>) src(%dma_wait3A_82 : memref<10240xi32, #tpu.memory_space<hbm>>) dst(%arg7 : memref<10240xi32, #tpu.memory_space<vmem>>)
      tpu.yield
    }) : () -> ()
    %run_scoped3A_19 = arith.constant 2 : i32
    "tpu.region"() ({
      %run_scoped3A_72 = tpu.sem_alloc : memref<!tpu.dma_semaphore, #tpu.memory_space<semaphore_mem>>
      %dma_start3A = arith.constant 0 : i32
      %dma_start3A_73 = tpu.memref_slice %arg3[%run_scoped3A_19, %add3A, %dma_start3A] : memref<8x32x10240xi32, #tpu.memory_space<hbm>> -> memref<1x1x10240xi32, #tpu.memory_space<hbm>>
      %dma_start3A_74 = tpu.memref_squeeze %dma_start3A_73 : memref<1x1x10240xi32, #tpu.memory_space<hbm>> -> memref<10240xi32, #tpu.memory_space<hbm>>
      %dma_start3A_75 = arith.constant 0 : i32
      %dma_start3A_76 = tpu.memref_slice %arg3[%run_scoped3A_19, %add3A, %dma_start3A_75] : memref<8x32x10240xi32, #tpu.memory_space<hbm>> -> memref<1x1x10240xi32, #tpu.memory_space<hbm>>
      %dma_start3A_77 = tpu.memref_squeeze %dma_start3A_76 : memref<1x1x10240xi32, #tpu.memory_space<hbm>> -> memref<10240xi32, #tpu.memory_space<hbm>>
      tpu.enqueue_dma source(%dma_start3A_77 : memref<10240xi32, #tpu.memory_space<hbm>>) target(%arg8 : memref<10240xi32, #tpu.memory_space<vmem>>) target_semaphore(%run_scoped3A_72 : memref<!tpu.dma_semaphore, #tpu.memory_space<semaphore_mem>>)
      %dma_wait3A = arith.constant 0 : i32
      %dma_wait3A_78 = tpu.memref_slice %arg3[%run_scoped3A_19, %add3A, %dma_wait3A] : memref<8x32x10240xi32, #tpu.memory_space<hbm>> -> memref<1x1x10240xi32, #tpu.memory_space<hbm>>
      %dma_wait3A_79 = tpu.memref_squeeze %dma_wait3A_78 : memref<1x1x10240xi32, #tpu.memory_space<hbm>> -> memref<10240xi32, #tpu.memory_space<hbm>>
      %dma_wait3A_80 = arith.constant 0 : i32
      %dma_wait3A_81 = tpu.memref_slice %arg3[%run_scoped3A_19, %add3A, %dma_wait3A_80] : memref<8x32x10240xi32, #tpu.memory_space<hbm>> -> memref<1x1x10240xi32, #tpu.memory_space<hbm>>
      %dma_wait3A_82 = tpu.memref_squeeze %dma_wait3A_81 : memref<1x1x10240xi32, #tpu.memory_space<hbm>> -> memref<10240xi32, #tpu.memory_space<hbm>>
      tpu.wait_dma2 semaphore(%run_scoped3A_72 : memref<!tpu.dma_semaphore, #tpu.memory_space<semaphore_mem>>) src(%dma_wait3A_82 : memref<10240xi32, #tpu.memory_space<hbm>>) dst(%arg8 : memref<10240xi32, #tpu.memory_space<vmem>>)
      tpu.yield
    }) : () -> ()
    %scan3A_20 = arith.constant 0 : i32
    %scan3A_21 = arith.constant 0 : i32
    %scan3A_22 = arith.constant 640 : i32
    %scan3A_23 = arith.addi %scan3A_21, %scan3A_22 : i32
    %scan3A_24 = arith.constant 1 : i32
    scf.for %scan3A_72 = %scan3A_21 to %scan3A_23 step %scan3A_24  : i32 {
      %mul3A_73 = arith.constant 16 : i32
      %mul3A_74 = arith.muli %scan3A_72, %mul3A_73 : i32
      %get3A = arith.index_cast %mul3A_74 : i32 to index
      %get3A_75 = tpu.vector_load %arg7[%get3A] {strides = array<i32>} : memref<10240xi32, #tpu.memory_space<vmem>>, vector<16xi32>,
      %mul3A_76 = arith.constant 16 : i32
      %mul3A_77 = arith.muli %scan3A_72, %mul3A_76 : i32
      %get3A_78 = arith.index_cast %mul3A_77 : i32 to index
      %get3A_79 = tpu.vector_load %arg8[%get3A_78] {strides = array<i32>} : memref<10240xi32, #tpu.memory_space<vmem>>, vector<16xi32>,
      tpu.vector_store_idx %arg6[%get3A_75, %get3A_79], %broadcast_in_dim3A_1 {add = true} : memref<640x128xf32, #tpu.memory_space<vmem>>[vector<16xi32>, vector<16xi32>], vector<16xf32>,
    }
    %scan3A_25 = arith.constant 640 : i32
    %run_scoped3A_26 = arith.constant 2 : i32
    "tpu.region"() ({
      %run_scoped3A_72 = tpu.sem_alloc : memref<!tpu.dma_semaphore, #tpu.memory_space<semaphore_mem>>
      %dma_start3A = arith.constant 0 : i32
      %dma_start3A_73 = arith.constant 0 : i32
      %dma_start3A_74 = tpu.memref_slice %arg5[%arg0, %arg1, %run_scoped3A_26, %dma_start3A, %dma_start3A_73] : memref<2x16x8x640x128xf32, #tpu.memory_space<hbm>> -> memref<1x1x1x640x128xf32, #tpu.memory_space<hbm>>
      %dma_start3A_75 = tpu.memref_squeeze %dma_start3A_74 : memref<1x1x1x640x128xf32, #tpu.memory_space<hbm>> -> memref<640x128xf32, #tpu.memory_space<hbm>>
      %dma_start3A_76 = arith.constant 0 : i32
      %dma_start3A_77 = arith.constant 0 : i32
      %dma_start3A_78 = tpu.memref_slice %arg5[%arg0, %arg1, %run_scoped3A_26, %dma_start3A_76, %dma_start3A_77] : memref<2x16x8x640x128xf32, #tpu.memory_space<hbm>> -> memref<1x1x1x640x128xf32, #tpu.memory_space<hbm>>
      %dma_start3A_79 = tpu.memref_squeeze %dma_start3A_78 : memref<1x1x1x640x128xf32, #tpu.memory_space<hbm>> -> memref<640x128xf32, #tpu.memory_space<hbm>>
      tpu.enqueue_dma source(%arg6 : memref<640x128xf32, #tpu.memory_space<vmem>>) target(%dma_start3A_79 : memref<640x128xf32, #tpu.memory_space<hbm>>) target_semaphore(%run_scoped3A_72 : memref<!tpu.dma_semaphore, #tpu.memory_space<semaphore_mem>>)
      %dma_wait3A = arith.constant 0 : i32
      %dma_wait3A_80 = arith.constant 0 : i32
      %dma_wait3A_81 = tpu.memref_slice %arg5[%arg0, %arg1, %run_scoped3A_26, %dma_wait3A, %dma_wait3A_80] : memref<2x16x8x640x128xf32, #tpu.memory_space<hbm>> -> memref<1x1x1x640x128xf32, #tpu.memory_space<hbm>>
      %dma_wait3A_82 = tpu.memref_squeeze %dma_wait3A_81 : memref<1x1x1x640x128xf32, #tpu.memory_space<hbm>> -> memref<640x128xf32, #tpu.memory_space<hbm>>
      %dma_wait3A_83 = arith.constant 0 : i32
      %dma_wait3A_84 = arith.constant 0 : i32
      %dma_wait3A_85 = tpu.memref_slice %arg5[%arg0, %arg1, %run_scoped3A_26, %dma_wait3A_83, %dma_wait3A_84] : memref<2x16x8x640x128xf32, #tpu.memory_space<hbm>> -> memref<1x1x1x640x128xf32, #tpu.memory_space<hbm>>
      %dma_wait3A_86 = tpu.memref_squeeze %dma_wait3A_85 : memref<1x1x1x640x128xf32, #tpu.memory_space<hbm>> -> memref<640x128xf32, #tpu.memory_space<hbm>>
      tpu.wait_dma2 semaphore(%run_scoped3A_72 : memref<!tpu.dma_semaphore, #tpu.memory_space<semaphore_mem>>) src(%arg6 : memref<640x128xf32, #tpu.memory_space<vmem>>) dst(%dma_wait3A_86 : memref<640x128xf32, #tpu.memory_space<hbm>>)
      tpu.yield
    }) : () -> ()
    "tpu.region"() ({
      %run_scoped3A_72 = tpu.sem_alloc : memref<!tpu.dma_semaphore, #tpu.memory_space<semaphore_mem>>
      tpu.enqueue_dma source(%arg4 : memref<640x128xf32, #tpu.memory_space<hbm>>) target(%arg6 : memref<640x128xf32, #tpu.memory_space<vmem>>) target_semaphore(%run_scoped3A_72 : memref<!tpu.dma_semaphore, #tpu.memory_space<semaphore_mem>>)
      tpu.wait_dma2 semaphore(%run_scoped3A_72 : memref<!tpu.dma_semaphore, #tpu.memory_space<semaphore_mem>>) src(%arg4 : memref<640x128xf32, #tpu.memory_space<hbm>>) dst(%arg6 : memref<640x128xf32, #tpu.memory_space<vmem>>)
      tpu.yield
    }) : () -> ()
    %run_scoped3A_27 = arith.constant 3 : i32
    "tpu.region"() ({
      %run_scoped3A_72 = tpu.sem_alloc : memref<!tpu.dma_semaphore, #tpu.memory_space<semaphore_mem>>
      %dma_start3A = arith.constant 0 : i32
      %dma_start3A_73 = tpu.memref_slice %arg2[%run_scoped3A_27, %add3A, %dma_start3A] : memref<8x32x10240xi32, #tpu.memory_space<hbm>> -> memref<1x1x10240xi32, #tpu.memory_space<hbm>>
      %dma_start3A_74 = tpu.memref_squeeze %dma_start3A_73 : memref<1x1x10240xi32, #tpu.memory_space<hbm>> -> memref<10240xi32, #tpu.memory_space<hbm>>
      %dma_start3A_75 = arith.constant 0 : i32
      %dma_start3A_76 = tpu.memref_slice %arg2[%run_scoped3A_27, %add3A, %dma_start3A_75] : memref<8x32x10240xi32, #tpu.memory_space<hbm>> -> memref<1x1x10240xi32, #tpu.memory_space<hbm>>
      %dma_start3A_77 = tpu.memref_squeeze %dma_start3A_76 : memref<1x1x10240xi32, #tpu.memory_space<hbm>> -> memref<10240xi32, #tpu.memory_space<hbm>>
      tpu.enqueue_dma source(%dma_start3A_77 : memref<10240xi32, #tpu.memory_space<hbm>>) target(%arg7 : memref<10240xi32, #tpu.memory_space<vmem>>) target_semaphore(%run_scoped3A_72 : memref<!tpu.dma_semaphore, #tpu.memory_space<semaphore_mem>>)
      %dma_wait3A = arith.constant 0 : i32
      %dma_wait3A_78 = tpu.memref_slice %arg2[%run_scoped3A_27, %add3A, %dma_wait3A] : memref<8x32x10240xi32, #tpu.memory_space<hbm>> -> memref<1x1x10240xi32, #tpu.memory_space<hbm>>
      %dma_wait3A_79 = tpu.memref_squeeze %dma_wait3A_78 : memref<1x1x10240xi32, #tpu.memory_space<hbm>> -> memref<10240xi32, #tpu.memory_space<hbm>>
      %dma_wait3A_80 = arith.constant 0 : i32
      %dma_wait3A_81 = tpu.memref_slice %arg2[%run_scoped3A_27, %add3A, %dma_wait3A_80] : memref<8x32x10240xi32, #tpu.memory_space<hbm>> -> memref<1x1x10240xi32, #tpu.memory_space<hbm>>
      %dma_wait3A_82 = tpu.memref_squeeze %dma_wait3A_81 : memref<1x1x10240xi32, #tpu.memory_space<hbm>> -> memref<10240xi32, #tpu.memory_space<hbm>>
      tpu.wait_dma2 semaphore(%run_scoped3A_72 : memref<!tpu.dma_semaphore, #tpu.memory_space<semaphore_mem>>) src(%dma_wait3A_82 : memref<10240xi32, #tpu.memory_space<hbm>>) dst(%arg7 : memref<10240xi32, #tpu.memory_space<vmem>>)
      tpu.yield
    }) : () -> ()
    %run_scoped3A_28 = arith.constant 3 : i32
    "tpu.region"() ({
      %run_scoped3A_72 = tpu.sem_alloc : memref<!tpu.dma_semaphore, #tpu.memory_space<semaphore_mem>>
      %dma_start3A = arith.constant 0 : i32
      %dma_start3A_73 = tpu.memref_slice %arg3[%run_scoped3A_28, %add3A, %dma_start3A] : memref<8x32x10240xi32, #tpu.memory_space<hbm>> -> memref<1x1x10240xi32, #tpu.memory_space<hbm>>
      %dma_start3A_74 = tpu.memref_squeeze %dma_start3A_73 : memref<1x1x10240xi32, #tpu.memory_space<hbm>> -> memref<10240xi32, #tpu.memory_space<hbm>>
      %dma_start3A_75 = arith.constant 0 : i32
      %dma_start3A_76 = tpu.memref_slice %arg3[%run_scoped3A_28, %add3A, %dma_start3A_75] : memref<8x32x10240xi32, #tpu.memory_space<hbm>> -> memref<1x1x10240xi32, #tpu.memory_space<hbm>>
      %dma_start3A_77 = tpu.memref_squeeze %dma_start3A_76 : memref<1x1x10240xi32, #tpu.memory_space<hbm>> -> memref<10240xi32, #tpu.memory_space<hbm>>
      tpu.enqueue_dma source(%dma_start3A_77 : memref<10240xi32, #tpu.memory_space<hbm>>) target(%arg8 : memref<10240xi32, #tpu.memory_space<vmem>>) target_semaphore(%run_scoped3A_72 : memref<!tpu.dma_semaphore, #tpu.memory_space<semaphore_mem>>)
      %dma_wait3A = arith.constant 0 : i32
      %dma_wait3A_78 = tpu.memref_slice %arg3[%run_scoped3A_28, %add3A, %dma_wait3A] : memref<8x32x10240xi32, #tpu.memory_space<hbm>> -> memref<1x1x10240xi32, #tpu.memory_space<hbm>>
      %dma_wait3A_79 = tpu.memref_squeeze %dma_wait3A_78 : memref<1x1x10240xi32, #tpu.memory_space<hbm>> -> memref<10240xi32, #tpu.memory_space<hbm>>
      %dma_wait3A_80 = arith.constant 0 : i32
      %dma_wait3A_81 = tpu.memref_slice %arg3[%run_scoped3A_28, %add3A, %dma_wait3A_80] : memref<8x32x10240xi32, #tpu.memory_space<hbm>> -> memref<1x1x10240xi32, #tpu.memory_space<hbm>>
      %dma_wait3A_82 = tpu.memref_squeeze %dma_wait3A_81 : memref<1x1x10240xi32, #tpu.memory_space<hbm>> -> memref<10240xi32, #tpu.memory_space<hbm>>
      tpu.wait_dma2 semaphore(%run_scoped3A_72 : memref<!tpu.dma_semaphore, #tpu.memory_space<semaphore_mem>>) src(%dma_wait3A_82 : memref<10240xi32, #tpu.memory_space<hbm>>) dst(%arg8 : memref<10240xi32, #tpu.memory_space<vmem>>)
      tpu.yield
    }) : () -> ()
    %scan3A_29 = arith.constant 0 : i32
    %scan3A_30 = arith.constant 0 : i32
    %scan3A_31 = arith.constant 640 : i32
    %scan3A_32 = arith.addi %scan3A_30, %scan3A_31 : i32
    %scan3A_33 = arith.constant 1 : i32
    scf.for %scan3A_72 = %scan3A_30 to %scan3A_32 step %scan3A_33  : i32 {
      %mul3A_73 = arith.constant 16 : i32
      %mul3A_74 = arith.muli %scan3A_72, %mul3A_73 : i32
      %get3A = arith.index_cast %mul3A_74 : i32 to index
      %get3A_75 = tpu.vector_load %arg7[%get3A] {strides = array<i32>} : memref<10240xi32, #tpu.memory_space<vmem>>, vector<16xi32>,
      %mul3A_76 = arith.constant 16 : i32
      %mul3A_77 = arith.muli %scan3A_72, %mul3A_76 : i32
      %get3A_78 = arith.index_cast %mul3A_77 : i32 to index
      %get3A_79 = tpu.vector_load %arg8[%get3A_78] {strides = array<i32>} : memref<10240xi32, #tpu.memory_space<vmem>>, vector<16xi32>,
      tpu.vector_store_idx %arg6[%get3A_75, %get3A_79], %broadcast_in_dim3A_1 {add = true} : memref<640x128xf32, #tpu.memory_space<vmem>>[vector<16xi32>, vector<16xi32>], vector<16xf32>,
    }
    %scan3A_34 = arith.constant 640 : i32
    %run_scoped3A_35 = arith.constant 3 : i32
    "tpu.region"() ({
      %run_scoped3A_72 = tpu.sem_alloc : memref<!tpu.dma_semaphore, #tpu.memory_space<semaphore_mem>>
      %dma_start3A = arith.constant 0 : i32
      %dma_start3A_73 = arith.constant 0 : i32
      %dma_start3A_74 = tpu.memref_slice %arg5[%arg0, %arg1, %run_scoped3A_35, %dma_start3A, %dma_start3A_73] : memref<2x16x8x640x128xf32, #tpu.memory_space<hbm>> -> memref<1x1x1x640x128xf32, #tpu.memory_space<hbm>>
      %dma_start3A_75 = tpu.memref_squeeze %dma_start3A_74 : memref<1x1x1x640x128xf32, #tpu.memory_space<hbm>> -> memref<640x128xf32, #tpu.memory_space<hbm>>
      %dma_start3A_76 = arith.constant 0 : i32
      %dma_start3A_77 = arith.constant 0 : i32
      %dma_start3A_78 = tpu.memref_slice %arg5[%arg0, %arg1, %run_scoped3A_35, %dma_start3A_76, %dma_start3A_77] : memref<2x16x8x640x128xf32, #tpu.memory_space<hbm>> -> memref<1x1x1x640x128xf32, #tpu.memory_space<hbm>>
      %dma_start3A_79 = tpu.memref_squeeze %dma_start3A_78 : memref<1x1x1x640x128xf32, #tpu.memory_space<hbm>> -> memref<640x128xf32, #tpu.memory_space<hbm>>
      tpu.enqueue_dma source(%arg6 : memref<640x128xf32, #tpu.memory_space<vmem>>) target(%dma_start3A_79 : memref<640x128xf32, #tpu.memory_space<hbm>>) target_semaphore(%run_scoped3A_72 : memref<!tpu.dma_semaphore, #tpu.memory_space<semaphore_mem>>)
      %dma_wait3A = arith.constant 0 : i32
      %dma_wait3A_80 = arith.constant 0 : i32
      %dma_wait3A_81 = tpu.memref_slice %arg5[%arg0, %arg1, %run_scoped3A_35, %dma_wait3A, %dma_wait3A_80] : memref<2x16x8x640x128xf32, #tpu.memory_space<hbm>> -> memref<1x1x1x640x128xf32, #tpu.memory_space<hbm>>
      %dma_wait3A_82 = tpu.memref_squeeze %dma_wait3A_81 : memref<1x1x1x640x128xf32, #tpu.memory_space<hbm>> -> memref<640x128xf32, #tpu.memory_space<hbm>>
      %dma_wait3A_83 = arith.constant 0 : i32
      %dma_wait3A_84 = arith.constant 0 : i32
      %dma_wait3A_85 = tpu.memref_slice %arg5[%arg0, %arg1, %run_scoped3A_35, %dma_wait3A_83, %dma_wait3A_84] : memref<2x16x8x640x128xf32, #tpu.memory_space<hbm>> -> memref<1x1x1x640x128xf32, #tpu.memory_space<hbm>>
      %dma_wait3A_86 = tpu.memref_squeeze %dma_wait3A_85 : memref<1x1x1x640x128xf32, #tpu.memory_space<hbm>> -> memref<640x128xf32, #tpu.memory_space<hbm>>
      tpu.wait_dma2 semaphore(%run_scoped3A_72 : memref<!tpu.dma_semaphore, #tpu.memory_space<semaphore_mem>>) src(%arg6 : memref<640x128xf32, #tpu.memory_space<vmem>>) dst(%dma_wait3A_86 : memref<640x128xf32, #tpu.memory_space<hbm>>)
      tpu.yield
    }) : () -> ()
    "tpu.region"() ({
      %run_scoped3A_72 = tpu.sem_alloc : memref<!tpu.dma_semaphore, #tpu.memory_space<semaphore_mem>>
      tpu.enqueue_dma source(%arg4 : memref<640x128xf32, #tpu.memory_space<hbm>>) target(%arg6 : memref<640x128xf32, #tpu.memory_space<vmem>>) target_semaphore(%run_scoped3A_72 : memref<!tpu.dma_semaphore, #tpu.memory_space<semaphore_mem>>)
      tpu.wait_dma2 semaphore(%run_scoped3A_72 : memref<!tpu.dma_semaphore, #tpu.memory_space<semaphore_mem>>) src(%arg4 : memref<640x128xf32, #tpu.memory_space<hbm>>) dst(%arg6 : memref<640x128xf32, #tpu.memory_space<vmem>>)
      tpu.yield
    }) : () -> ()
    %run_scoped3A_36 = arith.constant 4 : i32
    "tpu.region"() ({
      %run_scoped3A_72 = tpu.sem_alloc : memref<!tpu.dma_semaphore, #tpu.memory_space<semaphore_mem>>
      %dma_start3A = arith.constant 0 : i32
      %dma_start3A_73 = tpu.memref_slice %arg2[%run_scoped3A_36, %add3A, %dma_start3A] : memref<8x32x10240xi32, #tpu.memory_space<hbm>> -> memref<1x1x10240xi32, #tpu.memory_space<hbm>>
      %dma_start3A_74 = tpu.memref_squeeze %dma_start3A_73 : memref<1x1x10240xi32, #tpu.memory_space<hbm>> -> memref<10240xi32, #tpu.memory_space<hbm>>
      %dma_start3A_75 = arith.constant 0 : i32
      %dma_start3A_76 = tpu.memref_slice %arg2[%run_scoped3A_36, %add3A, %dma_start3A_75] : memref<8x32x10240xi32, #tpu.memory_space<hbm>> -> memref<1x1x10240xi32, #tpu.memory_space<hbm>>
      %dma_start3A_77 = tpu.memref_squeeze %dma_start3A_76 : memref<1x1x10240xi32, #tpu.memory_space<hbm>> -> memref<10240xi32, #tpu.memory_space<hbm>>
      tpu.enqueue_dma source(%dma_start3A_77 : memref<10240xi32, #tpu.memory_space<hbm>>) target(%arg7 : memref<10240xi32, #tpu.memory_space<vmem>>) target_semaphore(%run_scoped3A_72 : memref<!tpu.dma_semaphore, #tpu.memory_space<semaphore_mem>>)
      %dma_wait3A = arith.constant 0 : i32
      %dma_wait3A_78 = tpu.memref_slice %arg2[%run_scoped3A_36, %add3A, %dma_wait3A] : memref<8x32x10240xi32, #tpu.memory_space<hbm>> -> memref<1x1x10240xi32, #tpu.memory_space<hbm>>
      %dma_wait3A_79 = tpu.memref_squeeze %dma_wait3A_78 : memref<1x1x10240xi32, #tpu.memory_space<hbm>> -> memref<10240xi32, #tpu.memory_space<hbm>>
      %dma_wait3A_80 = arith.constant 0 : i32
      %dma_wait3A_81 = tpu.memref_slice %arg2[%run_scoped3A_36, %add3A, %dma_wait3A_80] : memref<8x32x10240xi32, #tpu.memory_space<hbm>> -> memref<1x1x10240xi32, #tpu.memory_space<hbm>>
      %dma_wait3A_82 = tpu.memref_squeeze %dma_wait3A_81 : memref<1x1x10240xi32, #tpu.memory_space<hbm>> -> memref<10240xi32, #tpu.memory_space<hbm>>
      tpu.wait_dma2 semaphore(%run_scoped3A_72 : memref<!tpu.dma_semaphore, #tpu.memory_space<semaphore_mem>>) src(%dma_wait3A_82 : memref<10240xi32, #tpu.memory_space<hbm>>) dst(%arg7 : memref<10240xi32, #tpu.memory_space<vmem>>)
      tpu.yield
    }) : () -> ()
    %run_scoped3A_37 = arith.constant 4 : i32
    "tpu.region"() ({
      %run_scoped3A_72 = tpu.sem_alloc : memref<!tpu.dma_semaphore, #tpu.memory_space<semaphore_mem>>
      %dma_start3A = arith.constant 0 : i32
      %dma_start3A_73 = tpu.memref_slice %arg3[%run_scoped3A_37, %add3A, %dma_start3A] : memref<8x32x10240xi32, #tpu.memory_space<hbm>> -> memref<1x1x10240xi32, #tpu.memory_space<hbm>>
      %dma_start3A_74 = tpu.memref_squeeze %dma_start3A_73 : memref<1x1x10240xi32, #tpu.memory_space<hbm>> -> memref<10240xi32, #tpu.memory_space<hbm>>
      %dma_start3A_75 = arith.constant 0 : i32
      %dma_start3A_76 = tpu.memref_slice %arg3[%run_scoped3A_37, %add3A, %dma_start3A_75] : memref<8x32x10240xi32, #tpu.memory_space<hbm>> -> memref<1x1x10240xi32, #tpu.memory_space<hbm>>
      %dma_start3A_77 = tpu.memref_squeeze %dma_start3A_76 : memref<1x1x10240xi32, #tpu.memory_space<hbm>> -> memref<10240xi32, #tpu.memory_space<hbm>>
      tpu.enqueue_dma source(%dma_start3A_77 : memref<10240xi32, #tpu.memory_space<hbm>>) target(%arg8 : memref<10240xi32, #tpu.memory_space<vmem>>) target_semaphore(%run_scoped3A_72 : memref<!tpu.dma_semaphore, #tpu.memory_space<semaphore_mem>>)
      %dma_wait3A = arith.constant 0 : i32
      %dma_wait3A_78 = tpu.memref_slice %arg3[%run_scoped3A_37, %add3A, %dma_wait3A] : memref<8x32x10240xi32, #tpu.memory_space<hbm>> -> memref<1x1x10240xi32, #tpu.memory_space<hbm>>
      %dma_wait3A_79 = tpu.memref_squeeze %dma_wait3A_78 : memref<1x1x10240xi32, #tpu.memory_space<hbm>> -> memref<10240xi32, #tpu.memory_space<hbm>>
      %dma_wait3A_80 = arith.constant 0 : i32
      %dma_wait3A_81 = tpu.memref_slice %arg3[%run_scoped3A_37, %add3A, %dma_wait3A_80] : memref<8x32x10240xi32, #tpu.memory_space<hbm>> -> memref<1x1x10240xi32, #tpu.memory_space<hbm>>
      %dma_wait3A_82 = tpu.memref_squeeze %dma_wait3A_81 : memref<1x1x10240xi32, #tpu.memory_space<hbm>> -> memref<10240xi32, #tpu.memory_space<hbm>>
      tpu.wait_dma2 semaphore(%run_scoped3A_72 : memref<!tpu.dma_semaphore, #tpu.memory_space<semaphore_mem>>) src(%dma_wait3A_82 : memref<10240xi32, #tpu.memory_space<hbm>>) dst(%arg8 : memref<10240xi32, #tpu.memory_space<vmem>>)
      tpu.yield
    }) : () -> ()
    %scan3A_38 = arith.constant 0 : i32
    %scan3A_39 = arith.constant 0 : i32
    %scan3A_40 = arith.constant 640 : i32
    %scan3A_41 = arith.addi %scan3A_39, %scan3A_40 : i32
    %scan3A_42 = arith.constant 1 : i32
    scf.for %scan3A_72 = %scan3A_39 to %scan3A_41 step %scan3A_42  : i32 {
      %mul3A_73 = arith.constant 16 : i32
      %mul3A_74 = arith.muli %scan3A_72, %mul3A_73 : i32
      %get3A = arith.index_cast %mul3A_74 : i32 to index
      %get3A_75 = tpu.vector_load %arg7[%get3A] {strides = array<i32>} : memref<10240xi32, #tpu.memory_space<vmem>>, vector<16xi32>,
      %mul3A_76 = arith.constant 16 : i32
      %mul3A_77 = arith.muli %scan3A_72, %mul3A_76 : i32
      %get3A_78 = arith.index_cast %mul3A_77 : i32 to index
      %get3A_79 = tpu.vector_load %arg8[%get3A_78] {strides = array<i32>} : memref<10240xi32, #tpu.memory_space<vmem>>, vector<16xi32>,
      tpu.vector_store_idx %arg6[%get3A_75, %get3A_79], %broadcast_in_dim3A_1 {add = true} : memref<640x128xf32, #tpu.memory_space<vmem>>[vector<16xi32>, vector<16xi32>], vector<16xf32>,
    }
    %scan3A_43 = arith.constant 640 : i32
    %run_scoped3A_44 = arith.constant 4 : i32
    "tpu.region"() ({
      %run_scoped3A_72 = tpu.sem_alloc : memref<!tpu.dma_semaphore, #tpu.memory_space<semaphore_mem>>
      %dma_start3A = arith.constant 0 : i32
      %dma_start3A_73 = arith.constant 0 : i32
      %dma_start3A_74 = tpu.memref_slice %arg5[%arg0, %arg1, %run_scoped3A_44, %dma_start3A, %dma_start3A_73] : memref<2x16x8x640x128xf32, #tpu.memory_space<hbm>> -> memref<1x1x1x640x128xf32, #tpu.memory_space<hbm>>
      %dma_start3A_75 = tpu.memref_squeeze %dma_start3A_74 : memref<1x1x1x640x128xf32, #tpu.memory_space<hbm>> -> memref<640x128xf32, #tpu.memory_space<hbm>>
      %dma_start3A_76 = arith.constant 0 : i32
      %dma_start3A_77 = arith.constant 0 : i32
      %dma_start3A_78 = tpu.memref_slice %arg5[%arg0, %arg1, %run_scoped3A_44, %dma_start3A_76, %dma_start3A_77] : memref<2x16x8x640x128xf32, #tpu.memory_space<hbm>> -> memref<1x1x1x640x128xf32, #tpu.memory_space<hbm>>
      %dma_start3A_79 = tpu.memref_squeeze %dma_start3A_78 : memref<1x1x1x640x128xf32, #tpu.memory_space<hbm>> -> memref<640x128xf32, #tpu.memory_space<hbm>>
      tpu.enqueue_dma source(%arg6 : memref<640x128xf32, #tpu.memory_space<vmem>>) target(%dma_start3A_79 : memref<640x128xf32, #tpu.memory_space<hbm>>) target_semaphore(%run_scoped3A_72 : memref<!tpu.dma_semaphore, #tpu.memory_space<semaphore_mem>>)
      %dma_wait3A = arith.constant 0 : i32
      %dma_wait3A_80 = arith.constant 0 : i32
      %dma_wait3A_81 = tpu.memref_slice %arg5[%arg0, %arg1, %run_scoped3A_44, %dma_wait3A, %dma_wait3A_80] : memref<2x16x8x640x128xf32, #tpu.memory_space<hbm>> -> memref<1x1x1x640x128xf32, #tpu.memory_space<hbm>>
      %dma_wait3A_82 = tpu.memref_squeeze %dma_wait3A_81 : memref<1x1x1x640x128xf32, #tpu.memory_space<hbm>> -> memref<640x128xf32, #tpu.memory_space<hbm>>
      %dma_wait3A_83 = arith.constant 0 : i32
      %dma_wait3A_84 = arith.constant 0 : i32
      %dma_wait3A_85 = tpu.memref_slice %arg5[%arg0, %arg1, %run_scoped3A_44, %dma_wait3A_83, %dma_wait3A_84] : memref<2x16x8x640x128xf32, #tpu.memory_space<hbm>> -> memref<1x1x1x640x128xf32, #tpu.memory_space<hbm>>
      %dma_wait3A_86 = tpu.memref_squeeze %dma_wait3A_85 : memref<1x1x1x640x128xf32, #tpu.memory_space<hbm>> -> memref<640x128xf32, #tpu.memory_space<hbm>>
      tpu.wait_dma2 semaphore(%run_scoped3A_72 : memref<!tpu.dma_semaphore, #tpu.memory_space<semaphore_mem>>) src(%arg6 : memref<640x128xf32, #tpu.memory_space<vmem>>) dst(%dma_wait3A_86 : memref<640x128xf32, #tpu.memory_space<hbm>>)
      tpu.yield
    }) : () -> ()
    "tpu.region"() ({
      %run_scoped3A_72 = tpu.sem_alloc : memref<!tpu.dma_semaphore, #tpu.memory_space<semaphore_mem>>
      tpu.enqueue_dma source(%arg4 : memref<640x128xf32, #tpu.memory_space<hbm>>) target(%arg6 : memref<640x128xf32, #tpu.memory_space<vmem>>) target_semaphore(%run_scoped3A_72 : memref<!tpu.dma_semaphore, #tpu.memory_space<semaphore_mem>>)
      tpu.wait_dma2 semaphore(%run_scoped3A_72 : memref<!tpu.dma_semaphore, #tpu.memory_space<semaphore_mem>>) src(%arg4 : memref<640x128xf32, #tpu.memory_space<hbm>>) dst(%arg6 : memref<640x128xf32, #tpu.memory_space<vmem>>)
      tpu.yield
    }) : () -> ()
    %run_scoped3A_45 = arith.constant 5 : i32
    "tpu.region"() ({
      %run_scoped3A_72 = tpu.sem_alloc : memref<!tpu.dma_semaphore, #tpu.memory_space<semaphore_mem>>
      %dma_start3A = arith.constant 0 : i32
      %dma_start3A_73 = tpu.memref_slice %arg2[%run_scoped3A_45, %add3A, %dma_start3A] : memref<8x32x10240xi32, #tpu.memory_space<hbm>> -> memref<1x1x10240xi32, #tpu.memory_space<hbm>>
      %dma_start3A_74 = tpu.memref_squeeze %dma_start3A_73 : memref<1x1x10240xi32, #tpu.memory_space<hbm>> -> memref<10240xi32, #tpu.memory_space<hbm>>
      %dma_start3A_75 = arith.constant 0 : i32
      %dma_start3A_76 = tpu.memref_slice %arg2[%run_scoped3A_45, %add3A, %dma_start3A_75] : memref<8x32x10240xi32, #tpu.memory_space<hbm>> -> memref<1x1x10240xi32, #tpu.memory_space<hbm>>
      %dma_start3A_77 = tpu.memref_squeeze %dma_start3A_76 : memref<1x1x10240xi32, #tpu.memory_space<hbm>> -> memref<10240xi32, #tpu.memory_space<hbm>>
      tpu.enqueue_dma source(%dma_start3A_77 : memref<10240xi32, #tpu.memory_space<hbm>>) target(%arg7 : memref<10240xi32, #tpu.memory_space<vmem>>) target_semaphore(%run_scoped3A_72 : memref<!tpu.dma_semaphore, #tpu.memory_space<semaphore_mem>>)
      %dma_wait3A = arith.constant 0 : i32
      %dma_wait3A_78 = tpu.memref_slice %arg2[%run_scoped3A_45, %add3A, %dma_wait3A] : memref<8x32x10240xi32, #tpu.memory_space<hbm>> -> memref<1x1x10240xi32, #tpu.memory_space<hbm>>
      %dma_wait3A_79 = tpu.memref_squeeze %dma_wait3A_78 : memref<1x1x10240xi32, #tpu.memory_space<hbm>> -> memref<10240xi32, #tpu.memory_space<hbm>>
      %dma_wait3A_80 = arith.constant 0 : i32
      %dma_wait3A_81 = tpu.memref_slice %arg2[%run_scoped3A_45, %add3A, %dma_wait3A_80] : memref<8x32x10240xi32, #tpu.memory_space<hbm>> -> memref<1x1x10240xi32, #tpu.memory_space<hbm>>
      %dma_wait3A_82 = tpu.memref_squeeze %dma_wait3A_81 : memref<1x1x10240xi32, #tpu.memory_space<hbm>> -> memref<10240xi32, #tpu.memory_space<hbm>>
      tpu.wait_dma2 semaphore(%run_scoped3A_72 : memref<!tpu.dma_semaphore, #tpu.memory_space<semaphore_mem>>) src(%dma_wait3A_82 : memref<10240xi32, #tpu.memory_space<hbm>>) dst(%arg7 : memref<10240xi32, #tpu.memory_space<vmem>>)
      tpu.yield
    }) : () -> ()
    %run_scoped3A_46 = arith.constant 5 : i32
    "tpu.region"() ({
      %run_scoped3A_72 = tpu.sem_alloc : memref<!tpu.dma_semaphore, #tpu.memory_space<semaphore_mem>>
      %dma_start3A = arith.constant 0 : i32
      %dma_start3A_73 = tpu.memref_slice %arg3[%run_scoped3A_46, %add3A, %dma_start3A] : memref<8x32x10240xi32, #tpu.memory_space<hbm>> -> memref<1x1x10240xi32, #tpu.memory_space<hbm>>
      %dma_start3A_74 = tpu.memref_squeeze %dma_start3A_73 : memref<1x1x10240xi32, #tpu.memory_space<hbm>> -> memref<10240xi32, #tpu.memory_space<hbm>>
      %dma_start3A_75 = arith.constant 0 : i32
      %dma_start3A_76 = tpu.memref_slice %arg3[%run_scoped3A_46, %add3A, %dma_start3A_75] : memref<8x32x10240xi32, #tpu.memory_space<hbm>> -> memref<1x1x10240xi32, #tpu.memory_space<hbm>>
      %dma_start3A_77 = tpu.memref_squeeze %dma_start3A_76 : memref<1x1x10240xi32, #tpu.memory_space<hbm>> -> memref<10240xi32, #tpu.memory_space<hbm>>
      tpu.enqueue_dma source(%dma_start3A_77 : memref<10240xi32, #tpu.memory_space<hbm>>) target(%arg8 : memref<10240xi32, #tpu.memory_space<vmem>>) target_semaphore(%run_scoped3A_72 : memref<!tpu.dma_semaphore, #tpu.memory_space<semaphore_mem>>)
      %dma_wait3A = arith.constant 0 : i32
      %dma_wait3A_78 = tpu.memref_slice %arg3[%run_scoped3A_46, %add3A, %dma_wait3A] : memref<8x32x10240xi32, #tpu.memory_space<hbm>> -> memref<1x1x10240xi32, #tpu.memory_space<hbm>>
      %dma_wait3A_79 = tpu.memref_squeeze %dma_wait3A_78 : memref<1x1x10240xi32, #tpu.memory_space<hbm>> -> memref<10240xi32, #tpu.memory_space<hbm>>
      %dma_wait3A_80 = arith.constant 0 : i32
      %dma_wait3A_81 = tpu.memref_slice %arg3[%run_scoped3A_46, %add3A, %dma_wait3A_80] : memref<8x32x10240xi32, #tpu.memory_space<hbm>> -> memref<1x1x10240xi32, #tpu.memory_space<hbm>>
      %dma_wait3A_82 = tpu.memref_squeeze %dma_wait3A_81 : memref<1x1x10240xi32, #tpu.memory_space<hbm>> -> memref<10240xi32, #tpu.memory_space<hbm>>
      tpu.wait_dma2 semaphore(%run_scoped3A_72 : memref<!tpu.dma_semaphore, #tpu.memory_space<semaphore_mem>>) src(%dma_wait3A_82 : memref<10240xi32, #tpu.memory_space<hbm>>) dst(%arg8 : memref<10240xi32, #tpu.memory_space<vmem>>)
      tpu.yield
    }) : () -> ()
    %scan3A_47 = arith.constant 0 : i32
    %scan3A_48 = arith.constant 0 : i32
    %scan3A_49 = arith.constant 640 : i32
    %scan3A_50 = arith.addi %scan3A_48, %scan3A_49 : i32
    %scan3A_51 = arith.constant 1 : i32
    scf.for %scan3A_72 = %scan3A_48 to %scan3A_50 step %scan3A_51  : i32 {
      %mul3A_73 = arith.constant 16 : i32
      %mul3A_74 = arith.muli %scan3A_72, %mul3A_73 : i32
      %get3A = arith.index_cast %mul3A_74 : i32 to index
      %get3A_75 = tpu.vector_load %arg7[%get3A] {strides = array<i32>} : memref<10240xi32, #tpu.memory_space<vmem>>, vector<16xi32>,
      %mul3A_76 = arith.constant 16 : i32
      %mul3A_77 = arith.muli %scan3A_72, %mul3A_76 : i32
      %get3A_78 = arith.index_cast %mul3A_77 : i32 to index
      %get3A_79 = tpu.vector_load %arg8[%get3A_78] {strides = array<i32>} : memref<10240xi32, #tpu.memory_space<vmem>>, vector<16xi32>,
      tpu.vector_store_idx %arg6[%get3A_75, %get3A_79], %broadcast_in_dim3A_1 {add = true} : memref<640x128xf32, #tpu.memory_space<vmem>>[vector<16xi32>, vector<16xi32>], vector<16xf32>,
    }
    %scan3A_52 = arith.constant 640 : i32
    %run_scoped3A_53 = arith.constant 5 : i32
    "tpu.region"() ({
      %run_scoped3A_72 = tpu.sem_alloc : memref<!tpu.dma_semaphore, #tpu.memory_space<semaphore_mem>>
      %dma_start3A = arith.constant 0 : i32
      %dma_start3A_73 = arith.constant 0 : i32
      %dma_start3A_74 = tpu.memref_slice %arg5[%arg0, %arg1, %run_scoped3A_53, %dma_start3A, %dma_start3A_73] : memref<2x16x8x640x128xf32, #tpu.memory_space<hbm>> -> memref<1x1x1x640x128xf32, #tpu.memory_space<hbm>>
      %dma_start3A_75 = tpu.memref_squeeze %dma_start3A_74 : memref<1x1x1x640x128xf32, #tpu.memory_space<hbm>> -> memref<640x128xf32, #tpu.memory_space<hbm>>
      %dma_start3A_76 = arith.constant 0 : i32
      %dma_start3A_77 = arith.constant 0 : i32
      %dma_start3A_78 = tpu.memref_slice %arg5[%arg0, %arg1, %run_scoped3A_53, %dma_start3A_76, %dma_start3A_77] : memref<2x16x8x640x128xf32, #tpu.memory_space<hbm>> -> memref<1x1x1x640x128xf32, #tpu.memory_space<hbm>>
      %dma_start3A_79 = tpu.memref_squeeze %dma_start3A_78 : memref<1x1x1x640x128xf32, #tpu.memory_space<hbm>> -> memref<640x128xf32, #tpu.memory_space<hbm>>
      tpu.enqueue_dma source(%arg6 : memref<640x128xf32, #tpu.memory_space<vmem>>) target(%dma_start3A_79 : memref<640x128xf32, #tpu.memory_space<hbm>>) target_semaphore(%run_scoped3A_72 : memref<!tpu.dma_semaphore, #tpu.memory_space<semaphore_mem>>)
      %dma_wait3A = arith.constant 0 : i32
      %dma_wait3A_80 = arith.constant 0 : i32
      %dma_wait3A_81 = tpu.memref_slice %arg5[%arg0, %arg1, %run_scoped3A_53, %dma_wait3A, %dma_wait3A_80] : memref<2x16x8x640x128xf32, #tpu.memory_space<hbm>> -> memref<1x1x1x640x128xf32, #tpu.memory_space<hbm>>
      %dma_wait3A_82 = tpu.memref_squeeze %dma_wait3A_81 : memref<1x1x1x640x128xf32, #tpu.memory_space<hbm>> -> memref<640x128xf32, #tpu.memory_space<hbm>>
      %dma_wait3A_83 = arith.constant 0 : i32
      %dma_wait3A_84 = arith.constant 0 : i32
      %dma_wait3A_85 = tpu.memref_slice %arg5[%arg0, %arg1, %run_scoped3A_53, %dma_wait3A_83, %dma_wait3A_84] : memref<2x16x8x640x128xf32, #tpu.memory_space<hbm>> -> memref<1x1x1x640x128xf32, #tpu.memory_space<hbm>>
      %dma_wait3A_86 = tpu.memref_squeeze %dma_wait3A_85 : memref<1x1x1x640x128xf32, #tpu.memory_space<hbm>> -> memref<640x128xf32, #tpu.memory_space<hbm>>
      tpu.wait_dma2 semaphore(%run_scoped3A_72 : memref<!tpu.dma_semaphore, #tpu.memory_space<semaphore_mem>>) src(%arg6 : memref<640x128xf32, #tpu.memory_space<vmem>>) dst(%dma_wait3A_86 : memref<640x128xf32, #tpu.memory_space<hbm>>)
      tpu.yield
    }) : () -> ()
    "tpu.region"() ({
      %run_scoped3A_72 = tpu.sem_alloc : memref<!tpu.dma_semaphore, #tpu.memory_space<semaphore_mem>>
      tpu.enqueue_dma source(%arg4 : memref<640x128xf32, #tpu.memory_space<hbm>>) target(%arg6 : memref<640x128xf32, #tpu.memory_space<vmem>>) target_semaphore(%run_scoped3A_72 : memref<!tpu.dma_semaphore, #tpu.memory_space<semaphore_mem>>)
      tpu.wait_dma2 semaphore(%run_scoped3A_72 : memref<!tpu.dma_semaphore, #tpu.memory_space<semaphore_mem>>) src(%arg4 : memref<640x128xf32, #tpu.memory_space<hbm>>) dst(%arg6 : memref<640x128xf32, #tpu.memory_space<vmem>>)
      tpu.yield
    }) : () -> ()
    %run_scoped3A_54 = arith.constant 6 : i32
    "tpu.region"() ({
      %run_scoped3A_72 = tpu.sem_alloc : memref<!tpu.dma_semaphore, #tpu.memory_space<semaphore_mem>>
      %dma_start3A = arith.constant 0 : i32
      %dma_start3A_73 = tpu.memref_slice %arg2[%run_scoped3A_54, %add3A, %dma_start3A] : memref<8x32x10240xi32, #tpu.memory_space<hbm>> -> memref<1x1x10240xi32, #tpu.memory_space<hbm>>
      %dma_start3A_74 = tpu.memref_squeeze %dma_start3A_73 : memref<1x1x10240xi32, #tpu.memory_space<hbm>> -> memref<10240xi32, #tpu.memory_space<hbm>>
      %dma_start3A_75 = arith.constant 0 : i32
      %dma_start3A_76 = tpu.memref_slice %arg2[%run_scoped3A_54, %add3A, %dma_start3A_75] : memref<8x32x10240xi32, #tpu.memory_space<hbm>> -> memref<1x1x10240xi32, #tpu.memory_space<hbm>>
      %dma_start3A_77 = tpu.memref_squeeze %dma_start3A_76 : memref<1x1x10240xi32, #tpu.memory_space<hbm>> -> memref<10240xi32, #tpu.memory_space<hbm>>
      tpu.enqueue_dma source(%dma_start3A_77 : memref<10240xi32, #tpu.memory_space<hbm>>) target(%arg7 : memref<10240xi32, #tpu.memory_space<vmem>>) target_semaphore(%run_scoped3A_72 : memref<!tpu.dma_semaphore, #tpu.memory_space<semaphore_mem>>)
      %dma_wait3A = arith.constant 0 : i32
      %dma_wait3A_78 = tpu.memref_slice %arg2[%run_scoped3A_54, %add3A, %dma_wait3A] : memref<8x32x10240xi32, #tpu.memory_space<hbm>> -> memref<1x1x10240xi32, #tpu.memory_space<hbm>>
      %dma_wait3A_79 = tpu.memref_squeeze %dma_wait3A_78 : memref<1x1x10240xi32, #tpu.memory_space<hbm>> -> memref<10240xi32, #tpu.memory_space<hbm>>
      %dma_wait3A_80 = arith.constant 0 : i32
      %dma_wait3A_81 = tpu.memref_slice %arg2[%run_scoped3A_54, %add3A, %dma_wait3A_80] : memref<8x32x10240xi32, #tpu.memory_space<hbm>> -> memref<1x1x10240xi32, #tpu.memory_space<hbm>>
      %dma_wait3A_82 = tpu.memref_squeeze %dma_wait3A_81 : memref<1x1x10240xi32, #tpu.memory_space<hbm>> -> memref<10240xi32, #tpu.memory_space<hbm>>
      tpu.wait_dma2 semaphore(%run_scoped3A_72 : memref<!tpu.dma_semaphore, #tpu.memory_space<semaphore_mem>>) src(%dma_wait3A_82 : memref<10240xi32, #tpu.memory_space<hbm>>) dst(%arg7 : memref<10240xi32, #tpu.memory_space<vmem>>)
      tpu.yield
    }) : () -> ()
    %run_scoped3A_55 = arith.constant 6 : i32
    "tpu.region"() ({
      %run_scoped3A_72 = tpu.sem_alloc : memref<!tpu.dma_semaphore, #tpu.memory_space<semaphore_mem>>
      %dma_start3A = arith.constant 0 : i32
      %dma_start3A_73 = tpu.memref_slice %arg3[%run_scoped3A_55, %add3A, %dma_start3A] : memref<8x32x10240xi32, #tpu.memory_space<hbm>> -> memref<1x1x10240xi32, #tpu.memory_space<hbm>>
      %dma_start3A_74 = tpu.memref_squeeze %dma_start3A_73 : memref<1x1x10240xi32, #tpu.memory_space<hbm>> -> memref<10240xi32, #tpu.memory_space<hbm>>
      %dma_start3A_75 = arith.constant 0 : i32
      %dma_start3A_76 = tpu.memref_slice %arg3[%run_scoped3A_55, %add3A, %dma_start3A_75] : memref<8x32x10240xi32, #tpu.memory_space<hbm>> -> memref<1x1x10240xi32, #tpu.memory_space<hbm>>
      %dma_start3A_77 = tpu.memref_squeeze %dma_start3A_76 : memref<1x1x10240xi32, #tpu.memory_space<hbm>> -> memref<10240xi32, #tpu.memory_space<hbm>>
      tpu.enqueue_dma source(%dma_start3A_77 : memref<10240xi32, #tpu.memory_space<hbm>>) target(%arg8 : memref<10240xi32, #tpu.memory_space<vmem>>) target_semaphore(%run_scoped3A_72 : memref<!tpu.dma_semaphore, #tpu.memory_space<semaphore_mem>>)
      %dma_wait3A = arith.constant 0 : i32
      %dma_wait3A_78 = tpu.memref_slice %arg3[%run_scoped3A_55, %add3A, %dma_wait3A] : memref<8x32x10240xi32, #tpu.memory_space<hbm>> -> memref<1x1x10240xi32, #tpu.memory_space<hbm>>
      %dma_wait3A_79 = tpu.memref_squeeze %dma_wait3A_78 : memref<1x1x10240xi32, #tpu.memory_space<hbm>> -> memref<10240xi32, #tpu.memory_space<hbm>>
      %dma_wait3A_80 = arith.constant 0 : i32
      %dma_wait3A_81 = tpu.memref_slice %arg3[%run_scoped3A_55, %add3A, %dma_wait3A_80] : memref<8x32x10240xi32, #tpu.memory_space<hbm>> -> memref<1x1x10240xi32, #tpu.memory_space<hbm>>
      %dma_wait3A_82 = tpu.memref_squeeze %dma_wait3A_81 : memref<1x1x10240xi32, #tpu.memory_space<hbm>> -> memref<10240xi32, #tpu.memory_space<hbm>>
      tpu.wait_dma2 semaphore(%run_scoped3A_72 : memref<!tpu.dma_semaphore, #tpu.memory_space<semaphore_mem>>) src(%dma_wait3A_82 : memref<10240xi32, #tpu.memory_space<hbm>>) dst(%arg8 : memref<10240xi32, #tpu.memory_space<vmem>>)
      tpu.yield
    }) : () -> ()
    %scan3A_56 = arith.constant 0 : i32
    %scan3A_57 = arith.constant 0 : i32
    %scan3A_58 = arith.constant 640 : i32
    %scan3A_59 = arith.addi %scan3A_57, %scan3A_58 : i32
    %scan3A_60 = arith.constant 1 : i32
    scf.for %scan3A_72 = %scan3A_57 to %scan3A_59 step %scan3A_60  : i32 {
      %mul3A_73 = arith.constant 16 : i32
      %mul3A_74 = arith.muli %scan3A_72, %mul3A_73 : i32
      %get3A = arith.index_cast %mul3A_74 : i32 to index
      %get3A_75 = tpu.vector_load %arg7[%get3A] {strides = array<i32>} : memref<10240xi32, #tpu.memory_space<vmem>>, vector<16xi32>,
      %mul3A_76 = arith.constant 16 : i32
      %mul3A_77 = arith.muli %scan3A_72, %mul3A_76 : i32
      %get3A_78 = arith.index_cast %mul3A_77 : i32 to index
      %get3A_79 = tpu.vector_load %arg8[%get3A_78] {strides = array<i32>} : memref<10240xi32, #tpu.memory_space<vmem>>, vector<16xi32>,
      tpu.vector_store_idx %arg6[%get3A_75, %get3A_79], %broadcast_in_dim3A_1 {add = true} : memref<640x128xf32, #tpu.memory_space<vmem>>[vector<16xi32>, vector<16xi32>], vector<16xf32>,
    }
    %scan3A_61 = arith.constant 640 : i32
    %run_scoped3A_62 = arith.constant 6 : i32
    "tpu.region"() ({
      %run_scoped3A_72 = tpu.sem_alloc : memref<!tpu.dma_semaphore, #tpu.memory_space<semaphore_mem>>
      %dma_start3A = arith.constant 0 : i32
      %dma_start3A_73 = arith.constant 0 : i32
      %dma_start3A_74 = tpu.memref_slice %arg5[%arg0, %arg1, %run_scoped3A_62, %dma_start3A, %dma_start3A_73] : memref<2x16x8x640x128xf32, #tpu.memory_space<hbm>> -> memref<1x1x1x640x128xf32, #tpu.memory_space<hbm>>
      %dma_start3A_75 = tpu.memref_squeeze %dma_start3A_74 : memref<1x1x1x640x128xf32, #tpu.memory_space<hbm>> -> memref<640x128xf32, #tpu.memory_space<hbm>>
      %dma_start3A_76 = arith.constant 0 : i32
      %dma_start3A_77 = arith.constant 0 : i32
      %dma_start3A_78 = tpu.memref_slice %arg5[%arg0, %arg1, %run_scoped3A_62, %dma_start3A_76, %dma_start3A_77] : memref<2x16x8x640x128xf32, #tpu.memory_space<hbm>> -> memref<1x1x1x640x128xf32, #tpu.memory_space<hbm>>
      %dma_start3A_79 = tpu.memref_squeeze %dma_start3A_78 : memref<1x1x1x640x128xf32, #tpu.memory_space<hbm>> -> memref<640x128xf32, #tpu.memory_space<hbm>>
      tpu.enqueue_dma source(%arg6 : memref<640x128xf32, #tpu.memory_space<vmem>>) target(%dma_start3A_79 : memref<640x128xf32, #tpu.memory_space<hbm>>) target_semaphore(%run_scoped3A_72 : memref<!tpu.dma_semaphore, #tpu.memory_space<semaphore_mem>>)
      %dma_wait3A = arith.constant 0 : i32
      %dma_wait3A_80 = arith.constant 0 : i32
      %dma_wait3A_81 = tpu.memref_slice %arg5[%arg0, %arg1, %run_scoped3A_62, %dma_wait3A, %dma_wait3A_80] : memref<2x16x8x640x128xf32, #tpu.memory_space<hbm>> -> memref<1x1x1x640x128xf32, #tpu.memory_space<hbm>>
      %dma_wait3A_82 = tpu.memref_squeeze %dma_wait3A_81 : memref<1x1x1x640x128xf32, #tpu.memory_space<hbm>> -> memref<640x128xf32, #tpu.memory_space<hbm>>
      %dma_wait3A_83 = arith.constant 0 : i32
      %dma_wait3A_84 = arith.constant 0 : i32
      %dma_wait3A_85 = tpu.memref_slice %arg5[%arg0, %arg1, %run_scoped3A_62, %dma_wait3A_83, %dma_wait3A_84] : memref<2x16x8x640x128xf32, #tpu.memory_space<hbm>> -> memref<1x1x1x640x128xf32, #tpu.memory_space<hbm>>
      %dma_wait3A_86 = tpu.memref_squeeze %dma_wait3A_85 : memref<1x1x1x640x128xf32, #tpu.memory_space<hbm>> -> memref<640x128xf32, #tpu.memory_space<hbm>>
      tpu.wait_dma2 semaphore(%run_scoped3A_72 : memref<!tpu.dma_semaphore, #tpu.memory_space<semaphore_mem>>) src(%arg6 : memref<640x128xf32, #tpu.memory_space<vmem>>) dst(%dma_wait3A_86 : memref<640x128xf32, #tpu.memory_space<hbm>>)
      tpu.yield
    }) : () -> ()
    "tpu.region"() ({
      %run_scoped3A_72 = tpu.sem_alloc : memref<!tpu.dma_semaphore, #tpu.memory_space<semaphore_mem>>
      tpu.enqueue_dma source(%arg4 : memref<640x128xf32, #tpu.memory_space<hbm>>) target(%arg6 : memref<640x128xf32, #tpu.memory_space<vmem>>) target_semaphore(%run_scoped3A_72 : memref<!tpu.dma_semaphore, #tpu.memory_space<semaphore_mem>>)
      tpu.wait_dma2 semaphore(%run_scoped3A_72 : memref<!tpu.dma_semaphore, #tpu.memory_space<semaphore_mem>>) src(%arg4 : memref<640x128xf32, #tpu.memory_space<hbm>>) dst(%arg6 : memref<640x128xf32, #tpu.memory_space<vmem>>)
      tpu.yield
    }) : () -> ()
    %run_scoped3A_63 = arith.constant 7 : i32
    "tpu.region"() ({
      %run_scoped3A_72 = tpu.sem_alloc : memref<!tpu.dma_semaphore, #tpu.memory_space<semaphore_mem>>
      %dma_start3A = arith.constant 0 : i32
      %dma_start3A_73 = tpu.memref_slice %arg2[%run_scoped3A_63, %add3A, %dma_start3A] : memref<8x32x10240xi32, #tpu.memory_space<hbm>> -> memref<1x1x10240xi32, #tpu.memory_space<hbm>>
      %dma_start3A_74 = tpu.memref_squeeze %dma_start3A_73 : memref<1x1x10240xi32, #tpu.memory_space<hbm>> -> memref<10240xi32, #tpu.memory_space<hbm>>
      %dma_start3A_75 = arith.constant 0 : i32
      %dma_start3A_76 = tpu.memref_slice %arg2[%run_scoped3A_63, %add3A, %dma_start3A_75] : memref<8x32x10240xi32, #tpu.memory_space<hbm>> -> memref<1x1x10240xi32, #tpu.memory_space<hbm>>
      %dma_start3A_77 = tpu.memref_squeeze %dma_start3A_76 : memref<1x1x10240xi32, #tpu.memory_space<hbm>> -> memref<10240xi32, #tpu.memory_space<hbm>>
      tpu.enqueue_dma source(%dma_start3A_77 : memref<10240xi32, #tpu.memory_space<hbm>>) target(%arg7 : memref<10240xi32, #tpu.memory_space<vmem>>) target_semaphore(%run_scoped3A_72 : memref<!tpu.dma_semaphore, #tpu.memory_space<semaphore_mem>>)
      %dma_wait3A = arith.constant 0 : i32
      %dma_wait3A_78 = tpu.memref_slice %arg2[%run_scoped3A_63, %add3A, %dma_wait3A] : memref<8x32x10240xi32, #tpu.memory_space<hbm>> -> memref<1x1x10240xi32, #tpu.memory_space<hbm>>
      %dma_wait3A_79 = tpu.memref_squeeze %dma_wait3A_78 : memref<1x1x10240xi32, #tpu.memory_space<hbm>> -> memref<10240xi32, #tpu.memory_space<hbm>>
      %dma_wait3A_80 = arith.constant 0 : i32
      %dma_wait3A_81 = tpu.memref_slice %arg2[%run_scoped3A_63, %add3A, %dma_wait3A_80] : memref<8x32x10240xi32, #tpu.memory_space<hbm>> -> memref<1x1x10240xi32, #tpu.memory_space<hbm>>
      %dma_wait3A_82 = tpu.memref_squeeze %dma_wait3A_81 : memref<1x1x10240xi32, #tpu.memory_space<hbm>> -> memref<10240xi32, #tpu.memory_space<hbm>>
      tpu.wait_dma2 semaphore(%run_scoped3A_72 : memref<!tpu.dma_semaphore, #tpu.memory_space<semaphore_mem>>) src(%dma_wait3A_82 : memref<10240xi32, #tpu.memory_space<hbm>>) dst(%arg7 : memref<10240xi32, #tpu.memory_space<vmem>>)
      tpu.yield
    }) : () -> ()
    %run_scoped3A_64 = arith.constant 7 : i32
    "tpu.region"() ({
      %run_scoped3A_72 = tpu.sem_alloc : memref<!tpu.dma_semaphore, #tpu.memory_space<semaphore_mem>>
      %dma_start3A = arith.constant 0 : i32
      %dma_start3A_73 = tpu.memref_slice %arg3[%run_scoped3A_64, %add3A, %dma_start3A] : memref<8x32x10240xi32, #tpu.memory_space<hbm>> -> memref<1x1x10240xi32, #tpu.memory_space<hbm>>
      %dma_start3A_74 = tpu.memref_squeeze %dma_start3A_73 : memref<1x1x10240xi32, #tpu.memory_space<hbm>> -> memref<10240xi32, #tpu.memory_space<hbm>>
      %dma_start3A_75 = arith.constant 0 : i32
      %dma_start3A_76 = tpu.memref_slice %arg3[%run_scoped3A_64, %add3A, %dma_start3A_75] : memref<8x32x10240xi32, #tpu.memory_space<hbm>> -> memref<1x1x10240xi32, #tpu.memory_space<hbm>>
      %dma_start3A_77 = tpu.memref_squeeze %dma_start3A_76 : memref<1x1x10240xi32, #tpu.memory_space<hbm>> -> memref<10240xi32, #tpu.memory_space<hbm>>
      tpu.enqueue_dma source(%dma_start3A_77 : memref<10240xi32, #tpu.memory_space<hbm>>) target(%arg8 : memref<10240xi32, #tpu.memory_space<vmem>>) target_semaphore(%run_scoped3A_72 : memref<!tpu.dma_semaphore, #tpu.memory_space<semaphore_mem>>)
      %dma_wait3A = arith.constant 0 : i32
      %dma_wait3A_78 = tpu.memref_slice %arg3[%run_scoped3A_64, %add3A, %dma_wait3A] : memref<8x32x10240xi32, #tpu.memory_space<hbm>> -> memref<1x1x10240xi32, #tpu.memory_space<hbm>>
      %dma_wait3A_79 = tpu.memref_squeeze %dma_wait3A_78 : memref<1x1x10240xi32, #tpu.memory_space<hbm>> -> memref<10240xi32, #tpu.memory_space<hbm>>
      %dma_wait3A_80 = arith.constant 0 : i32
      %dma_wait3A_81 = tpu.memref_slice %arg3[%run_scoped3A_64, %add3A, %dma_wait3A_80] : memref<8x32x10240xi32, #tpu.memory_space<hbm>> -> memref<1x1x10240xi32, #tpu.memory_space<hbm>>
      %dma_wait3A_82 = tpu.memref_squeeze %dma_wait3A_81 : memref<1x1x10240xi32, #tpu.memory_space<hbm>> -> memref<10240xi32, #tpu.memory_space<hbm>>
      tpu.wait_dma2 semaphore(%run_scoped3A_72 : memref<!tpu.dma_semaphore, #tpu.memory_space<semaphore_mem>>) src(%dma_wait3A_82 : memref<10240xi32, #tpu.memory_space<hbm>>) dst(%arg8 : memref<10240xi32, #tpu.memory_space<vmem>>)
      tpu.yield
    }) : () -> ()
    %scan3A_65 = arith.constant 0 : i32
    %scan3A_66 = arith.constant 0 : i32
    %scan3A_67 = arith.constant 640 : i32
    %scan3A_68 = arith.addi %scan3A_66, %scan3A_67 : i32
    %scan3A_69 = arith.constant 1 : i32
    scf.for %scan3A_72 = %scan3A_66 to %scan3A_68 step %scan3A_69  : i32 {
      %mul3A_73 = arith.constant 16 : i32
      %mul3A_74 = arith.muli %scan3A_72, %mul3A_73 : i32
      %get3A = arith.index_cast %mul3A_74 : i32 to index
      %get3A_75 = tpu.vector_load %arg7[%get3A] {strides = array<i32>} : memref<10240xi32, #tpu.memory_space<vmem>>, vector<16xi32>,
      %mul3A_76 = arith.constant 16 : i32
      %mul3A_77 = arith.muli %scan3A_72, %mul3A_76 : i32
      %get3A_78 = arith.index_cast %mul3A_77 : i32 to index
      %get3A_79 = tpu.vector_load %arg8[%get3A_78] {strides = array<i32>} : memref<10240xi32, #tpu.memory_space<vmem>>, vector<16xi32>,
      tpu.vector_store_idx %arg6[%get3A_75, %get3A_79], %broadcast_in_dim3A_1 {add = true} : memref<640x128xf32, #tpu.memory_space<vmem>>[vector<16xi32>, vector<16xi32>], vector<16xf32>,
    }
    %scan3A_70 = arith.constant 640 : i32
    %run_scoped3A_71 = arith.constant 7 : i32
    "tpu.region"() ({
      %run_scoped3A_72 = tpu.sem_alloc : memref<!tpu.dma_semaphore, #tpu.memory_space<semaphore_mem>>
      %dma_start3A = arith.constant 0 : i32
      %dma_start3A_73 = arith.constant 0 : i32
      %dma_start3A_74 = tpu.memref_slice %arg5[%arg0, %arg1, %run_scoped3A_71, %dma_start3A, %dma_start3A_73] : memref<2x16x8x640x128xf32, #tpu.memory_space<hbm>> -> memref<1x1x1x640x128xf32, #tpu.memory_space<hbm>>
      %dma_start3A_75 = tpu.memref_squeeze %dma_start3A_74 : memref<1x1x1x640x128xf32, #tpu.memory_space<hbm>> -> memref<640x128xf32, #tpu.memory_space<hbm>>
      %dma_start3A_76 = arith.constant 0 : i32
      %dma_start3A_77 = arith.constant 0 : i32
      %dma_start3A_78 = tpu.memref_slice %arg5[%arg0, %arg1, %run_scoped3A_71, %dma_start3A_76, %dma_start3A_77] : memref<2x16x8x640x128xf32, #tpu.memory_space<hbm>> -> memref<1x1x1x640x128xf32, #tpu.memory_space<hbm>>
      %dma_start3A_79 = tpu.memref_squeeze %dma_start3A_78 : memref<1x1x1x640x128xf32, #tpu.memory_space<hbm>> -> memref<640x128xf32, #tpu.memory_space<hbm>>
      tpu.enqueue_dma source(%arg6 : memref<640x128xf32, #tpu.memory_space<vmem>>) target(%dma_start3A_79 : memref<640x128xf32, #tpu.memory_space<hbm>>) target_semaphore(%run_scoped3A_72 : memref<!tpu.dma_semaphore, #tpu.memory_space<semaphore_mem>>)
      %dma_wait3A = arith.constant 0 : i32
      %dma_wait3A_80 = arith.constant 0 : i32
      %dma_wait3A_81 = tpu.memref_slice %arg5[%arg0, %arg1, %run_scoped3A_71, %dma_wait3A, %dma_wait3A_80] : memref<2x16x8x640x128xf32, #tpu.memory_space<hbm>> -> memref<1x1x1x640x128xf32, #tpu.memory_space<hbm>>
      %dma_wait3A_82 = tpu.memref_squeeze %dma_wait3A_81 : memref<1x1x1x640x128xf32, #tpu.memory_space<hbm>> -> memref<640x128xf32, #tpu.memory_space<hbm>>
      %dma_wait3A_83 = arith.constant 0 : i32
      %dma_wait3A_84 = arith.constant 0 : i32
      %dma_wait3A_85 = tpu.memref_slice %arg5[%arg0, %arg1, %run_scoped3A_71, %dma_wait3A_83, %dma_wait3A_84] : memref<2x16x8x640x128xf32, #tpu.memory_space<hbm>> -> memref<1x1x1x640x128xf32, #tpu.memory_space<hbm>>
      %dma_wait3A_86 = tpu.memref_squeeze %dma_wait3A_85 : memref<1x1x1x640x128xf32, #tpu.memory_space<hbm>> -> memref<640x128xf32, #tpu.memory_space<hbm>>
      tpu.wait_dma2 semaphore(%run_scoped3A_72 : memref<!tpu.dma_semaphore, #tpu.memory_space<semaphore_mem>>) src(%arg6 : memref<640x128xf32, #tpu.memory_space<vmem>>) dst(%dma_wait3A_86 : memref<640x128xf32, #tpu.memory_space<hbm>>)
      tpu.yield
    }) : () -> ()
    return
  }
}

module attributes {stable_mosaic.version = 14 : i64} {
  func.func @_tc_xw_body(%arg0: i32, %arg1: memref<640x128xf32, #tpu.memory_space<vmem>>, %arg2: memref<128x128xf32, #tpu.memory_space<vmem>>, %arg3: memref<640x128xf32, #tpu.memory_space<vmem>>) attributes {dimension_semantics = [#tpu.dimension_semantics<arbitrary>], iteration_bounds = array<i64: 125>, scalar_prefetch = 0 : i64, scratch_operands = 0 : i64, tpu.core_type = #tpu.core_type<tc>, window_params = [{transform_indices = @transform_0, window_bounds = array<i64: 640, 128>}, {pipeline_mode = #tpu.pipeline_mode<synchronous>, transform_indices = @transform_1, window_bounds = array<i64: 128, 128>}, {transform_indices = @transform_2, window_bounds = array<i64: 640, 128>}]} {
    %get3A = arith.constant 0 : index
    %get3A_0 = arith.constant 0 : index
    %get3A_1 = vector.load %arg1[%get3A, %get3A_0] : memref<640x128xf32, #tpu.memory_space<vmem>>, vector<640x128xf32>
    %get3A_2 = arith.constant 0 : index
    %get3A_3 = arith.constant 0 : index
    %get3A_4 = vector.load %arg2[%get3A_2, %get3A_3] : memref<128x128xf32, #tpu.memory_space<vmem>>, vector<128x128xf32>
    %dot_general3A = arith.constant dense<0.000000e+00> : vector<640x128xf32>
    %dot_general3A_5 = tpu.matmul %get3A_1, %get3A_4, %dot_general3A {dimension_numbers = #tpu.dot_dimension_numbers<[1], [0], [0], [1], [0, 0, 1, 1], [], []>, transpose_lhs_hint = false} : vector<640x128xf32>, vector<128x128xf32>, vector<640x128xf32> -> vector<640x128xf32>
    %swap3A = arith.constant 0 : index
    %swap3A_6 = arith.constant 0 : index
    %swap3A_7 = vector.load %arg3[%swap3A, %swap3A_6] : memref<640x128xf32, #tpu.memory_space<vmem>>, vector<640x128xf32>
    tpu.vector_store %arg3[%swap3A, %swap3A_6], %dot_general3A_5 {strides = array<i32>} : memref<640x128xf32, #tpu.memory_space<vmem>>, vector<640x128xf32>,
    return
  }
  func.func @transform_0(%arg0: i32) -> (i32, i32) {
    %c0_i32 = arith.constant 0 : i32
    %c0_i32_0 = arith.constant 0 : i32
    return %arg0, %c0_i32 : i32, i32
  }
  func.func @transform_1(%arg0: i32) -> (i32, i32) {
    %c0_i32 = arith.constant 0 : i32
    %c0_i32_0 = arith.constant 0 : i32
    %c0_i32_1 = arith.constant 0 : i32
    return %c0_i32, %c0_i32_0 : i32, i32
  }
  func.func @transform_2(%arg0: i32) -> (i32, i32) {
    %c0_i32 = arith.constant 0 : i32
    %c0_i32_0 = arith.constant 0 : i32
    return %arg0, %c0_i32 : i32, i32
  }
}

module attributes {stable_mosaic.version = 14 : i64} {
  func.func @_tc_scale_body(%arg0: i32, %arg1: i32, %arg2: memref<400x128xf32, #tpu.memory_space<vmem>>, %arg3: memref<32x1x400x8xf32, #tpu.memory_space<vmem>>, %arg4: memref<400x128xf32, #tpu.memory_space<vmem>>, %arg5: memref<400x16xf32, #tpu.memory_space<vmem>>) attributes {dimension_semantics = [#tpu.dimension_semantics<arbitrary>, #tpu.dimension_semantics<arbitrary>], iteration_bounds = array<i64: 8, 25>, scalar_prefetch = 0 : i64, scratch_operands = 0 : i64, tpu.core_type = #tpu.core_type<tc>, window_params = [{transform_indices = @transform_0, window_bounds = array<i64: 400, 128>}, {transform_indices = @transform_1, window_bounds = array<i64: 32, 1, 400, 8>}, {transform_indices = @transform_2, window_bounds = array<i64: 400, 128>}, {transform_indices = @transform_3, window_bounds = array<i64: 400, 16>}]} {
    %get3A = arith.constant 0 : index
    %get3A_0 = arith.constant 0 : index
    %get3A_1 = arith.constant 0 : index
    %get3A_2 = arith.constant 0 : index
    %get3A_3 = vector.load %arg3[%get3A, %get3A_0, %get3A_1, %get3A_2] : memref<32x1x400x8xf32, #tpu.memory_space<vmem>>, vector<1x1x400x8xf32>
    %get3A_4 = vector.shape_cast %get3A_3 : vector<1x1x400x8xf32> to vector<400x8xf32>
    %get3A_5 = arith.constant 1 : index
    %get3A_6 = arith.constant 0 : index
    %get3A_7 = arith.constant 0 : index
    %get3A_8 = arith.constant 0 : index
    %get3A_9 = vector.load %arg3[%get3A_5, %get3A_6, %get3A_7, %get3A_8] : memref<32x1x400x8xf32, #tpu.memory_space<vmem>>, vector<1x1x400x8xf32>
    %get3A_10 = vector.shape_cast %get3A_9 : vector<1x1x400x8xf32> to vector<400x8xf32>
    %add3A = arith.addf %get3A_4, %get3A_10 : vector<400x8xf32>
    %get3A_11 = arith.constant 2 : index
    %get3A_12 = arith.constant 0 : index
    %get3A_13 = arith.constant 0 : index
    %get3A_14 = arith.constant 0 : index
    %get3A_15 = vector.load %arg3[%get3A_11, %get3A_12, %get3A_13, %get3A_14] : memref<32x1x400x8xf32, #tpu.memory_space<vmem>>, vector<1x1x400x8xf32>
    %get3A_16 = vector.shape_cast %get3A_15 : vector<1x1x400x8xf32> to vector<400x8xf32>
    %add3A_17 = arith.addf %add3A, %get3A_16 : vector<400x8xf32>
    %get3A_18 = arith.constant 3 : index
    %get3A_19 = arith.constant 0 : index
    %get3A_20 = arith.constant 0 : index
    %get3A_21 = arith.constant 0 : index
    %get3A_22 = vector.load %arg3[%get3A_18, %get3A_19, %get3A_20, %get3A_21] : memref<32x1x400x8xf32, #tpu.memory_space<vmem>>, vector<1x1x400x8xf32>
    %get3A_23 = vector.shape_cast %get3A_22 : vector<1x1x400x8xf32> to vector<400x8xf32>
    %add3A_24 = arith.addf %add3A_17, %get3A_23 : vector<400x8xf32>
    %get3A_25 = arith.constant 4 : index
    %get3A_26 = arith.constant 0 : index
    %get3A_27 = arith.constant 0 : index
    %get3A_28 = arith.constant 0 : index
    %get3A_29 = vector.load %arg3[%get3A_25, %get3A_26, %get3A_27, %get3A_28] : memref<32x1x400x8xf32, #tpu.memory_space<vmem>>, vector<1x1x400x8xf32>
    %get3A_30 = vector.shape_cast %get3A_29 : vector<1x1x400x8xf32> to vector<400x8xf32>
    %add3A_31 = arith.addf %add3A_24, %get3A_30 : vector<400x8xf32>
    %get3A_32 = arith.constant 5 : index
    %get3A_33 = arith.constant 0 : index
    %get3A_34 = arith.constant 0 : index
    %get3A_35 = arith.constant 0 : index
    %get3A_36 = vector.load %arg3[%get3A_32, %get3A_33, %get3A_34, %get3A_35] : memref<32x1x400x8xf32, #tpu.memory_space<vmem>>, vector<1x1x400x8xf32>
    %get3A_37 = vector.shape_cast %get3A_36 : vector<1x1x400x8xf32> to vector<400x8xf32>
    %add3A_38 = arith.addf %add3A_31, %get3A_37 : vector<400x8xf32>
    %get3A_39 = arith.constant 6 : index
    %get3A_40 = arith.constant 0 : index
    %get3A_41 = arith.constant 0 : index
    %get3A_42 = arith.constant 0 : index
    %get3A_43 = vector.load %arg3[%get3A_39, %get3A_40, %get3A_41, %get3A_42] : memref<32x1x400x8xf32, #tpu.memory_space<vmem>>, vector<1x1x400x8xf32>
    %get3A_44 = vector.shape_cast %get3A_43 : vector<1x1x400x8xf32> to vector<400x8xf32>
    %add3A_45 = arith.addf %add3A_38, %get3A_44 : vector<400x8xf32>
    %get3A_46 = arith.constant 7 : index
    %get3A_47 = arith.constant 0 : index
    %get3A_48 = arith.constant 0 : index
    %get3A_49 = arith.constant 0 : index
    %get3A_50 = vector.load %arg3[%get3A_46, %get3A_47, %get3A_48, %get3A_49] : memref<32x1x400x8xf32, #tpu.memory_space<vmem>>, vector<1x1x400x8xf32>
    %get3A_51 = vector.shape_cast %get3A_50 : vector<1x1x400x8xf32> to vector<400x8xf32>
    %add3A_52 = arith.addf %add3A_45, %get3A_51 : vector<400x8xf32>
    %get3A_53 = arith.constant 8 : index
    %get3A_54 = arith.constant 0 : index
    %get3A_55 = arith.constant 0 : index
    %get3A_56 = arith.constant 0 : index
    %get3A_57 = vector.load %arg3[%get3A_53, %get3A_54, %get3A_55, %get3A_56] : memref<32x1x400x8xf32, #tpu.memory_space<vmem>>, vector<1x1x400x8xf32>
    %get3A_58 = vector.shape_cast %get3A_57 : vector<1x1x400x8xf32> to vector<400x8xf32>
    %add3A_59 = arith.addf %add3A_52, %get3A_58 : vector<400x8xf32>
    %get3A_60 = arith.constant 9 : index
    %get3A_61 = arith.constant 0 : index
    %get3A_62 = arith.constant 0 : index
    %get3A_63 = arith.constant 0 : index
    %get3A_64 = vector.load %arg3[%get3A_60, %get3A_61, %get3A_62, %get3A_63] : memref<32x1x400x8xf32, #tpu.memory_space<vmem>>, vector<1x1x400x8xf32>
    %get3A_65 = vector.shape_cast %get3A_64 : vector<1x1x400x8xf32> to vector<400x8xf32>
    %add3A_66 = arith.addf %add3A_59, %get3A_65 : vector<400x8xf32>
    %get3A_67 = arith.constant 10 : index
    %get3A_68 = arith.constant 0 : index
    %get3A_69 = arith.constant 0 : index
    %get3A_70 = arith.constant 0 : index
    %get3A_71 = vector.load %arg3[%get3A_67, %get3A_68, %get3A_69, %get3A_70] : memref<32x1x400x8xf32, #tpu.memory_space<vmem>>, vector<1x1x400x8xf32>
    %get3A_72 = vector.shape_cast %get3A_71 : vector<1x1x400x8xf32> to vector<400x8xf32>
    %add3A_73 = arith.addf %add3A_66, %get3A_72 : vector<400x8xf32>
    %get3A_74 = arith.constant 11 : index
    %get3A_75 = arith.constant 0 : index
    %get3A_76 = arith.constant 0 : index
    %get3A_77 = arith.constant 0 : index
    %get3A_78 = vector.load %arg3[%get3A_74, %get3A_75, %get3A_76, %get3A_77] : memref<32x1x400x8xf32, #tpu.memory_space<vmem>>, vector<1x1x400x8xf32>
    %get3A_79 = vector.shape_cast %get3A_78 : vector<1x1x400x8xf32> to vector<400x8xf32>
    %add3A_80 = arith.addf %add3A_73, %get3A_79 : vector<400x8xf32>
    %get3A_81 = arith.constant 12 : index
    %get3A_82 = arith.constant 0 : index
    %get3A_83 = arith.constant 0 : index
    %get3A_84 = arith.constant 0 : index
    %get3A_85 = vector.load %arg3[%get3A_81, %get3A_82, %get3A_83, %get3A_84] : memref<32x1x400x8xf32, #tpu.memory_space<vmem>>, vector<1x1x400x8xf32>
    %get3A_86 = vector.shape_cast %get3A_85 : vector<1x1x400x8xf32> to vector<400x8xf32>
    %add3A_87 = arith.addf %add3A_80, %get3A_86 : vector<400x8xf32>
    %get3A_88 = arith.constant 13 : index
    %get3A_89 = arith.constant 0 : index
    %get3A_90 = arith.constant 0 : index
    %get3A_91 = arith.constant 0 : index
    %get3A_92 = vector.load %arg3[%get3A_88, %get3A_89, %get3A_90, %get3A_91] : memref<32x1x400x8xf32, #tpu.memory_space<vmem>>, vector<1x1x400x8xf32>
    %get3A_93 = vector.shape_cast %get3A_92 : vector<1x1x400x8xf32> to vector<400x8xf32>
    %add3A_94 = arith.addf %add3A_87, %get3A_93 : vector<400x8xf32>
    %get3A_95 = arith.constant 14 : index
    %get3A_96 = arith.constant 0 : index
    %get3A_97 = arith.constant 0 : index
    %get3A_98 = arith.constant 0 : index
    %get3A_99 = vector.load %arg3[%get3A_95, %get3A_96, %get3A_97, %get3A_98] : memref<32x1x400x8xf32, #tpu.memory_space<vmem>>, vector<1x1x400x8xf32>
    %get3A_100 = vector.shape_cast %get3A_99 : vector<1x1x400x8xf32> to vector<400x8xf32>
    %add3A_101 = arith.addf %add3A_94, %get3A_100 : vector<400x8xf32>
    %get3A_102 = arith.constant 15 : index
    %get3A_103 = arith.constant 0 : index
    %get3A_104 = arith.constant 0 : index
    %get3A_105 = arith.constant 0 : index
    %get3A_106 = vector.load %arg3[%get3A_102, %get3A_103, %get3A_104, %get3A_105] : memref<32x1x400x8xf32, #tpu.memory_space<vmem>>, vector<1x1x400x8xf32>
    %get3A_107 = vector.shape_cast %get3A_106 : vector<1x1x400x8xf32> to vector<400x8xf32>
    %add3A_108 = arith.addf %add3A_101, %get3A_107 : vector<400x8xf32>
    %get3A_109 = arith.constant 16 : index
    %get3A_110 = arith.constant 0 : index
    %get3A_111 = arith.constant 0 : index
    %get3A_112 = arith.constant 0 : index
    %get3A_113 = vector.load %arg3[%get3A_109, %get3A_110, %get3A_111, %get3A_112] : memref<32x1x400x8xf32, #tpu.memory_space<vmem>>, vector<1x1x400x8xf32>
    %get3A_114 = vector.shape_cast %get3A_113 : vector<1x1x400x8xf32> to vector<400x8xf32>
    %add3A_115 = arith.addf %add3A_108, %get3A_114 : vector<400x8xf32>
    %get3A_116 = arith.constant 17 : index
    %get3A_117 = arith.constant 0 : index
    %get3A_118 = arith.constant 0 : index
    %get3A_119 = arith.constant 0 : index
    %get3A_120 = vector.load %arg3[%get3A_116, %get3A_117, %get3A_118, %get3A_119] : memref<32x1x400x8xf32, #tpu.memory_space<vmem>>, vector<1x1x400x8xf32>
    %get3A_121 = vector.shape_cast %get3A_120 : vector<1x1x400x8xf32> to vector<400x8xf32>
    %add3A_122 = arith.addf %add3A_115, %get3A_121 : vector<400x8xf32>
    %get3A_123 = arith.constant 18 : index
    %get3A_124 = arith.constant 0 : index
    %get3A_125 = arith.constant 0 : index
    %get3A_126 = arith.constant 0 : index
    %get3A_127 = vector.load %arg3[%get3A_123, %get3A_124, %get3A_125, %get3A_126] : memref<32x1x400x8xf32, #tpu.memory_space<vmem>>, vector<1x1x400x8xf32>
    %get3A_128 = vector.shape_cast %get3A_127 : vector<1x1x400x8xf32> to vector<400x8xf32>
    %add3A_129 = arith.addf %add3A_122, %get3A_128 : vector<400x8xf32>
    %get3A_130 = arith.constant 19 : index
    %get3A_131 = arith.constant 0 : index
    %get3A_132 = arith.constant 0 : index
    %get3A_133 = arith.constant 0 : index
    %get3A_134 = vector.load %arg3[%get3A_130, %get3A_131, %get3A_132, %get3A_133] : memref<32x1x400x8xf32, #tpu.memory_space<vmem>>, vector<1x1x400x8xf32>
    %get3A_135 = vector.shape_cast %get3A_134 : vector<1x1x400x8xf32> to vector<400x8xf32>
    %add3A_136 = arith.addf %add3A_129, %get3A_135 : vector<400x8xf32>
    %get3A_137 = arith.constant 20 : index
    %get3A_138 = arith.constant 0 : index
    %get3A_139 = arith.constant 0 : index
    %get3A_140 = arith.constant 0 : index
    %get3A_141 = vector.load %arg3[%get3A_137, %get3A_138, %get3A_139, %get3A_140] : memref<32x1x400x8xf32, #tpu.memory_space<vmem>>, vector<1x1x400x8xf32>
    %get3A_142 = vector.shape_cast %get3A_141 : vector<1x1x400x8xf32> to vector<400x8xf32>
    %add3A_143 = arith.addf %add3A_136, %get3A_142 : vector<400x8xf32>
    %get3A_144 = arith.constant 21 : index
    %get3A_145 = arith.constant 0 : index
    %get3A_146 = arith.constant 0 : index
    %get3A_147 = arith.constant 0 : index
    %get3A_148 = vector.load %arg3[%get3A_144, %get3A_145, %get3A_146, %get3A_147] : memref<32x1x400x8xf32, #tpu.memory_space<vmem>>, vector<1x1x400x8xf32>
    %get3A_149 = vector.shape_cast %get3A_148 : vector<1x1x400x8xf32> to vector<400x8xf32>
    %add3A_150 = arith.addf %add3A_143, %get3A_149 : vector<400x8xf32>
    %get3A_151 = arith.constant 22 : index
    %get3A_152 = arith.constant 0 : index
    %get3A_153 = arith.constant 0 : index
    %get3A_154 = arith.constant 0 : index
    %get3A_155 = vector.load %arg3[%get3A_151, %get3A_152, %get3A_153, %get3A_154] : memref<32x1x400x8xf32, #tpu.memory_space<vmem>>, vector<1x1x400x8xf32>
    %get3A_156 = vector.shape_cast %get3A_155 : vector<1x1x400x8xf32> to vector<400x8xf32>
    %add3A_157 = arith.addf %add3A_150, %get3A_156 : vector<400x8xf32>
    %get3A_158 = arith.constant 23 : index
    %get3A_159 = arith.constant 0 : index
    %get3A_160 = arith.constant 0 : index
    %get3A_161 = arith.constant 0 : index
    %get3A_162 = vector.load %arg3[%get3A_158, %get3A_159, %get3A_160, %get3A_161] : memref<32x1x400x8xf32, #tpu.memory_space<vmem>>, vector<1x1x400x8xf32>
    %get3A_163 = vector.shape_cast %get3A_162 : vector<1x1x400x8xf32> to vector<400x8xf32>
    %add3A_164 = arith.addf %add3A_157, %get3A_163 : vector<400x8xf32>
    %get3A_165 = arith.constant 24 : index
    %get3A_166 = arith.constant 0 : index
    %get3A_167 = arith.constant 0 : index
    %get3A_168 = arith.constant 0 : index
    %get3A_169 = vector.load %arg3[%get3A_165, %get3A_166, %get3A_167, %get3A_168] : memref<32x1x400x8xf32, #tpu.memory_space<vmem>>, vector<1x1x400x8xf32>
    %get3A_170 = vector.shape_cast %get3A_169 : vector<1x1x400x8xf32> to vector<400x8xf32>
    %add3A_171 = arith.addf %add3A_164, %get3A_170 : vector<400x8xf32>
    %get3A_172 = arith.constant 25 : index
    %get3A_173 = arith.constant 0 : index
    %get3A_174 = arith.constant 0 : index
    %get3A_175 = arith.constant 0 : index
    %get3A_176 = vector.load %arg3[%get3A_172, %get3A_173, %get3A_174, %get3A_175] : memref<32x1x400x8xf32, #tpu.memory_space<vmem>>, vector<1x1x400x8xf32>
    %get3A_177 = vector.shape_cast %get3A_176 : vector<1x1x400x8xf32> to vector<400x8xf32>
    %add3A_178 = arith.addf %add3A_171, %get3A_177 : vector<400x8xf32>
    %get3A_179 = arith.constant 26 : index
    %get3A_180 = arith.constant 0 : index
    %get3A_181 = arith.constant 0 : index
    %get3A_182 = arith.constant 0 : index
    %get3A_183 = vector.load %arg3[%get3A_179, %get3A_180, %get3A_181, %get3A_182] : memref<32x1x400x8xf32, #tpu.memory_space<vmem>>, vector<1x1x400x8xf32>
    %get3A_184 = vector.shape_cast %get3A_183 : vector<1x1x400x8xf32> to vector<400x8xf32>
    %add3A_185 = arith.addf %add3A_178, %get3A_184 : vector<400x8xf32>
    %get3A_186 = arith.constant 27 : index
    %get3A_187 = arith.constant 0 : index
    %get3A_188 = arith.constant 0 : index
    %get3A_189 = arith.constant 0 : index
    %get3A_190 = vector.load %arg3[%get3A_186, %get3A_187, %get3A_188, %get3A_189] : memref<32x1x400x8xf32, #tpu.memory_space<vmem>>, vector<1x1x400x8xf32>
    %get3A_191 = vector.shape_cast %get3A_190 : vector<1x1x400x8xf32> to vector<400x8xf32>
    %add3A_192 = arith.addf %add3A_185, %get3A_191 : vector<400x8xf32>
    %get3A_193 = arith.constant 28 : index
    %get3A_194 = arith.constant 0 : index
    %get3A_195 = arith.constant 0 : index
    %get3A_196 = arith.constant 0 : index
    %get3A_197 = vector.load %arg3[%get3A_193, %get3A_194, %get3A_195, %get3A_196] : memref<32x1x400x8xf32, #tpu.memory_space<vmem>>, vector<1x1x400x8xf32>
    %get3A_198 = vector.shape_cast %get3A_197 : vector<1x1x400x8xf32> to vector<400x8xf32>
    %add3A_199 = arith.addf %add3A_192, %get3A_198 : vector<400x8xf32>
    %get3A_200 = arith.constant 29 : index
    %get3A_201 = arith.constant 0 : index
    %get3A_202 = arith.constant 0 : index
    %get3A_203 = arith.constant 0 : index
    %get3A_204 = vector.load %arg3[%get3A_200, %get3A_201, %get3A_202, %get3A_203] : memref<32x1x400x8xf32, #tpu.memory_space<vmem>>, vector<1x1x400x8xf32>
    %get3A_205 = vector.shape_cast %get3A_204 : vector<1x1x400x8xf32> to vector<400x8xf32>
    %add3A_206 = arith.addf %add3A_199, %get3A_205 : vector<400x8xf32>
    %get3A_207 = arith.constant 30 : index
    %get3A_208 = arith.constant 0 : index
    %get3A_209 = arith.constant 0 : index
    %get3A_210 = arith.constant 0 : index
    %get3A_211 = vector.load %arg3[%get3A_207, %get3A_208, %get3A_209, %get3A_210] : memref<32x1x400x8xf32, #tpu.memory_space<vmem>>, vector<1x1x400x8xf32>
    %get3A_212 = vector.shape_cast %get3A_211 : vector<1x1x400x8xf32> to vector<400x8xf32>
    %add3A_213 = arith.addf %add3A_206, %get3A_212 : vector<400x8xf32>
    %get3A_214 = arith.constant 31 : index
    %get3A_215 = arith.constant 0 : index
    %get3A_216 = arith.constant 0 : index
    %get3A_217 = arith.constant 0 : index
    %get3A_218 = vector.load %arg3[%get3A_214, %get3A_215, %get3A_216, %get3A_217] : memref<32x1x400x8xf32, #tpu.memory_space<vmem>>, vector<1x1x400x8xf32>
    %get3A_219 = vector.shape_cast %get3A_218 : vector<1x1x400x8xf32> to vector<400x8xf32>
    %add3A_220 = arith.addf %add3A_213, %get3A_219 : vector<400x8xf32>
    %reduce_sum3A = arith.constant dense<0.000000e+00> : vector<400xf32>
    %reduce_sum3A_221 = vector.multi_reduction <add>, %add3A_220, %reduce_sum3A [1] : vector<400x8xf32> to vector<400xf32>
    %broadcast_in_dim3A = vector.shape_cast %reduce_sum3A_221 : vector<400xf32> to vector<400x1xf32>
    %add3A_222 = arith.constant 1.000000e+00 : f32
    %add3A_223 = vector.broadcast %add3A_222 : f32 to vector<400x1xf32>
    %add3A_224 = arith.addf %broadcast_in_dim3A, %add3A_223 : vector<400x1xf32>
    %rsqrt3A = math.rsqrt %add3A_224 : vector<400x1xf32>
    %get3A_225 = arith.constant 0 : index
    %get3A_226 = arith.constant 0 : index
    %get3A_227 = vector.load %arg2[%get3A_225, %get3A_226] : memref<400x128xf32, #tpu.memory_space<vmem>>, vector<400x128xf32>
    %mul3A = vector.broadcast %rsqrt3A : vector<400x1xf32> to vector<400x128xf32>
    %mul3A_228 = arith.mulf %get3A_227, %mul3A : vector<400x128xf32>
    %swap3A = arith.constant 0 : index
    %swap3A_229 = arith.constant 0 : index
    %swap3A_230 = vector.load %arg4[%swap3A, %swap3A_229] : memref<400x128xf32, #tpu.memory_space<vmem>>, vector<400x128xf32>
    tpu.vector_store %arg4[%swap3A, %swap3A_229], %mul3A_228 {strides = array<i32>} : memref<400x128xf32, #tpu.memory_space<vmem>>, vector<400x128xf32>,
    %broadcast_in_dim3A_231 = vector.shape_cast %rsqrt3A : vector<400x1xf32> to vector<400x1xf32>
    %broadcast_in_dim3A_232 = vector.broadcast %broadcast_in_dim3A_231 : vector<400x1xf32> to vector<400x16xf32>
    %swap3A_233 = arith.constant 0 : index
    %swap3A_234 = arith.constant 0 : index
    %swap3A_235 = vector.load %arg5[%swap3A_233, %swap3A_234] : memref<400x16xf32, #tpu.memory_space<vmem>>, vector<400x16xf32>
    tpu.vector_store %arg5[%swap3A_233, %swap3A_234], %broadcast_in_dim3A_232 {strides = array<i32>} : memref<400x16xf32, #tpu.memory_space<vmem>>, vector<400x16xf32>,
    return
  }
  func.func @transform_0(%arg0: i32, %arg1: i32) -> (i32, i32) {
    %mul3A = arith.constant 25 : i32
    %mul3A_0 = arith.muli %arg0, %mul3A : i32
    %add3A = arith.addi %mul3A_0, %arg1 : i32
    %c0_i32 = arith.constant 0 : i32
    %c0_i32_1 = arith.constant 0 : i32
    return %add3A, %c0_i32 : i32, i32
  }
  func.func @transform_1(%arg0: i32, %arg1: i32) -> (i32, i32, i32, i32) {
    %c0_i32 = arith.constant 0 : i32
    %c0_i32_0 = arith.constant 0 : i32
    %c0_i32_1 = arith.constant 0 : i32
    return %c0_i32, %arg0, %arg1, %c0_i32_0 : i32, i32, i32, i32
  }
  func.func @transform_2(%arg0: i32, %arg1: i32) -> (i32, i32) {
    %mul3A = arith.constant 25 : i32
    %mul3A_0 = arith.muli %arg0, %mul3A : i32
    %add3A = arith.addi %mul3A_0, %arg1 : i32
    %c0_i32 = arith.constant 0 : i32
    %c0_i32_1 = arith.constant 0 : i32
    return %add3A, %c0_i32 : i32, i32
  }
  func.func @transform_3(%arg0: i32, %arg1: i32) -> (i32, i32) {
    %mul3A = arith.constant 25 : i32
    %mul3A_0 = arith.muli %arg0, %mul3A : i32
    %add3A = arith.addi %mul3A_0, %arg1 : i32
    %c0_i32 = arith.constant 0 : i32
    %c0_i32_1 = arith.constant 0 : i32
    return %add3A, %c0_i32 : i32, i32
  }
}

module attributes {stable_mosaic.version = 14 : i64} {
  func.func @_tc_mid_body(%arg0: i32, %arg1: memref<640x128xf32, #tpu.memory_space<vmem>>, %arg2: memref<640x16xf32, #tpu.memory_space<vmem>>, %arg3: memref<1x128xf32, #tpu.memory_space<vmem>>, %arg4: memref<128x128xf32, #tpu.memory_space<vmem>>, %arg5: memref<640x128xf32, #tpu.memory_space<vmem>>) attributes {dimension_semantics = [#tpu.dimension_semantics<arbitrary>], iteration_bounds = array<i64: 125>, scalar_prefetch = 0 : i64, scratch_operands = 0 : i64, tpu.core_type = #tpu.core_type<tc>, window_params = [{transform_indices = @transform_0, window_bounds = array<i64: 640, 128>}, {transform_indices = @transform_1, window_bounds = array<i64: 640, 16>}, {pipeline_mode = #tpu.pipeline_mode<synchronous>, transform_indices = @transform_2, window_bounds = array<i64: 1, 128>}, {pipeline_mode = #tpu.pipeline_mode<synchronous>, transform_indices = @transform_3, window_bounds = array<i64: 128, 128>}, {transform_indices = @transform_4, window_bounds = array<i64: 640, 128>}]} {
    %get3A = arith.constant 0 : index
    %get3A_0 = arith.constant 0 : index
    %get3A_1 = vector.load %arg2[%get3A, %get3A_0] : memref<640x16xf32, #tpu.memory_space<vmem>>, vector<640x1xf32>
    %get3A_2 = arith.constant 0 : index
    %get3A_3 = arith.constant 0 : index
    %get3A_4 = vector.load %arg1[%get3A_2, %get3A_3] : memref<640x128xf32, #tpu.memory_space<vmem>>, vector<640x128xf32>
    %mul3A = vector.broadcast %get3A_1 : vector<640x1xf32> to vector<640x128xf32>
    %mul3A_5 = arith.mulf %get3A_4, %mul3A : vector<640x128xf32>
    %get3A_6 = arith.constant 0 : index
    %get3A_7 = arith.constant 0 : index
    %get3A_8 = vector.load %arg3[%get3A_6, %get3A_7] : memref<1x128xf32, #tpu.memory_space<vmem>>, vector<1x128xf32>
    %add3A = vector.broadcast %get3A_8 : vector<1x128xf32> to vector<640x128xf32>
    %add3A_9 = arith.addf %mul3A_5, %add3A : vector<640x128xf32>
    %max3A = arith.constant 0.000000e+00 : f32
    %max3A_10 = vector.broadcast %max3A : f32 to vector<640x128xf32>
    %max3A_11 = arith.maximumf %add3A_9, %max3A_10 : vector<640x128xf32>
    %get3A_12 = arith.constant 0 : index
    %get3A_13 = arith.constant 0 : index
    %get3A_14 = vector.load %arg4[%get3A_12, %get3A_13] : memref<128x128xf32, #tpu.memory_space<vmem>>, vector<128x128xf32>
    %dot_general3A = arith.constant dense<0.000000e+00> : vector<640x128xf32>
    %dot_general3A_15 = tpu.matmul %max3A_11, %get3A_14, %dot_general3A {dimension_numbers = #tpu.dot_dimension_numbers<[1], [0], [0], [1], [0, 0, 1, 1], [], []>, transpose_lhs_hint = false} : vector<640x128xf32>, vector<128x128xf32>, vector<640x128xf32> -> vector<640x128xf32>
    %mul3A_16 = vector.broadcast %get3A_1 : vector<640x1xf32> to vector<640x128xf32>
    %mul3A_17 = arith.mulf %dot_general3A_15, %mul3A_16 : vector<640x128xf32>
    %swap3A = arith.constant 0 : index
    %swap3A_18 = arith.constant 0 : index
    %swap3A_19 = vector.load %arg5[%swap3A, %swap3A_18] : memref<640x128xf32, #tpu.memory_space<vmem>>, vector<640x128xf32>
    tpu.vector_store %arg5[%swap3A, %swap3A_18], %mul3A_17 {strides = array<i32>} : memref<640x128xf32, #tpu.memory_space<vmem>>, vector<640x128xf32>,
    return
  }
  func.func @transform_0(%arg0: i32) -> (i32, i32) {
    %c0_i32 = arith.constant 0 : i32
    %c0_i32_0 = arith.constant 0 : i32
    return %arg0, %c0_i32 : i32, i32
  }
  func.func @transform_1(%arg0: i32) -> (i32, i32) {
    %c0_i32 = arith.constant 0 : i32
    %c0_i32_0 = arith.constant 0 : i32
    return %arg0, %c0_i32 : i32, i32
  }
  func.func @transform_2(%arg0: i32) -> (i32, i32) {
    %c0_i32 = arith.constant 0 : i32
    %c0_i32_0 = arith.constant 0 : i32
    %c0_i32_1 = arith.constant 0 : i32
    return %c0_i32, %c0_i32_0 : i32, i32
  }
  func.func @transform_3(%arg0: i32) -> (i32, i32) {
    %c0_i32 = arith.constant 0 : i32
    %c0_i32_0 = arith.constant 0 : i32
    %c0_i32_1 = arith.constant 0 : i32
    return %c0_i32, %c0_i32_0 : i32, i32
  }
  func.func @transform_4(%arg0: i32) -> (i32, i32) {
    %c0_i32 = arith.constant 0 : i32
    %c0_i32_0 = arith.constant 0 : i32
    return %arg0, %c0_i32 : i32, i32
  }
}

module attributes {stable_mosaic.version = 14 : i64} {
  func.func @_tc_tail_body(%arg0: i32, %arg1: memref<10000x128xf32, #tpu.memory_space<vmem>>, %arg2: memref<10000x16xf32, #tpu.memory_space<vmem>>, %arg3: memref<1x128xf32, #tpu.memory_space<vmem>>, %arg4: memref<1x1x10000xi32, #tpu.memory_space<vmem>>, %arg5: memref<128x512xf32, #tpu.memory_space<vmem>>, %arg6: memref<128x512xf32, #tpu.memory_space<vmem>>, %arg7: memref<1x512xf32, #tpu.memory_space<vmem>>, %arg8: memref<128x512xf32, #tpu.memory_space<vmem>>, %arg9: memref<128x512xf32, #tpu.memory_space<vmem>>, %arg10: memref<1x512xf32, #tpu.memory_space<vmem>>, %arg11: memref<128x128xf32, #tpu.memory_space<vmem>>, %arg12: memref<1x128xf32, #tpu.memory_space<vmem>>, %arg13: memref<8x128xf32, #tpu.memory_space<vmem>>, %arg14: memref<128x128xf32, #tpu.memory_space<vmem>>, %arg15: memref<128x128xf32, #tpu.memory_space<vmem>>, %arg16: memref<128x512xf32, #tpu.memory_space<vmem>>) attributes {dimension_semantics = [#tpu.dimension_semantics<arbitrary>], iteration_bounds = array<i64: 8>, scalar_prefetch = 0 : i64, scratch_operands = 3 : i64, tpu.core_type = #tpu.core_type<tc>, window_params = [{transform_indices = @transform_0, window_bounds = array<i64: 10000, 128>}, {transform_indices = @transform_1, window_bounds = array<i64: 10000, 16>}, {pipeline_mode = #tpu.pipeline_mode<synchronous>, transform_indices = @transform_2, window_bounds = array<i64: 1, 128>}, {transform_indices = @transform_3, window_bounds = array<i64: 1, 1, 10000>}, {pipeline_mode = #tpu.pipeline_mode<synchronous>, transform_indices = @transform_4, window_bounds = array<i64: 128, 512>}, {pipeline_mode = #tpu.pipeline_mode<synchronous>, transform_indices = @transform_5, window_bounds = array<i64: 128, 512>}, {pipeline_mode = #tpu.pipeline_mode<synchronous>, transform_indices = @transform_6, window_bounds = array<i64: 1, 512>}, {pipeline_mode = #tpu.pipeline_mode<synchronous>, transform_indices = @transform_7, window_bounds = array<i64: 128, 512>}, {pipeline_mode = #tpu.pipeline_mode<synchronous>, transform_indices = @transform_8, window_bounds = array<i64: 128, 512>}, {pipeline_mode = #tpu.pipeline_mode<synchronous>, transform_indices = @transform_9, window_bounds = array<i64: 1, 512>}, {pipeline_mode = #tpu.pipeline_mode<synchronous>, transform_indices = @transform_10, window_bounds = array<i64: 128, 128>}, {pipeline_mode = #tpu.pipeline_mode<synchronous>, transform_indices = @transform_11, window_bounds = array<i64: 1, 128>}, {pipeline_mode = #tpu.pipeline_mode<synchronous>, transform_indices = @transform_12, window_bounds = array<i64: 8, 128>}]} {
    %get3A = arith.constant 0 : index
    %get3A_0 = arith.constant 0 : index
    %get3A_1 = vector.load %arg1[%get3A, %get3A_0] : memref<10000x128xf32, #tpu.memory_space<vmem>>, vector<10000x128xf32>
    %get3A_2 = arith.constant 0 : index
    %get3A_3 = arith.constant 0 : index
    %get3A_4 = vector.load %arg2[%get3A_2, %get3A_3] : memref<10000x16xf32, #tpu.memory_space<vmem>>, vector<10000x1xf32>
    %mul3A = vector.broadcast %get3A_4 : vector<10000x1xf32> to vector<10000x128xf32>
    %mul3A_5 = arith.mulf %get3A_1, %mul3A : vector<10000x128xf32>
    %get3A_6 = arith.constant 0 : index
    %get3A_7 = arith.constant 0 : index
    %get3A_8 = vector.load %arg3[%get3A_6, %get3A_7] : memref<1x128xf32, #tpu.memory_space<vmem>>, vector<1x128xf32>
    %add3A = vector.broadcast %get3A_8 : vector<1x128xf32> to vector<10000x128xf32>
    %add3A_9 = arith.addf %mul3A_5, %add3A : vector<10000x128xf32>
    %max3A = arith.constant 0.000000e+00 : f32
    %max3A_10 = vector.broadcast %max3A : f32 to vector<10000x128xf32>
    %max3A_11 = arith.maximumf %add3A_9, %max3A_10 : vector<10000x128xf32>
    %get3A_12 = arith.constant 0 : index
    %get3A_13 = arith.constant 0 : index
    %get3A_14 = arith.constant 0 : index
    %get3A_15 = vector.load %arg4[%get3A_12, %get3A_13, %get3A_14] : memref<1x1x10000xi32, #tpu.memory_space<vmem>>, vector<1x1x10000xi32>
    %get3A_16 = vector.shape_cast %get3A_15 : vector<1x1x10000xi32> to vector<1x10000xi32>
    %broadcast_in_dim3A = vector.shape_cast %get3A_16 : vector<1x10000xi32> to vector<1x10000xi32>
    %broadcast_in_dim3A_17 = vector.broadcast %broadcast_in_dim3A : vector<1x10000xi32> to vector<16x10000xi32>
    %iota3A = tpu.iota {dimensions = array<i32: 0>} : vector<16x1xi32>
    %eq3A = vector.broadcast %iota3A : vector<16x1xi32> to vector<16x10000xi32>
    %eq3A_18 = arith.cmpi eq, %broadcast_in_dim3A_17, %eq3A : vector<16x10000xi32>
    %convert_element_type3A = arith.extui %eq3A_18 : vector<16x10000xi1> to vector<16x10000xi32>
    %convert_element_type3A_19 = arith.sitofp %convert_element_type3A : vector<16x10000xi32> to vector<16x10000xf32>
    %dot_general3A = arith.constant dense<0.000000e+00> : vector<16x128xf32>
    %dot_general3A_20 = tpu.matmul %convert_element_type3A_19, %max3A_11, %dot_general3A {dimension_numbers = #tpu.dot_dimension_numbers<[1], [0], [0], [1], [0, 0, 1, 1], [], []>, transpose_lhs_hint = false} : vector<16x10000xf32>, vector<10000x128xf32>, vector<16x128xf32> -> vector<16x128xf32>
    %reduce_sum3A = arith.constant dense<0.000000e+00> : vector<16xf32>
    %reduce_sum3A_21 = vector.multi_reduction <add>, %convert_element_type3A_19, %reduce_sum3A [1] : vector<16x10000xf32> to vector<16xf32>
    %broadcast_in_dim3A_22 = vector.shape_cast %reduce_sum3A_21 : vector<16xf32> to vector<16x1xf32>
    %max3A_23 = arith.constant 1.000000e+00 : f32
    %max3A_24 = vector.broadcast %max3A_23 : f32 to vector<16x1xf32>
    %max3A_25 = arith.maximumf %broadcast_in_dim3A_22, %max3A_24 : vector<16x1xf32>
    %div3A = vector.broadcast %max3A_25 : vector<16x1xf32> to vector<16x128xf32>
    %div3A_26 = arith.divf %dot_general3A_20, %div3A : vector<16x128xf32>
    %mul3A_27 = arith.constant 16 : i32
    %mul3A_28 = arith.muli %arg0, %mul3A_27 : i32
    %swap3A = arith.index_cast %mul3A_28 : i32 to index
    %swap3A_29 = arith.constant 0 : index
    %swap3A_30 = vector.load %arg14[%swap3A, %swap3A_29] : memref<128x128xf32, #tpu.memory_space<vmem>>, vector<16x128xf32>
    tpu.vector_store %arg14[%swap3A, %swap3A_29], %div3A_26 {strides = array<i32>} : memref<128x128xf32, #tpu.memory_space<vmem>>, vector<16x128xf32>,
    %eq3A_31 = arith.constant 7 : i32
    %eq3A_32 = arith.cmpi eq, %arg0, %eq3A_31 : i32
    %convert_element_type3A_33 = arith.extui %eq3A_32 : i1 to i32
    %cond3A = arith.constant 0 : i32
    %cond3A_34 = arith.cmpi ne, %convert_element_type3A_33, %cond3A : i32
    scf.if %cond3A_34 {
      %broadcast_in_dim3A_35 = arith.constant 0.000000e+00 : f32
      %broadcast_in_dim3A_36 = vector.broadcast %broadcast_in_dim3A_35 : f32 to vector<1x128xf32>
      %get3A_37 = arith.constant 0 : index
      %get3A_38 = arith.constant 0 : index
      %get3A_39 = vector.load %arg14[%get3A_37, %get3A_38] : memref<128x128xf32, #tpu.memory_space<vmem>>, vector<128x128xf32>
      %get3A_40 = arith.constant 0 : index
      %get3A_41 = arith.constant 0 : index
      %get3A_42 = vector.load %arg5[%get3A_40, %get3A_41] : memref<128x512xf32, #tpu.memory_space<vmem>>, vector<128x512xf32>
      %dot_general3A_43 = arith.constant dense<0.000000e+00> : vector<128x512xf32>
      %dot_general3A_44 = tpu.matmul %get3A_39, %get3A_42, %dot_general3A_43 {dimension_numbers = #tpu.dot_dimension_numbers<[1], [0], [0], [1], [0, 0, 1, 1], [], []>, transpose_lhs_hint = false} : vector<128x128xf32>, vector<128x512xf32>, vector<128x512xf32> -> vector<128x512xf32>
      %get3A_45 = arith.constant 0 : index
      %get3A_46 = arith.constant 0 : index
      %get3A_47 = vector.load %arg7[%get3A_45, %get3A_46] : memref<1x512xf32, #tpu.memory_space<vmem>>, vector<1x512xf32>
      %add3A_48 = vector.broadcast %get3A_47 : vector<1x512xf32> to vector<128x512xf32>
      %add3A_49 = arith.addf %dot_general3A_44, %add3A_48 : vector<128x512xf32>
      %swap3A_50 = arith.constant 0 : index
      %swap3A_51 = arith.constant 0 : index
      %swap3A_52 = vector.load %arg16[%swap3A_50, %swap3A_51] : memref<128x512xf32, #tpu.memory_space<vmem>>, vector<128x512xf32>
      tpu.vector_store %arg16[%swap3A_50, %swap3A_51], %add3A_49 {strides = array<i32>} : memref<128x512xf32, #tpu.memory_space<vmem>>, vector<128x512xf32>,
      %scan3A = arith.constant 0 : i32
      %scan3A_53 = arith.constant 128 : i32
      %scan3A_54 = arith.addi %scan3A, %scan3A_53 : i32
      %scan3A_55 = arith.constant 1 : i32
      %scan3A_56:2 = scf.for %scan3A_94 = %scan3A to %scan3A_54 step %scan3A_55 iter_args(%scan3A_95 = %broadcast_in_dim3A_36, %scan3A_96 = %broadcast_in_dim3A_36) -> (vector<1x128xf32>, vector<1x128xf32>)  : i32 {
        %get3A_97 = arith.index_cast %scan3A_94 : i32 to index
        %get3A_98 = arith.constant 0 : index
        %get3A_99 = vector.load %arg16[%get3A_97, %get3A_98] : memref<128x512xf32, #tpu.memory_space<vmem>>, vector<1x512xf32>
        %get3A_100 = arith.constant 0 : index
        %get3A_101 = arith.constant 0 : index
        %get3A_102 = vector.load %arg6[%get3A_100, %get3A_101] : memref<128x512xf32, #tpu.memory_space<vmem>>, vector<128x512xf32>
        %dot_general3A_103 = arith.constant dense<0.000000e+00> : vector<1x512xf32>
        %dot_general3A_104 = tpu.matmul %scan3A_95, %get3A_102, %dot_general3A_103 {dimension_numbers = #tpu.dot_dimension_numbers<[1], [0], [0], [1], [0, 0, 1, 1], [], []>, transpose_lhs_hint = false} : vector<1x128xf32>, vector<128x512xf32>, vector<1x512xf32> -> vector<1x512xf32>
        %add3A_105 = arith.addf %get3A_99, %dot_general3A_104 : vector<1x512xf32>
        %slice3A = vector.extract_strided_slice %add3A_105 {offsets = [0, 0], sizes = [1, 128], strides = [1, 1]} : vector<1x512xf32> to vector<1x128xf32>
        %neg3A = arith.constant 0.000000e+00 : f32
        %neg3A_106 = vector.broadcast %neg3A : f32 to vector<1x128xf32>
        %neg3A_107 = arith.subf %neg3A_106, %slice3A : vector<1x128xf32>
        %exp3A = math.exp %neg3A_107 : vector<1x128xf32>
        %add3A_108 = arith.constant 1.000000e+00 : f32
        %add3A_109 = vector.broadcast %add3A_108 : f32 to vector<1x128xf32>
        %add3A_110 = arith.addf %add3A_109, %exp3A : vector<1x128xf32>
        %div3A_111 = arith.constant 1.000000e+00 : f32
        %div3A_112 = vector.broadcast %div3A_111 : f32 to vector<1x128xf32>
        %div3A_113 = arith.divf %div3A_112, %add3A_110 : vector<1x128xf32>
        %slice3A_114 = vector.extract_strided_slice %add3A_105 {offsets = [0, 128], sizes = [1, 128], strides = [1, 1]} : vector<1x512xf32> to vector<1x128xf32>
        %neg3A_115 = arith.constant 0.000000e+00 : f32
        %neg3A_116 = vector.broadcast %neg3A_115 : f32 to vector<1x128xf32>
        %neg3A_117 = arith.subf %neg3A_116, %slice3A_114 : vector<1x128xf32>
        %exp3A_118 = math.exp %neg3A_117 : vector<1x128xf32>
        %add3A_119 = arith.constant 1.000000e+00 : f32
        %add3A_120 = vector.broadcast %add3A_119 : f32 to vector<1x128xf32>
        %add3A_121 = arith.addf %add3A_120, %exp3A_118 : vector<1x128xf32>
        %div3A_122 = arith.constant 1.000000e+00 : f32
        %div3A_123 = vector.broadcast %div3A_122 : f32 to vector<1x128xf32>
        %div3A_124 = arith.divf %div3A_123, %add3A_121 : vector<1x128xf32>
        %slice3A_125 = vector.extract_strided_slice %add3A_105 {offsets = [0, 256], sizes = [1, 128], strides = [1, 1]} : vector<1x512xf32> to vector<1x128xf32>
        %tanh3A = math.tanh %slice3A_125 : vector<1x128xf32>
        %slice3A_126 = vector.extract_strided_slice %add3A_105 {offsets = [0, 384], sizes = [1, 128], strides = [1, 1]} : vector<1x512xf32> to vector<1x128xf32>
        %neg3A_127 = arith.constant 0.000000e+00 : f32
        %neg3A_128 = vector.broadcast %neg3A_127 : f32 to vector<1x128xf32>
        %neg3A_129 = arith.subf %neg3A_128, %slice3A_126 : vector<1x128xf32>
        %exp3A_130 = math.exp %neg3A_129 : vector<1x128xf32>
        %add3A_131 = arith.constant 1.000000e+00 : f32
        %add3A_132 = vector.broadcast %add3A_131 : f32 to vector<1x128xf32>
        %add3A_133 = arith.addf %add3A_132, %exp3A_130 : vector<1x128xf32>
        %div3A_134 = arith.constant 1.000000e+00 : f32
        %div3A_135 = vector.broadcast %div3A_134 : f32 to vector<1x128xf32>
        %div3A_136 = arith.divf %div3A_135, %add3A_133 : vector<1x128xf32>
        %mul3A_137 = arith.mulf %div3A_124, %scan3A_96 : vector<1x128xf32>
        %mul3A_138 = arith.mulf %div3A_113, %tanh3A : vector<1x128xf32>
        %add3A_139 = arith.addf %mul3A_137, %mul3A_138 : vector<1x128xf32>
        %tanh3A_140 = math.tanh %add3A_139 : vector<1x128xf32>
        %mul3A_141 = arith.mulf %div3A_136, %tanh3A_140 : vector<1x128xf32>
        %swap3A_142 = arith.index_cast %scan3A_94 : i32 to index
        %swap3A_143 = arith.constant 0 : index
        %swap3A_144 = vector.load %arg15[%swap3A_142, %swap3A_143] : memref<128x128xf32, #tpu.memory_space<vmem>>, vector<1x128xf32>
        tpu.vector_store %arg15[%swap3A_142, %swap3A_143], %mul3A_141 {strides = array<i32>} : memref<128x128xf32, #tpu.memory_space<vmem>>, vector<1x128xf32>,
        scf.yield %mul3A_141, %add3A_139 : vector<1x128xf32>, vector<1x128xf32>
      }
      %scan3A_57 = arith.constant 128 : i32
      %get3A_58 = arith.constant 0 : index
      %get3A_59 = arith.constant 0 : index
      %get3A_60 = vector.load %arg15[%get3A_58, %get3A_59] : memref<128x128xf32, #tpu.memory_space<vmem>>, vector<128x128xf32>
      %get3A_61 = arith.constant 0 : index
      %get3A_62 = arith.constant 0 : index
      %get3A_63 = vector.load %arg8[%get3A_61, %get3A_62] : memref<128x512xf32, #tpu.memory_space<vmem>>, vector<128x512xf32>
      %dot_general3A_64 = arith.constant dense<0.000000e+00> : vector<128x512xf32>
      %dot_general3A_65 = tpu.matmul %get3A_60, %get3A_63, %dot_general3A_64 {dimension_numbers = #tpu.dot_dimension_numbers<[1], [0], [0], [1], [0, 0, 1, 1], [], []>, transpose_lhs_hint = false} : vector<128x128xf32>, vector<128x512xf32>, vector<128x512xf32> -> vector<128x512xf32>
      %get3A_66 = arith.constant 0 : index
      %get3A_67 = arith.constant 0 : index
      %get3A_68 = vector.load %arg10[%get3A_66, %get3A_67] : memref<1x512xf32, #tpu.memory_space<vmem>>, vector<1x512xf32>
      %add3A_69 = vector.broadcast %get3A_68 : vector<1x512xf32> to vector<128x512xf32>
      %add3A_70 = arith.addf %dot_general3A_65, %add3A_69 : vector<128x512xf32>
      %swap3A_71 = arith.constant 0 : index
      %swap3A_72 = arith.constant 0 : index
      %swap3A_73 = vector.load %arg16[%swap3A_71, %swap3A_72] : memref<128x512xf32, #tpu.memory_space<vmem>>, vector<128x512xf32>
      tpu.vector_store %arg16[%swap3A_71, %swap3A_72], %add3A_70 {strides = array<i32>} : memref<128x512xf32, #tpu.memory_space<vmem>>, vector<128x512xf32>,
      %scan3A_74 = arith.constant 0 : i32
      %scan3A_75 = arith.constant 128 : i32
      %scan3A_76 = arith.addi %scan3A_74, %scan3A_75 : i32
      %scan3A_77 = arith.constant 1 : i32
      %scan3A_78:2 = scf.for %scan3A_94 = %scan3A_74 to %scan3A_76 step %scan3A_77 iter_args(%scan3A_95 = %broadcast_in_dim3A_36, %scan3A_96 = %broadcast_in_dim3A_36) -> (vector<1x128xf32>, vector<1x128xf32>)  : i32 {
        %get3A_97 = arith.index_cast %scan3A_94 : i32 to index
        %get3A_98 = arith.constant 0 : index
        %get3A_99 = vector.load %arg16[%get3A_97, %get3A_98] : memref<128x512xf32, #tpu.memory_space<vmem>>, vector<1x512xf32>
        %get3A_100 = arith.constant 0 : index
        %get3A_101 = arith.constant 0 : index
        %get3A_102 = vector.load %arg9[%get3A_100, %get3A_101] : memref<128x512xf32, #tpu.memory_space<vmem>>, vector<128x512xf32>
        %dot_general3A_103 = arith.constant dense<0.000000e+00> : vector<1x512xf32>
        %dot_general3A_104 = tpu.matmul %scan3A_95, %get3A_102, %dot_general3A_103 {dimension_numbers = #tpu.dot_dimension_numbers<[1], [0], [0], [1], [0, 0, 1, 1], [], []>, transpose_lhs_hint = false} : vector<1x128xf32>, vector<128x512xf32>, vector<1x512xf32> -> vector<1x512xf32>
        %add3A_105 = arith.addf %get3A_99, %dot_general3A_104 : vector<1x512xf32>
        %slice3A = vector.extract_strided_slice %add3A_105 {offsets = [0, 0], sizes = [1, 128], strides = [1, 1]} : vector<1x512xf32> to vector<1x128xf32>
        %neg3A = arith.constant 0.000000e+00 : f32
        %neg3A_106 = vector.broadcast %neg3A : f32 to vector<1x128xf32>
        %neg3A_107 = arith.subf %neg3A_106, %slice3A : vector<1x128xf32>
        %exp3A = math.exp %neg3A_107 : vector<1x128xf32>
        %add3A_108 = arith.constant 1.000000e+00 : f32
        %add3A_109 = vector.broadcast %add3A_108 : f32 to vector<1x128xf32>
        %add3A_110 = arith.addf %add3A_109, %exp3A : vector<1x128xf32>
        %div3A_111 = arith.constant 1.000000e+00 : f32
        %div3A_112 = vector.broadcast %div3A_111 : f32 to vector<1x128xf32>
        %div3A_113 = arith.divf %div3A_112, %add3A_110 : vector<1x128xf32>
        %slice3A_114 = vector.extract_strided_slice %add3A_105 {offsets = [0, 128], sizes = [1, 128], strides = [1, 1]} : vector<1x512xf32> to vector<1x128xf32>
        %neg3A_115 = arith.constant 0.000000e+00 : f32
        %neg3A_116 = vector.broadcast %neg3A_115 : f32 to vector<1x128xf32>
        %neg3A_117 = arith.subf %neg3A_116, %slice3A_114 : vector<1x128xf32>
        %exp3A_118 = math.exp %neg3A_117 : vector<1x128xf32>
        %add3A_119 = arith.constant 1.000000e+00 : f32
        %add3A_120 = vector.broadcast %add3A_119 : f32 to vector<1x128xf32>
        %add3A_121 = arith.addf %add3A_120, %exp3A_118 : vector<1x128xf32>
        %div3A_122 = arith.constant 1.000000e+00 : f32
        %div3A_123 = vector.broadcast %div3A_122 : f32 to vector<1x128xf32>
        %div3A_124 = arith.divf %div3A_123, %add3A_121 : vector<1x128xf32>
        %slice3A_125 = vector.extract_strided_slice %add3A_105 {offsets = [0, 256], sizes = [1, 128], strides = [1, 1]} : vector<1x512xf32> to vector<1x128xf32>
        %tanh3A = math.tanh %slice3A_125 : vector<1x128xf32>
        %slice3A_126 = vector.extract_strided_slice %add3A_105 {offsets = [0, 384], sizes = [1, 128], strides = [1, 1]} : vector<1x512xf32> to vector<1x128xf32>
        %neg3A_127 = arith.constant 0.000000e+00 : f32
        %neg3A_128 = vector.broadcast %neg3A_127 : f32 to vector<1x128xf32>
        %neg3A_129 = arith.subf %neg3A_128, %slice3A_126 : vector<1x128xf32>
        %exp3A_130 = math.exp %neg3A_129 : vector<1x128xf32>
        %add3A_131 = arith.constant 1.000000e+00 : f32
        %add3A_132 = vector.broadcast %add3A_131 : f32 to vector<1x128xf32>
        %add3A_133 = arith.addf %add3A_132, %exp3A_130 : vector<1x128xf32>
        %div3A_134 = arith.constant 1.000000e+00 : f32
        %div3A_135 = vector.broadcast %div3A_134 : f32 to vector<1x128xf32>
        %div3A_136 = arith.divf %div3A_135, %add3A_133 : vector<1x128xf32>
        %mul3A_137 = arith.mulf %div3A_124, %scan3A_96 : vector<1x128xf32>
        %mul3A_138 = arith.mulf %div3A_113, %tanh3A : vector<1x128xf32>
        %add3A_139 = arith.addf %mul3A_137, %mul3A_138 : vector<1x128xf32>
        %tanh3A_140 = math.tanh %add3A_139 : vector<1x128xf32>
        %mul3A_141 = arith.mulf %div3A_136, %tanh3A_140 : vector<1x128xf32>
        scf.yield %mul3A_141, %add3A_139 : vector<1x128xf32>, vector<1x128xf32>
      }
      %scan3A_79 = arith.constant 128 : i32
      %get3A_80 = arith.constant 0 : index
      %get3A_81 = arith.constant 0 : index
      %get3A_82 = vector.load %arg11[%get3A_80, %get3A_81] : memref<128x128xf32, #tpu.memory_space<vmem>>, vector<128x128xf32>
      %dot_general3A_83 = arith.constant dense<0.000000e+00> : vector<1x128xf32>
      %dot_general3A_84 = tpu.matmul %scan3A_78#0, %get3A_82, %dot_general3A_83 {dimension_numbers = #tpu.dot_dimension_numbers<[1], [0], [0], [1], [0, 0, 1, 1], [], []>, transpose_lhs_hint = false} : vector<1x128xf32>, vector<128x128xf32>, vector<1x128xf32> -> vector<1x128xf32>
      %get3A_85 = arith.constant 0 : index
      %get3A_86 = arith.constant 0 : index
      %get3A_87 = vector.load %arg12[%get3A_85, %get3A_86] : memref<1x128xf32, #tpu.memory_space<vmem>>, vector<1x128xf32>
      %add3A_88 = arith.addf %dot_general3A_84, %get3A_87 : vector<1x128xf32>
      %broadcast_in_dim3A_89 = vector.shape_cast %add3A_88 : vector<1x128xf32> to vector<1x128xf32>
      %broadcast_in_dim3A_90 = vector.broadcast %broadcast_in_dim3A_89 : vector<1x128xf32> to vector<8x128xf32>
      %swap3A_91 = arith.constant 0 : index
      %swap3A_92 = arith.constant 0 : index
      %swap3A_93 = vector.load %arg13[%swap3A_91, %swap3A_92] : memref<8x128xf32, #tpu.memory_space<vmem>>, vector<8x128xf32>
      tpu.vector_store %arg13[%swap3A_91, %swap3A_92], %broadcast_in_dim3A_90 {strides = array<i32>} : memref<8x128xf32, #tpu.memory_space<vmem>>, vector<8x128xf32>,
    } else {
    }
    return
  }
  func.func @transform_0(%arg0: i32) -> (i32, i32) {
    %c0_i32 = arith.constant 0 : i32
    %c0_i32_0 = arith.constant 0 : i32
    return %arg0, %c0_i32 : i32, i32
  }
  func.func @transform_1(%arg0: i32) -> (i32, i32) {
    %c0_i32 = arith.constant 0 : i32
    %c0_i32_0 = arith.constant 0 : i32
    return %arg0, %c0_i32 : i32, i32
  }
  func.func @transform_2(%arg0: i32) -> (i32, i32) {
    %c0_i32 = arith.constant 0 : i32
    %c0_i32_0 = arith.constant 0 : i32
    %c0_i32_1 = arith.constant 0 : i32
    return %c0_i32, %c0_i32_0 : i32, i32
  }
  func.func @transform_3(%arg0: i32) -> (i32, i32, i32) {
    %c0_i32 = arith.constant 0 : i32
    %c0_i32_0 = arith.constant 0 : i32
    %c0_i32_1 = arith.constant 0 : i32
    return %arg0, %c0_i32, %c0_i32_0 : i32, i32, i32
  }
  func.func @transform_4(%arg0: i32) -> (i32, i32) {
    %c0_i32 = arith.constant 0 : i32
    %c0_i32_0 = arith.constant 0 : i32
    %c0_i32_1 = arith.constant 0 : i32
    return %c0_i32, %c0_i32_0 : i32, i32
  }
  func.func @transform_5(%arg0: i32) -> (i32, i32) {
    %c0_i32 = arith.constant 0 : i32
    %c0_i32_0 = arith.constant 0 : i32
    %c0_i32_1 = arith.constant 0 : i32
    return %c0_i32, %c0_i32_0 : i32, i32
  }
  func.func @transform_6(%arg0: i32) -> (i32, i32) {
    %c0_i32 = arith.constant 0 : i32
    %c0_i32_0 = arith.constant 0 : i32
    %c0_i32_1 = arith.constant 0 : i32
    return %c0_i32, %c0_i32_0 : i32, i32
  }
  func.func @transform_7(%arg0: i32) -> (i32, i32) {
    %c0_i32 = arith.constant 0 : i32
    %c0_i32_0 = arith.constant 0 : i32
    %c0_i32_1 = arith.constant 0 : i32
    return %c0_i32, %c0_i32_0 : i32, i32
  }
  func.func @transform_8(%arg0: i32) -> (i32, i32) {
    %c0_i32 = arith.constant 0 : i32
    %c0_i32_0 = arith.constant 0 : i32
    %c0_i32_1 = arith.constant 0 : i32
    return %c0_i32, %c0_i32_0 : i32, i32
  }
  func.func @transform_9(%arg0: i32) -> (i32, i32) {
    %c0_i32 = arith.constant 0 : i32
    %c0_i32_0 = arith.constant 0 : i32
    %c0_i32_1 = arith.constant 0 : i32
    return %c0_i32, %c0_i32_0 : i32, i32
  }
  func.func @transform_10(%arg0: i32) -> (i32, i32) {
    %c0_i32 = arith.constant 0 : i32
    %c0_i32_0 = arith.constant 0 : i32
    %c0_i32_1 = arith.constant 0 : i32
    return %c0_i32, %c0_i32_0 : i32, i32
  }
  func.func @transform_11(%arg0: i32) -> (i32, i32) {
    %c0_i32 = arith.constant 0 : i32
    %c0_i32_0 = arith.constant 0 : i32
    %c0_i32_1 = arith.constant 0 : i32
    return %c0_i32, %c0_i32_0 : i32, i32
  }
  func.func @transform_12(%arg0: i32) -> (i32, i32) {
    %c0_i32 = arith.constant 0 : i32
    %c0_i32_0 = arith.constant 0 : i32
    %c0_i32_1 = arith.constant 0 : i32
    return %c0_i32, %c0_i32_0 : i32, i32
  }
}

</mosaic_0001>

<sc_bundles>
// kernel: gather_offload_async_start.1
scs
__scs_entry_jumppad:
0x0: {  	(pc) =	sbr.rel $0x88, $3  }
0x1: {  	(tag) =	ssettag $0x0;
	lr =	simm.s32 $0x1  }
0x2: {  	[smem:$0x3F90] =	sst lr;
	_ =	strace $0xD0000000  }
0x3: {  	_ = 	snop  }
0x4: {  	_ = 	snop  }
0x5: {  	_ = 	snop  }
0x6: {  	_ = 	snop  }
0x7: {  	_ = 	snop  }
__scs_overlays_trampoline_lowered:
0x8: {  	[smem:$0x3F9F] =	sst s0  }
0x9: {  	[smem:$0x3FA0] =	sst s1  }
0xa: {  	[smem:$0x3FA1] =	sst s2  }
0xb: {  	[smem:$0x3FA2] =	sst s3  }
0xc: {  	[smem:$0x3FA3] =	sst s4  }
0xd: {  	[smem:$0x3FA4] =	sst s5  }
0xe: {  	[smem:$0x3FA5] =	sst s6  }
0xf: {  	[smem:$0x3FA6] =	sst s7  }
0x10: {  	[smem:$0x3FA7] =	sst s8  }
0x11: {  	[smem:$0x3FA8] =	sst s9;
	s0 =	simm.s32 @!p0 $0x0  }
0x12: {  	s1 =	sld [smem:$0x3F8E];
	s0 =	simm.s32 @p0 $0x1  }
0x13: {  	[smem:$0x3FA9] =	sst s0;
	s0 =	simm.s32 @!p1 $0x0  }
0x14: {  	s2 =	sld [smem:$0x3F8D];
	s0 =	simm.s32 @p1 $0x1  }
0x15: {  	[smem:$0x3FAA] =	sst s0;
	s0 =	simm.s32 @!p2 $0x0  }
0x16: {  	s3 =	sld [smem:$0x3FDB];
	s0 =	simm.s32 @p2 $0x1  }
0x17: {  	s4 =	simm.s32 $0x1BF5;
	[smem:$0x3FAC] =	sst s0  }
0x18: {  	s0 =	sld [smem:$0x3F8F];
	_ =	swait.ge [sflag:s4], $0x0  }
0x19: {  	s7 =	sld [smem:$0x3F90]  }
0x1a: {  	s8 =	sadd.s32 $0xFFFFE003, lr  }
0x1b: {  	s9 =	sadd.s32 $0xFFFFFEF7, lr;
	s5 =	simm.s32 $0xFFFFFFFF;
	p2 =	slt.u32 s8, $0xFFFFF086  }
0x1c: {  	p1 =	slt.u32 s9, $0xF7A;
	s5 =	simm.s32 @!p2 $0x0  }
0x1d: {  	s5 =	simm.s32 @p1 $0x1;
	p0 =	seq.s32 s7, s2  }
0x1e: {  	s7 =	smul.u32 @!p0 $0xF7A, s2;
	p2 =	seq.s32 @!p0 s5, $0x0  }
0x1f: {  	s9 =	smul.u32 $0xF7A, s1;
	s8 =	simm.s32 @!p0 $0x1BF5;
	p2 =	por !p2, p0  }
0x20: {  	[sflag:s8] =	ssyncset.s32 @!p0 $0xFFFFF086;
	s6 =	sadd.s32 @!p0 s3, s7;
	s7 =	simm.s32 @!p0 $0x108  }
0x21: {  	s3 =	sadd.s32 s3, s9;
	s6 =	sadd.s32 @!p0 $0x88, s6;
	s7 =	simm.s32 @p2 $0x1082  }
0x22: {  	[simem:s7], [sflag:s8] =	dma.local @!p0 [hbm:s6], $0xF7A  }
0x23: {  	s9 =	sor.u32 $0xD0000000, s2;
	s6 =	simm.s32 $0x108;
	_ =	swait.ge @!p0 [sflag:s8], $0x0  }
0x24: {  	s3 =	sadd.s32 $0x88, s3;
	s6 =	simm.s32 @!p1 $0x1082;
	[sflag:s4] =	ssyncset.s32 $0xFFFFF086  }
0x25: {  	[simem:s6], [sflag:s4] =	dma.local [hbm:s3], $0xF7A  }
0x26: {  	[smem:$0x3F90] =	sst s1;
	(tag) =	ssettag s2;
	_ =	strace s9  }
0x27: {  	s1 =	sld [smem:$0x3FA0]  }
0x28: {  	s2 =	sld [smem:$0x3FA1]  }
0x29: {  	s4 =	sld [smem:$0x3FA3]  }
0x2a: {  	p0 =	seq.s32 s5, $0x0;
	s5 =	sld [smem:$0x3FA4]  }
0x2b: {  	s6 =	sld [smem:$0x3FA5]  }
0x2c: {  	s7 =	sld [smem:$0x3FA6]  }
0x2d: {  	s3 =	simm.s32 $0x108;
	s8 =	sld [smem:$0x3FA7]  }
0x2e: {  	s3 =	simm.s32 @!p0 $0x1082;
	s9 =	sld [smem:$0x3FA8]  }
0x2f: {  	lr =	sadd.s32 s0, s3;
	s0 =	sld [smem:$0x3F9F]  }
0x30: {  	s3 =	sld [smem:$0x3FA2]  }
0x31: {  	[smem:$0x3FAB] =	sst s10  }
0x32: {  	s10 =	sld [smem:$0x3FA9];
	_ =	sdelay $0x3  }
0x33: {  	p0 =	seq.s32 s10, $0x1;
	s10 =	sld [smem:$0x3FAB];
	_ =	sdelay $0x3  }
0x34: {  	[smem:$0x3FAB] =	sst s10  }
0x35: {  	s10 =	sld [smem:$0x3FAA];
	_ =	sdelay $0x3  }
0x36: {  	p1 =	seq.s32 s10, $0x1;
	s10 =	sld [smem:$0x3FAB];
	_ =	sdelay $0x3  }
0x37: {  	[smem:$0x3FAB] =	sst s10  }
0x38: {  	s10 =	sld [smem:$0x3FAC]  }
0x39: {  	_ = 	snop;
	(pc) =	sbr.ind lr, $3  }
0x3a: {  	_ = 	snop  }
0x3b: {  	_ = 	snop  }
0x3c: {  	p2 =	seq.s32 s10, $0x1;
	s10 =	sld [smem:$0x3FAB]  }
0x3d: {  	_ =	shalt  }
0x3e: {  	_ =	shalt  }
0x3f: {  	_ =	shalt  }
0x40: {  	_ =	shalt  }
0x41: {  	_ =	shalt  }
0x42: {  	_ =	shalt  }
0x43: {  	_ =	shalt  }
0x44: {  	_ =	shalt  }
0x45: {  	_ =	shalt  }
0x46: {  	_ =	shalt  }
0x47: {  	_ =	shalt  }
0x48: {  	_ =	shalt  }
0x49: {  	_ =	shalt  }
0x4a: {  	_ =	shalt  }
0x4b: {  	_ =	shalt  }
0x4c: {  	_ =	shalt  }
0x4d: {  	_ =	shalt  }
0x4e: {  	_ =	shalt  }
0x4f: {  	_ =	shalt  }
0x50: {  	_ =	shalt  }
0x51: {  	_ =	shalt  }
0x52: {  	_ =	shalt  }
0x53: {  	_ =	shalt  }
0x54: {  	_ =	shalt  }
0x55: {  	_ =	shalt  }
0x56: {  	_ =	shalt  }
0x57: {  	_ =	shalt  }
0x58: {  	_ =	shalt  }
0x59: {  	_ =	shalt  }
0x5a: {  	_ =	shalt  }
0x5b: {  	_ =	shalt  }
0x5c: {  	_ =	shalt  }
0x5d: {  	_ =	shalt  }
0x5e: {  	_ =	shalt  }
0x5f: {  	_ =	shalt  }
0x60: {  	_ =	shalt  }
0x61: {  	_ =	shalt  }
0x62: {  	_ =	shalt  }
0x63: {  	_ =	shalt  }
0x64: {  	_ =	shalt  }
0x65: {  	_ =	shalt  }
0x66: {  	_ =	shalt  }
0x67: {  	_ =	shalt  }
0x68: {  	_ =	shalt  }
0x69: {  	_ =	shalt  }
0x6a: {  	_ =	shalt  }
0x6b: {  	_ =	shalt  }
0x6c: {  	_ =	shalt  }
0x6d: {  	_ =	shalt  }
0x6e: {  	_ =	shalt  }
0x6f: {  	_ =	shalt  }
0x70: {  	_ =	shalt  }
0x71: {  	_ =	shalt  }
0x72: {  	_ =	shalt  }
0x73: {  	_ =	shalt  }
0x74: {  	_ =	shalt  }
0x75: {  	_ =	shalt  }
0x76: {  	_ =	shalt  }
0x77: {  	_ =	shalt  }
0x78: {  	_ =	shalt  }
0x79: {  	_ =	shalt  }
0x7a: {  	_ =	shalt  }
0x7b: {  	_ =	shalt  }
0x7c: {  	_ =	shalt  }
0x7d: {  	_ =	shalt  }
0x7e: {  	_ =	shalt  }
0x7f: {  	_ =	shalt  }
0x80: {  	_ =	shalt  }
0x81: {  	_ =	shalt  }
0x82: {  	_ =	shalt  }
0x83: {  	_ =	shalt  }
0x84: {  	_ =	shalt  }
0x85: {  	_ =	shalt  }
0x86: {  	_ =	shalt  }
0x87: {  	_ =	shalt  }
.Lfunc_end0:
.L_simem_size_0:
called_computation.3_lowered:
.L_overlay_start_0:
0x88: {  	s2 =	sld [smem:$0x3FD9]  }
0x89: {  	s3 =	sld [smem:$0x3FFE];
	_ =	sdelay $0x1  }
0x8a: {  	s1 =	srdreg.scid  }
0x8b: {  	s0 =	sand.u32 $0x1, s1  }
0x8c: {  	s16 =	sshll.u32 s0, $0xA;
	s2 =	sadd.s32 s3, s2  }
0x8d: {  	s2 =	sadd.s32 s2, s16  }
0x8e: {  	[smem:$0x3FB7] =	sst s2  }
0x8f: {  	_ = 	snop  }
0x90: {  	(tm) =	ssettm $0x1  }
0x91: {  	s17 =	sld [smem:$0x3FFB];
	_ =	sdelay $0x3  }
0x92: {  	_ =	strace s17  }
0x93: {  	s2 =	sld [smem:$0x3FFC];
	_ =	sdelay $0x3  }
0x94: {  	_ =	strace s2  }
0x95: {  	s2 =	sld [smem:$0x3FFD];
	_ =	sdelay $0x3  }
0x96: {  	_ =	strace s2  }
0x97: {  	_ =	strace $0x8FFFFFFF  }
0x98: {  	s18 =	sld [smem:$0x3FDB];
	_ =	sdelay $0x1  }
0x99: {  	s19 =	simm.s32 $_scs_section_size  }
0x9a: {  	s4 =	simm.s32 $_size__tile_overlayer_lowered;
	s5 =	simm.s32 $_tile_overlayer_lowered  }
0x9b: {  	s22 =	simm.s32 $0x1BFF;
	s21 =	sshll.u32 s5, $0x1;
	s2 =	sadd.s32 s19, s18  }
0x9c: {  	s6 =	simm.s32 $0x0;
	s20 =	sshll.u32 s4, $0x1;
	s4 =	sadd.s32 s21, s2  }
0x9d: {  	[timem:s6], [sflag:s22] =	dma.local [hbm:s4], s20  }
0x9e: {  	_ =	swait.ge [sflag:s22], s20  }
0x9f: {  	s3 =	ssub.s32 $0x0, s20;
	[sflag:s22] =	ssyncset.done $0x0  }
0xa0: {  	[sflag:s22] =	ssyncadd.s32 s3;
	_ =	sdelay $0x1  }
0xa1: {  	s23 =	simm.s32 $0x1B8B  }
0xa2: {  	_ =	swait.ge [sflag:s23], $0x1  }
0xa3: {  	[sflag:s23] =	ssyncset.done $0x0  }
0xa4: {  	s25 =	simm.s32 $0x1B8E;
	s24 =	sld [smem:$0x3FFE];
	[sflag:s23] =	ssyncadd.s32 $0xFFFFFFFF  }
0xa5: {  	s26 =	simm.s32 $execute0_lowered;
	[smem:$0x3FD2] =	sst s25  }
0xa6: {  	s4 =	sshll.u32 s26, $0x1;
	_ =	strace $0x8000004F;
	[dreg:$0x1] =	wrdreg $0xFFFFFFFF  }
0xa7: {  	s28 =	simm.s32 $_size_execute0_lowered;
	s2 =	sadd.s32 s2, s4;
	[dreg:$0x0] =	wrdreg $0x0  }
0xa8: {  	s4 =	sshll.u32 s28, $0x1;
	[dreg:$0x2] =	wrdreg s2  }
0xa9: {  	[dreg:$0x3] =	wrdreg s4  }
0xaa: {  	[dreg:$0x4] =	wrdreg $0xC0  }
0xab: {  	_ =	task [dreg:s6], $0x5FFFF  }
0xac: {  	[dreg:$0x1] =	wrdreg $0xFFFFFFFF  }
0xad: {  	[dreg:$0x0] =	wrdreg $0x60  }
0xae: {  	[dreg:$0x2] =	wrdreg s24  }
0xaf: {  	[dreg:$0x3] =	wrdreg $0x9  }
0xb0: {  	_ =	task.clear_ibuf [dreg:s6], $0x4FFFF;
	_ =	strace $0x9000004F  }
0xb1: {  	s29 =	simm.s32 $0x9;
	_ =	strace $0x80000051  }
0xb2: {  	_ =	swait.ge [sflag:s29], $0x1  }
0xb3: {  	[sflag:s29] =	ssyncadd.s32 $0xFFFFFFFF  }
0xb4: {  	_ =	strace $0x90000051  }
0xb5: {  	_ =	sfence  }
0xb6: {  	s30 =	sld [smem:$0x0];
	_ =	sdelay $0x2  }
0xb7: {  	s31 =	sshll.u32 s1, $0xD;
	s1 =	sshrl.u32 s1, $0x2  }
0xb8: {  	s3 =	sand.u32 $0x4000, s31;
	s1 =	sadd.s32 s1, s30  }
0xb9: {  	s0 =	sor.u32 s3, s0;
	s1 =	sshll.u32 s1, $0x11  }
0xba: {  	s0 =	sor.u32 s1, s0  }
0xbb: {  	s0 =	sadd.s32 $0x8F2B, s0  }
0xbc: {  	[sflag:s0] =	ssyncadd.remote.s32 $0x1  }
0xbd: {  	_ =	sfence.sel $0xFFFF  }
0xbe: {  	[dreg:$0x0] =	wrdreg $0xFFFFFFFF;
	(pc) =	sbr.abs _section_cstart, $3  }
0xbf: {  	[dreg:$0x1] =	wrdreg $0xFFFFFFFF  }
0xc0: {  	_ =	task.clear_ibuf [dreg:s6], $0x2FFFF;
	_ =	strace $0x9FFFFFFF  }
0xc1: {  	(tm) =	ssettm $0x7FFFFFFF  }
tec
execute0_lowered:
.L_overlay_start_1:
0x0: {  	(tag) =	ssettag $0x1  }
0x1: {  	s8 =	rddreg [dreg:$0x0]  }
0x2: {  	s0 =	rddreg [dreg:$0x1];
	s1 =	srdreg.scid;
	_ =	strace $0x80000050  }
0x3: {  	s4 =	simm.s32 $0x1;
	s6 =	simm.s32 $0x2;
	s10 =	simm.s32 $0x3  }
0x4: {  	p3 =	por $0x0, $0x0;
	s11 =	simm.s32 $0x80;
	s3 =	sshll.u32 s1, $0x4  }
.Ltmp0:
0x5: {  	s1 =	stileid.u32;
	s5 =	sand.u32 $0x10, s3;
	(pc) =	sbr.rel .LBB2_1-.Ltmp0, $4  }
0x6: {  	s2 =	sadd.s32 $0x405A00, s8;
	[sflag:s4] =	ssyncpa.u1 $0x0;
	s5 =	sor.u32 s1, s5  }
0x7: {  	s7 =	sadd.s32 $0x53E200, s8;
	[sflag:s6] =	ssyncpa.u1 $0x0;
	s5 =	smul.u32 $0x14000, s5  }
0x8: {  	s3 =	sadd.s32 $0x365A00, s8;
	s8 =	sadd.s32 $0x3B5A00, s8;
	[sflag:s10] =	ssyncpa.u1 $0x0  }
0x9: {  	v0 =	vlaneseq.u32;
	s10 =	simm.s32 $0x0;
	s9 =	sadd.s32 $0x14000, s5;
	s12 =	smov.u32 s5  }
.LBB2_6:
0xa: {  	s15 =	sadd.s32 s17, s15  }
0xb: {  	v2 =	vld.msk [tilespmem:s15+$0x0 ss:$0x1], $0x1  }
0xc: {  	(v2sf) =	vpush v1, $0x1  }
0xd: {  	(v2sf) =	vpush v1, $0x0;
	_ =	sdelay $0x2  }
0xe: {  	(v2sf) =	vpush v2, $0x0;
	_ =	sdelay $0xa  }
0xf: {  	p1 =	seq.s32 s18, $0x4FC;
	s15 =	simm.s32 $0x1;
	s18 =	spop (v2sf)  }
0x10: {  	s15 =	simm.s32 @!p1 $0x2;
	s18 =	simm.s32 @p0 $0xFFFFFFFF;
	s19 =	spop (v2sf)  }
0x11: {  	v1 =	vmov s15;
	s15 =	simm.s32 $0x1;
	p0 =	sne.s32 s19, s18  }
0x12: {  	vm0 =	vgt.u32 v1, v0;
	s15 =	simm.s32 @!p0 $0x0  }
0x13: {  	s15 =	sadd.s32 s15, s16;
	s26 =	spop (v2sf)  }
0x14: {  	s15 =	sshll.u32 s15, $0x9;
	s28 =	sshll.u32 s26, $0x4  }
0x15: {  	s15 =	sshra.s32 s15, $0x2;
	s16 =	sand.u32 $0x1FFFFFF0, s28  }
0x16: {  	s13 =	sadd.s32 s17, s13;
	s14 =	sadd.s32 s15, s14;
	s29 =	sadd.s32 s7, s16  }
0x17: {  	[hbm:s29] =	stream.strided.scatter [tilespmem:s14], [sflag:$0x3], $0x80, s11, s11, $0x38;
	[tilespmem:$0x14500] =	vst v63  }
0x18: {  	v1 =	vld.msk [tilespmem:s13+$0x0 ss:$0x1], vm0;
	_ =	sdelay $0x4  }
0x19: {  	(v2sf) =	vpush v1, $0x1  }
0x1a: {  	(v2sf) =	vpush v1, $0x0;
	_ =	sdelay $0xb  }
0x1b: {  	s13 =	sld [smem:$0x7FB];
	_ =	sdelay $0x1  }
0x1c: {  	s30 =	spop (v2sf)  }
0x1d: {  	p3 =	seq.s32 s13, $0x1;
	s31 =	spop (v2sf)  }
.LBB2_7:
0x1e: {  	p0 =	slt.u32 s10, $0x2;
	s10 =	sadd.s32 $0x1, s10  }
0x1f: {  	p2 =	sne.s32 s10, $0x102  }
.Ltmp1:
0x20: {  	_ = 	snop;
	(pc) =	sbr.rel @!p2 .LBB2_8-.Ltmp1, $4  }
0x21: {  	s13 =	simm.s32 @!p0 $0x3  }
0x22: {  	s14 =	sadd.s32 $0x140, s12;
	_ =	swait.ge @!p0 [sflag:s13], $0xA000  }
0x23: {  	s12 =	smov.u32 s5;
	p1 =	slt.s32 s14, s9;
	[sflag:s13] =	ssyncset.done @!p0 $0x0  }
0x24: {  	p3 =	por !p3, !p3;
	s12 =	smov.u32 @p1 s14;
	[sflag:s13] =	ssyncadd.s32 @!p0 $0xFFFF6000  }
.LBB2_1:
0x25: {  	p0 =	sgt.u32 s10, $0xFF  }
0x26: {  	s13 =	sxor.u32 @!p0 $0xFFFFFFFF, s10  }
0x27: {  	s13 =	sand.u32 @!p0 $0x1, s13  }
0x28: {  	s14 =	sshrl.u32 @!p0 s12, $0x3;
	s13 =	smul.u32 @!p0 $0x140, s13  }
0x29: {  	s16 =	sand.u32 @!p0 $0x7, s12;
	s15 =	sadd.s32 @!p0 s3, s14  }
0x2a: {  	[tilespmem:s13], [sflag:$0x2] =	stream.linear.gather @!p0 [hbm4b:s15+s16], $0x140, $0x38;
	[tilespmem:$0x14500] =	vst v63  }
0x2b: {  	s31 =	sadd.s32 $0xFFFFFFFF, s10;
	s14 =	sadd.s32 @!p0 s8, s14;
	s13 =	sadd.s32 @!p0 $0x280, s13  }
0x2c: {  	[tilespmem:s13], [sflag:$0x2] =	stream.linear.gather @!p0 [hbm4b:s14+s16], $0x140, $0x38;
	[tilespmem:$0x14500] =	vst v63  }
0x2d: {  	p0 =	sgt.u32 s31, $0xFF  }
.Ltmp2:
0x2e: {  	_ = 	snop;
	(pc) =	sbr.rel @p0 .LBB2_7-.Ltmp2, $1  }
0x2f: {  	_ =	sdelay $0x3  }
0x30: {  	p0 =	por $0x0, $0x0  }
0x31: {  	s13 =	simm.s32 $0x1;
	p0 =	por p0, p0  }
0x32: {  	s13 =	simm.s32 @!p0 $0x2  }
0x33: {  	v1 =	vmov s13  }
0x34: {  	s14 =	simm.s32 @!p3 $0x0;
	s13 =	simm.s32 $0x1;
	vm0 =	vgt.u32 v1, v0  }
0x35: {  	s14 =	simm.s32 @p3 $0x1;
	s13 =	simm.s32 @!p3 $0x0  }
0x36: {  	[smem:$0x7FB] =	sst s14;
	s13 =	smul.u32 $0x500, s13  }
0x37: {  	_ =	swait.ge [sflag:s6], $0x280  }
0x38: {  	[sflag:s6] =	ssyncset.done $0x0;
	s13 =	sshrl.u32 s13, $0x2  }
0x39: {  	[sflag:s6] =	ssyncadd.s32 $0xFFFFFD80;
	s25 =	sadd.s32 $0x0, s13  }
0x3a: {  	p1 =	por $0x0, $0x0;
	v1 =	vld.msk [tilespmem:s25+$0x0 ss:$0x1], vm0  }
0x3b: {  	p1 =	por p1, p1;
	s14 =	simm.s32 $0x1  }
0x3c: {  	s14 =	simm.s32 @!p1 $0x2  }
0x3d: {  	v2 =	vmov s14  }
0x3e: {  	vm0 =	vgt.u32 v2, v0  }
0x3f: {  	(v2sf) =	vpush v1, $0x1  }
0x40: {  	(v2sf) =	vpush v1, $0x0  }
0x41: {  	p2 =	por $0x0, $0x0  }
0x42: {  	p2 =	por p2, p2;
	s14 =	simm.s32 $0x1  }
0x43: {  	s14 =	simm.s32 @!p2 $0x2;
	s26 =	sadd.s32 $0x1, s13  }
0x44: {  	v2 =	vmov s14;
	v3 =	vld.msk [tilespmem:s26+$0x0 ss:$0x1], vm0  }
0x45: {  	vm1 =	vgt.u32 v2, v0;
	_ =	sdelay $0x3  }
0x46: {  	(v2sf) =	vpush v3, $0x1  }
0x47: {  	s28 =	sadd.s32 $0x2, s13;
	(v2sf) =	vpush v3, $0x0  }
0x48: {  	v4 =	vld.msk [tilespmem:s28+$0x0 ss:$0x1], vm1  }
0x49: {  	p0 =	por p0, p0  }
0x4a: {  	p0 =	por p0, p0  }
0x4b: {  	s29 =	sand.u32 $0x1, s10;
	p0 =	por p0, p0;
	s14 =	spop (v2sf)  }
0x4c: {  	p5 =	por $0x0, $0x0;
	s14 =	simm.s32 @p0 $0xFFFFFFFF;
	s15 =	spop (v2sf)  }
0x4d: {  	s16 =	simm.s32 $0x1;
	s17 =	simm.s32 $0x0;
	(v2sf) =	vpush v4, $0x1;
	p0 =	seq.s32 s15, s14  }
0x4e: {  	p6 =	por $0x0, $0x0;
	s24 =	simm.s32 $0x1;
	p1 =	por p1, p1;
	vm0 =	vgt.s32 @!p0 v1, $0x0  }
0x4f: {  	p3 =	por p5, p5;
	p4 =	por p1, p1;
	p2 =	por p2, p2;
	(v2sf) =	vpush v4, $0x0;
	v1 =	vnsel @!p0 vm0, $0x0, v1  }
0x50: {  	p1 =	por p6, p6;
	s16 =	simm.s32 @!p3 $0x2;
	p2 =	por p2, p2;
	v1 =	vmin.u32 @!p0 v1, $0x1387F  }
0x51: {  	p6 =	por p4, p4;
	p5 =	por p3, p3;
	p2 =	por p2, p2;
	(v2sf) =	vpush @!p0 v1, $0x0  }
0x52: {  	s19 =	sadd.s32 $0x3, s13;
	s30 =	sadd.s32 $0x4, s13;
	s14 =	smul.u32 $0x28000, s29;
	v1 =	vmov s16  }
0x53: {  	s15 =	sadd.s32 $0x280, s13;
	s18 =	simm.s32 @!p0 $0x1;
	s16 =	simm.s32 $0x1;
	vm0 =	vgt.u32 v1, v0  }
0x54: {  	p4 =	por p0, p0;
	s14 =	sshrl.u32 s14, $0x2;
	s16 =	simm.s32 @!p1 $0x2  }
0x55: {  	s18 =	smov.u32 @p0 s17;
	s17 =	simm.s32 $0x18;
	s20 =	spop (v2sf);
	v1 =	vmov s16  }
0x56: {  	s14 =	sor.u32 $0x500, s14;
	s20 =	simm.s32 @p6 $0xFFFFFFFF;
	s21 =	spop (v2sf);
	vm1 =	vgt.u32 v1, v0  }
0x57: {  	p6 =	por p5, p5;
	p1 =	por p1, p1;
	p3 =	seq.s32 s21, s20  }
0x58: {  	p5 =	por $0x0, $0x0;
	s16 =	sadd.s32 @!p0 $0x0, s14;
	s23 =	sadd.s32 @!p3 $0x1, s18  }
0x59: {  	s23 =	smov.u32 @p3 s18;
	v2 =	vld.msk [tilespmem:s19+$0x0 ss:$0x1], vm0;
	s19 =	sshll.u32 @!p3 s18, $0x9;
	s18 =	simm.s32 @!p1 $0x0  }
0x5a: {  	p5 =	por p5, p5;
	s21 =	simm.s32 $0x1C;
	s18 =	simm.s32 @p1 $0x1  }
0x5b: {  	s24 =	simm.s32 @!p5 $0x2;
	s19 =	sshra.s32 @!p3 s19, $0x2;
	[smem:$0x7FC] =	sst s18  }
0x5c: {  	p1 =	por $0x0, $0x0;
	s22 =	spop (v2sf);
	s18 =	simm.s32 @!p5 $0x0;
	v1 =	vld.msk [tilespmem:s30+$0x0 ss:$0x1], vm1  }
0x5d: {  	vm0 =	vgt.s32 @!p3 v3, $0x0;
	s22 =	simm.s32 @p2 $0xFFFFFFFF;
	s18 =	simm.s32 @p5 $0x1;
	p5 =	por p4, p4  }
0x5e: {  	v3 =	vnsel @!p3 vm0, $0x0, v3;
	s31 =	spop (v2sf);
	p2 =	por p6, p6;
	[smem:$0x7FD] =	sst s18;
	(v2sf) =	vpush v2, $0x1  }
0x5f: {  	v3 =	vmin.u32 @!p3 v3, $0x1387F;
	s18 =	sadd.s32 @!p3 s19, s14;
	p4 =	seq.s32 s31, s22;
	s22 =	simm.s32 @!p5 $0x80;
	(v2sf) =	vpush v2, $0x0  }
0x60: {  	vm0 =	vgt.s32 @!p4 v4, $0x0;
	s19 =	sshll.u32 @!p4 s23, $0x9;
	s20 =	sadd.s32 @!p4 $0x1, s23;
	(v2sf) =	vpush @!p3 v3, $0x0;
	v3 =	vmov s24;
	s25 =	spop @!p0 (v2sf)  }
0x61: {  	v4 =	vnsel @!p4 vm0, $0x0, v4;
	s19 =	sshra.s32 @!p4 s19, $0x2;
	s20 =	smov.u32 @p4 s23;
	(v2sf) =	vpush v1, $0x1;
	vm0 =	vgt.u32 v3, v0;
	s25 =	sshll.u32 @!p5 s25, $0x4  }
0x62: {  	s24 =	sadd.s32 $0x5, s13;
	v3 =	vmin.u32 @!p4 v4, $0x1387F;
	p0 =	por p3, p3;
	(v2sf) =	vpush v1, $0x0;
	s23 =	sadd.s32 @!p5 s2, s25  }
.LBB2_3:
0x63: {  	_ =	sdelay $0x1  }
0x64: {  	s26 =	sld [smem:$0x7FC]  }
0x65: {  	s25 =	simm.s32 @!p3 $0x0;
	s28 =	sld [smem:$0x7FD]  }
0x66: {  	v4 =	vld.msk [tilespmem:s24+$0x0 ss:$0x1], vm0;
	[tilespmem:s16], [sflag:$0x1] =	stream.strided.gather @!p5 [hbm:s23], $0x80, s22, s22, $0x38;
	[tilespmem:$0x14500] =	vst v63  }
0x67: {  	s31 =	smov.u32 s17;
	s17 =	smov.u32 s21;
	s25 =	simm.s32 @p3 $0x1  }
0x68: {  	(v2sf) =	vpush @!p4 v3, $0x0;
	p3 =	por p4, p4;
	p5 =	seq.s32 s26, $0x1;
	p4 =	seq.s32 s28, $0x1  }
0x69: {  	s16 =	smov.u32 s18;
	p6 =	por p5, p5;
	p5 =	por p4, p4  }
0x6a: {  	s21 =	sadd.s32 $0x4, s21;
	[smem:$0x7F9] =	sst s25;
	s18 =	simm.s32 @!p5 $0x0  }
0x6b: {  	s25 =	smov.u32 s20;
	p4 =	por p1, p1;
	s18 =	simm.s32 @p5 $0x1  }
0x6c: {  	s20 =	simm.s32 @!p4 $0x0;
	[smem:$0x7FC] =	sst s18;
	s18 =	simm.s32 $0x1  }
0x6d: {  	s20 =	simm.s32 @p4 $0x1;
	s18 =	simm.s32 @!p4 $0x2;
	p4 =	sne.s32 s21, $0x500  }
0x6e: {  	[smem:$0x7FD] =	sst s20;
	s20 =	simm.s32 @!p4 $0x0  }
0x6f: {  	s30 =	sld [smem:$0x7F9];
	s20 =	simm.s32 @p4 $0x1  }
0x70: {  	s23 =	sshra.s32 s31, $0x2;
	[smem:$0x7FA] =	sst s20  }
0x71: {  	v3 =	vmov s18;
	s18 =	sadd.s32 @!p3 s19, s14;
	s19 =	spop (v2sf);
	s31 =	sld [smem:$0x7FA]  }
0x72: {  	s19 =	simm.s32 @p2 $0xFFFFFFFF  }
0x73: {  	s29 =	spop (v2sf);
	p2 =	por p6, p6;
	p6 =	seq.s32 s30, $0x1  }
0x74: {  	s24 =	spop @!p6 (v2sf);
	p6 =	seq.s32 s31, $0x1  }
.Ltmp3:
0x75: {  	_ = 	snop;
	(pc) =	sbr.rel @p6 .LBB2_3-.Ltmp3, $4  }
0x76: {  	p1 =	seq.s32 s17, $0x4FC;
	p5 =	por p0, p0;
	p4 =	seq.s32 s29, s19  }
0x77: {  	p0 =	por p3, p3;
	s22 =	simm.s32 @!p5 $0x80;
	vm1 =	vgt.s32 @!p4 v2, $0x0;
	s19 =	sshll.u32 @!p4 s25, $0x9  }
0x78: {  	vm0 =	vgt.u32 v3, v0;
	(v2sf) =	vpush v4, $0x1;
	s20 =	sadd.s32 @!p4 $0x1, s25;
	s26 =	sshll.u32 @!p5 s24, $0x4;
	s24 =	sadd.s32 s23, s13;
	v3 =	vnsel @!p4 vm1, $0x0, v2  }
0x79: {  	(v2sf) =	vpush v4, $0x0;
	s19 =	sshra.s32 @!p4 s19, $0x2;
	v2 =	vmovc v1;
	v1 =	vmov v4;
	s20 =	smov.u32 @p4 s25;
	s23 =	sadd.s32 @!p5 s2, s26;
	v3 =	vmin.u32 @!p4 v3, $0x1387F  }
0x7a: {  	_ = 	snop  }
0x7b: {  	p6 =	por p1, p1;
	s21 =	simm.s32 $0x1  }
0x7c: {  	s21 =	simm.s32 @!p6 $0x2  }
0x7d: {  	v4 =	vmov s21  }
0x7e: {  	vm1 =	vgt.u32 v4, v0  }
0x7f: {  	v4 =	vld.msk [tilespmem:s24+$0x0 ss:$0x1], vm0;
	_ =	sdelay $0x2  }
0x80: {  	s17 =	sshra.s32 s17, $0x2;
	s21 =	spop (v2sf)  }
0x81: {  	s17 =	sadd.s32 s17, s13;
	(v2sf) =	vpush @!p4 v3, $0x0;
	s21 =	simm.s32 @p2 $0xFFFFFFFF;
	s31 =	spop (v2sf)  }
0x82: {  	p2 =	seq.s32 s31, s21;
	(v2sf) =	vpush v4, $0x1;
	v3 =	vld.msk [tilespmem:s17+$0x0 ss:$0x1], vm1  }
0x83: {  	vm0 =	vgt.s32 @!p2 v2, $0x0;
	(v2sf) =	vpush v4, $0x0  }
0x84: {  	v2 =	vnsel @!p2 vm0, $0x0, v2  }
0x85: {  	[tilespmem:s16], [sflag:$0x1] =	stream.strided.gather @!p5 [hbm:s23], $0x80, s22, s22, $0x38;
	v2 =	vmin.u32 @!p2 v2, $0x1387F;
	[tilespmem:$0x14500] =	vst v63  }
0x86: {  	s22 =	sld [smem:$0x7FC];
	(v2sf) =	vpush @!p2 v2, $0x0  }
0x87: {  	(v2sf) =	vpush v3, $0x1  }
0x88: {  	p0 =	por p0, p0;
	(v2sf) =	vpush v3, $0x0  }
0x89: {  	s17 =	spop @!p3 (v2sf);
	p3 =	seq.s32 s22, $0x1;
	s22 =	sld [smem:$0x7FD]  }
0x8a: {  	p1 =	por p3, p3;
	s17 =	sshll.u32 @!p0 s17, $0x4  }
0x8b: {  	p1 =	por p1, p1;
	s17 =	sadd.s32 @!p0 s2, s17  }
0x8c: {  	p5 =	seq.s32 s22, $0x1;
	s22 =	simm.s32 @!p0 $0x80;
	s16 =	spop (v2sf)  }
0x8d: {  	[tilespmem:s18], [sflag:$0x1] =	stream.strided.gather @!p0 [hbm:s17], $0x80, s22, s22, $0x38;
	[tilespmem:$0x14500] =	vst v63  }
0x8e: {  	s23 =	spop (v2sf);
	s16 =	simm.s32 @p1 $0xFFFFFFFF  }
0x8f: {  	p3 =	por p5, p5;
	p1 =	seq.s32 s23, s16  }
0x90: {  	p3 =	por p3, p3;
	vm0 =	vgt.s32 @!p1 v1, $0x0;
	s16 =	spop @!p4 (v2sf)  }
0x91: {  	p0 =	por p3, p3;
	v1 =	vnsel @!p1 vm0, $0x0, v1;
	s17 =	spop (v2sf)  }
0x92: {  	v1 =	vmin.u32 @!p1 v1, $0x1387F;
	s17 =	simm.s32 @p0 $0xFFFFFFFF;
	s24 =	spop (v2sf)  }
0x93: {  	(v2sf) =	vpush @!p1 v1, $0x0;
	p0 =	seq.s32 s24, s17  }
0x94: {  	p5 =	por p6, p6;
	vm0 =	vgt.s32 @!p0 v4, $0x0  }
0x95: {  	p3 =	por p5, p5;
	s17 =	spop @!p2 (v2sf);
	v1 =	vnsel @!p0 vm0, $0x0, v4  }
0x96: {  	p3 =	por p3, p3;
	v1 =	vmin.u32 @!p0 v1, $0x1387F;
	s18 =	spop (v2sf)  }
0x97: {  	p6 =	por p4, p4;
	(v2sf) =	vpush @!p0 v1, $0x0;
	s18 =	simm.s32 @p3 $0xFFFFFFFF;
	s25 =	spop (v2sf)  }
0x98: {  	p5 =	por p6, p6;
	p3 =	seq.s32 s25, s18  }
0x99: {  	p6 =	por p2, p2;
	s16 =	sshll.u32 @!p5 s16, $0x4;
	vm0 =	vgt.s32 @!p3 v3, $0x0  }
0x9a: {  	s16 =	sadd.s32 @!p5 s2, s16;
	s18 =	sadd.s32 @!p4 s19, s14;
	s19 =	simm.s32 @!p5 $0x80;
	v1 =	vnsel @!p3 vm0, $0x0, v3  }
0x9b: {  	[tilespmem:s18], [sflag:$0x1] =	stream.strided.gather @!p5 [hbm:s16], $0x80, s19, s19, $0x38;
	v1 =	vmin.u32 @!p3 v1, $0x1387F;
	[tilespmem:$0x14500] =	vst v63  }
0x9c: {  	p4 =	por p6, p6;
	s16 =	sshll.u32 @!p2 s20, $0x9;
	(v2sf) =	vpush @!p3 v1, $0x0  }
0x9d: {  	s18 =	sadd.s32 @!p2 $0x1, s20;
	s17 =	sshll.u32 @!p4 s17, $0x4;
	s19 =	simm.s32 @!p4 $0x80  }
0x9e: {  	p5 =	por p0, p0;
	p6 =	por p3, p3;
	s16 =	sshra.s32 @!p2 s16, $0x2  }
0x9f: {  	s18 =	smov.u32 @p2 s20;
	s17 =	sadd.s32 @!p4 s2, s17;
	s16 =	sadd.s32 @!p2 s16, s14  }
0xa0: {  	[tilespmem:s16], [sflag:$0x1] =	stream.strided.gather @!p4 [hbm:s17], $0x80, s19, s19, $0x38;
	[tilespmem:$0x14500] =	vst v63  }
0xa1: {  	s16 =	sshll.u32 @!p1 s18, $0x9;
	p4 =	por p1, p1;
	s17 =	sadd.s32 @!p1 $0x1, s18  }
0xa2: {  	s19 =	spop @!p1 (v2sf);
	p2 =	por p4, p4;
	s16 =	sshra.s32 @!p1 s16, $0x2  }
0xa3: {  	s17 =	smov.u32 @p1 s18;
	s18 =	sshll.u32 @!p2 s19, $0x4;
	s16 =	sadd.s32 @!p1 s16, s14  }
0xa4: {  	s19 =	simm.s32 @!p2 $0x80;
	p1 =	por p5, p5;
	s18 =	sadd.s32 @!p2 s2, s18  }
0xa5: {  	[tilespmem:s16], [sflag:$0x1] =	stream.strided.gather @!p2 [hbm:s18], $0x80, s19, s19, $0x38;
	[tilespmem:$0x14500] =	vst v63  }
0xa6: {  	s16 =	sshll.u32 @!p0 s17, $0x9;
	s18 =	sadd.s32 @!p0 $0x1, s17;
	s19 =	spop @!p0 (v2sf)  }
0xa7: {  	s16 =	sshra.s32 @!p0 s16, $0x2;
	s18 =	smov.u32 @p0 s17;
	s17 =	sshll.u32 @!p1 s19, $0x4  }
0xa8: {  	s16 =	sadd.s32 @!p0 s16, s14;
	s19 =	simm.s32 @!p1 $0x80;
	s17 =	sadd.s32 @!p1 s2, s17  }
0xa9: {  	[tilespmem:s16], [sflag:$0x1] =	stream.strided.gather @!p1 [hbm:s17], $0x80, s19, s19, $0x38;
	[tilespmem:$0x14500] =	vst v63  }
0xaa: {  	p0 =	por p6, p6;
	s16 =	sshll.u32 @!p3 s18, $0x9  }
0xab: {  	s17 =	sadd.s32 @!p3 $0x1, s18;
	s16 =	sshra.s32 @!p3 s16, $0x2;
	s19 =	spop @!p3 (v2sf)  }
0xac: {  	s17 =	smov.u32 @p3 s18;
	s16 =	sadd.s32 @!p3 s16, s14;
	s18 =	sshll.u32 @!p0 s19, $0x4  }
0xad: {  	s26 =	sshll.u32 s17, $0x7;
	s19 =	simm.s32 @!p0 $0x80;
	s18 =	sadd.s32 @!p0 s2, s18  }
0xae: {  	[tilespmem:s16], [sflag:$0x1] =	stream.strided.gather @!p0 [hbm:s18], $0x80, s19, s19, $0x38;
	[tilespmem:$0x14500] =	vst v63  }
0xaf: {  	s16 =	sand.u32 $0x3FFFFF80, s26  }
0xb0: {  	_ =	swait.ge [sflag:s4], s16  }
0xb1: {  	s16 =	ssub.s32 $0x0, s16;
	[sflag:s4] =	ssyncset.done $0x0  }
0xb2: {  	s28 =	sadd.s32 $0x0, s15;
	[sflag:s4] =	ssyncadd.s32 s16  }
0xb3: {  	v1 =	vld.msk [tilespmem:s28+$0x0 ss:$0x1], $0x1;
	_ =	sdelay $0x4  }
0xb4: {  	(v2sf) =	vpush v1, $0x0;
	_ =	sdelay $0xa  }
0xb5: {  	p0 =	por $0x0, $0x0;
	s16 =	simm.s32 $0x1  }
0xb6: {  	s16 =	simm.s32 @!p0 $0x2  }
0xb7: {  	v1 =	vmov s16  }
0xb8: {  	vm15 =	vgt.u32 v1, v0  }
0xb9: {  	s29 =	spop (v2sf)  }
0xba: {  	s16 =	sshll.u32 s29, $0x4  }
0xbb: {  	s16 =	sand.u32 $0x1FFFFFF0, s16  }
0xbc: {  	s30 =	sadd.s32 $0x0, s14;
	s31 =	sadd.s32 $0x0, s13;
	s16 =	sadd.s32 s7, s16  }
0xbd: {  	[hbm:s16] =	stream.strided.scatter [tilespmem:s30], [sflag:$0x3], $0x80, s11, s11, $0x38;
	[tilespmem:$0x14500] =	vst v63  }
0xbe: {  	s17 =	simm.s32 $0x1;
	s18 =	simm.s32 $0x4;
	v1 =	vld.msk [tilespmem:s31+$0x0 ss:$0x1], vm15  }
0xbf: {  	s19 =	simm.s32 $0x8;
	p0 =	por p0, p0;
	s16 =	simm.s32 $0x0  }
.LBB2_5:
0xc0: {  	p1 =	sne.s32 s19, $0x4FC;
	s20 =	sadd.s32 s17, s15  }
0xc1: {  	v2 =	vld.msk [tilespmem:s20+$0x0 ss:$0x1], $0x1;
	_ =	sdelay $0x1  }
0xc2: {  	(v2sf) =	vpush v1, $0x1  }
0xc3: {  	(v2sf) =	vpush v1, $0x0;
	_ =	sdelay $0x2  }
0xc4: {  	(v2sf) =	vpush v2, $0x0;
	_ =	sdelay $0x9  }
0xc5: {  	p2 =	seq.s32 s18, $0x4FC;
	s18 =	smov.u32 s19;
	s20 =	simm.s32 $0x1  }
0xc6: {  	s20 =	simm.s32 @!p2 $0x2;
	s21 =	spop (v2sf)  }
0xc7: {  	s21 =	simm.s32 @p0 $0xFFFFFFFF;
	s22 =	spop (v2sf);
	p0 =	por p2, p2  }
0xc8: {  	v1 =	vmov s20;
	s20 =	simm.s32 $0x1;
	p2 =	sne.s32 s22, s21  }
0xc9: {  	vm0 =	vgt.u32 v1, v0;
	s20 =	simm.s32 @!p2 $0x0  }
0xca: {  	s21 =	spop (v2sf);
	s16 =	sadd.s32 s20, s16  }
0xcb: {  	s20 =	sshll.u32 s21, $0x4;
	s21 =	sshll.u32 s16, $0x9  }
0xcc: {  	s17 =	sadd.s32 s17, s13;
	s20 =	sand.u32 $0x1FFFFFF0, s20;
	s21 =	sshra.s32 s21, $0x2  }
.Ltmp4:
0xcd: {  	s21 =	sadd.s32 s21, s14;
	s20 =	sadd.s32 s7, s20;
	(pc) =	sbr.rel @p1 .LBB2_5-.Ltmp4, $3  }
0xce: {  	[hbm:s20] =	stream.strided.scatter [tilespmem:s21], [sflag:$0x3], $0x80, s11, s11, $0x38;
	[tilespmem:$0x14500] =	vst v63  }
0xcf: {  	v1 =	vld.msk [tilespmem:s17+$0x0 ss:$0x1], vm0;
	_ =	sdelay $0x1  }
0xd0: {  	s19 =	sadd.s32 $0x4, s19;
	s17 =	sshra.s32 s18, $0x2  }
.Ltmp5:
0xd1: {  	_ = 	snop;
	(pc) =	sbr.rel .LBB2_6-.Ltmp5, $1  }
0xd2: {  	_ =	sdelay $0x3  }
.LBB2_8:
0xd3: {  	_ =	sfence.sel $0x180000  }
0xd4: {  	s2 =	simm.s32 $0x2;
	[bflag:$0x0] =	sbarrier.arrive $0xFFFF  }
0xd5: {  	s30 =	simm.s32 $0x3;
	[sflag:s2] =	ssyncpa.u1 $0x1  }
0xd6: {  	s31 =	simm.s32 $0x1;
	[sflag:s30] =	ssyncpa.u1 $0x1  }
0xd7: {  	[sflag:s31] =	ssyncpa.u1 $0x1  }
0xd8: {  	p0 =	sne.s32 s1, $0x0;
	_ =	strace $0x90000050  }
0xd9: {  	s0 =	sadd.s32 @!p0 $0x100000, s0;
	[bflag:$0x2] =	sbarrier.arrive $0xFFFF  }
0xda: {  	[sflag:s0] =	ssyncadd.tile.s32 @!p0 $0x1;
	_ =	shalt  }
.Lfunc_end2:
_tile_overlayer_lowered:
.L_overlay_start_2:
0xdb: {  	(tag) =	ssettag $0x2  }
0xdc: {  	s0 =	rddreg [dreg:$0x0];
	s2 =	stileid.u32  }
0xdd: {  	s1 =	rddreg [dreg:$0x1];
	p0 =	sne.s32 s2, $0x0  }
0xde: {  	s3 =	rddreg [dreg:$0x2];
	[bflag:$0x3] =	sbarrier.arrive $0xFFFF;
	s2 =	simm.s32 @!p0 $0x1C01  }
0xdf: {  	[timem:s3], [sflag:s2] =	dma.local @!p0 [hbm:s0], s1  }
0xe0: {  	s0 =	simm.s32 @!p0 $0x1  }
0xe1: {  	_ =	swait.ge @!p0 [sflag:s0], s1  }
0xe2: {  	s1 =	ssub.s32 @!p0 $0x0, s1;
	[sflag:s0] =	ssyncset.done @!p0 $0x0  }
0xe3: {  	[sflag:s0] =	ssyncadd.s32 @!p0 s1  }
0xe4: {  	[bflag:$0x3] =	sbarrier.arrive $0xFFFF  }
0xe5: {  	_ =	shalt  }

// kernel: gather_offload_async_start
scs
__scs_entry_jumppad:
0x0: {  	(pc) =	sbr.rel $0x88, $3  }
0x1: {  	(tag) =	ssettag $0x0;
	lr =	simm.s32 $0x1  }
0x2: {  	[smem:$0x3F90] =	sst lr;
	_ =	strace $0xD0000000  }
0x3: {  	_ = 	snop  }
0x4: {  	_ = 	snop  }
0x5: {  	_ = 	snop  }
0x6: {  	_ = 	snop  }
0x7: {  	_ = 	snop  }
__scs_overlays_trampoline_lowered:
0x8: {  	[smem:$0x3F9F] =	sst s0  }
0x9: {  	[smem:$0x3FA0] =	sst s1  }
0xa: {  	[smem:$0x3FA1] =	sst s2  }
0xb: {  	[smem:$0x3FA2] =	sst s3  }
0xc: {  	[smem:$0x3FA3] =	sst s4  }
0xd: {  	[smem:$0x3FA4] =	sst s5  }
0xe: {  	[smem:$0x3FA5] =	sst s6  }
0xf: {  	[smem:$0x3FA6] =	sst s7  }
0x10: {  	[smem:$0x3FA7] =	sst s8  }
0x11: {  	[smem:$0x3FA8] =	sst s9;
	s0 =	simm.s32 @!p0 $0x0  }
0x12: {  	s1 =	sld [smem:$0x3F8E];
	s0 =	simm.s32 @p0 $0x1  }
0x13: {  	[smem:$0x3FA9] =	sst s0;
	s0 =	simm.s32 @!p1 $0x0  }
0x14: {  	s2 =	sld [smem:$0x3F8D];
	s0 =	simm.s32 @p1 $0x1  }
0x15: {  	[smem:$0x3FAA] =	sst s0;
	s0 =	simm.s32 @!p2 $0x0  }
0x16: {  	s3 =	sld [smem:$0x3FDB];
	s0 =	simm.s32 @p2 $0x1  }
0x17: {  	s4 =	simm.s32 $0x1BF5;
	[smem:$0x3FAC] =	sst s0  }
0x18: {  	s0 =	sld [smem:$0x3F8F];
	_ =	swait.ge [sflag:s4], $0x0  }
0x19: {  	s7 =	sld [smem:$0x3F90]  }
0x1a: {  	s8 =	sadd.s32 $0xFFFFE003, lr  }
0x1b: {  	s9 =	sadd.s32 $0xFFFFFEF7, lr;
	s5 =	simm.s32 $0xFFFFFFFF;
	p2 =	slt.u32 s8, $0xFFFFF086  }
0x1c: {  	p1 =	slt.u32 s9, $0xF7A;
	s5 =	simm.s32 @!p2 $0x0  }
0x1d: {  	s5 =	simm.s32 @p1 $0x1;
	p0 =	seq.s32 s7, s2  }
0x1e: {  	s7 =	smul.u32 @!p0 $0xF7A, s2;
	p2 =	seq.s32 @!p0 s5, $0x0  }
0x1f: {  	s9 =	smul.u32 $0xF7A, s1;
	s8 =	simm.s32 @!p0 $0x1BF5;
	p2 =	por !p2, p0  }
0x20: {  	[sflag:s8] =	ssyncset.s32 @!p0 $0xFFFFF086;
	s6 =	sadd.s32 @!p0 s3, s7;
	s7 =	simm.s32 @!p0 $0x108  }
0x21: {  	s3 =	sadd.s32 s3, s9;
	s6 =	sadd.s32 @!p0 $0x88, s6;
	s7 =	simm.s32 @p2 $0x1082  }
0x22: {  	[simem:s7], [sflag:s8] =	dma.local @!p0 [hbm:s6], $0xF7A  }
0x23: {  	s9 =	sor.u32 $0xD0000000, s2;
	s6 =	simm.s32 $0x108;
	_ =	swait.ge @!p0 [sflag:s8], $0x0  }
0x24: {  	s3 =	sadd.s32 $0x88, s3;
	s6 =	simm.s32 @!p1 $0x1082;
	[sflag:s4] =	ssyncset.s32 $0xFFFFF086  }
0x25: {  	[simem:s6], [sflag:s4] =	dma.local [hbm:s3], $0xF7A  }
0x26: {  	[smem:$0x3F90] =	sst s1;
	(tag) =	ssettag s2;
	_ =	strace s9  }
0x27: {  	s1 =	sld [smem:$0x3FA0]  }
0x28: {  	s2 =	sld [smem:$0x3FA1]  }
0x29: {  	s4 =	sld [smem:$0x3FA3]  }
0x2a: {  	p0 =	seq.s32 s5, $0x0;
	s5 =	sld [smem:$0x3FA4]  }
0x2b: {  	s6 =	sld [smem:$0x3FA5]  }
0x2c: {  	s7 =	sld [smem:$0x3FA6]  }
0x2d: {  	s3 =	simm.s32 $0x108;
	s8 =	sld [smem:$0x3FA7]  }
0x2e: {  	s3 =	simm.s32 @!p0 $0x1082;
	s9 =	sld [smem:$0x3FA8]  }
0x2f: {  	lr =	sadd.s32 s0, s3;
	s0 =	sld [smem:$0x3F9F]  }
0x30: {  	s3 =	sld [smem:$0x3FA2]  }
0x31: {  	[smem:$0x3FAB] =	sst s10  }
0x32: {  	s10 =	sld [smem:$0x3FA9];
	_ =	sdelay $0x3  }
0x33: {  	p0 =	seq.s32 s10, $0x1;
	s10 =	sld [smem:$0x3FAB];
	_ =	sdelay $0x3  }
0x34: {  	[smem:$0x3FAB] =	sst s10  }
0x35: {  	s10 =	sld [smem:$0x3FAA];
	_ =	sdelay $0x3  }
0x36: {  	p1 =	seq.s32 s10, $0x1;
	s10 =	sld [smem:$0x3FAB];
	_ =	sdelay $0x3  }
0x37: {  	[smem:$0x3FAB] =	sst s10  }
0x38: {  	s10 =	sld [smem:$0x3FAC]  }
0x39: {  	_ = 	snop;
	(pc) =	sbr.ind lr, $3  }
0x3a: {  	_ = 	snop  }
0x3b: {  	_ = 	snop  }
0x3c: {  	p2 =	seq.s32 s10, $0x1;
	s10 =	sld [smem:$0x3FAB]  }
0x3d: {  	_ =	shalt  }
0x3e: {  	_ =	shalt  }
0x3f: {  	_ =	shalt  }
0x40: {  	_ =	shalt  }
0x41: {  	_ =	shalt  }
0x42: {  	_ =	shalt  }
0x43: {  	_ =	shalt  }
0x44: {  	_ =	shalt  }
0x45: {  	_ =	shalt  }
0x46: {  	_ =	shalt  }
0x47: {  	_ =	shalt  }
0x48: {  	_ =	shalt  }
0x49: {  	_ =	shalt  }
0x4a: {  	_ =	shalt  }
0x4b: {  	_ =	shalt  }
0x4c: {  	_ =	shalt  }
0x4d: {  	_ =	shalt  }
0x4e: {  	_ =	shalt  }
0x4f: {  	_ =	shalt  }
0x50: {  	_ =	shalt  }
0x51: {  	_ =	shalt  }
0x52: {  	_ =	shalt  }
0x53: {  	_ =	shalt  }
0x54: {  	_ =	shalt  }
0x55: {  	_ =	shalt  }
0x56: {  	_ =	shalt  }
0x57: {  	_ =	shalt  }
0x58: {  	_ =	shalt  }
0x59: {  	_ =	shalt  }
0x5a: {  	_ =	shalt  }
0x5b: {  	_ =	shalt  }
0x5c: {  	_ =	shalt  }
0x5d: {  	_ =	shalt  }
0x5e: {  	_ =	shalt  }
0x5f: {  	_ =	shalt  }
0x60: {  	_ =	shalt  }
0x61: {  	_ =	shalt  }
0x62: {  	_ =	shalt  }
0x63: {  	_ =	shalt  }
0x64: {  	_ =	shalt  }
0x65: {  	_ =	shalt  }
0x66: {  	_ =	shalt  }
0x67: {  	_ =	shalt  }
0x68: {  	_ =	shalt  }
0x69: {  	_ =	shalt  }
0x6a: {  	_ =	shalt  }
0x6b: {  	_ =	shalt  }
0x6c: {  	_ =	shalt  }
0x6d: {  	_ =	shalt  }
0x6e: {  	_ =	shalt  }
0x6f: {  	_ =	shalt  }
0x70: {  	_ =	shalt  }
0x71: {  	_ =	shalt  }
0x72: {  	_ =	shalt  }
0x73: {  	_ =	shalt  }
0x74: {  	_ =	shalt  }
0x75: {  	_ =	shalt  }
0x76: {  	_ =	shalt  }
0x77: {  	_ =	shalt  }
0x78: {  	_ =	shalt  }
0x79: {  	_ =	shalt  }
0x7a: {  	_ =	shalt  }
0x7b: {  	_ =	shalt  }
0x7c: {  	_ =	shalt  }
0x7d: {  	_ =	shalt  }
0x7e: {  	_ =	shalt  }
0x7f: {  	_ =	shalt  }
0x80: {  	_ =	shalt  }
0x81: {  	_ =	shalt  }
0x82: {  	_ =	shalt  }
0x83: {  	_ =	shalt  }
0x84: {  	_ =	shalt  }
0x85: {  	_ =	shalt  }
0x86: {  	_ =	shalt  }
0x87: {  	_ =	shalt  }
.Lfunc_end0:
.L_simem_size_0:
called_computation.2_lowered:
.L_overlay_start_0:
0x88: {  	s2 =	sld [smem:$0x3FD9]  }
0x89: {  	s3 =	sld [smem:$0x3FFE];
	_ =	sdelay $0x1  }
0x8a: {  	s1 =	srdreg.scid  }
0x8b: {  	s0 =	sand.u32 $0x1, s1  }
0x8c: {  	s16 =	sshll.u32 s0, $0xA;
	s2 =	sadd.s32 s3, s2  }
0x8d: {  	s2 =	sadd.s32 s2, s16  }
0x8e: {  	[smem:$0x3FB7] =	sst s2  }
0x8f: {  	_ = 	snop  }
0x90: {  	(tm) =	ssettm $0x1  }
0x91: {  	s17 =	sld [smem:$0x3FFB];
	_ =	sdelay $0x3  }
0x92: {  	_ =	strace s17  }
0x93: {  	s2 =	sld [smem:$0x3FFC];
	_ =	sdelay $0x3  }
0x94: {  	_ =	strace s2  }
0x95: {  	s2 =	sld [smem:$0x3FFD];
	_ =	sdelay $0x3  }
0x96: {  	_ =	strace s2  }
0x97: {  	_ =	strace $0x8FFFFFFF  }
0x98: {  	s18 =	sld [smem:$0x3FDB];
	_ =	sdelay $0x1  }
0x99: {  	s19 =	simm.s32 $_scs_section_size  }
0x9a: {  	s4 =	simm.s32 $_size__tile_overlayer_lowered;
	s5 =	simm.s32 $_tile_overlayer_lowered  }
0x9b: {  	s22 =	simm.s32 $0x1BFF;
	s21 =	sshll.u32 s5, $0x1;
	s2 =	sadd.s32 s19, s18  }
0x9c: {  	s6 =	simm.s32 $0x0;
	s20 =	sshll.u32 s4, $0x1;
	s4 =	sadd.s32 s21, s2  }
0x9d: {  	[timem:s6], [sflag:s22] =	dma.local [hbm:s4], s20  }
0x9e: {  	_ =	swait.ge [sflag:s22], s20  }
0x9f: {  	s3 =	ssub.s32 $0x0, s20;
	[sflag:s22] =	ssyncset.done $0x0  }
0xa0: {  	[sflag:s22] =	ssyncadd.s32 s3;
	_ =	sdelay $0x1  }
0xa1: {  	s23 =	simm.s32 $0x1B8B  }
0xa2: {  	_ =	swait.ge [sflag:s23], $0x1  }
0xa3: {  	[sflag:s23] =	ssyncset.done $0x0  }
0xa4: {  	s25 =	simm.s32 $0x1B8E;
	s24 =	sld [smem:$0x3FFE];
	[sflag:s23] =	ssyncadd.s32 $0xFFFFFFFF  }
0xa5: {  	s26 =	simm.s32 $execute0_lowered;
	[smem:$0x3FD2] =	sst s25  }
0xa6: {  	s4 =	sshll.u32 s26, $0x1;
	_ =	strace $0x80000049;
	[dreg:$0x1] =	wrdreg $0xFFFFFFFF  }
0xa7: {  	s28 =	simm.s32 $_size_execute0_lowered;
	s2 =	sadd.s32 s2, s4;
	[dreg:$0x0] =	wrdreg $0x0  }
0xa8: {  	s4 =	sshll.u32 s28, $0x1;
	[dreg:$0x2] =	wrdreg s2  }
0xa9: {  	[dreg:$0x3] =	wrdreg s4  }
0xaa: {  	[dreg:$0x4] =	wrdreg $0xC0  }
0xab: {  	_ =	task [dreg:s6], $0x5FFFF  }
0xac: {  	[dreg:$0x1] =	wrdreg $0xFFFFFFFF  }
0xad: {  	[dreg:$0x0] =	wrdreg $0x60  }
0xae: {  	[dreg:$0x2] =	wrdreg s24  }
0xaf: {  	[dreg:$0x3] =	wrdreg $0x9  }
0xb0: {  	_ =	task.clear_ibuf [dreg:s6], $0x4FFFF;
	_ =	strace $0x90000049  }
0xb1: {  	s29 =	simm.s32 $0x9;
	_ =	strace $0x8000004B  }
0xb2: {  	_ =	swait.ge [sflag:s29], $0x1  }
0xb3: {  	[sflag:s29] =	ssyncadd.s32 $0xFFFFFFFF  }
0xb4: {  	_ =	strace $0x9000004B  }
0xb5: {  	_ =	sfence  }
0xb6: {  	s30 =	sld [smem:$0x0];
	_ =	sdelay $0x2  }
0xb7: {  	s31 =	sshll.u32 s1, $0xD;
	s1 =	sshrl.u32 s1, $0x2  }
0xb8: {  	s3 =	sand.u32 $0x4000, s31;
	s1 =	sadd.s32 s1, s30  }
0xb9: {  	s0 =	sor.u32 s3, s0;
	s1 =	sshll.u32 s1, $0x11  }
0xba: {  	s0 =	sor.u32 s1, s0  }
0xbb: {  	s0 =	sadd.s32 $0x8F2B, s0  }
0xbc: {  	[sflag:s0] =	ssyncadd.remote.s32 $0x1  }
0xbd: {  	_ =	sfence.sel $0xFFFF  }
0xbe: {  	[dreg:$0x0] =	wrdreg $0xFFFFFFFF;
	(pc) =	sbr.abs _section_cstart, $3  }
0xbf: {  	[dreg:$0x1] =	wrdreg $0xFFFFFFFF  }
0xc0: {  	_ =	task.clear_ibuf [dreg:s6], $0x2FFFF;
	_ =	strace $0x9FFFFFFF  }
0xc1: {  	(tm) =	ssettm $0x7FFFFFFF  }
tec
execute0_lowered:
.L_overlay_start_1:
0x0: {  	(tag) =	ssettag $0x1  }
0x1: {  	s8 =	rddreg [dreg:$0x0]  }
0x2: {  	s0 =	rddreg [dreg:$0x1];
	s1 =	srdreg.scid;
	_ =	strace $0x8000004A  }
0x3: {  	s4 =	simm.s32 $0x1;
	s6 =	simm.s32 $0x2;
	s10 =	simm.s32 $0x3  }
0x4: {  	p3 =	por $0x0, $0x0;
	s11 =	simm.s32 $0x80;
	s3 =	sshll.u32 s1, $0x4  }
.Ltmp0:
0x5: {  	s1 =	stileid.u32;
	s5 =	sand.u32 $0x10, s3;
	(pc) =	sbr.rel .LBB2_1-.Ltmp0, $4  }
0x6: {  	s2 =	sadd.s32 $0x54A00, s8;
	[sflag:s4] =	ssyncpa.u1 $0x0;
	s5 =	sor.u32 s1, s5  }
0x7: {  	s7 =	sadd.s32 $0x636E00, s8;
	[sflag:s6] =	ssyncpa.u1 $0x0;
	s5 =	smul.u32 $0x14000, s5  }
0x8: {  	s3 =	sadd.s32 $0x596E00, s8;
	s8 =	sadd.s32 $0x5E6E00, s8;
	[sflag:s10] =	ssyncpa.u1 $0x0  }
0x9: {  	v0 =	vlaneseq.u32;
	s10 =	simm.s32 $0x0;
	s9 =	sadd.s32 $0x14000, s5;
	s12 =	smov.u32 s5  }
.LBB2_6:
0xa: {  	s15 =	sadd.s32 s17, s15  }
0xb: {  	v2 =	vld.msk [tilespmem:s15+$0x0 ss:$0x1], $0x1  }
0xc: {  	(v2sf) =	vpush v1, $0x1  }
0xd: {  	(v2sf) =	vpush v1, $0x0;
	_ =	sdelay $0x2  }
0xe: {  	(v2sf) =	vpush v2, $0x0;
	_ =	sdelay $0xa  }
0xf: {  	p1 =	seq.s32 s18, $0x4FC;
	s15 =	simm.s32 $0x1;
	s18 =	spop (v2sf)  }
0x10: {  	s15 =	simm.s32 @!p1 $0x2;
	s18 =	simm.s32 @p0 $0xFFFFFFFF;
	s19 =	spop (v2sf)  }
0x11: {  	v1 =	vmov s15;
	s15 =	simm.s32 $0x1;
	p0 =	sne.s32 s19, s18  }
0x12: {  	vm0 =	vgt.u32 v1, v0;
	s15 =	simm.s32 @!p0 $0x0  }
0x13: {  	s15 =	sadd.s32 s15, s16;
	s26 =	spop (v2sf)  }
0x14: {  	s15 =	sshll.u32 s15, $0x9;
	s28 =	sshll.u32 s26, $0x4  }
0x15: {  	s15 =	sshra.s32 s15, $0x2;
	s16 =	sand.u32 $0x1FFFFFF0, s28  }
0x16: {  	s13 =	sadd.s32 s17, s13;
	s14 =	sadd.s32 s15, s14;
	s29 =	sadd.s32 s7, s16  }
0x17: {  	[hbm:s29] =	stream.strided.scatter [tilespmem:s14], [sflag:$0x3], $0x80, s11, s11, $0x38;
	[tilespmem:$0x14500] =	vst v63  }
0x18: {  	v1 =	vld.msk [tilespmem:s13+$0x0 ss:$0x1], vm0;
	_ =	sdelay $0x4  }
0x19: {  	(v2sf) =	vpush v1, $0x1  }
0x1a: {  	(v2sf) =	vpush v1, $0x0;
	_ =	sdelay $0xb  }
0x1b: {  	s13 =	sld [smem:$0x7FB];
	_ =	sdelay $0x1  }
0x1c: {  	s30 =	spop (v2sf)  }
0x1d: {  	p3 =	seq.s32 s13, $0x1;
	s31 =	spop (v2sf)  }
.LBB2_7:
0x1e: {  	p0 =	slt.u32 s10, $0x2;
	s10 =	sadd.s32 $0x1, s10  }
0x1f: {  	p2 =	sne.s32 s10, $0x102  }
.Ltmp1:
0x20: {  	_ = 	snop;
	(pc) =	sbr.rel @!p2 .LBB2_8-.Ltmp1, $4  }
0x21: {  	s13 =	simm.s32 @!p0 $0x3  }
0x22: {  	s14 =	sadd.s32 $0x140, s12;
	_ =	swait.ge @!p0 [sflag:s13], $0xA000  }
0x23: {  	s12 =	smov.u32 s5;
	p1 =	slt.s32 s14, s9;
	[sflag:s13] =	ssyncset.done @!p0 $0x0  }
0x24: {  	p3 =	por !p3, !p3;
	s12 =	smov.u32 @p1 s14;
	[sflag:s13] =	ssyncadd.s32 @!p0 $0xFFFF6000  }
.LBB2_1:
0x25: {  	p0 =	sgt.u32 s10, $0xFF  }
0x26: {  	s13 =	sxor.u32 @!p0 $0xFFFFFFFF, s10  }
0x27: {  	s13 =	sand.u32 @!p0 $0x1, s13  }
0x28: {  	s14 =	sshrl.u32 @!p0 s12, $0x3;
	s13 =	smul.u32 @!p0 $0x140, s13  }
0x29: {  	s16 =	sand.u32 @!p0 $0x7, s12;
	s15 =	sadd.s32 @!p0 s3, s14  }
0x2a: {  	[tilespmem:s13], [sflag:$0x2] =	stream.linear.gather @!p0 [hbm4b:s15+s16], $0x140, $0x38;
	[tilespmem:$0x14500] =	vst v63  }
0x2b: {  	s31 =	sadd.s32 $0xFFFFFFFF, s10;
	s14 =	sadd.s32 @!p0 s8, s14;
	s13 =	sadd.s32 @!p0 $0x280, s13  }
0x2c: {  	[tilespmem:s13], [sflag:$0x2] =	stream.linear.gather @!p0 [hbm4b:s14+s16], $0x140, $0x38;
	[tilespmem:$0x14500] =	vst v63  }
0x2d: {  	p0 =	sgt.u32 s31, $0xFF  }
.Ltmp2:
0x2e: {  	_ = 	snop;
	(pc) =	sbr.rel @p0 .LBB2_7-.Ltmp2, $1  }
0x2f: {  	_ =	sdelay $0x3  }
0x30: {  	p0 =	por $0x0, $0x0  }
0x31: {  	s13 =	simm.s32 $0x1;
	p0 =	por p0, p0  }
0x32: {  	s13 =	simm.s32 @!p0 $0x2  }
0x33: {  	v1 =	vmov s13  }
0x34: {  	s14 =	simm.s32 @!p3 $0x0;
	s13 =	simm.s32 $0x1;
	vm0 =	vgt.u32 v1, v0  }
0x35: {  	s14 =	simm.s32 @p3 $0x1;
	s13 =	simm.s32 @!p3 $0x0  }
0x36: {  	[smem:$0x7FB] =	sst s14;
	s13 =	smul.u32 $0x500, s13  }
0x37: {  	_ =	swait.ge [sflag:s6], $0x280  }
0x38: {  	[sflag:s6] =	ssyncset.done $0x0;
	s13 =	sshrl.u32 s13, $0x2  }
0x39: {  	[sflag:s6] =	ssyncadd.s32 $0xFFFFFD80;
	s25 =	sadd.s32 $0x0, s13  }
0x3a: {  	p1 =	por $0x0, $0x0;
	v1 =	vld.msk [tilespmem:s25+$0x0 ss:$0x1], vm0  }
0x3b: {  	p1 =	por p1, p1;
	s14 =	simm.s32 $0x1  }
0x3c: {  	s14 =	simm.s32 @!p1 $0x2  }
0x3d: {  	v2 =	vmov s14  }
0x3e: {  	vm0 =	vgt.u32 v2, v0  }
0x3f: {  	(v2sf) =	vpush v1, $0x1  }
0x40: {  	(v2sf) =	vpush v1, $0x0  }
0x41: {  	p2 =	por $0x0, $0x0  }
0x42: {  	p2 =	por p2, p2;
	s14 =	simm.s32 $0x1  }
0x43: {  	s14 =	simm.s32 @!p2 $0x2;
	s26 =	sadd.s32 $0x1, s13  }
0x44: {  	v2 =	vmov s14;
	v3 =	vld.msk [tilespmem:s26+$0x0 ss:$0x1], vm0  }
0x45: {  	vm1 =	vgt.u32 v2, v0;
	_ =	sdelay $0x3  }
0x46: {  	(v2sf) =	vpush v3, $0x1  }
0x47: {  	s28 =	sadd.s32 $0x2, s13;
	(v2sf) =	vpush v3, $0x0  }
0x48: {  	v4 =	vld.msk [tilespmem:s28+$0x0 ss:$0x1], vm1  }
0x49: {  	p0 =	por p0, p0  }
0x4a: {  	p0 =	por p0, p0  }
0x4b: {  	s29 =	sand.u32 $0x1, s10;
	p0 =	por p0, p0;
	s14 =	spop (v2sf)  }
0x4c: {  	p5 =	por $0x0, $0x0;
	s14 =	simm.s32 @p0 $0xFFFFFFFF;
	s15 =	spop (v2sf)  }
0x4d: {  	s16 =	simm.s32 $0x1;
	s17 =	simm.s32 $0x0;
	(v2sf) =	vpush v4, $0x1;
	p0 =	seq.s32 s15, s14  }
0x4e: {  	p6 =	por $0x0, $0x0;
	s24 =	simm.s32 $0x1;
	p1 =	por p1, p1;
	vm0 =	vgt.s32 @!p0 v1, $0x0  }
0x4f: {  	p3 =	por p5, p5;
	p4 =	por p1, p1;
	p2 =	por p2, p2;
	(v2sf) =	vpush v4, $0x0;
	v1 =	vnsel @!p0 vm0, $0x0, v1  }
0x50: {  	p1 =	por p6, p6;
	s16 =	simm.s32 @!p3 $0x2;
	p2 =	por p2, p2;
	v1 =	vmin.u32 @!p0 v1, $0x1387F  }
0x51: {  	p6 =	por p4, p4;
	p5 =	por p3, p3;
	p2 =	por p2, p2;
	(v2sf) =	vpush @!p0 v1, $0x0  }
0x52: {  	s19 =	sadd.s32 $0x3, s13;
	s30 =	sadd.s32 $0x4, s13;
	s14 =	smul.u32 $0x28000, s29;
	v1 =	vmov s16  }
0x53: {  	s15 =	sadd.s32 $0x280, s13;
	s18 =	simm.s32 @!p0 $0x1;
	s16 =	simm.s32 $0x1;
	vm0 =	vgt.u32 v1, v0  }
0x54: {  	p4 =	por p0, p0;
	s14 =	sshrl.u32 s14, $0x2;
	s16 =	simm.s32 @!p1 $0x2  }
0x55: {  	s18 =	smov.u32 @p0 s17;
	s17 =	simm.s32 $0x18;
	s20 =	spop (v2sf);
	v1 =	vmov s16  }
0x56: {  	s14 =	sor.u32 $0x500, s14;
	s20 =	simm.s32 @p6 $0xFFFFFFFF;
	s21 =	spop (v2sf);
	vm1 =	vgt.u32 v1, v0  }
0x57: {  	p6 =	por p5, p5;
	p1 =	por p1, p1;
	p3 =	seq.s32 s21, s20  }
0x58: {  	p5 =	por $0x0, $0x0;
	s16 =	sadd.s32 @!p0 $0x0, s14;
	s23 =	sadd.s32 @!p3 $0x1, s18  }
0x59: {  	s23 =	smov.u32 @p3 s18;
	v2 =	vld.msk [tilespmem:s19+$0x0 ss:$0x1], vm0;
	s19 =	sshll.u32 @!p3 s18, $0x9;
	s18 =	simm.s32 @!p1 $0x0  }
0x5a: {  	p5 =	por p5, p5;
	s21 =	simm.s32 $0x1C;
	s18 =	simm.s32 @p1 $0x1  }
0x5b: {  	s24 =	simm.s32 @!p5 $0x2;
	s19 =	sshra.s32 @!p3 s19, $0x2;
	[smem:$0x7FC] =	sst s18  }
0x5c: {  	p1 =	por $0x0, $0x0;
	s22 =	spop (v2sf);
	s18 =	simm.s32 @!p5 $0x0;
	v1 =	vld.msk [tilespmem:s30+$0x0 ss:$0x1], vm1  }
0x5d: {  	vm0 =	vgt.s32 @!p3 v3, $0x0;
	s22 =	simm.s32 @p2 $0xFFFFFFFF;
	s18 =	simm.s32 @p5 $0x1;
	p5 =	por p4, p4  }
0x5e: {  	v3 =	vnsel @!p3 vm0, $0x0, v3;
	s31 =	spop (v2sf);
	p2 =	por p6, p6;
	[smem:$0x7FD] =	sst s18;
	(v2sf) =	vpush v2, $0x1  }
0x5f: {  	v3 =	vmin.u32 @!p3 v3, $0x1387F;
	s18 =	sadd.s32 @!p3 s19, s14;
	p4 =	seq.s32 s31, s22;
	s22 =	simm.s32 @!p5 $0x80;
	(v2sf) =	vpush v2, $0x0  }
0x60: {  	vm0 =	vgt.s32 @!p4 v4, $0x0;
	s19 =	sshll.u32 @!p4 s23, $0x9;
	s20 =	sadd.s32 @!p4 $0x1, s23;
	(v2sf) =	vpush @!p3 v3, $0x0;
	v3 =	vmov s24;
	s25 =	spop @!p0 (v2sf)  }
0x61: {  	v4 =	vnsel @!p4 vm0, $0x0, v4;
	s19 =	sshra.s32 @!p4 s19, $0x2;
	s20 =	smov.u32 @p4 s23;
	(v2sf) =	vpush v1, $0x1;
	vm0 =	vgt.u32 v3, v0;
	s25 =	sshll.u32 @!p5 s25, $0x4  }
0x62: {  	s24 =	sadd.s32 $0x5, s13;
	v3 =	vmin.u32 @!p4 v4, $0x1387F;
	p0 =	por p3, p3;
	(v2sf) =	vpush v1, $0x0;
	s23 =	sadd.s32 @!p5 s2, s25  }
.LBB2_3:
0x63: {  	_ =	sdelay $0x1  }
0x64: {  	s26 =	sld [smem:$0x7FC]  }
0x65: {  	s25 =	simm.s32 @!p3 $0x0;
	s28 =	sld [smem:$0x7FD]  }
0x66: {  	v4 =	vld.msk [tilespmem:s24+$0x0 ss:$0x1], vm0;
	[tilespmem:s16], [sflag:$0x1] =	stream.strided.gather @!p5 [hbm:s23], $0x80, s22, s22, $0x38;
	[tilespmem:$0x14500] =	vst v63  }
0x67: {  	s31 =	smov.u32 s17;
	s17 =	smov.u32 s21;
	s25 =	simm.s32 @p3 $0x1  }
0x68: {  	(v2sf) =	vpush @!p4 v3, $0x0;
	p3 =	por p4, p4;
	p5 =	seq.s32 s26, $0x1;
	p4 =	seq.s32 s28, $0x1  }
0x69: {  	s16 =	smov.u32 s18;
	p6 =	por p5, p5;
	p5 =	por p4, p4  }
0x6a: {  	s21 =	sadd.s32 $0x4, s21;
	[smem:$0x7F9] =	sst s25;
	s18 =	simm.s32 @!p5 $0x0  }
0x6b: {  	s25 =	smov.u32 s20;
	p4 =	por p1, p1;
	s18 =	simm.s32 @p5 $0x1  }
0x6c: {  	s20 =	simm.s32 @!p4 $0x0;
	[smem:$0x7FC] =	sst s18;
	s18 =	simm.s32 $0x1  }
0x6d: {  	s20 =	simm.s32 @p4 $0x1;
	s18 =	simm.s32 @!p4 $0x2;
	p4 =	sne.s32 s21, $0x500  }
0x6e: {  	[smem:$0x7FD] =	sst s20;
	s20 =	simm.s32 @!p4 $0x0  }
0x6f: {  	s30 =	sld [smem:$0x7F9];
	s20 =	simm.s32 @p4 $0x1  }
0x70: {  	s23 =	sshra.s32 s31, $0x2;
	[smem:$0x7FA] =	sst s20  }
0x71: {  	v3 =	vmov s18;
	s18 =	sadd.s32 @!p3 s19, s14;
	s19 =	spop (v2sf);
	s31 =	sld [smem:$0x7FA]  }
0x72: {  	s19 =	simm.s32 @p2 $0xFFFFFFFF  }
0x73: {  	s29 =	spop (v2sf);
	p2 =	por p6, p6;
	p6 =	seq.s32 s30, $0x1  }
0x74: {  	s24 =	spop @!p6 (v2sf);
	p6 =	seq.s32 s31, $0x1  }
.Ltmp3:
0x75: {  	_ = 	snop;
	(pc) =	sbr.rel @p6 .LBB2_3-.Ltmp3, $4  }
0x76: {  	p1 =	seq.s32 s17, $0x4FC;
	p5 =	por p0, p0;
	p4 =	seq.s32 s29, s19  }
0x77: {  	p0 =	por p3, p3;
	s22 =	simm.s32 @!p5 $0x80;
	vm1 =	vgt.s32 @!p4 v2, $0x0;
	s19 =	sshll.u32 @!p4 s25, $0x9  }
0x78: {  	vm0 =	vgt.u32 v3, v0;
	(v2sf) =	vpush v4, $0x1;
	s20 =	sadd.s32 @!p4 $0x1, s25;
	s26 =	sshll.u32 @!p5 s24, $0x4;
	s24 =	sadd.s32 s23, s13;
	v3 =	vnsel @!p4 vm1, $0x0, v2  }
0x79: {  	(v2sf) =	vpush v4, $0x0;
	s19 =	sshra.s32 @!p4 s19, $0x2;
	v2 =	vmovc v1;
	v1 =	vmov v4;
	s20 =	smov.u32 @p4 s25;
	s23 =	sadd.s32 @!p5 s2, s26;
	v3 =	vmin.u32 @!p4 v3, $0x1387F  }
0x7a: {  	_ = 	snop  }
0x7b: {  	p6 =	por p1, p1;
	s21 =	simm.s32 $0x1  }
0x7c: {  	s21 =	simm.s32 @!p6 $0x2  }
0x7d: {  	v4 =	vmov s21  }
0x7e: {  	vm1 =	vgt.u32 v4, v0  }
0x7f: {  	v4 =	vld.msk [tilespmem:s24+$0x0 ss:$0x1], vm0;
	_ =	sdelay $0x2  }
0x80: {  	s17 =	sshra.s32 s17, $0x2;
	s21 =	spop (v2sf)  }
0x81: {  	s17 =	sadd.s32 s17, s13;
	(v2sf) =	vpush @!p4 v3, $0x0;
	s21 =	simm.s32 @p2 $0xFFFFFFFF;
	s31 =	spop (v2sf)  }
0x82: {  	p2 =	seq.s32 s31, s21;
	(v2sf) =	vpush v4, $0x1;
	v3 =	vld.msk [tilespmem:s17+$0x0 ss:$0x1], vm1  }
0x83: {  	vm0 =	vgt.s32 @!p2 v2, $0x0;
	(v2sf) =	vpush v4, $0x0  }
0x84: {  	v2 =	vnsel @!p2 vm0, $0x0, v2  }
0x85: {  	[tilespmem:s16], [sflag:$0x1] =	stream.strided.gather @!p5 [hbm:s23], $0x80, s22, s22, $0x38;
	v2 =	vmin.u32 @!p2 v2, $0x1387F;
	[tilespmem:$0x14500] =	vst v63  }
0x86: {  	s22 =	sld [smem:$0x7FC];
	(v2sf) =	vpush @!p2 v2, $0x0  }
0x87: {  	(v2sf) =	vpush v3, $0x1  }
0x88: {  	p0 =	por p0, p0;
	(v2sf) =	vpush v3, $0x0  }
0x89: {  	s17 =	spop @!p3 (v2sf);
	p3 =	seq.s32 s22, $0x1;
	s22 =	sld [smem:$0x7FD]  }
0x8a: {  	p1 =	por p3, p3;
	s17 =	sshll.u32 @!p0 s17, $0x4  }
0x8b: {  	p1 =	por p1, p1;
	s17 =	sadd.s32 @!p0 s2, s17  }
0x8c: {  	p5 =	seq.s32 s22, $0x1;
	s22 =	simm.s32 @!p0 $0x80;
	s16 =	spop (v2sf)  }
0x8d: {  	[tilespmem:s18], [sflag:$0x1] =	stream.strided.gather @!p0 [hbm:s17], $0x80, s22, s22, $0x38;
	[tilespmem:$0x14500] =	vst v63  }
0x8e: {  	s23 =	spop (v2sf);
	s16 =	simm.s32 @p1 $0xFFFFFFFF  }
0x8f: {  	p3 =	por p5, p5;
	p1 =	seq.s32 s23, s16  }
0x90: {  	p3 =	por p3, p3;
	vm0 =	vgt.s32 @!p1 v1, $0x0;
	s16 =	spop @!p4 (v2sf)  }
0x91: {  	p0 =	por p3, p3;
	v1 =	vnsel @!p1 vm0, $0x0, v1;
	s17 =	spop (v2sf)  }
0x92: {  	v1 =	vmin.u32 @!p1 v1, $0x1387F;
	s17 =	simm.s32 @p0 $0xFFFFFFFF;
	s24 =	spop (v2sf)  }
0x93: {  	(v2sf) =	vpush @!p1 v1, $0x0;
	p0 =	seq.s32 s24, s17  }
0x94: {  	p5 =	por p6, p6;
	vm0 =	vgt.s32 @!p0 v4, $0x0  }
0x95: {  	p3 =	por p5, p5;
	s17 =	spop @!p2 (v2sf);
	v1 =	vnsel @!p0 vm0, $0x0, v4  }
0x96: {  	p3 =	por p3, p3;
	v1 =	vmin.u32 @!p0 v1, $0x1387F;
	s18 =	spop (v2sf)  }
0x97: {  	p6 =	por p4, p4;
	(v2sf) =	vpush @!p0 v1, $0x0;
	s18 =	simm.s32 @p3 $0xFFFFFFFF;
	s25 =	spop (v2sf)  }
0x98: {  	p5 =	por p6, p6;
	p3 =	seq.s32 s25, s18  }
0x99: {  	p6 =	por p2, p2;
	s16 =	sshll.u32 @!p5 s16, $0x4;
	vm0 =	vgt.s32 @!p3 v3, $0x0  }
0x9a: {  	s16 =	sadd.s32 @!p5 s2, s16;
	s18 =	sadd.s32 @!p4 s19, s14;
	s19 =	simm.s32 @!p5 $0x80;
	v1 =	vnsel @!p3 vm0, $0x0, v3  }
0x9b: {  	[tilespmem:s18], [sflag:$0x1] =	stream.strided.gather @!p5 [hbm:s16], $0x80, s19, s19, $0x38;
	v1 =	vmin.u32 @!p3 v1, $0x1387F;
	[tilespmem:$0x14500] =	vst v63  }
0x9c: {  	p4 =	por p6, p6;
	s16 =	sshll.u32 @!p2 s20, $0x9;
	(v2sf) =	vpush @!p3 v1, $0x0  }
0x9d: {  	s18 =	sadd.s32 @!p2 $0x1, s20;
	s17 =	sshll.u32 @!p4 s17, $0x4;
	s19 =	simm.s32 @!p4 $0x80  }
0x9e: {  	p5 =	por p0, p0;
	p6 =	por p3, p3;
	s16 =	sshra.s32 @!p2 s16, $0x2  }
0x9f: {  	s18 =	smov.u32 @p2 s20;
	s17 =	sadd.s32 @!p4 s2, s17;
	s16 =	sadd.s32 @!p2 s16, s14  }
0xa0: {  	[tilespmem:s16], [sflag:$0x1] =	stream.strided.gather @!p4 [hbm:s17], $0x80, s19, s19, $0x38;
	[tilespmem:$0x14500] =	vst v63  }
0xa1: {  	s16 =	sshll.u32 @!p1 s18, $0x9;
	p4 =	por p1, p1;
	s17 =	sadd.s32 @!p1 $0x1, s18  }
0xa2: {  	s19 =	spop @!p1 (v2sf);
	p2 =	por p4, p4;
	s16 =	sshra.s32 @!p1 s16, $0x2  }
0xa3: {  	s17 =	smov.u32 @p1 s18;
	s18 =	sshll.u32 @!p2 s19, $0x4;
	s16 =	sadd.s32 @!p1 s16, s14  }
0xa4: {  	s19 =	simm.s32 @!p2 $0x80;
	p1 =	por p5, p5;
	s18 =	sadd.s32 @!p2 s2, s18  }
0xa5: {  	[tilespmem:s16], [sflag:$0x1] =	stream.strided.gather @!p2 [hbm:s18], $0x80, s19, s19, $0x38;
	[tilespmem:$0x14500] =	vst v63  }
0xa6: {  	s16 =	sshll.u32 @!p0 s17, $0x9;
	s18 =	sadd.s32 @!p0 $0x1, s17;
	s19 =	spop @!p0 (v2sf)  }
0xa7: {  	s16 =	sshra.s32 @!p0 s16, $0x2;
	s18 =	smov.u32 @p0 s17;
	s17 =	sshll.u32 @!p1 s19, $0x4  }
0xa8: {  	s16 =	sadd.s32 @!p0 s16, s14;
	s19 =	simm.s32 @!p1 $0x80;
	s17 =	sadd.s32 @!p1 s2, s17  }
0xa9: {  	[tilespmem:s16], [sflag:$0x1] =	stream.strided.gather @!p1 [hbm:s17], $0x80, s19, s19, $0x38;
	[tilespmem:$0x14500] =	vst v63  }
0xaa: {  	p0 =	por p6, p6;
	s16 =	sshll.u32 @!p3 s18, $0x9  }
0xab: {  	s17 =	sadd.s32 @!p3 $0x1, s18;
	s16 =	sshra.s32 @!p3 s16, $0x2;
	s19 =	spop @!p3 (v2sf)  }
0xac: {  	s17 =	smov.u32 @p3 s18;
	s16 =	sadd.s32 @!p3 s16, s14;
	s18 =	sshll.u32 @!p0 s19, $0x4  }
0xad: {  	s26 =	sshll.u32 s17, $0x7;
	s19 =	simm.s32 @!p0 $0x80;
	s18 =	sadd.s32 @!p0 s2, s18  }
0xae: {  	[tilespmem:s16], [sflag:$0x1] =	stream.strided.gather @!p0 [hbm:s18], $0x80, s19, s19, $0x38;
	[tilespmem:$0x14500] =	vst v63  }
0xaf: {  	s16 =	sand.u32 $0x3FFFFF80, s26  }
0xb0: {  	_ =	swait.ge [sflag:s4], s16  }
0xb1: {  	s16 =	ssub.s32 $0x0, s16;
	[sflag:s4] =	ssyncset.done $0x0  }
0xb2: {  	s28 =	sadd.s32 $0x0, s15;
	[sflag:s4] =	ssyncadd.s32 s16  }
0xb3: {  	v1 =	vld.msk [tilespmem:s28+$0x0 ss:$0x1], $0x1;
	_ =	sdelay $0x4  }
0xb4: {  	(v2sf) =	vpush v1, $0x0;
	_ =	sdelay $0xa  }
0xb5: {  	p0 =	por $0x0, $0x0;
	s16 =	simm.s32 $0x1  }
0xb6: {  	s16 =	simm.s32 @!p0 $0x2  }
0xb7: {  	v1 =	vmov s16  }
0xb8: {  	vm15 =	vgt.u32 v1, v0  }
0xb9: {  	s29 =	spop (v2sf)  }
0xba: {  	s16 =	sshll.u32 s29, $0x4  }
0xbb: {  	s16 =	sand.u32 $0x1FFFFFF0, s16  }
0xbc: {  	s30 =	sadd.s32 $0x0, s14;
	s31 =	sadd.s32 $0x0, s13;
	s16 =	sadd.s32 s7, s16  }
0xbd: {  	[hbm:s16] =	stream.strided.scatter [tilespmem:s30], [sflag:$0x3], $0x80, s11, s11, $0x38;
	[tilespmem:$0x14500] =	vst v63  }
0xbe: {  	s17 =	simm.s32 $0x1;
	s18 =	simm.s32 $0x4;
	v1 =	vld.msk [tilespmem:s31+$0x0 ss:$0x1], vm15  }
0xbf: {  	s19 =	simm.s32 $0x8;
	p0 =	por p0, p0;
	s16 =	simm.s32 $0x0  }
.LBB2_5:
0xc0: {  	p1 =	sne.s32 s19, $0x4FC;
	s20 =	sadd.s32 s17, s15  }
0xc1: {  	v2 =	vld.msk [tilespmem:s20+$0x0 ss:$0x1], $0x1;
	_ =	sdelay $0x1  }
0xc2: {  	(v2sf) =	vpush v1, $0x1  }
0xc3: {  	(v2sf) =	vpush v1, $0x0;
	_ =	sdelay $0x2  }
0xc4: {  	(v2sf) =	vpush v2, $0x0;
	_ =	sdelay $0x9  }
0xc5: {  	p2 =	seq.s32 s18, $0x4FC;
	s18 =	smov.u32 s19;
	s20 =	simm.s32 $0x1  }
0xc6: {  	s20 =	simm.s32 @!p2 $0x2;
	s21 =	spop (v2sf)  }
0xc7: {  	s21 =	simm.s32 @p0 $0xFFFFFFFF;
	s22 =	spop (v2sf);
	p0 =	por p2, p2  }
0xc8: {  	v1 =	vmov s20;
	s20 =	simm.s32 $0x1;
	p2 =	sne.s32 s22, s21  }
0xc9: {  	vm0 =	vgt.u32 v1, v0;
	s20 =	simm.s32 @!p2 $0x0  }
0xca: {  	s21 =	spop (v2sf);
	s16 =	sadd.s32 s20, s16  }
0xcb: {  	s20 =	sshll.u32 s21, $0x4;
	s21 =	sshll.u32 s16, $0x9  }
0xcc: {  	s17 =	sadd.s32 s17, s13;
	s20 =	sand.u32 $0x1FFFFFF0, s20;
	s21 =	sshra.s32 s21, $0x2  }
.Ltmp4:
0xcd: {  	s21 =	sadd.s32 s21, s14;
	s20 =	sadd.s32 s7, s20;
	(pc) =	sbr.rel @p1 .LBB2_5-.Ltmp4, $3  }
0xce: {  	[hbm:s20] =	stream.strided.scatter [tilespmem:s21], [sflag:$0x3], $0x80, s11, s11, $0x38;
	[tilespmem:$0x14500] =	vst v63  }
0xcf: {  	v1 =	vld.msk [tilespmem:s17+$0x0 ss:$0x1], vm0;
	_ =	sdelay $0x1  }
0xd0: {  	s19 =	sadd.s32 $0x4, s19;
	s17 =	sshra.s32 s18, $0x2  }
.Ltmp5:
0xd1: {  	_ = 	snop;
	(pc) =	sbr.rel .LBB2_6-.Ltmp5, $1  }
0xd2: {  	_ =	sdelay $0x3  }
.LBB2_8:
0xd3: {  	_ =	sfence.sel $0x180000  }
0xd4: {  	s2 =	simm.s32 $0x2;
	[bflag:$0x0] =	sbarrier.arrive $0xFFFF  }
0xd5: {  	s30 =	simm.s32 $0x3;
	[sflag:s2] =	ssyncpa.u1 $0x1  }
0xd6: {  	s31 =	simm.s32 $0x1;
	[sflag:s30] =	ssyncpa.u1 $0x1  }
0xd7: {  	[sflag:s31] =	ssyncpa.u1 $0x1  }
0xd8: {  	p0 =	sne.s32 s1, $0x0;
	_ =	strace $0x9000004A  }
0xd9: {  	s0 =	sadd.s32 @!p0 $0x100000, s0;
	[bflag:$0x2] =	sbarrier.arrive $0xFFFF  }
0xda: {  	[sflag:s0] =	ssyncadd.tile.s32 @!p0 $0x1;
	_ =	shalt  }
.Lfunc_end2:
_tile_overlayer_lowered:
.L_overlay_start_2:
0xdb: {  	(tag) =	ssettag $0x2  }
0xdc: {  	s0 =	rddreg [dreg:$0x0];
	s2 =	stileid.u32  }
0xdd: {  	s1 =	rddreg [dreg:$0x1];
	p0 =	sne.s32 s2, $0x0  }
0xde: {  	s3 =	rddreg [dreg:$0x2];
	[bflag:$0x3] =	sbarrier.arrive $0xFFFF;
	s2 =	simm.s32 @!p0 $0x1C01  }
0xdf: {  	[timem:s3], [sflag:s2] =	dma.local @!p0 [hbm:s0], s1  }
0xe0: {  	s0 =	simm.s32 @!p0 $0x1  }
0xe1: {  	_ =	swait.ge @!p0 [sflag:s0], s1  }
0xe2: {  	s1 =	ssub.s32 @!p0 $0x0, s1;
	[sflag:s0] =	ssyncset.done @!p0 $0x0  }
0xe3: {  	[sflag:s0] =	ssyncadd.s32 @!p0 s1  }
0xe4: {  	[bflag:$0x3] =	sbarrier.arrive $0xFFFF  }
0xe5: {  	_ =	shalt  }

// kernel: kernel.7.cloned.1.call-start
scs
__scs_entry_jumppad:
0x0: {  	(pc) =	sbr.rel $0x88, $3  }
0x1: {  	(tag) =	ssettag $0x0;
	lr =	simm.s32 $0x1  }
0x2: {  	[smem:$0x3F90] =	sst lr;
	_ =	strace $0xD0000000  }
0x3: {  	_ = 	snop  }
0x4: {  	_ = 	snop  }
0x5: {  	_ = 	snop  }
0x6: {  	_ = 	snop  }
0x7: {  	_ = 	snop  }
__scs_overlays_trampoline_lowered:
0x8: {  	[smem:$0x3F9F] =	sst s0  }
0x9: {  	[smem:$0x3FA0] =	sst s1  }
0xa: {  	[smem:$0x3FA1] =	sst s2  }
0xb: {  	[smem:$0x3FA2] =	sst s3  }
0xc: {  	[smem:$0x3FA3] =	sst s4  }
0xd: {  	[smem:$0x3FA4] =	sst s5  }
0xe: {  	[smem:$0x3FA5] =	sst s6  }
0xf: {  	[smem:$0x3FA6] =	sst s7  }
0x10: {  	[smem:$0x3FA7] =	sst s8  }
0x11: {  	[smem:$0x3FA8] =	sst s9;
	s0 =	simm.s32 @!p0 $0x0  }
0x12: {  	s1 =	sld [smem:$0x3F8E];
	s0 =	simm.s32 @p0 $0x1  }
0x13: {  	[smem:$0x3FA9] =	sst s0;
	s0 =	simm.s32 @!p1 $0x0  }
0x14: {  	s2 =	sld [smem:$0x3F8D];
	s0 =	simm.s32 @p1 $0x1  }
0x15: {  	[smem:$0x3FAA] =	sst s0;
	s0 =	simm.s32 @!p2 $0x0  }
0x16: {  	s3 =	sld [smem:$0x3FDB];
	s0 =	simm.s32 @p2 $0x1  }
0x17: {  	s4 =	simm.s32 $0x1BF5;
	[smem:$0x3FAC] =	sst s0  }
0x18: {  	s0 =	sld [smem:$0x3F8F];
	_ =	swait.ge [sflag:s4], $0x0  }
0x19: {  	s7 =	sld [smem:$0x3F90]  }
0x1a: {  	s8 =	sadd.s32 $0xFFFFE003, lr  }
0x1b: {  	s9 =	sadd.s32 $0xFFFFFEF7, lr;
	s5 =	simm.s32 $0xFFFFFFFF;
	p2 =	slt.u32 s8, $0xFFFFF086  }
0x1c: {  	p1 =	slt.u32 s9, $0xF7A;
	s5 =	simm.s32 @!p2 $0x0  }
0x1d: {  	s5 =	simm.s32 @p1 $0x1;
	p0 =	seq.s32 s7, s2  }
0x1e: {  	s7 =	smul.u32 @!p0 $0xF7A, s2;
	p2 =	seq.s32 @!p0 s5, $0x0  }
0x1f: {  	s9 =	smul.u32 $0xF7A, s1;
	s8 =	simm.s32 @!p0 $0x1BF5;
	p2 =	por !p2, p0  }
0x20: {  	[sflag:s8] =	ssyncset.s32 @!p0 $0xFFFFF086;
	s6 =	sadd.s32 @!p0 s3, s7;
	s7 =	simm.s32 @!p0 $0x108  }
0x21: {  	s3 =	sadd.s32 s3, s9;
	s6 =	sadd.s32 @!p0 $0x88, s6;
	s7 =	simm.s32 @p2 $0x1082  }
0x22: {  	[simem:s7], [sflag:s8] =	dma.local @!p0 [hbm:s6], $0xF7A  }
0x23: {  	s9 =	sor.u32 $0xD0000000, s2;
	s6 =	simm.s32 $0x108;
	_ =	swait.ge @!p0 [sflag:s8], $0x0  }
0x24: {  	s3 =	sadd.s32 $0x88, s3;
	s6 =	simm.s32 @!p1 $0x1082;
	[sflag:s4] =	ssyncset.s32 $0xFFFFF086  }
0x25: {  	[simem:s6], [sflag:s4] =	dma.local [hbm:s3], $0xF7A  }
0x26: {  	[smem:$0x3F90] =	sst s1;
	(tag) =	ssettag s2;
	_ =	strace s9  }
0x27: {  	s1 =	sld [smem:$0x3FA0]  }
0x28: {  	s2 =	sld [smem:$0x3FA1]  }
0x29: {  	s4 =	sld [smem:$0x3FA3]  }
0x2a: {  	p0 =	seq.s32 s5, $0x0;
	s5 =	sld [smem:$0x3FA4]  }
0x2b: {  	s6 =	sld [smem:$0x3FA5]  }
0x2c: {  	s7 =	sld [smem:$0x3FA6]  }
0x2d: {  	s3 =	simm.s32 $0x108;
	s8 =	sld [smem:$0x3FA7]  }
0x2e: {  	s3 =	simm.s32 @!p0 $0x1082;
	s9 =	sld [smem:$0x3FA8]  }
0x2f: {  	lr =	sadd.s32 s0, s3;
	s0 =	sld [smem:$0x3F9F]  }
0x30: {  	s3 =	sld [smem:$0x3FA2]  }
0x31: {  	[smem:$0x3FAB] =	sst s10  }
0x32: {  	s10 =	sld [smem:$0x3FA9];
	_ =	sdelay $0x3  }
0x33: {  	p0 =	seq.s32 s10, $0x1;
	s10 =	sld [smem:$0x3FAB];
	_ =	sdelay $0x3  }
0x34: {  	[smem:$0x3FAB] =	sst s10  }
0x35: {  	s10 =	sld [smem:$0x3FAA];
	_ =	sdelay $0x3  }
0x36: {  	p1 =	seq.s32 s10, $0x1;
	s10 =	sld [smem:$0x3FAB];
	_ =	sdelay $0x3  }
0x37: {  	[smem:$0x3FAB] =	sst s10  }
0x38: {  	s10 =	sld [smem:$0x3FAC]  }
0x39: {  	_ = 	snop;
	(pc) =	sbr.ind lr, $3  }
0x3a: {  	_ = 	snop  }
0x3b: {  	_ = 	snop  }
0x3c: {  	p2 =	seq.s32 s10, $0x1;
	s10 =	sld [smem:$0x3FAB]  }
0x3d: {  	_ =	shalt  }
0x3e: {  	_ =	shalt  }
0x3f: {  	_ =	shalt  }
0x40: {  	_ =	shalt  }
0x41: {  	_ =	shalt  }
0x42: {  	_ =	shalt  }
0x43: {  	_ =	shalt  }
0x44: {  	_ =	shalt  }
0x45: {  	_ =	shalt  }
0x46: {  	_ =	shalt  }
0x47: {  	_ =	shalt  }
0x48: {  	_ =	shalt  }
0x49: {  	_ =	shalt  }
0x4a: {  	_ =	shalt  }
0x4b: {  	_ =	shalt  }
0x4c: {  	_ =	shalt  }
0x4d: {  	_ =	shalt  }
0x4e: {  	_ =	shalt  }
0x4f: {  	_ =	shalt  }
0x50: {  	_ =	shalt  }
0x51: {  	_ =	shalt  }
0x52: {  	_ =	shalt  }
0x53: {  	_ =	shalt  }
0x54: {  	_ =	shalt  }
0x55: {  	_ =	shalt  }
0x56: {  	_ =	shalt  }
0x57: {  	_ =	shalt  }
0x58: {  	_ =	shalt  }
0x59: {  	_ =	shalt  }
0x5a: {  	_ =	shalt  }
0x5b: {  	_ =	shalt  }
0x5c: {  	_ =	shalt  }
0x5d: {  	_ =	shalt  }
0x5e: {  	_ =	shalt  }
0x5f: {  	_ =	shalt  }
0x60: {  	_ =	shalt  }
0x61: {  	_ =	shalt  }
0x62: {  	_ =	shalt  }
0x63: {  	_ =	shalt  }
0x64: {  	_ =	shalt  }
0x65: {  	_ =	shalt  }
0x66: {  	_ =	shalt  }
0x67: {  	_ =	shalt  }
0x68: {  	_ =	shalt  }
0x69: {  	_ =	shalt  }
0x6a: {  	_ =	shalt  }
0x6b: {  	_ =	shalt  }
0x6c: {  	_ =	shalt  }
0x6d: {  	_ =	shalt  }
0x6e: {  	_ =	shalt  }
0x6f: {  	_ =	shalt  }
0x70: {  	_ =	shalt  }
0x71: {  	_ =	shalt  }
0x72: {  	_ =	shalt  }
0x73: {  	_ =	shalt  }
0x74: {  	_ =	shalt  }
0x75: {  	_ =	shalt  }
0x76: {  	_ =	shalt  }
0x77: {  	_ =	shalt  }
0x78: {  	_ =	shalt  }
0x79: {  	_ =	shalt  }
0x7a: {  	_ =	shalt  }
0x7b: {  	_ =	shalt  }
0x7c: {  	_ =	shalt  }
0x7d: {  	_ =	shalt  }
0x7e: {  	_ =	shalt  }
0x7f: {  	_ =	shalt  }
0x80: {  	_ =	shalt  }
0x81: {  	_ =	shalt  }
0x82: {  	_ =	shalt  }
0x83: {  	_ =	shalt  }
0x84: {  	_ =	shalt  }
0x85: {  	_ =	shalt  }
0x86: {  	_ =	shalt  }
0x87: {  	_ =	shalt  }
.Lfunc_end0:
.L_simem_size_0:
called_computation.4_lowered:
.L_overlay_start_0:
0x88: {  	s2 =	sld [smem:$0x3FD9]  }
0x89: {  	s3 =	sld [smem:$0x3FFE];
	_ =	sdelay $0x1  }
0x8a: {  	s1 =	srdreg.scid  }
0x8b: {  	s0 =	sand.u32 $0x1, s1  }
0x8c: {  	s16 =	sshll.u32 s0, $0xA;
	s2 =	sadd.s32 s3, s2  }
0x8d: {  	s2 =	sadd.s32 s2, s16  }
0x8e: {  	[smem:$0x3FB7] =	sst s2  }
0x8f: {  	_ = 	snop  }
0x90: {  	(tm) =	ssettm $0x1  }
0x91: {  	s17 =	sld [smem:$0x3FFB];
	_ =	sdelay $0x3  }
0x92: {  	_ =	strace s17  }
0x93: {  	s2 =	sld [smem:$0x3FFC];
	_ =	sdelay $0x3  }
0x94: {  	_ =	strace s2  }
0x95: {  	s2 =	sld [smem:$0x3FFD];
	_ =	sdelay $0x3  }
0x96: {  	_ =	strace s2  }
0x97: {  	_ =	strace $0x8FFFFFFF  }
0x98: {  	s18 =	sld [smem:$0x3FDB];
	_ =	sdelay $0x1  }
0x99: {  	s19 =	simm.s32 $_scs_section_size  }
0x9a: {  	s4 =	simm.s32 $_size__tile_overlayer_lowered;
	s5 =	simm.s32 $_tile_overlayer_lowered  }
0x9b: {  	s22 =	simm.s32 $0x1BFF;
	s21 =	sshll.u32 s5, $0x1;
	s2 =	sadd.s32 s19, s18  }
0x9c: {  	s6 =	simm.s32 $0x0;
	s20 =	sshll.u32 s4, $0x1;
	s4 =	sadd.s32 s21, s2  }
0x9d: {  	[timem:s6], [sflag:s22] =	dma.local [hbm:s4], s20  }
0x9e: {  	_ =	swait.ge [sflag:s22], s20  }
0x9f: {  	s3 =	ssub.s32 $0x0, s20;
	[sflag:s22] =	ssyncset.done $0x0  }
0xa0: {  	[sflag:s22] =	ssyncadd.s32 s3;
	_ =	sdelay $0x1  }
0xa1: {  	s23 =	simm.s32 $0x1B8B  }
0xa2: {  	_ =	swait.ge [sflag:s23], $0x1  }
0xa3: {  	[sflag:s23] =	ssyncset.done $0x0  }
0xa4: {  	s25 =	simm.s32 $0x1B8E;
	s24 =	sld [smem:$0x3FFE];
	[sflag:s23] =	ssyncadd.s32 $0xFFFFFFFF  }
0xa5: {  	s26 =	simm.s32 $execute0_lowered;
	[smem:$0x3FD2] =	sst s25  }
0xa6: {  	s4 =	sshll.u32 s26, $0x1;
	_ =	strace $0x80000046;
	[dreg:$0x1] =	wrdreg $0xFFFFFFFF  }
0xa7: {  	s28 =	simm.s32 $_size_execute0_lowered;
	s2 =	sadd.s32 s2, s4;
	[dreg:$0x0] =	wrdreg $0x0  }
0xa8: {  	s4 =	sshll.u32 s28, $0x1;
	[dreg:$0x2] =	wrdreg s2  }
0xa9: {  	[dreg:$0x3] =	wrdreg s4  }
0xaa: {  	[dreg:$0x4] =	wrdreg $0xC0  }
0xab: {  	_ =	task [dreg:s6], $0x5FFFF  }
0xac: {  	[dreg:$0x1] =	wrdreg $0xFFFFFFFF  }
0xad: {  	[dreg:$0x0] =	wrdreg $0x60  }
0xae: {  	[dreg:$0x2] =	wrdreg s24  }
0xaf: {  	[dreg:$0x3] =	wrdreg $0x9  }
0xb0: {  	_ =	task.clear_ibuf [dreg:s6], $0x4FFFF;
	_ =	strace $0x90000046  }
0xb1: {  	s29 =	simm.s32 $0x9;
	_ =	strace $0x80000048  }
0xb2: {  	_ =	swait.ge [sflag:s29], $0x1  }
0xb3: {  	[sflag:s29] =	ssyncadd.s32 $0xFFFFFFFF  }
0xb4: {  	_ =	strace $0x90000048  }
0xb5: {  	_ =	sfence  }
0xb6: {  	s30 =	sld [smem:$0x0];
	_ =	sdelay $0x2  }
0xb7: {  	s31 =	sshll.u32 s1, $0xD;
	s1 =	sshrl.u32 s1, $0x2  }
0xb8: {  	s3 =	sand.u32 $0x4000, s31;
	s1 =	sadd.s32 s1, s30  }
0xb9: {  	s0 =	sor.u32 s3, s0;
	s1 =	sshll.u32 s1, $0x11  }
0xba: {  	s0 =	sor.u32 s1, s0  }
0xbb: {  	s0 =	sadd.s32 $0x8F2B, s0  }
0xbc: {  	[sflag:s0] =	ssyncadd.remote.s32 $0x1  }
0xbd: {  	_ =	sfence.sel $0xFFFF  }
0xbe: {  	[dreg:$0x0] =	wrdreg $0xFFFFFFFF;
	(pc) =	sbr.abs _section_cstart, $3  }
0xbf: {  	[dreg:$0x1] =	wrdreg $0xFFFFFFFF  }
0xc0: {  	_ =	task.clear_ibuf [dreg:s6], $0x2FFFF;
	_ =	strace $0x9FFFFFFF  }
0xc1: {  	(tm) =	ssettm $0x7FFFFFFF  }
tec
execute0_lowered:
.L_overlay_start_1:
0x0: {  	(tag) =	ssettag $0x1  }
0x1: {  	s0 =	rddreg [dreg:$0x0];
	s1 =	srdreg.scid  }
0x2: {  	s2 =	simm.s32 $0x0;
	s9 =	stileid.u32;
	s30 =	simm.s32 $0x1  }
0x3: {  	s31 =	simm.s32 $0x80;
	s1 =	sand.u32 $0x1, s1;
	[smem:$0x7FF] =	sst s2  }
0x4: {  	s5 =	sadd.s32 $0xEE600, s0;
	s6 =	smul.u32 $0xA0000, s9;
	s7 =	sadd.s32 $0x9E600, s0  }
0x5: {  	s3 =	sshll.u32 s1, $0x4;
	_ =	strace $0x80000047;
	s4 =	smul.u32 $0xA00000, s1  }
0x6: {  	s1 =	ssub.s32 $0x2, s1;
	s3 =	sor.u32 s9, s3;
	s9 =	sshll.u32 s9, $0x7  }
0x7: {  	s17 =	sshrl.u32 s1, $0x1;
	s3 =	sshrl.u32 s3, $0x3;
	s4 =	sadd.s32 s6, s4  }
0x8: {  	s16 =	sand.u32 $0x380, s9;
	s1 =	ssub.s32 s1, s17;
	s4 =	sshrl.u32 s4, $0x3  }
0x9: {  	s8 =	smul.u32 $0x14000, s3;
	s3 =	sadd.s32 $0x2200, s0;
	s0 =	sadd.s32 s4, s0  }
0xa: {  	s29 =	smax.u32 s1, $0x1;
	s1 =	simm.s32 $0x14000;
	s21 =	sadd.s32 $0x13E600, s0  }
0xb: {  	s6 =	sor.u32 s16, s8;
	s9 =	sadd.s32 $0x140E00, s0;
	s28 =	sadd.s32 $0x14FE00, s0  }
0xc: {  	s14 =	sshrl.u32 s6, $0x3;
	s19 =	sadd.s32 $0x50000, s6;
	[dreg:$0x4] =	wrdreg s21  }
0xd: {  	s23 =	sadd.s32 $0xA0000, s6;
	s12 =	sadd.s32 $0xF0000, s6;
	s25 =	sadd.s32 $0x190000, s6  }
0xe: {  	s18 =	sadd.s32 s5, s14;
	s20 =	sadd.s32 s7, s14;
	s4 =	sshrl.u32 s19, $0x3  }
0xf: {  	s24 =	sshrl.u32 s12, $0x3;
	s12 =	sadd.s32 $0x143600, s0;
	[dreg:$0x2] =	wrdreg s18  }
0x10: {  	s16 =	sor.u32 $0x28000, s14;
	[dreg:$0x3] =	wrdreg s20;
	s22 =	sadd.s32 s5, s4  }
0x11: {  	s8 =	sadd.s32 s7, s4;
	s4 =	sshrl.u32 s23, $0x3;
	s13 =	sadd.s32 s5, s24  }
0x12: {  	s14 =	sadd.s32 s7, s24;
	s15 =	sadd.s32 s5, s16;
	s16 =	sadd.s32 s7, s16  }
0x13: {  	s18 =	sadd.s32 $0x1E0000, s6;
	s6 =	sadd.s32 $0x230000, s6;
	s24 =	sadd.s32 $0x148600, s0  }
0x14: {  	[dreg:$0x5] =	wrdreg s22;
	s10 =	sadd.s32 s5, s4;
	s11 =	sadd.s32 s7, s4  }
0x15: {  	s4 =	sshrl.u32 s25, $0x3;
	s20 =	sshrl.u32 s18, $0x3;
	s26 =	sshrl.u32 s6, $0x3  }
0x16: {  	s22 =	sadd.s32 $0x145E00, s0;
	s25 =	sadd.s32 $0x14AE00, s0;
	s17 =	sadd.s32 s5, s4  }
0x17: {  	s18 =	sadd.s32 s7, s4;
	s19 =	sadd.s32 s5, s20;
	s20 =	sadd.s32 s7, s20  }
0x18: {  	s21 =	sadd.s32 s5, s26;
	s23 =	sadd.s32 s7, s26;
	s26 =	sadd.s32 $0x14D600, s0  }
0x19: {  	v0 =	vimm.f32 $1.000000000e+00;
	s0 =	simm.s32 $0x400;
	s4 =	simm.s32 $0x16800;
	s5 =	simm.s32 $0x0  }
.LBB2_1:
0x1a: {  	[tilespmem:s2], [sflag:$0x1] =	stream.linear.gather [hbm4b:s3+s2], $0x14000, $0x38;
	[tilespmem:$0x19000] =	vst v63  }
0x1b: {  	_ =	swait.ge [sflag:s30], $0x14000  }
0x1c: {  	[sflag:s30] =	ssyncset.done $0x0  }
0x1d: {  	s6 =	rddreg [dreg:$0x2];
	[sflag:s30] =	ssyncadd.s32 $0xFFFEC000  }
0x1e: {  	[tilespmem:s1], [sflag:$0x1] =	stream.strided.gather [hbm4b:s6+s31], $0x2800, s0, s31, $0x38;
	[tilespmem:$0x19000] =	vst v63  }
0x1f: {  	_ =	swait.ge [sflag:s30], $0x2800  }
0x20: {  	[sflag:s30] =	ssyncset.done $0x0  }
0x21: {  	s7 =	rddreg [dreg:$0x3];
	[sflag:s30] =	ssyncadd.s32 $0xFFFFD800  }
0x22: {  	[tilespmem:s4], [sflag:$0x1] =	stream.strided.gather [hbm4b:s7+s31], $0x2800, s0, s31, $0x38;
	[tilespmem:$0x19000] =	vst v63  }
0x23: {  	_ =	swait.ge [sflag:s30], $0x2800  }
0x24: {  	[sflag:s30] =	ssyncset.done $0x0  }
0x25: {  	s7 =	simm.s32 $0x0;
	[sflag:s30] =	ssyncadd.s32 $0xFFFFD800  }
0x26: {  	s6 =	simm.s32 $0x40;
	v1 =	vld [tilespmem:s7+$0x14000]  }
.LBB2_2:
0x27: {  	p0 =	sne.s32 s6, $0x9FC0;
	v2 =	vld [tilespmem:s7+$0x16800];
	_ =	sdelay $0x4  }
0x28: {  	v1 =	vshll.u32 v1, $0x7;
	v3 =	vand.u32 $0xFFFFFF80, v2  }
0x29: {  	v2 =	vand.u32 $0x7F, v2;
	v1 =	vadd.s32 v1, v3  }
0x2a: {  	v1 =	vor.u32 v2, v1;
	_ =	sdelay $0x1  }
.Ltmp0:
0x2b: {  	(pc) =	sbr.rel @p0 .LBB2_2-.Ltmp0, $3  }
0x2c: {  	_ =	sdelay $0x1  }
0x2d: {  	s7 =	sshra.s32 s6, $0x2;
	[tilespmem:v1+s2+$0x0] =	vst.idx.add.f32.msk $0xffff, v0  }
0x2e: {  	s6 =	sadd.s32 $0x40, s6;
	v1 =	vld [tilespmem:s7+$0x14000]  }
0x2f: {  	v2 =	vld [tilespmem:s7+$0x16800];
	_ =	sdelay $0x4  }
0x30: {  	v1 =	vshll.u32 v1, $0x7;
	v3 =	vand.u32 $0xFFFFFF80, v2  }
0x31: {  	v2 =	vand.u32 $0x7F, v2;
	v1 =	vadd.s32 v1, v3  }
0x32: {  	v1 =	vor.u32 v2, v1;
	_ =	sdelay $0x4  }
0x33: {  	s6 =	simm.s32 $0x0;
	s7 =	rddreg [dreg:$0x4];
	[tilespmem:v1+s2+$0x0] =	vst.idx.add.f32.msk $0xffff, v0  }
0x34: {  	[hbm4b:s7+s6] =	stream.linear.scatter [tilespmem:s6], [sflag:$0x1], $0x14000, $0x38;
	[tilespmem:$0x19000] =	vst v63  }
0x35: {  	_ =	swait.ge [sflag:s30], $0x14000  }
0x36: {  	[sflag:s30] =	ssyncset.done $0x0  }
0x37: {  	[sflag:s30] =	ssyncadd.s32 $0xFFFEC000  }
0x38: {  	[tilespmem:s6], [sflag:$0x1] =	stream.linear.gather [hbm4b:s3+s6], $0x14000, $0x38;
	[tilespmem:$0x19000] =	vst v63  }
0x39: {  	_ =	swait.ge [sflag:s30], $0x14000  }
0x3a: {  	[sflag:s30] =	ssyncset.done $0x0  }
0x3b: {  	s7 =	rddreg [dreg:$0x5];
	[sflag:s30] =	ssyncadd.s32 $0xFFFEC000  }
0x3c: {  	[tilespmem:s1], [sflag:$0x1] =	stream.strided.gather [hbm4b:s7+s31], $0x2800, s0, s31, $0x38;
	[tilespmem:$0x19000] =	vst v63  }
0x3d: {  	_ =	swait.ge [sflag:s30], $0x2800  }
0x3e: {  	[sflag:s30] =	ssyncset.done $0x0  }
0x3f: {  	[sflag:s30] =	ssyncadd.s32 $0xFFFFD800  }
0x40: {  	[tilespmem:s4], [sflag:$0x1] =	stream.strided.gather [hbm4b:s8+s31], $0x2800, s0, s31, $0x38;
	[tilespmem:$0x19000] =	vst v63  }
0x41: {  	_ =	swait.ge [sflag:s30], $0x2800  }
0x42: {  	[sflag:s30] =	ssyncset.done $0x0  }
0x43: {  	s7 =	simm.s32 $0x0;
	[sflag:s30] =	ssyncadd.s32 $0xFFFFD800  }
0x44: {  	s6 =	simm.s32 $0x40;
	v1 =	vld [tilespmem:s7+$0x14000]  }
.LBB2_4:
0x45: {  	p0 =	sne.s32 s6, $0x9FC0;
	v2 =	vld [tilespmem:s7+$0x16800];
	_ =	sdelay $0x4  }
0x46: {  	v1 =	vshll.u32 v1, $0x7;
	v3 =	vand.u32 $0xFFFFFF80, v2  }
0x47: {  	v2 =	vand.u32 $0x7F, v2;
	v1 =	vadd.s32 v1, v3  }
0x48: {  	v1 =	vor.u32 v2, v1;
	_ =	sdelay $0x1  }
.Ltmp1:
0x49: {  	(pc) =	sbr.rel @p0 .LBB2_4-.Ltmp1, $3  }
0x4a: {  	_ =	sdelay $0x1  }
0x4b: {  	s7 =	sshra.s32 s6, $0x2;
	[tilespmem:v1+s2+$0x0] =	vst.idx.add.f32.msk $0xffff, v0  }
0x4c: {  	s6 =	sadd.s32 $0x40, s6;
	v1 =	vld [tilespmem:s7+$0x14000]  }
0x4d: {  	v2 =	vld [tilespmem:s7+$0x16800];
	_ =	sdelay $0x4  }
0x4e: {  	v1 =	vshll.u32 v1, $0x7;
	v3 =	vand.u32 $0xFFFFFF80, v2  }
0x4f: {  	v2 =	vand.u32 $0x7F, v2;
	v1 =	vadd.s32 v1, v3  }
0x50: {  	v1 =	vor.u32 v2, v1;
	_ =	sdelay $0x4  }
0x51: {  	s6 =	simm.s32 $0x0;
	[tilespmem:v1+s2+$0x0] =	vst.idx.add.f32.msk $0xffff, v0  }
0x52: {  	[hbm4b:s9+s6] =	stream.linear.scatter [tilespmem:s6], [sflag:$0x1], $0x14000, $0x38;
	[tilespmem:$0x19000] =	vst v63  }
0x53: {  	_ =	swait.ge [sflag:s30], $0x14000  }
0x54: {  	[sflag:s30] =	ssyncset.done $0x0  }
0x55: {  	[sflag:s30] =	ssyncadd.s32 $0xFFFEC000  }
0x56: {  	[tilespmem:s6], [sflag:$0x1] =	stream.linear.gather [hbm4b:s3+s6], $0x14000, $0x38;
	[tilespmem:$0x19000] =	vst v63  }
0x57: {  	_ =	swait.ge [sflag:s30], $0x14000  }
0x58: {  	[sflag:s30] =	ssyncset.done $0x0  }
0x59: {  	[sflag:s30] =	ssyncadd.s32 $0xFFFEC000  }
0x5a: {  	[tilespmem:s1], [sflag:$0x1] =	stream.strided.gather [hbm4b:s10+s31], $0x2800, s0, s31, $0x38;
	[tilespmem:$0x19000] =	vst v63  }
0x5b: {  	_ =	swait.ge [sflag:s30], $0x2800  }
0x5c: {  	[sflag:s30] =	ssyncset.done $0x0  }
0x5d: {  	[sflag:s30] =	ssyncadd.s32 $0xFFFFD800  }
0x5e: {  	[tilespmem:s4], [sflag:$0x1] =	stream.strided.gather [hbm4b:s11+s31], $0x2800, s0, s31, $0x38;
	[tilespmem:$0x19000] =	vst v63  }
0x5f: {  	_ =	swait.ge [sflag:s30], $0x2800  }
0x60: {  	[sflag:s30] =	ssyncset.done $0x0  }
0x61: {  	s7 =	simm.s32 $0x0;
	[sflag:s30] =	ssyncadd.s32 $0xFFFFD800  }
0x62: {  	s6 =	simm.s32 $0x40;
	v1 =	vld [tilespmem:s7+$0x14000]  }
.LBB2_6:
0x63: {  	p0 =	sne.s32 s6, $0x9FC0;
	v2 =	vld [tilespmem:s7+$0x16800];
	_ =	sdelay $0x4  }
0x64: {  	v1 =	vshll.u32 v1, $0x7;
	v3 =	vand.u32 $0xFFFFFF80, v2  }
0x65: {  	v2 =	vand.u32 $0x7F, v2;
	v1 =	vadd.s32 v1, v3  }
0x66: {  	v1 =	vor.u32 v2, v1;
	_ =	sdelay $0x1  }
.Ltmp2:
0x67: {  	(pc) =	sbr.rel @p0 .LBB2_6-.Ltmp2, $3  }
0x68: {  	_ =	sdelay $0x1  }
0x69: {  	s7 =	sshra.s32 s6, $0x2;
	[tilespmem:v1+s2+$0x0] =	vst.idx.add.f32.msk $0xffff, v0  }
0x6a: {  	s6 =	sadd.s32 $0x40, s6;
	v1 =	vld [tilespmem:s7+$0x14000]  }
0x6b: {  	v2 =	vld [tilespmem:s7+$0x16800];
	_ =	sdelay $0x4  }
0x6c: {  	v1 =	vshll.u32 v1, $0x7;
	v3 =	vand.u32 $0xFFFFFF80, v2  }
0x6d: {  	v2 =	vand.u32 $0x7F, v2;
	v1 =	vadd.s32 v1, v3  }
0x6e: {  	v1 =	vor.u32 v2, v1;
	_ =	sdelay $0x4  }
0x6f: {  	s6 =	simm.s32 $0x0;
	[tilespmem:v1+s2+$0x0] =	vst.idx.add.f32.msk $0xffff, v0  }
0x70: {  	[hbm4b:s12+s6] =	stream.linear.scatter [tilespmem:s6], [sflag:$0x1], $0x14000, $0x38;
	[tilespmem:$0x19000] =	vst v63  }
0x71: {  	_ =	swait.ge [sflag:s30], $0x14000  }
0x72: {  	[sflag:s30] =	ssyncset.done $0x0  }
0x73: {  	[sflag:s30] =	ssyncadd.s32 $0xFFFEC000  }
0x74: {  	[tilespmem:s6], [sflag:$0x1] =	stream.linear.gather [hbm4b:s3+s6], $0x14000, $0x38;
	[tilespmem:$0x19000] =	vst v63  }
0x75: {  	_ =	swait.ge [sflag:s30], $0x14000  }
0x76: {  	[sflag:s30] =	ssyncset.done $0x0  }
0x77: {  	[sflag:s30] =	ssyncadd.s32 $0xFFFEC000  }
0x78: {  	[tilespmem:s1], [sflag:$0x1] =	stream.strided.gather [hbm4b:s13+s31], $0x2800, s0, s31, $0x38;
	[tilespmem:$0x19000] =	vst v63  }
0x79: {  	_ =	swait.ge [sflag:s30], $0x2800  }
0x7a: {  	[sflag:s30] =	ssyncset.done $0x0  }
0x7b: {  	[sflag:s30] =	ssyncadd.s32 $0xFFFFD800  }
0x7c: {  	[tilespmem:s4], [sflag:$0x1] =	stream.strided.gather [hbm4b:s14+s31], $0x2800, s0, s31, $0x38;
	[tilespmem:$0x19000] =	vst v63  }
0x7d: {  	_ =	swait.ge [sflag:s30], $0x2800  }
0x7e: {  	[sflag:s30] =	ssyncset.done $0x0  }
0x7f: {  	s7 =	simm.s32 $0x0;
	[sflag:s30] =	ssyncadd.s32 $0xFFFFD800  }
0x80: {  	s6 =	simm.s32 $0x40;
	v1 =	vld [tilespmem:s7+$0x14000]  }
.LBB2_8:
0x81: {  	p0 =	sne.s32 s6, $0x9FC0;
	v2 =	vld [tilespmem:s7+$0x16800];
	_ =	sdelay $0x4  }
0x82: {  	v1 =	vshll.u32 v1, $0x7;
	v3 =	vand.u32 $0xFFFFFF80, v2  }
0x83: {  	v2 =	vand.u32 $0x7F, v2;
	v1 =	vadd.s32 v1, v3  }
0x84: {  	v1 =	vor.u32 v2, v1;
	_ =	sdelay $0x1  }
.Ltmp3:
0x85: {  	(pc) =	sbr.rel @p0 .LBB2_8-.Ltmp3, $3  }
0x86: {  	_ =	sdelay $0x1  }
0x87: {  	s7 =	sshra.s32 s6, $0x2;
	[tilespmem:v1+s2+$0x0] =	vst.idx.add.f32.msk $0xffff, v0  }
0x88: {  	s6 =	sadd.s32 $0x40, s6;
	v1 =	vld [tilespmem:s7+$0x14000]  }
0x89: {  	v2 =	vld [tilespmem:s7+$0x16800];
	_ =	sdelay $0x4  }
0x8a: {  	v1 =	vshll.u32 v1, $0x7;
	v3 =	vand.u32 $0xFFFFFF80, v2  }
0x8b: {  	v2 =	vand.u32 $0x7F, v2;
	v1 =	vadd.s32 v1, v3  }
0x8c: {  	v1 =	vor.u32 v2, v1;
	_ =	sdelay $0x4  }
0x8d: {  	s6 =	simm.s32 $0x0;
	[tilespmem:v1+s2+$0x0] =	vst.idx.add.f32.msk $0xffff, v0  }
0x8e: {  	[hbm4b:s22+s6] =	stream.linear.scatter [tilespmem:s6], [sflag:$0x1], $0x14000, $0x38;
	[tilespmem:$0x19000] =	vst v63  }
0x8f: {  	_ =	swait.ge [sflag:s30], $0x14000  }
0x90: {  	[sflag:s30] =	ssyncset.done $0x0  }
0x91: {  	[sflag:s30] =	ssyncadd.s32 $0xFFFEC000  }
0x92: {  	[tilespmem:s6], [sflag:$0x1] =	stream.linear.gather [hbm4b:s3+s6], $0x14000, $0x38;
	[tilespmem:$0x19000] =	vst v63  }
0x93: {  	_ =	swait.ge [sflag:s30], $0x14000  }
0x94: {  	[sflag:s30] =	ssyncset.done $0x0  }
0x95: {  	[sflag:s30] =	ssyncadd.s32 $0xFFFEC000  }
0x96: {  	[tilespmem:s1], [sflag:$0x1] =	stream.strided.gather [hbm4b:s15+s31], $0x2800, s0, s31, $0x38;
	[tilespmem:$0x19000] =	vst v63  }
0x97: {  	_ =	swait.ge [sflag:s30], $0x2800  }
0x98: {  	[sflag:s30] =	ssyncset.done $0x0  }
0x99: {  	[sflag:s30] =	ssyncadd.s32 $0xFFFFD800  }
0x9a: {  	[tilespmem:s4], [sflag:$0x1] =	stream.strided.gather [hbm4b:s16+s31], $0x2800, s0, s31, $0x38;
	[tilespmem:$0x19000] =	vst v63  }
0x9b: {  	_ =	swait.ge [sflag:s30], $0x2800  }
0x9c: {  	[sflag:s30] =	ssyncset.done $0x0  }
0x9d: {  	s7 =	simm.s32 $0x0;
	[sflag:s30] =	ssyncadd.s32 $0xFFFFD800  }
0x9e: {  	s6 =	simm.s32 $0x40;
	v1 =	vld [tilespmem:s7+$0x14000]  }
.LBB2_10:
0x9f: {  	p0 =	sne.s32 s6, $0x9FC0;
	v2 =	vld [tilespmem:s7+$0x16800];
	_ =	sdelay $0x4  }
0xa0: {  	v1 =	vshll.u32 v1, $0x7;
	v3 =	vand.u32 $0xFFFFFF80, v2  }
0xa1: {  	v2 =	vand.u32 $0x7F, v2;
	v1 =	vadd.s32 v1, v3  }
0xa2: {  	v1 =	vor.u32 v2, v1;
	_ =	sdelay $0x1  }
.Ltmp4:
0xa3: {  	(pc) =	sbr.rel @p0 .LBB2_10-.Ltmp4, $3  }
0xa4: {  	_ =	sdelay $0x1  }
0xa5: {  	s7 =	sshra.s32 s6, $0x2;
	[tilespmem:v1+s2+$0x0] =	vst.idx.add.f32.msk $0xffff, v0  }
0xa6: {  	s6 =	sadd.s32 $0x40, s6;
	v1 =	vld [tilespmem:s7+$0x14000]  }
0xa7: {  	v2 =	vld [tilespmem:s7+$0x16800];
	_ =	sdelay $0x4  }
0xa8: {  	v1 =	vshll.u32 v1, $0x7;
	v3 =	vand.u32 $0xFFFFFF80, v2  }
0xa9: {  	v2 =	vand.u32 $0x7F, v2;
	v1 =	vadd.s32 v1, v3  }
0xaa: {  	v1 =	vor.u32 v2, v1;
	_ =	sdelay $0x4  }
0xab: {  	s6 =	simm.s32 $0x0;
	[tilespmem:v1+s2+$0x0] =	vst.idx.add.f32.msk $0xffff, v0  }
0xac: {  	[hbm4b:s24+s6] =	stream.linear.scatter [tilespmem:s6], [sflag:$0x1], $0x14000, $0x38;
	[tilespmem:$0x19000] =	vst v63  }
0xad: {  	_ =	swait.ge [sflag:s30], $0x14000  }
0xae: {  	[sflag:s30] =	ssyncset.done $0x0  }
0xaf: {  	[sflag:s30] =	ssyncadd.s32 $0xFFFEC000  }
0xb0: {  	[tilespmem:s6], [sflag:$0x1] =	stream.linear.gather [hbm4b:s3+s6], $0x14000, $0x38;
	[tilespmem:$0x19000] =	vst v63  }
0xb1: {  	_ =	swait.ge [sflag:s30], $0x14000  }
0xb2: {  	[sflag:s30] =	ssyncset.done $0x0  }
0xb3: {  	[sflag:s30] =	ssyncadd.s32 $0xFFFEC000  }
0xb4: {  	[tilespmem:s1], [sflag:$0x1] =	stream.strided.gather [hbm4b:s17+s31], $0x2800, s0, s31, $0x38;
	[tilespmem:$0x19000] =	vst v63  }
0xb5: {  	_ =	swait.ge [sflag:s30], $0x2800  }
0xb6: {  	[sflag:s30] =	ssyncset.done $0x0  }
0xb7: {  	[sflag:s30] =	ssyncadd.s32 $0xFFFFD800  }
0xb8: {  	[tilespmem:s4], [sflag:$0x1] =	stream.strided.gather [hbm4b:s18+s31], $0x2800, s0, s31, $0x38;
	[tilespmem:$0x19000] =	vst v63  }
0xb9: {  	_ =	swait.ge [sflag:s30], $0x2800  }
0xba: {  	[sflag:s30] =	ssyncset.done $0x0  }
0xbb: {  	s7 =	simm.s32 $0x0;
	[sflag:s30] =	ssyncadd.s32 $0xFFFFD800  }
0xbc: {  	s6 =	simm.s32 $0x40;
	v1 =	vld [tilespmem:s7+$0x14000]  }
.LBB2_12:
0xbd: {  	p0 =	sne.s32 s6, $0x9FC0;
	v2 =	vld [tilespmem:s7+$0x16800];
	_ =	sdelay $0x4  }
0xbe: {  	v1 =	vshll.u32 v1, $0x7;
	v3 =	vand.u32 $0xFFFFFF80, v2  }
0xbf: {  	v2 =	vand.u32 $0x7F, v2;
	v1 =	vadd.s32 v1, v3  }
0xc0: {  	v1 =	vor.u32 v2, v1;
	_ =	sdelay $0x1  }
.Ltmp5:
0xc1: {  	(pc) =	sbr.rel @p0 .LBB2_12-.Ltmp5, $3  }
0xc2: {  	_ =	sdelay $0x1  }
0xc3: {  	s7 =	sshra.s32 s6, $0x2;
	[tilespmem:v1+s2+$0x0] =	vst.idx.add.f32.msk $0xffff, v0  }
0xc4: {  	s6 =	sadd.s32 $0x40, s6;
	v1 =	vld [tilespmem:s7+$0x14000]  }
0xc5: {  	v2 =	vld [tilespmem:s7+$0x16800];
	_ =	sdelay $0x4  }
0xc6: {  	v1 =	vshll.u32 v1, $0x7;
	v3 =	vand.u32 $0xFFFFFF80, v2  }
0xc7: {  	v2 =	vand.u32 $0x7F, v2;
	v1 =	vadd.s32 v1, v3  }
0xc8: {  	v1 =	vor.u32 v2, v1;
	_ =	sdelay $0x4  }
0xc9: {  	s6 =	simm.s32 $0x0;
	[tilespmem:v1+s2+$0x0] =	vst.idx.add.f32.msk $0xffff, v0  }
0xca: {  	[hbm4b:s25+s6] =	stream.linear.scatter [tilespmem:s6], [sflag:$0x1], $0x14000, $0x38;
	[tilespmem:$0x19000] =	vst v63  }
0xcb: {  	_ =	swait.ge [sflag:s30], $0x14000  }
0xcc: {  	[sflag:s30] =	ssyncset.done $0x0  }
0xcd: {  	[sflag:s30] =	ssyncadd.s32 $0xFFFEC000  }
0xce: {  	[tilespmem:s6], [sflag:$0x1] =	stream.linear.gather [hbm4b:s3+s6], $0x14000, $0x38;
	[tilespmem:$0x19000] =	vst v63  }
0xcf: {  	_ =	swait.ge [sflag:s30], $0x14000  }
0xd0: {  	[sflag:s30] =	ssyncset.done $0x0  }
0xd1: {  	[sflag:s30] =	ssyncadd.s32 $0xFFFEC000  }
0xd2: {  	[tilespmem:s1], [sflag:$0x1] =	stream.strided.gather [hbm4b:s19+s31], $0x2800, s0, s31, $0x38;
	[tilespmem:$0x19000] =	vst v63  }
0xd3: {  	_ =	swait.ge [sflag:s30], $0x2800  }
0xd4: {  	[sflag:s30] =	ssyncset.done $0x0  }
0xd5: {  	[sflag:s30] =	ssyncadd.s32 $0xFFFFD800  }
0xd6: {  	[tilespmem:s4], [sflag:$0x1] =	stream.strided.gather [hbm4b:s20+s31], $0x2800, s0, s31, $0x38;
	[tilespmem:$0x19000] =	vst v63  }
0xd7: {  	_ =	swait.ge [sflag:s30], $0x2800  }
0xd8: {  	[sflag:s30] =	ssyncset.done $0x0  }
0xd9: {  	s7 =	simm.s32 $0x0;
	[sflag:s30] =	ssyncadd.s32 $0xFFFFD800  }
0xda: {  	s6 =	simm.s32 $0x40;
	v1 =	vld [tilespmem:s7+$0x14000]  }
.LBB2_14:
0xdb: {  	p0 =	sne.s32 s6, $0x9FC0;
	v2 =	vld [tilespmem:s7+$0x16800];
	_ =	sdelay $0x4  }
0xdc: {  	v1 =	vshll.u32 v1, $0x7;
	v3 =	vand.u32 $0xFFFFFF80, v2  }
0xdd: {  	v2 =	vand.u32 $0x7F, v2;
	v1 =	vadd.s32 v1, v3  }
0xde: {  	v1 =	vor.u32 v2, v1;
	_ =	sdelay $0x1  }
.Ltmp6:
0xdf: {  	(pc) =	sbr.rel @p0 .LBB2_14-.Ltmp6, $3  }
0xe0: {  	_ =	sdelay $0x1  }
0xe1: {  	s7 =	sshra.s32 s6, $0x2;
	[tilespmem:v1+s2+$0x0] =	vst.idx.add.f32.msk $0xffff, v0  }
0xe2: {  	s6 =	sadd.s32 $0x40, s6;
	v1 =	vld [tilespmem:s7+$0x14000]  }
0xe3: {  	v2 =	vld [tilespmem:s7+$0x16800];
	_ =	sdelay $0x4  }
0xe4: {  	v1 =	vshll.u32 v1, $0x7;
	v3 =	vand.u32 $0xFFFFFF80, v2  }
0xe5: {  	v2 =	vand.u32 $0x7F, v2;
	v1 =	vadd.s32 v1, v3  }
0xe6: {  	v1 =	vor.u32 v2, v1;
	_ =	sdelay $0x4  }
0xe7: {  	s6 =	simm.s32 $0x0;
	[tilespmem:v1+s2+$0x0] =	vst.idx.add.f32.msk $0xffff, v0  }
0xe8: {  	[hbm4b:s26+s6] =	stream.linear.scatter [tilespmem:s6], [sflag:$0x1], $0x14000, $0x38;
	[tilespmem:$0x19000] =	vst v63  }
0xe9: {  	_ =	swait.ge [sflag:s30], $0x14000  }
0xea: {  	[sflag:s30] =	ssyncset.done $0x0  }
0xeb: {  	[sflag:s30] =	ssyncadd.s32 $0xFFFEC000  }
0xec: {  	[tilespmem:s6], [sflag:$0x1] =	stream.linear.gather [hbm4b:s3+s6], $0x14000, $0x38;
	[tilespmem:$0x19000] =	vst v63  }
0xed: {  	_ =	swait.ge [sflag:s30], $0x14000  }
0xee: {  	[sflag:s30] =	ssyncset.done $0x0  }
0xef: {  	[sflag:s30] =	ssyncadd.s32 $0xFFFEC000  }
0xf0: {  	[tilespmem:s1], [sflag:$0x1] =	stream.strided.gather [hbm4b:s21+s31], $0x2800, s0, s31, $0x38;
	[tilespmem:$0x19000] =	vst v63  }
0xf1: {  	_ =	swait.ge [sflag:s30], $0x2800  }
0xf2: {  	[sflag:s30] =	ssyncset.done $0x0  }
0xf3: {  	[sflag:s30] =	ssyncadd.s32 $0xFFFFD800  }
0xf4: {  	[tilespmem:s4], [sflag:$0x1] =	stream.strided.gather [hbm4b:s23+s31], $0x2800, s0, s31, $0x38;
	[tilespmem:$0x19000] =	vst v63  }
0xf5: {  	_ =	swait.ge [sflag:s30], $0x2800  }
0xf6: {  	[sflag:s30] =	ssyncset.done $0x0  }
0xf7: {  	s7 =	simm.s32 $0x0;
	[sflag:s30] =	ssyncadd.s32 $0xFFFFD800  }
0xf8: {  	s6 =	simm.s32 $0x40;
	v1 =	vld [tilespmem:s7+$0x14000]  }
.LBB2_16:
0xf9: {  	p0 =	sne.s32 s6, $0x9FC0;
	v2 =	vld [tilespmem:s7+$0x16800];
	_ =	sdelay $0x4  }
0xfa: {  	v1 =	vshll.u32 v1, $0x7;
	v3 =	vand.u32 $0xFFFFFF80, v2  }
0xfb: {  	v2 =	vand.u32 $0x7F, v2;
	v1 =	vadd.s32 v1, v3  }
0xfc: {  	v1 =	vor.u32 v2, v1;
	_ =	sdelay $0x1  }
.Ltmp7:
0xfd: {  	(pc) =	sbr.rel @p0 .LBB2_16-.Ltmp7, $3  }
0xfe: {  	_ =	sdelay $0x1  }
0xff: {  	s7 =	sshra.s32 s6, $0x2;
	[tilespmem:v1+s2+$0x0] =	vst.idx.add.f32.msk $0xffff, v0  }
0x100: {  	s6 =	sadd.s32 $0x40, s6;
	v1 =	vld [tilespmem:s7+$0x14000]  }
0x101: {  	v2 =	vld [tilespmem:s7+$0x16800];
	_ =	sdelay $0x4  }
0x102: {  	v1 =	vshll.u32 v1, $0x7;
	v3 =	vand.u32 $0xFFFFFF80, v2  }
0x103: {  	v2 =	vand.u32 $0x7F, v2;
	v1 =	vadd.s32 v1, v3  }
0x104: {  	v1 =	vor.u32 v2, v1;
	_ =	sdelay $0x2  }
0x105: {  	s5 =	sadd.s32 $0x1, s5  }
0x106: {  	p0 =	sne.s32 s5, s29  }
.Ltmp8:
0x107: {  	[tilespmem:v1+s2+$0x0] =	vst.idx.add.f32.msk $0xffff, v0;
	(pc) =	sbr.rel @p0 .LBB2_1-.Ltmp8, $4  }
0x108: {  	[hbm4b:s28+s2] =	stream.linear.scatter [tilespmem:s2], [sflag:$0x1], $0x14000, $0x38;
	[tilespmem:$0x19000] =	vst v63  }
0x109: {  	_ =	swait.ge [sflag:s30], $0x14000  }
0x10a: {  	[sflag:s30] =	ssyncset.done $0x0  }
0x10b: {  	[sflag:s30] =	ssyncadd.s32 $0xFFFEC000  }
0x10c: {  	_ =	sfence.sel $0x180000  }
0x10d: {  	[bflag:$0x0] =	sbarrier.arrive $0xFFFF  }
0x10e: {  	_ =	strace $0x90000047  }
0x10f: {  	s0 =	stileid.u32;
	[bflag:$0x2] =	sbarrier.arrive $0xFFFF  }
0x110: {  	p0 =	sne.s32 s0, $0x0;
	s0 =	rddreg [dreg:$0x1]  }
0x111: {  	s0 =	sadd.s32 @!p0 $0x100000, s0  }
0x112: {  	[sflag:s0] =	ssyncadd.tile.s32 @!p0 $0x1;
	_ =	shalt  }
.Lfunc_end2:
_tile_overlayer_lowered:
.L_overlay_start_2:
0x113: {  	(tag) =	ssettag $0x2  }
0x114: {  	s0 =	rddreg [dreg:$0x0];
	s2 =	stileid.u32  }
0x115: {  	s1 =	rddreg [dreg:$0x1];
	p0 =	sne.s32 s2, $0x0  }
0x116: {  	s3 =	rddreg [dreg:$0x2];
	[bflag:$0x3] =	sbarrier.arrive $0xFFFF;
	s2 =	simm.s32 @!p0 $0x1C01  }
0x117: {  	[timem:s3], [sflag:s2] =	dma.local @!p0 [hbm:s0], s1  }
0x118: {  	s0 =	simm.s32 @!p0 $0x1  }
0x119: {  	_ =	swait.ge @!p0 [sflag:s0], s1  }
0x11a: {  	s1 =	ssub.s32 @!p0 $0x0, s1;
	[sflag:s0] =	ssyncset.done @!p0 $0x0  }
0x11b: {  	[sflag:s0] =	ssyncadd.s32 @!p0 s1  }
0x11c: {  	[bflag:$0x3] =	sbarrier.arrive $0xFFFF  }
0x11d: {  	_ =	shalt  }

// kernel: scatter_offload_async_start.1
scs
__scs_entry_jumppad:
0x0: {  	(pc) =	sbr.rel $0x88, $3  }
0x1: {  	(tag) =	ssettag $0x0;
	lr =	simm.s32 $0x1  }
0x2: {  	[smem:$0x3F90] =	sst lr;
	_ =	strace $0xD0000000  }
0x3: {  	_ = 	snop  }
0x4: {  	_ = 	snop  }
0x5: {  	_ = 	snop  }
0x6: {  	_ = 	snop  }
0x7: {  	_ = 	snop  }
__scs_overlays_trampoline_lowered:
0x8: {  	[smem:$0x3F9F] =	sst s0  }
0x9: {  	[smem:$0x3FA0] =	sst s1  }
0xa: {  	[smem:$0x3FA1] =	sst s2  }
0xb: {  	[smem:$0x3FA2] =	sst s3  }
0xc: {  	[smem:$0x3FA3] =	sst s4  }
0xd: {  	[smem:$0x3FA4] =	sst s5  }
0xe: {  	[smem:$0x3FA5] =	sst s6  }
0xf: {  	[smem:$0x3FA6] =	sst s7  }
0x10: {  	[smem:$0x3FA7] =	sst s8  }
0x11: {  	[smem:$0x3FA8] =	sst s9;
	s0 =	simm.s32 @!p0 $0x0  }
0x12: {  	s1 =	sld [smem:$0x3F8E];
	s0 =	simm.s32 @p0 $0x1  }
0x13: {  	[smem:$0x3FA9] =	sst s0;
	s0 =	simm.s32 @!p1 $0x0  }
0x14: {  	s2 =	sld [smem:$0x3F8D];
	s0 =	simm.s32 @p1 $0x1  }
0x15: {  	[smem:$0x3FAA] =	sst s0;
	s0 =	simm.s32 @!p2 $0x0  }
0x16: {  	s3 =	sld [smem:$0x3FDB];
	s0 =	simm.s32 @p2 $0x1  }
0x17: {  	s4 =	simm.s32 $0x1BF5;
	[smem:$0x3FAC] =	sst s0  }
0x18: {  	s0 =	sld [smem:$0x3F8F];
	_ =	swait.ge [sflag:s4], $0x0  }
0x19: {  	s7 =	sld [smem:$0x3F90]  }
0x1a: {  	s8 =	sadd.s32 $0xFFFFE003, lr  }
0x1b: {  	s9 =	sadd.s32 $0xFFFFFEF7, lr;
	s5 =	simm.s32 $0xFFFFFFFF;
	p2 =	slt.u32 s8, $0xFFFFF086  }
0x1c: {  	p1 =	slt.u32 s9, $0xF7A;
	s5 =	simm.s32 @!p2 $0x0  }
0x1d: {  	s5 =	simm.s32 @p1 $0x1;
	p0 =	seq.s32 s7, s2  }
0x1e: {  	s7 =	smul.u32 @!p0 $0xF7A, s2;
	p2 =	seq.s32 @!p0 s5, $0x0  }
0x1f: {  	s9 =	smul.u32 $0xF7A, s1;
	s8 =	simm.s32 @!p0 $0x1BF5;
	p2 =	por !p2, p0  }
0x20: {  	[sflag:s8] =	ssyncset.s32 @!p0 $0xFFFFF086;
	s6 =	sadd.s32 @!p0 s3, s7;
	s7 =	simm.s32 @!p0 $0x108  }
0x21: {  	s3 =	sadd.s32 s3, s9;
	s6 =	sadd.s32 @!p0 $0x88, s6;
	s7 =	simm.s32 @p2 $0x1082  }
0x22: {  	[simem:s7], [sflag:s8] =	dma.local @!p0 [hbm:s6], $0xF7A  }
0x23: {  	s9 =	sor.u32 $0xD0000000, s2;
	s6 =	simm.s32 $0x108;
	_ =	swait.ge @!p0 [sflag:s8], $0x0  }
0x24: {  	s3 =	sadd.s32 $0x88, s3;
	s6 =	simm.s32 @!p1 $0x1082;
	[sflag:s4] =	ssyncset.s32 $0xFFFFF086  }
0x25: {  	[simem:s6], [sflag:s4] =	dma.local [hbm:s3], $0xF7A  }
0x26: {  	[smem:$0x3F90] =	sst s1;
	(tag) =	ssettag s2;
	_ =	strace s9  }
0x27: {  	s1 =	sld [smem:$0x3FA0]  }
0x28: {  	s2 =	sld [smem:$0x3FA1]  }
0x29: {  	s4 =	sld [smem:$0x3FA3]  }
0x2a: {  	p0 =	seq.s32 s5, $0x0;
	s5 =	sld [smem:$0x3FA4]  }
0x2b: {  	s6 =	sld [smem:$0x3FA5]  }
0x2c: {  	s7 =	sld [smem:$0x3FA6]  }
0x2d: {  	s3 =	simm.s32 $0x108;
	s8 =	sld [smem:$0x3FA7]  }
0x2e: {  	s3 =	simm.s32 @!p0 $0x1082;
	s9 =	sld [smem:$0x3FA8]  }
0x2f: {  	lr =	sadd.s32 s0, s3;
	s0 =	sld [smem:$0x3F9F]  }
0x30: {  	s3 =	sld [smem:$0x3FA2]  }
0x31: {  	[smem:$0x3FAB] =	sst s10  }
0x32: {  	s10 =	sld [smem:$0x3FA9];
	_ =	sdelay $0x3  }
0x33: {  	p0 =	seq.s32 s10, $0x1;
	s10 =	sld [smem:$0x3FAB];
	_ =	sdelay $0x3  }
0x34: {  	[smem:$0x3FAB] =	sst s10  }
0x35: {  	s10 =	sld [smem:$0x3FAA];
	_ =	sdelay $0x3  }
0x36: {  	p1 =	seq.s32 s10, $0x1;
	s10 =	sld [smem:$0x3FAB];
	_ =	sdelay $0x3  }
0x37: {  	[smem:$0x3FAB] =	sst s10  }
0x38: {  	s10 =	sld [smem:$0x3FAC]  }
0x39: {  	_ = 	snop;
	(pc) =	sbr.ind lr, $3  }
0x3a: {  	_ = 	snop  }
0x3b: {  	_ = 	snop  }
0x3c: {  	p2 =	seq.s32 s10, $0x1;
	s10 =	sld [smem:$0x3FAB]  }
0x3d: {  	_ =	shalt  }
0x3e: {  	_ =	shalt  }
0x3f: {  	_ =	shalt  }
0x40: {  	_ =	shalt  }
0x41: {  	_ =	shalt  }
0x42: {  	_ =	shalt  }
0x43: {  	_ =	shalt  }
0x44: {  	_ =	shalt  }
0x45: {  	_ =	shalt  }
0x46: {  	_ =	shalt  }
0x47: {  	_ =	shalt  }
0x48: {  	_ =	shalt  }
0x49: {  	_ =	shalt  }
0x4a: {  	_ =	shalt  }
0x4b: {  	_ =	shalt  }
0x4c: {  	_ =	shalt  }
0x4d: {  	_ =	shalt  }
0x4e: {  	_ =	shalt  }
0x4f: {  	_ =	shalt  }
0x50: {  	_ =	shalt  }
0x51: {  	_ =	shalt  }
0x52: {  	_ =	shalt  }
0x53: {  	_ =	shalt  }
0x54: {  	_ =	shalt  }
0x55: {  	_ =	shalt  }
0x56: {  	_ =	shalt  }
0x57: {  	_ =	shalt  }
0x58: {  	_ =	shalt  }
0x59: {  	_ =	shalt  }
0x5a: {  	_ =	shalt  }
0x5b: {  	_ =	shalt  }
0x5c: {  	_ =	shalt  }
0x5d: {  	_ =	shalt  }
0x5e: {  	_ =	shalt  }
0x5f: {  	_ =	shalt  }
0x60: {  	_ =	shalt  }
0x61: {  	_ =	shalt  }
0x62: {  	_ =	shalt  }
0x63: {  	_ =	shalt  }
0x64: {  	_ =	shalt  }
0x65: {  	_ =	shalt  }
0x66: {  	_ =	shalt  }
0x67: {  	_ =	shalt  }
0x68: {  	_ =	shalt  }
0x69: {  	_ =	shalt  }
0x6a: {  	_ =	shalt  }
0x6b: {  	_ =	shalt  }
0x6c: {  	_ =	shalt  }
0x6d: {  	_ =	shalt  }
0x6e: {  	_ =	shalt  }
0x6f: {  	_ =	shalt  }
0x70: {  	_ =	shalt  }
0x71: {  	_ =	shalt  }
0x72: {  	_ =	shalt  }
0x73: {  	_ =	shalt  }
0x74: {  	_ =	shalt  }
0x75: {  	_ =	shalt  }
0x76: {  	_ =	shalt  }
0x77: {  	_ =	shalt  }
0x78: {  	_ =	shalt  }
0x79: {  	_ =	shalt  }
0x7a: {  	_ =	shalt  }
0x7b: {  	_ =	shalt  }
0x7c: {  	_ =	shalt  }
0x7d: {  	_ =	shalt  }
0x7e: {  	_ =	shalt  }
0x7f: {  	_ =	shalt  }
0x80: {  	_ =	shalt  }
0x81: {  	_ =	shalt  }
0x82: {  	_ =	shalt  }
0x83: {  	_ =	shalt  }
0x84: {  	_ =	shalt  }
0x85: {  	_ =	shalt  }
0x86: {  	_ =	shalt  }
0x87: {  	_ =	shalt  }
.Lfunc_end0:
.L_simem_size_0:
called_computation.1_lowered:
.L_overlay_start_0:
0x88: {  	s2 =	sld [smem:$0x3FD9]  }
0x89: {  	s3 =	sld [smem:$0x3FFE];
	_ =	sdelay $0x1  }
0x8a: {  	s1 =	srdreg.scid  }
0x8b: {  	s0 =	sand.u32 $0x1, s1  }
0x8c: {  	s15 =	sshll.u32 s0, $0xA;
	s2 =	sadd.s32 s3, s2  }
0x8d: {  	s2 =	sadd.s32 s2, s15  }
0x8e: {  	[smem:$0x3FB7] =	sst s2  }
0x8f: {  	_ = 	snop  }
0x90: {  	(tm) =	ssettm $0x1  }
0x91: {  	s16 =	sld [smem:$0x3FFB];
	_ =	sdelay $0x3  }
0x92: {  	_ =	strace s16  }
0x93: {  	s2 =	sld [smem:$0x3FFC];
	_ =	sdelay $0x3  }
0x94: {  	_ =	strace s2  }
0x95: {  	s2 =	sld [smem:$0x3FFD];
	_ =	sdelay $0x3  }
0x96: {  	_ =	strace s2  }
0x97: {  	_ =	strace $0x8FFFFFFF  }
0x98: {  	s17 =	sld [smem:$0x3FDB];
	_ =	sdelay $0x1  }
0x99: {  	s18 =	simm.s32 $_scs_section_size  }
0x9a: {  	s4 =	simm.s32 $_size__tile_overlayer_lowered;
	s5 =	simm.s32 $_tile_overlayer_lowered  }
0x9b: {  	s21 =	simm.s32 $0x1BFF;
	s20 =	sshll.u32 s5, $0x1;
	s2 =	sadd.s32 s18, s17  }
0x9c: {  	s6 =	simm.s32 $0x0;
	s19 =	sshll.u32 s4, $0x1;
	s4 =	sadd.s32 s20, s2  }
0x9d: {  	[timem:s6], [sflag:s21] =	dma.local [hbm:s4], s19  }
0x9e: {  	_ =	swait.ge [sflag:s21], s19  }
0x9f: {  	s3 =	ssub.s32 $0x0, s19;
	[sflag:s21] =	ssyncset.done $0x0  }
0xa0: {  	[sflag:s21] =	ssyncadd.s32 s3;
	_ =	sdelay $0x1  }
0xa1: {  	s22 =	simm.s32 $0x1B8B  }
0xa2: {  	_ =	swait.ge [sflag:s22], $0x1  }
0xa3: {  	[sflag:s22] =	ssyncset.done $0x0  }
0xa4: {  	s23 =	sld [smem:$0x3FFE];
	[sflag:s22] =	ssyncadd.s32 $0xFFFFFFFF  }
0xa5: {  	s25 =	simm.s32 $0x1B8E;
	s24 =	sld [smem:$0x0]  }
0xa6: {  	s26 =	simm.s32 $execute0_lowered;
	[smem:$0x3FD2] =	sst s25  }
0xa7: {  	s5 =	sshll.u32 s26, $0x1;
	_ =	strace $0x80000052;
	[dreg:$0x1] =	wrdreg $0xFFFFFFFF  }
0xa8: {  	s28 =	simm.s32 $_size_execute0_lowered;
	s2 =	sadd.s32 s2, s5;
	[dreg:$0x0] =	wrdreg $0x0  }
0xa9: {  	s5 =	sshll.u32 s28, $0x1;
	[dreg:$0x2] =	wrdreg s2  }
0xaa: {  	[dreg:$0x3] =	wrdreg s5  }
0xab: {  	[dreg:$0x4] =	wrdreg $0xC0  }
0xac: {  	_ =	task [dreg:s6], $0x5FFFF  }
0xad: {  	[dreg:$0x1] =	wrdreg $0xFFFFFFFF  }
0xae: {  	[dreg:$0x0] =	wrdreg $0x60  }
0xaf: {  	[dreg:$0x2] =	wrdreg s23  }
0xb0: {  	[dreg:$0x3] =	wrdreg s1  }
0xb1: {  	[dreg:$0x4] =	wrdreg s24  }
0xb2: {  	[dreg:$0x5] =	wrdreg $0x9  }
0xb3: {  	_ =	task.clear_ibuf [dreg:s6], $0x6FFFF;
	_ =	strace $0x90000052  }
0xb4: {  	s29 =	simm.s32 $0x9;
	_ =	strace $0x80000054  }
0xb5: {  	_ =	swait.ge [sflag:s29], $0x1  }
0xb6: {  	[sflag:s29] =	ssyncadd.s32 $0xFFFFFFFF  }
0xb7: {  	_ =	strace $0x90000054  }
0xb8: {  	_ =	sfence  }
0xb9: {  	s30 =	sld [smem:$0x0];
	_ =	sdelay $0x2  }
0xba: {  	s31 =	sshll.u32 s1, $0xD;
	s1 =	sshrl.u32 s1, $0x2  }
0xbb: {  	s3 =	sand.u32 $0x4000, s31;
	s1 =	sadd.s32 s1, s30  }
0xbc: {  	s0 =	sor.u32 s3, s0;
	s1 =	sshll.u32 s1, $0x11  }
0xbd: {  	s0 =	sor.u32 s1, s0  }
0xbe: {  	s0 =	sadd.s32 $0x8F2B, s0  }
0xbf: {  	[sflag:s0] =	ssyncadd.remote.s32 $0x1  }
0xc0: {  	_ =	sfence.sel $0xFFFF  }
0xc1: {  	[dreg:$0x0] =	wrdreg $0xFFFFFFFF;
	(pc) =	sbr.abs _section_cstart, $3  }
0xc2: {  	[dreg:$0x1] =	wrdreg $0xFFFFFFFF  }
0xc3: {  	_ =	task.clear_ibuf [dreg:s6], $0x2FFFF;
	_ =	strace $0x9FFFFFFF  }
0xc4: {  	(tm) =	ssettm $0x7FFFFFFF  }
0xc5: {  	_ =	shalt  }
tec
execute0_lowered:
.L_overlay_start_1:
0x0: {  	(tag) =	ssettag $0x1  }
0x1: {  	s2 =	rddreg [dreg:$0x0]  }
0x2: {  	s3 =	rddreg [dreg:$0x1];
	_ =	strace $0x80000053;
	s0 =	simm.s32 $0x1  }
0x3: {  	v0 =	vimm.s32 $0x0;
	[sflag:s0] =	ssyncpa.u1 $0x0;
	s0 =	simm.s32 $0x108  }
0x4: {  	[tilespmem:s0+$0x70] =	vst v0  }
0x5: {  	[tilespmem:s0+$0x60] =	vst v0  }
0x6: {  	[tilespmem:s0+$0x50] =	vst v0  }
0x7: {  	[tilespmem:s0+$0x40] =	vst v0  }
0x8: {  	s1 =	sadd.s32 $0x405A00, s2;
	[tilespmem:s0+$0x30] =	vst v0  }
0x9: {  	s15 =	sadd.s32 $0x2C5A00, s2;
	s6 =	sadd.s32 $0x2D3E200, s2;
	[tilespmem:s0+$0x20] =	vst v0  }
0xa: {  	s14 =	sadd.s32 $0x315A00, s2;
	s5 =	sand.u32 $0x1, s3;
	s3 =	simm.s32 $0x40;
	[tilespmem:s0+$0x10] =	vst v0  }
.LBB2_1:
0xb: {  	s3 =	sadd.s32 $0x40, s3;
	[tilespmem:s0+$0x0] =	vst v0;
	s0 =	sadd.s32 $0x80, s0  }
0xc: {  	p0 =	slt.u32 s3, $0x3C40;
	[tilespmem:s0+$0x70] =	vst v0  }
0xd: {  	[tilespmem:s0+$0x60] =	vst v0  }
.Ltmp0:
0xe: {  	[tilespmem:s0+$0x50] =	vst v0;
	(pc) =	sbr.rel @p0 .LBB2_1-.Ltmp0, $4  }
0xf: {  	[tilespmem:s0+$0x40] =	vst v0  }
0x10: {  	[tilespmem:s0+$0x30] =	vst v0  }
0x11: {  	[tilespmem:s0+$0x20] =	vst v0  }
0x12: {  	[tilespmem:s0+$0x10] =	vst v0  }
0x13: {  	s9 =	stileid.u32  }
0x14: {  	s2 =	smul.u32 $0x155, s9  }
0x15: {  	s3 =	smin.u32 s9, $0x6  }
0x16: {  	s2 =	sadd.s32 s3, s2  }
0x17: {  	p0 =	slt.u32 s9, $0x6;
	s7 =	smul.u32 $0xF0, s2;
	s2 =	simm.s32 $0x140A0  }
0x18: {  	s2 =	simm.s32 @!p0 $0x13FB0  }
0x19: {  	s2 =	sadd.s32 s2, s7  }
0x1a: {  	s8 =	smin.u32 s2, $0x140000  }
0x1b: {  	s2 =	ssub.s32 s8, s7  }
0x1c: {  	p0 =	sgt.s32 s2, $0x0  }
0x1d: {  	s29 =	simm.s32 $0x2;
	s10 =	simm.s32 $0x9;
	s2 =	simm.s32 @!p0 $0x0  }
0x1e: {  	s4 =	simm.s32 $0xA;
	s11 =	simm.s32 $0xB;
	s28 =	smulhi.u32 $0x88888889, s2  }
0x1f: {  	[dreg:$0x4] =	wrdreg s5;
	s31 =	smul.u32 $0x28000, s5;
	s12 =	simm.s32 $0x1  }
0x20: {  	s22 =	simm.s32 $0x0;
	s18 =	simm.s32 $0xC;
	s30 =	sshrl.u32 s28, $0x7  }
0x21: {  	s20 =	simm.s32 $0x0;
	s21 =	simm.s32 $0x0;
	s3 =	smul.u32 $0xF0, s30  }
.Ltmp1:
0x22: {  	[tilespmem:s0+$0x0] =	vst v0;
	v0 =	vimm.s32 $0xFFFFFFFF;
	[sflag:s29] =	ssyncpa.u1 $0x0;
	s16 =	sshll.u32 s9, $0x8;
	(pc) =	sbr.rel .LBB2_3-.Ltmp1, $4  }
0x23: {  	[tilespmem:$0xF208] =	vst v0;
	[sflag:s10] =	ssyncpa.u1 $0x0;
	p0 =	sne.s32 s2, s3;
	s2 =	simm.s32 $0x1  }
0x24: {  	s14 =	sadd.s32 s31, s14;
	[sflag:s4] =	ssyncpa.u1 $0x0;
	s2 =	simm.s32 @!p0 $0x0  }
0x25: {  	s15 =	sadd.s32 s31, s15;
	[sflag:s11] =	ssyncpa.u1 $0x0;
	s13 =	sadd.s32 s2, s30  }
0x26: {  	v0 =	vlaneseq.u32;
	s19 =	smov.u32 s7;
	p0 =	por $0x0, $0x0;
	s17 =	sadd.s32 $0x1, s13  }
.LBB2_18:
0x27: {  	s0 =	sshrl.u32 s31, $0x2  }
.LBB2_20:
0x28: {  	_ =	swait.ge [sflag:s18], s0  }
0x29: {  	s31 =	ssub.s32 $0x0, s0;
	v1 =	vmov s24;
	vm0 =	veq.s32 v0, $0x0;
	[sflag:s18] =	ssyncset.done $0x0  }
0x2a: {  	vm15 =	veq.s32 v0, $0x2;
	v1 =	vsel vm0, s30, v1;
	[sflag:s18] =	ssyncadd.s32 s31  }
0x2b: {  	v1 =	vsel vm15, s22, v1;
	[sflag:s18] =	ssyncpa.u1 $0x1  }
0x2c: {  	[tilespmem:$0xF208] =	vst v1  }
.LBB2_21:
0x2d: {  	s0 =	sadd.s32 $0xF0, s19  }
0x2e: {  	s2 =	smov.u32 s7;
	p1 =	slt.s32 s0, s8  }
0x2f: {  	s2 =	smov.u32 @p1 s0;
	p1 =	sne.s32 s21, s17  }
.Ltmp2:
0x30: {  	_ = 	snop;
	(pc) =	sbr.rel @!p1 .LBB2_22-.Ltmp2, $3  }
0x31: {  	_ =	sdelay $0x1  }
0x32: {  	s22 =	smov.u32 s20;
	s31 =	sadd.s32 $0x1, s21;
	s20 =	smov.u32 s19  }
0x33: {  	p0 =	por !p0, !p0;
	s21 =	smov.u32 s31;
	s19 =	smov.u32 s2  }
.LBB2_3:
0x34: {  	p1 =	sge.u32 s21, s13  }
0x35: {  	s0 =	smulhi.u32 @!p1 $0xAAAAAAAB, s21  }
0x36: {  	s2 =	smov.u32 s19;
	p2 =	sgt.s32 @!p1 s19, $0x13FF10  }
0x37: {  	s3 =	sshra.s32 @!p1 s19, $0x1F;
	p2 =	por !p2, p1;
	s0 =	sshrl.u32 @!p1 s0, $0x1  }
0x38: {  	s3 =	sand.u32 @!p1 s3, s19;
	s2 =	simm.s32 @p2 $0x13FF10;
	s0 =	smul.u32 @!p1 $0x3, s0  }
0x39: {  	s2 =	ssub.s32 @!p1 s2, s3  }
0x3a: {  	s2 =	sadd.s32 @!p1 $0xFFEC00F0, s2;
	s0 =	ssub.s32 @!p1 s21, s0  }
0x3b: {  	s3 =	sshll.u32 @!p1 s2, $0x2;
	p2 =	sgt.s32 @!p1 s2, $0xEF;
	s0 =	smul.u32 @!p1 $0x3C0, s0  }
0x3c: {  	s4 =	sand.u32 @!p1 $0x7, s19;
	s2 =	ssub.s32 @!p1 $0x3C0, s3;
	p2 =	por !p2, p1  }
0x3d: {  	s3 =	sshrl.u32 @!p1 s19, $0x3;
	s2 =	sshrl.u32 @!p1 s2, $0x2;
	s0 =	sshrl.u32 @!p1 s0, $0x2  }
0x3e: {  	s3 =	sadd.s32 @!p1 s3, s14;
	s2 =	simm.s32 @!p2 $0x0;
	s0 =	sadd.s32 @!p1 $0x10248, s0  }
0x3f: {  	[tilespmem:s0], [sflag:$0xA] =	stream.linear.gather @!p1 [hbm4b:s3+s4], s2, $0x38;
	[tilespmem:$0x1F6F8] =	vst v63  }
0x40: {  	s0 =	sadd.s32 $0xFFFFFFFF, s21  }
0x41: {  	p1 =	sge.u32 s0, s13  }
0x42: {  	p2 =	sgt.s32 @!p1 s20, $0x13FF10  }
0x43: {  	s2 =	smov.u32 s20;
	s3 =	sshra.s32 @!p1 s20, $0x1F;
	p2 =	por !p2, p1  }
0x44: {  	s3 =	sand.u32 @!p1 s3, s20;
	s2 =	simm.s32 @p2 $0x13FF10  }
0x45: {  	s2 =	ssub.s32 @!p1 s2, s3  }
0x46: {  	s2 =	sadd.s32 @!p1 $0xFFEC00F0, s2  }
0x47: {  	s4 =	sand.u32 @!p1 $0x1, s0;
	s3 =	sshll.u32 @!p1 s2, $0x2  }
0x48: {  	p2 =	sgt.s32 @!p1 s2, $0xEF;
	s2 =	ssub.s32 @!p1 $0x3C0, s3;
	s3 =	smulhi.u32 @!p1 $0xAAAAAAAB, s0  }
0x49: {  	s23 =	smul.u32 @!p1 $0x3C0, s4;
	p2 =	por !p2, p1;
	s2 =	sshrl.u32 @!p1 s2, $0x2  }
0x4a: {  	s5 =	simm.s32 @!p1 $0xA;
	s2 =	simm.s32 @!p2 $0x0;
	s3 =	sshrl.u32 @!p1 s3, $0x1  }
0x4b: {  	s23 =	sshrl.u32 @!p1 s23, $0x2;
	_ =	swait.ge @!p1 [sflag:s5], s2;
	s3 =	smul.u32 @!p1 $0x3, s3  }
0x4c: {  	s23 =	sadd.s32 @!p1 $0x10518, s23;
	s24 =	ssub.s32 @!p1 $0x0, s2;
	[sflag:s5] =	ssyncset.done @!p1 $0x0  }
0x4d: {  	[sflag:s5] =	ssyncadd.s32 @!p1 s24;
	s5 =	sshrl.u32 @!p1 s20, $0x3;
	s0 =	ssub.s32 @!p1 s0, s3  }
0x4e: {  	s24 =	sand.u32 @!p1 $0x7, s20;
	s5 =	sadd.s32 @!p1 s5, s15;
	s0 =	smul.u32 @!p1 $0x3C0, s0  }
0x4f: {  	[tilespmem:s23], [sflag:$0xB] =	stream.linear.gather @!p1 [hbm4b:s5+s24], s2, $0x38;
	[tilespmem:$0x1F6F8] =	vst v63  }
0x50: {  	s3 =	ssub.s32 @!p1 $0x140000, s20;
	s2 =	smul.u32 @!p1 $0x1E000, s4  }
0x51: {  	p2 =	slt.s32 @!p1 s3, $0xF0  }
0x52: {  	p2 =	por !p2, p1;
	s0 =	sshrl.u32 @!p1 s0, $0x2;
	s2 =	sshrl.u32 @!p1 s2, $0x2  }
0x53: {  	s3 =	simm.s32 @p2 $0xF0;
	s0 =	sadd.s32 @!p1 $0x10248, s0;
	s2 =	sor.u32 @!p1 $0x106F8, s2  }
0x54: {  	[tilespmem:s2], [sflag:$0x9] =	stream.indirect.gather @!p1 [hbm4b:s6+s3], $0x80, s0, s3, $0xb8;
	[tilespmem:$0x1F6F8] =	vst v63  }
0x55: {  	p1 =	slt.u32 s21, $0x2  }
.Ltmp3:
0x56: {  	_ = 	snop;
	(pc) =	sbr.rel @p1 .LBB2_21-.Ltmp3, $1  }
0x57: {  	_ =	sdelay $0x3  }
0x58: {  	p1 =	sgt.s32 s22, $0x13FF10  }
0x59: {  	s0 =	smov.u32 s22;
	s2 =	sshra.s32 s22, $0x1F;
	s3 =	ssub.s32 $0x140000, s22  }
0x5a: {  	s0 =	simm.s32 @!p1 $0x13FF10;
	s2 =	sand.u32 s2, s22;
	p1 =	slt.s32 s3, $0xF0  }
0x5b: {  	s0 =	ssub.s32 s0, s2;
	s3 =	simm.s32 @!p1 $0xF0  }
0x5c: {  	s0 =	sadd.s32 $0xFFEC00F0, s0;
	s25 =	sshll.u32 s3, $0x7  }
0x5d: {  	s26 =	sshll.u32 s0, $0x2;
	s2 =	sand.u32 $0x3FFFFF80, s25  }
0x5e: {  	p1 =	sgt.s32 s0, $0xEF;
	s29 =	ssub.s32 $0x3C0, s26;
	_ =	swait.ge [sflag:s10], s2  }
0x5f: {  	s2 =	ssub.s32 $0x0, s2;
	[sflag:s10] =	ssyncset.done $0x0;
	s0 =	sshrl.u32 s29, $0x2  }
0x60: {  	[sflag:s10] =	ssyncadd.s32 s2;
	s0 =	simm.s32 @p1 $0x0  }
0x61: {  	_ =	swait.ge [sflag:s11], s0  }
0x62: {  	s0 =	ssub.s32 $0x0, s0;
	[sflag:s11] =	ssyncset.done $0x0  }
0x63: {  	[sflag:s11] =	ssyncadd.s32 s0  }
0x64: {  	v1 =	vld [tilespmem:$0xF208];
	_ =	sdelay $0x4  }
0x65: {  	(v2sf) =	vpush v1, $0x0  }
0x66: {  	(v2sf) =	vpush v1, $0x1  }
0x67: {  	(v2sf) =	vpush v1, $0x2;
	_ =	sdelay $0x3  }
0x68: {  	s0 =	sadd.s32 $0xF0, s22  }
0x69: {  	s2 =	ssub.s32 $0x280000, s22;
	p1 =	slt.s32 s8, s0  }
0x6a: {  	s0 =	smov.u32 @p1 s8;
	p1 =	sgt.s32 s2, $0x0  }
0x6b: {  	s26 =	ssub.s32 s0, s22;
	s2 =	simm.s32 @!p1 $0x0  }
0x6c: {  	p1 =	slt.s32 s2, s26  }
0x6d: {  	s26 =	smov.u32 @p1 s2  }
0x6e: {  	s25 =	simm.s32 $0x1;
	p1 =	slt.s32 s26, $0x1  }
.Ltmp4:
0x6f: {  	s25 =	simm.s32 @!p0 $0x0;
	(pc) =	sbr.rel @p1 .LBB2_8-.Ltmp4, $4  }
0x70: {  	s31 =	smul.u32 $0x3C0, s25  }
0x71: {  	s28 =	spop (v2sf)  }
0x72: {  	s0 =	sshrl.u32 s31, $0x2;
	s30 =	spop (v2sf)  }
0x73: {  	s23 =	sadd.s32 $0x10518, s0;
	s22 =	spop (v2sf)  }
0x74: {  	s0 =	smin.u32 s26, $0x10  }
0x75: {  	v1 =	vmov s0  }
0x76: {  	p2 =	sgt.s32 s26, $0x10;
	vm1 =	vgt.u32 v1, v0  }
.Ltmp5:
0x77: {  	_ = 	snop;
	(pc) =	sbr.rel @!p2 .LBB2_7-.Ltmp5, $2  }
0x78: {  	_ =	sdelay $0x2  }
0x79: {  	s4 =	simm.s32 $0x10;
	s24 =	sadd.s32 $0xFFFFFFF0, s26;
	s0 =	smov.u32 s23;
	vm0 =	vmmov vm1  }
.LBB2_6:
0x7a: {  	s2 =	smin.u32 s24, $0x10;
	s4 =	sadd.s32 $0x10, s4;
	v1 =	vld.msk [tilespmem:s0+$0x0 ss:$0x1], vm1  }
0x7b: {  	v2 =	vmov s2;
	p2 =	slt.s32 s4, s26  }
0x7c: {  	vm1 =	vgt.u32 v2, v0  }
.Ltmp6:
0x7d: {  	(pc) =	sbr.rel @p2 .LBB2_6-.Ltmp6, $3  }
0x7e: {  	_ =	sdelay $0x1  }
0x7f: {  	v1 =	vshll.u32 v1, $0x4  }
0x80: {  	s24 =	sadd.s32 $0xFFFFFFF0, s24;
	[tilespmem:s0+$0x0] =	vst.msk vm0, v1;
	s0 =	sadd.s32 $0x10, s0;
	vm0 =	vmmov vm1  }
.LBB2_7:
0x81: {  	_ =	sdelay $0x4  }
0x82: {  	v1 =	vld.msk [tilespmem:s0+$0x0 ss:$0x1], vm1;
	_ =	sdelay $0x4  }
0x83: {  	v1 =	vshll.u32 v1, $0x4  }
0x84: {  	[tilespmem:s0+$0x0] =	vst.msk vm0, v1  }
.LBB2_8:
0x85: {  	s0 =	sand.u32 $0x1, s21  }
0x86: {  	s0 =	smul.u32 $0xF0, s0  }
0x87: {  	p2 =	sne.s32 s30, $0xFFFFFFFF  }
0x88: {  	v1 =	vld.msk @!p2 [tilespmem:s0+$0x10518], $0x1;
	_ =	sdelay $0x4  }
0x89: {  	(v2sf) =	vpush @!p2 v1, $0x0;
	_ =	sdelay $0xc  }
.Ltmp7:
0x8a: {  	_ = 	snop;
	(pc) =	sbr.rel @p1 .LBB2_19-.Ltmp7, $4  }
0x8b: {  	_ = 	snop  }
0x8c: {  	s29 =	spop @!p2 (v2sf)  }
0x8d: {  	s22 =	simm.s32 @!p2 $0x0;
	s24 =	smov.u32 s29  }
0x8e: {  	[sflag:s18] =	ssyncpa.u1 $0x0;
	s29 =	smov.u32 @p2 s28;
	s24 =	smov.u32 @p2 s30  }
0x8f: {  	v1 =	vld.msk [tilespmem:s23+$0x0], $0x1;
	_ =	sdelay $0x4  }
0x90: {  	(v2sf) =	vpush v1, $0x0;
	_ =	sdelay $0xe  }
0x91: {  	s2 =	smul.u32 $0x1E000, s25;
	s0 =	spop (v2sf)  }
0x92: {  	s26 =	ssub.s32 $0x0, s26;
	p1 =	seq.s32 s29, s0  }
0x93: {  	s30 =	sadd.s32 $0x1, s26;
	s2 =	sshrl.u32 s2, $0x2;
	p2 =	sgt.s32 @!p1 s29, $0x0  }
0x94: {  	s25 =	sor.u32 $0x10738, s2;
	s2 =	smov.u32 s29;
	p2 =	por !p2, p1  }
0x95: {  	s2 =	simm.s32 @p2 $0x0;
	p2 =	seq.s32 s30, $0x0  }
.Ltmp8:
0x96: {  	_ = 	snop;
	(pc) =	sbr.rel @p2 .LBB2_11-.Ltmp8, $4  }
0x97: {  	_ = 	snop  }
0x98: {  	s28 =	simm.s32 $0x0;
	s31 =	sadd.s32 $0x1, s23;
	s2 =	smin.u32 @!p1 s2, $0x1387F0  }
0x99: {  	s4 =	simm.s32 @!p1 $0x1;
	s5 =	simm.s32 @!p1 $0x7988;
	s3 =	sand.u32 @!p1 $0x1FFFF8, s2  }
0x9a: {  	s4 =	smov.u32 @p1 s28;
	s2 =	sand.u32 @!p1 $0x7, s2;
	s3 =	sadd.s32 @!p1 s1, s3  }
.LBB2_10:
0x9b: {  	s9 =	smov.u32 s4  }
0x9c: {  	[tilespmem:s5], [sflag:$0x2] =	stream.linear.gather @!p1 [hbm4b:s3+s2], $0x80, $0x38;
	[tilespmem:$0x1F6F8] =	vst v63  }
0x9d: {  	s30 =	sadd.s32 $0x1, s30;
	s2 =	smov.u32 s0;
	v1 =	vld.msk [tilespmem:s31+$0x0], $0x1  }
0x9e: {  	p2 =	seq.s32 s30, $0x0;
	_ =	sdelay $0x3  }
0x9f: {  	(v2sf) =	vpush v1, $0x0;
	_ =	sdelay $0xe  }
0xa0: {  	s0 =	spop (v2sf)  }
0xa1: {  	p1 =	seq.s32 s2, s0  }
0xa2: {  	p3 =	sgt.s32 @!p1 s2, $0x0;
	s3 =	sshll.u32 @!p1 s4, $0x9;
	s4 =	sadd.s32 @!p1 $0x1, s4  }
.Ltmp9:
0xa3: {  	p3 =	por !p3, p1;
	s3 =	sshra.s32 @!p1 s3, $0x2;
	(pc) =	sbr.rel @!p2 .LBB2_10-.Ltmp9, $4  }
0xa4: {  	s4 =	smov.u32 @p1 s9;
	s2 =	simm.s32 @p3 $0x0;
	s5 =	sadd.s32 @!p1 $0x7988, s3  }
0xa5: {  	s2 =	smin.u32 @!p1 s2, $0x1387F0  }
0xa6: {  	s3 =	sand.u32 @!p1 $0x1FFFF8, s2;
	s2 =	sand.u32 @!p1 $0x7, s2  }
0xa7: {  	s31 =	sadd.s32 $0x1, s31;
	s3 =	sadd.s32 @!p1 s1, s3  }
.LBB2_11:
0xa8: {  	[tilespmem:s5], [sflag:$0x2] =	stream.linear.gather @!p1 [hbm4b:s3+s2], $0x80, $0x38;
	[tilespmem:$0x1F6F8] =	vst v63  }
.Ltmp10:
0xa9: {  	s0 =	sshll.u32 s4, $0x7;
	(pc) =	sbr.rel .LBB2_12-.Ltmp10, $4  }
0xaa: {  	s30 =	simm.s32 $0x2;
	s0 =	sand.u32 $0x3FFFFF80, s0  }
0xab: {  	_ =	swait.ge [sflag:s30], s0  }
0xac: {  	s0 =	ssub.s32 $0x0, s0;
	[sflag:s30] =	ssyncset.done $0x0  }
0xad: {  	s31 =	simm.s32 $0x0;
	[sflag:s30] =	ssyncadd.s32 s0  }
.LBB2_13:
0xae: {  	v1 =	vld [tilespmem:s25+$0xFFFFFFC0];
	_ =	sdelay $0x3  }
0xaf: {  	s0 =	sshra.s32 s0, $0x2  }
0xb0: {  	[tilespmem:s0+$0x108] =	vst.add.f32.msk $0xffff, v1  }
0xb1: {  	v1 =	vld [tilespmem:s25+$0xFFFFFFD0];
	_ =	sdelay $0x4  }
0xb2: {  	[tilespmem:s0+$0x118] =	vst.add.f32.msk $0xffff, v1  }
0xb3: {  	v1 =	vld [tilespmem:s25+$0xFFFFFFE0];
	_ =	sdelay $0x4  }
0xb4: {  	[tilespmem:s0+$0x128] =	vst.add.f32.msk $0xffff, v1  }
0xb5: {  	v1 =	vld [tilespmem:s25+$0xFFFFFFF0];
	_ =	sdelay $0x4  }
0xb6: {  	[tilespmem:s0+$0x138] =	vst.add.f32.msk $0xffff, v1  }
0xb7: {  	v1 =	vld [tilespmem:s25+$0x0];
	_ =	sdelay $0x4  }
0xb8: {  	[tilespmem:s0+$0x148] =	vst.add.f32.msk $0xffff, v1  }
0xb9: {  	v1 =	vld [tilespmem:s25+$0x10];
	_ =	sdelay $0x4  }
0xba: {  	[tilespmem:s0+$0x158] =	vst.add.f32.msk $0xffff, v1  }
0xbb: {  	v1 =	vld [tilespmem:s25+$0x20];
	_ =	sdelay $0x4  }
0xbc: {  	[tilespmem:s0+$0x168] =	vst.add.f32.msk $0xffff, v1  }
0xbd: {  	v1 =	vld [tilespmem:s25+$0x30];
	_ =	sdelay $0x4  }
0xbe: {  	[tilespmem:s0+$0x178] =	vst.add.f32.msk $0xffff, v1  }
.LBB2_17:
0xbf: {  	s26 =	sadd.s32 $0x1, s26  }
0xc0: {  	p1 =	seq.s32 s26, $0x0  }
.Ltmp11:
0xc1: {  	_ = 	snop;
	(pc) =	sbr.rel @p1 .LBB2_18-.Ltmp11, $2  }
0xc2: {  	_ =	sdelay $0x2  }
0xc3: {  	s23 =	sadd.s32 $0x1, s23;
	s25 =	sadd.s32 $0x80, s25;
	s29 =	smov.u32 s30  }
.LBB2_12:
0xc4: {  	v1 =	vld.msk [tilespmem:s23+$0x0], $0x1;
	_ =	sdelay $0x4  }
0xc5: {  	(v2sf) =	vpush v1, $0x0;
	_ =	sdelay $0xe  }
0xc6: {  	s30 =	spop (v2sf)  }
0xc7: {  	p1 =	sne.s32 s29, s30  }
.Ltmp12:
0xc8: {  	_ = 	snop;
	(pc) =	sbr.rel @!p1 .LBB2_13-.Ltmp12, $2  }
0xc9: {  	_ =	sdelay $0x2  }
0xca: {  	s0 =	sshll.u32 s22, $0x9  }
0xcb: {  	p1 =	seq.s32 s29, s24  }
.Ltmp13:
0xcc: {  	_ = 	snop;
	(pc) =	sbr.rel @!p1 .LBB2_15-.Ltmp13, $1  }
0xcd: {  	_ =	sdelay $0x3  }
0xce: {  	s0 =	sshra.s32 s0, $0x2  }
.Ltmp14:
0xcf: {  	s0 =	sadd.s32 $0x108, s0;
	(pc) =	sbr.rel .LBB2_16-.Ltmp14, $4  }
0xd0: {  	[spmem:s16] =	stream.linear.scatter [tilespmem:s0], [sflag:$0x1], $0x80, $0x38;
	[tilespmem:$0x1F6F8] =	vst v63  }
0xd1: {  	_ =	swait.ge [sflag:s12], $0x80  }
0xd2: {  	[sflag:s12] =	ssyncset.done $0x0  }
0xd3: {  	[sflag:s12] =	ssyncadd.s32 $0xFFFFFF80  }
.LBB2_15:
0xd4: {  	s2 =	sshll.u32 s28, $0x9  }
0xd5: {  	s2 =	sshra.s32 s2, $0x2  }
0xd6: {  	v1 =	vld [tilespmem:s2+$0x7988];
	_ =	sdelay $0x3  }
0xd7: {  	s0 =	sshra.s32 s0, $0x2  }
0xd8: {  	[tilespmem:s0+$0x108] =	vst.add.f32.msk $0xffff, v1  }
0xd9: {  	v1 =	vld [tilespmem:s2+$0x7998];
	_ =	sdelay $0x4  }
0xda: {  	[tilespmem:s0+$0x118] =	vst.add.f32.msk $0xffff, v1  }
0xdb: {  	v1 =	vld [tilespmem:s2+$0x79A8];
	_ =	sdelay $0x4  }
0xdc: {  	[tilespmem:s0+$0x128] =	vst.add.f32.msk $0xffff, v1  }
0xdd: {  	v1 =	vld [tilespmem:s2+$0x79B8];
	_ =	sdelay $0x4  }
0xde: {  	[tilespmem:s0+$0x138] =	vst.add.f32.msk $0xffff, v1  }
0xdf: {  	v1 =	vld [tilespmem:s2+$0x79C8];
	_ =	sdelay $0x4  }
0xe0: {  	[tilespmem:s0+$0x148] =	vst.add.f32.msk $0xffff, v1  }
0xe1: {  	v1 =	vld [tilespmem:s2+$0x79D8];
	_ =	sdelay $0x4  }
0xe2: {  	[tilespmem:s0+$0x158] =	vst.add.f32.msk $0xffff, v1  }
0xe3: {  	v1 =	vld [tilespmem:s2+$0x79E8];
	_ =	sdelay $0x4  }
0xe4: {  	[tilespmem:s0+$0x168] =	vst.add.f32.msk $0xffff, v1  }
0xe5: {  	v1 =	vld [tilespmem:s2+$0x79F8];
	_ =	sdelay $0x2  }
0xe6: {  	p1 =	sgt.u32 s29, $0x1387F0  }
0xe7: {  	s2 =	sand.u32 @!p1 $0x1FFFF8, s29  }
0xe8: {  	s3 =	sadd.s32 $0x108, s0;
	[tilespmem:s0+$0x178] =	vst.add.f32.msk $0xffff, v1;
	s0 =	sadd.s32 @!p1 s1, s2;
	s2 =	sand.u32 @!p1 $0x7, s29  }
0xe9: {  	[hbm4b:s0+s2] =	stream.linear.scatter @!p1 [tilespmem:s3], [sflag:$0xC], $0x80, $0x38;
	[tilespmem:$0x1F6F8] =	vst v63  }
0xea: {  	s0 =	simm.s32 $0x0  }
0xeb: {  	s0 =	simm.s32 @!p1 $0x200  }
0xec: {  	s31 =	sadd.s32 s0, s31  }
.LBB2_16:
0xed: {  	s0 =	sadd.s32 $0x1, s22  }
0xee: {  	s2 =	smulhi.u32 $0x88888889, s0;
	_ =	sdelay $0x1  }
0xef: {  	v1 =	vld [tilespmem:s25+$0xFFFFFFC0];
	s2 =	sshrl.u32 s2, $0x7  }
0xf0: {  	s2 =	smul.u32 $0xF0, s2;
	_ =	sdelay $0x1  }
0xf1: {  	s22 =	ssub.s32 s0, s2  }
0xf2: {  	s0 =	sshll.u32 s22, $0x7  }
0xf3: {  	[tilespmem:s0+$0x108] =	vst v1  }
0xf4: {  	v1 =	vld [tilespmem:s25+$0xFFFFFFD0];
	_ =	sdelay $0x4  }
0xf5: {  	[tilespmem:s0+$0x118] =	vst v1  }
0xf6: {  	v1 =	vld [tilespmem:s25+$0xFFFFFFE0];
	_ =	sdelay $0x4  }
0xf7: {  	[tilespmem:s0+$0x128] =	vst v1  }
0xf8: {  	v1 =	vld [tilespmem:s25+$0xFFFFFFF0];
	_ =	sdelay $0x4  }
0xf9: {  	[tilespmem:s0+$0x138] =	vst v1  }
0xfa: {  	v1 =	vld [tilespmem:s25+$0x0];
	_ =	sdelay $0x4  }
0xfb: {  	[tilespmem:s0+$0x148] =	vst v1  }
0xfc: {  	v1 =	vld [tilespmem:s25+$0x10];
	_ =	sdelay $0x4  }
0xfd: {  	[tilespmem:s0+$0x158] =	vst v1  }
0xfe: {  	v1 =	vld [tilespmem:s25+$0x20];
	_ =	sdelay $0x4  }
0xff: {  	[tilespmem:s0+$0x168] =	vst v1  }
0x100: {  	v1 =	vld [tilespmem:s25+$0x30]  }
.Ltmp15:
0x101: {  	_ = 	snop;
	(pc) =	sbr.rel .LBB2_17-.Ltmp15, $2  }
0x102: {  	_ =	sdelay $0x2  }
0x103: {  	s28 =	sadd.s32 $0x1, s28;
	[tilespmem:s0+$0x178] =	vst v1  }
.LBB2_19:
.Ltmp16:
0x104: {  	(pc) =	sbr.rel .LBB2_20-.Ltmp16, $4  }
0x105: {  	_ = 	snop  }
0x106: {  	s0 =	simm.s32 $0x2  }
0x107: {  	_ =	swait.ge [sflag:s0], $0x0  }
0x108: {  	s30 =	smov.u32 s29;
	[sflag:s0] =	ssyncset.done $0x0;
	s0 =	simm.s32 $0x0  }
.LBB2_22:
0x109: {  	_ =	sfence.sel $0x180000  }
0x10a: {  	s0 =	simm.s32 $0x9;
	[bflag:$0x0] =	sbarrier.arrive $0xFFFF  }
0x10b: {  	s24 =	simm.s32 $0xA;
	[sflag:s0] =	ssyncpa.u1 $0x1  }
0x10c: {  	s25 =	simm.s32 $0xB;
	[sflag:s24] =	ssyncpa.u1 $0x1  }
0x10d: {  	s26 =	simm.s32 $0x2;
	[sflag:s25] =	ssyncpa.u1 $0x1  }
0x10e: {  	[sflag:s26] =	ssyncpa.u1 $0x1  }
0x10f: {  	v0 =	vld [tilespmem:$0xF208];
	_ =	sdelay $0x4  }
0x110: {  	(v2sf) =	vpush v0, $0x0  }
0x111: {  	(v2sf) =	vpush v0, $0x1;
	_ =	sdelay $0x1  }
0x112: {  	(v2sf) =	vpush v0, $0x2;
	_ =	sdelay $0xb  }
0x113: {  	s0 =	spop (v2sf)  }
0x114: {  	s2 =	spop (v2sf)  }
0x115: {  	s3 =	smov.u32 s0;
	p0 =	sne.s32 s0, s2  }
0x116: {  	s4 =	spop (v2sf);
	s3 =	simm.s32 @!p0 $0xFFFFFFFF  }
0x117: {  	v2 =	vimm.s32 $0x1;
	v3 =	vlaneseq.u32;
	p0 =	seq.s32 s4, $0xFFFFFFFF;
	v1 =	vmov s3  }
0x118: {  	s16 =	stileid.u32;
	v0 =	vperm.xlane v0, v2;
	p1 =	sne.s32 @!p0 s0, s2;
	v1 =	vperm.xlane v1, v3  }
0x119: {  	vm0 =	vcmask $0x3F04;
	s6 =	simm.s32 $0xF208;
	s0 =	simm.s32 @!p0 $0x1;
	p1 =	por !p1, p0  }
0x11a: {  	s3 =	sshll.u32 s16, $0x1;
	s2 =	sshll.u32 @!p0 s4, $0x9;
	s0 =	simm.s32 @p1 $0x0;
	v0 =	vsel vm0, v1, v0  }
0x11b: {  	s5 =	sor.u32 $0x1000, s3;
	s2 =	sshra.s32 @!p0 s2, $0x2;
	s0 =	sor.u32 @!p0 s0, s3;
	[tilespmem:$0xF208] =	vst v0  }
0x11c: {  	[spmem:s5] =	stream.linear.scatter [tilespmem:s6], [sflag:$0x1], $0x2, $0x38;
	[tilespmem:$0x1F6F8] =	vst v63  }
0x11d: {  	s2 =	sadd.s32 @!p0 $0x108, s2;
	s0 =	sshll.u32 @!p0 s0, $0x7  }
0x11e: {  	[spmem:s0] =	stream.linear.scatter @!p0 [tilespmem:s2], [sflag:$0x1], $0x80, $0x38;
	[tilespmem:$0x1F6F8] =	vst v63  }
0x11f: {  	s0 =	simm.s32 @!p0 $0x82  }
0x120: {  	s28 =	simm.s32 $0x1;
	s0 =	simm.s32 @p0 $0x2  }
0x121: {  	_ =	swait.ge [sflag:s28], s0  }
0x122: {  	s0 =	ssub.s32 $0x0, s0;
	[sflag:s28] =	ssyncset.done $0x0  }
0x123: {  	p0 =	sne.s32 s16, $0x0;
	[sflag:s28] =	ssyncadd.s32 s0  }
.Ltmp17:
0x124: {  	_ =	sfence.stream.spmem;
	(pc) =	sbr.rel @p0 .LBB2_39-.Ltmp17, $4  }
0x125: {  	s29 =	simm.s32 $0x3;
	[bflag:$0x0] =	sbarrier.arrive $0xFFFF  }
0x126: {  	s30 =	simm.s32 $0x4;
	[sflag:s29] =	ssyncpa.u1 $0x1  }
0x127: {  	s31 =	simm.s32 $0x3C;
	[sflag:s30] =	ssyncpa.u1 $0x1  }
0x128: {  	s15 =	rddreg [dreg:$0x4];
	[sflag:s31] =	ssyncpa.u1 $0x1  }
0x129: {  	_ =	sfence.stream.spmem;
	s0 =	simm.s32 $0x5  }
0x12a: {  	s2 =	simm.s32 $0x1000;
	s3 =	simm.s32 $0xF218;
	[sflag:s0] =	ssyncpa.u1 $0x0  }
0x12b: {  	[tilespmem:s3], [sflag:$0x5] =	stream.linear.gather [spmem:s2], $0x20, $0x38;
	[tilespmem:$0x1F6F8] =	vst v63  }
0x12c: {  	s26 =	simm.s32 $0x0;
	s28 =	simm.s32 $0xF238  }
0x12d: {  	[tilespmem:s28], [sflag:$0x5] =	stream.linear.gather [spmem:s26], $0x1000, $0x38;
	[tilespmem:$0x1F6F8] =	vst v63  }
0x12e: {  	_ =	swait.ge [sflag:s0], $0x1020  }
0x12f: {  	[sflag:s0] =	ssyncset.done $0x0  }
0x130: {  	s29 =	simm.s32 $0x0;
	[sflag:s0] =	ssyncadd.s32 $0xFFFFEFE0  }
0x131: {  	v0 =	vld.msk [tilespmem:s29+$0xF218], $0x1;
	_ =	sdelay $0x1  }
0x132: {  	s30 =	simm.s32 $0x1  }
0x133: {  	v1 =	vld.msk [tilespmem:s30+$0xF218], $0x1;
	_ =	sdelay $0x1  }
0x134: {  	(v2sf) =	vpush v0, $0x0;
	_ =	sdelay $0x2  }
0x135: {  	(v2sf) =	vpush v1, $0x0;
	_ =	sdelay $0x2  }
0x136: {  	s31 =	simm.s32 $0x2  }
0x137: {  	v0 =	vld.msk [tilespmem:s31+$0xF218], $0x1;
	_ =	sdelay $0x2  }
0x138: {  	s4 =	simm.s32 $0xFFFFFFFF;
	s5 =	simm.s32 $0xFFFFFFFF;
	s0 =	simm.s32 $0xC  }
.LBB2_24:
0x139: {  	s2 =	smov.u32 s5;
	s3 =	smov.u32 s4  }
0x13a: {  	s4 =	sshra.s32 s0, $0x2;
	p1 =	sne.s32 s0, $0x7C;
	s0 =	sadd.s32 $0x4, s0;
	(v2sf) =	vpush v0, $0x0  }
0x13b: {  	v0 =	vld.msk [tilespmem:s4+$0xF218], $0x1  }
.Ltmp18:
0x13c: {  	(pc) =	sbr.rel @p1 .LBB2_24-.Ltmp18, $4  }
0x13d: {  	s5 =	spop (v2sf)  }
0x13e: {  	p2 =	sne.s32 s3, $0xFFFFFFFF;
	s4 =	smov.u32 s5  }
0x13f: {  	p3 =	seq.s32 s5, $0xFFFFFFFF;
	s4 =	smov.u32 @p2 s3  }
0x140: {  	s5 =	smov.u32 @p3 s2;
	s4 =	smov.u32 @p3 s3  }
0x141: {  	(v2sf) =	vpush v0, $0x0;
	_ =	sdelay $0x8  }
0x142: {  	s0 =	spop (v2sf)  }
0x143: {  	p1 =	sne.s32 s4, $0xFFFFFFFF;
	s2 =	smov.u32 s0  }
0x144: {  	s9 =	simm.s32 $0x6;
	p2 =	seq.s32 s0, $0xFFFFFFFF;
	s2 =	smov.u32 @p1 s4  }
0x145: {  	s6 =	simm.s32 $0x0;
	s2 =	smov.u32 @p2 s4;
	s3 =	spop (v2sf)  }
0x146: {  	s0 =	smov.u32 @p2 s5;
	p1 =	sne.s32 s2, $0xFFFFFFFF;
	s4 =	smov.u32 s3  }
.Ltmp19:
0x147: {  	p2 =	seq.s32 s3, $0xFFFFFFFF;
	s4 =	smov.u32 @p1 s2;
	(pc) =	sbr.rel .LBB2_26-.Ltmp19, $4  }
0x148: {  	s10 =	simm.s32 $0xF188;
	s4 =	smov.u32 @p2 s2;
	s7 =	spop (v2sf)  }
0x149: {  	s11 =	simm.s32 $0x0;
	p1 =	sne.s32 s4, $0xFFFFFFFF;
	s8 =	smov.u32 s7  }
0x14a: {  	s3 =	smov.u32 @p2 s0;
	p2 =	seq.s32 s7, $0xFFFFFFFF;
	s8 =	smov.u32 @p1 s4  }
0x14b: {  	[sflag:s9] =	ssyncpa.u1 $0x0;
	s7 =	smov.u32 @p2 s3;
	s8 =	smov.u32 @p2 s4  }
.LBB2_32:
0x14c: {  	p1 =	sgt.u32 s12, $0x1387F0  }
0x14d: {  	p2 =	seq.s32 @!p1 s12, s8  }
0x14e: {  	p1 =	por p1, p2  }
0x14f: {  	p2 =	sne.s32 @!p1 s12, s7  }
0x150: {  	p1 =	por p1, !p2  }
0x151: {  	s0 =	sshll.u32 @p1 s11, $0x9  }
0x152: {  	s0 =	sand.u32 @!p1 $0x1FFFF8, s12  }
0x153: {  	s2 =	sand.u32 @!p1 $0x7, s12;
	s0 =	sadd.s32 @!p1 s1, s0  }
0x154: {  	[tilespmem:s10], [sflag:$0x6] =	stream.linear.gather @!p1 [hbm4b:s0+s2], $0x80, $0x38;
	[tilespmem:$0x1F6F8] =	vst v63  }
0x155: {  	_ =	swait.ge @!p1 [sflag:s9], $0x80  }
0x156: {  	[sflag:s9] =	ssyncset.done @!p1 $0x0  }
0x157: {  	[sflag:s9] =	ssyncadd.s32 @!p1 $0xFFFFFF80  }
0x158: {  	v1 =	vld @!p1 [tilespmem:$0xF188];
	_ =	sdelay $0x2  }
0x159: {  	s0 =	sshll.u32 @!p1 s11, $0x9  }
0x15a: {  	s2 =	sshrl.u32 @!p1 s0, $0x2  }
0x15b: {  	[tilespmem:s2+$0xF238] =	vst.add.f32.msk @!p1 $0xffff, v1  }
0x15c: {  	v1 =	vld @!p1 [tilespmem:$0xF198];
	_ =	sdelay $0x4  }
0x15d: {  	[tilespmem:s2+$0xF248] =	vst.add.f32.msk @!p1 $0xffff, v1  }
0x15e: {  	v1 =	vld @!p1 [tilespmem:$0xF1A8];
	_ =	sdelay $0x4  }
0x15f: {  	[tilespmem:s2+$0xF258] =	vst.add.f32.msk @!p1 $0xffff, v1  }
0x160: {  	v1 =	vld @!p1 [tilespmem:$0xF1B8];
	_ =	sdelay $0x4  }
0x161: {  	[tilespmem:s2+$0xF268] =	vst.add.f32.msk @!p1 $0xffff, v1  }
0x162: {  	v1 =	vld @!p1 [tilespmem:$0xF1C8];
	_ =	sdelay $0x4  }
0x163: {  	[tilespmem:s2+$0xF278] =	vst.add.f32.msk @!p1 $0xffff, v1  }
0x164: {  	v1 =	vld @!p1 [tilespmem:$0xF1D8];
	_ =	sdelay $0x4  }
0x165: {  	[tilespmem:s2+$0xF288] =	vst.add.f32.msk @!p1 $0xffff, v1  }
0x166: {  	v1 =	vld @!p1 [tilespmem:$0xF1E8];
	_ =	sdelay $0x4  }
0x167: {  	[tilespmem:s2+$0xF298] =	vst.add.f32.msk @!p1 $0xffff, v1  }
0x168: {  	v1 =	vld @!p1 [tilespmem:$0xF1F8];
	_ =	sdelay $0x4  }
0x169: {  	[tilespmem:s2+$0xF2A8] =	vst.add.f32.msk @!p1 $0xffff, v1  }
0x16a: {  	s0 =	sshrl.u32 s0, $0x2;
	[tilespmem:s6+$0xF218] =	vst.msk $0x1, v0  }
0x16b: {  	v0 =	vld [tilespmem:s0+$0xF238];
	_ =	sdelay $0x2  }
0x16c: {  	s31 =	sshll.u32 s6, $0x9  }
0x16d: {  	s2 =	sshra.s32 s31, $0x2  }
0x16e: {  	[tilespmem:s2+$0xF238] =	vst v0  }
0x16f: {  	v0 =	vld [tilespmem:s0+$0xF248];
	_ =	sdelay $0x4  }
0x170: {  	[tilespmem:s2+$0xF248] =	vst v0  }
0x171: {  	v0 =	vld [tilespmem:s0+$0xF258];
	_ =	sdelay $0x4  }
0x172: {  	[tilespmem:s2+$0xF258] =	vst v0  }
0x173: {  	v0 =	vld [tilespmem:s0+$0xF268];
	_ =	sdelay $0x4  }
0x174: {  	[tilespmem:s2+$0xF268] =	vst v0  }
0x175: {  	v0 =	vld [tilespmem:s0+$0xF278];
	_ =	sdelay $0x4  }
0x176: {  	[tilespmem:s2+$0xF278] =	vst v0  }
0x177: {  	v0 =	vld [tilespmem:s0+$0xF288];
	_ =	sdelay $0x4  }
0x178: {  	[tilespmem:s2+$0xF288] =	vst v0  }
0x179: {  	v0 =	vld [tilespmem:s0+$0xF298];
	_ =	sdelay $0x4  }
0x17a: {  	[tilespmem:s2+$0xF298] =	vst v0  }
0x17b: {  	v0 =	vld [tilespmem:s0+$0xF2A8];
	_ =	sdelay $0x4  }
0x17c: {  	s6 =	sadd.s32 $0x1, s6;
	[tilespmem:s2+$0xF2A8] =	vst v0  }
.LBB2_33:
0x17d: {  	s11 =	sadd.s32 $0x1, s11  }
0x17e: {  	p1 =	sne.s32 s11, $0x20  }
.Ltmp20:
0x17f: {  	_ = 	snop;
	(pc) =	sbr.rel @!p1 .LBB2_34-.Ltmp20, $1  }
0x180: {  	_ =	sdelay $0x3  }
.LBB2_26:
0x181: {  	v0 =	vld.msk [tilespmem:s11+$0xF218], $0x1;
	_ =	sdelay $0x4  }
0x182: {  	(v2sf) =	vpush v0, $0x0;
	_ =	sdelay $0xe  }
0x183: {  	s12 =	spop (v2sf)  }
0x184: {  	p1 =	seq.s32 s12, $0xFFFFFFFF  }
.Ltmp21:
0x185: {  	_ = 	snop;
	(pc) =	sbr.rel @p1 .LBB2_33-.Ltmp21, $1  }
0x186: {  	_ =	sdelay $0x3  }
0x187: {  	p1 =	slt.s32 s6, $0x1  }
.Ltmp22:
0x188: {  	_ = 	snop;
	(pc) =	sbr.rel @p1 .LBB2_32-.Ltmp22, $1  }
0x189: {  	_ =	sdelay $0x3  }
0x18a: {  	s13 =	simm.s32 $0xF218;
	p1 =	por $0x0, $0x0  }
0x18b: {  	v1 =	vld.msk @!p1 [tilespmem:s13+$0x0], $0x1;
	_ =	sdelay $0x4  }
0x18c: {  	(v2sf) =	vpush @!p1 v1, $0x0;
	_ =	sdelay $0xd  }
0x18d: {  	p3 =	sne.s32 s6, $0x1  }
.Ltmp23:
0x18e: {  	s0 =	spop @!p1 (v2sf);
	(pc) =	sbr.rel @!p3 .LBB2_30-.Ltmp23, $4  }
0x18f: {  	p2 =	seq.s32 @!p1 s12, s0  }
0x190: {  	s14 =	simm.s32 $0x0;
	p2 =	por !p2, p1  }
0x191: {  	s2 =	simm.s32 $0xFFFFFFFF;
	s14 =	simm.s32 @p2 $0xFFFFFFFF  }
0x192: {  	s0 =	simm.s32 $0x1;
	s14 =	smov.u32 @p1 s2  }
.LBB2_29:
0x193: {  	s2 =	smov.u32 s14;
	p1 =	sne.s32 s14, $0xFFFFFFFF  }
0x194: {  	s13 =	sadd.s32 $0x1, s13;
	s14 =	smov.u32 s0;
	s0 =	sadd.s32 $0x1, s0  }
0x195: {  	p2 =	sne.s32 s6, s0;
	v1 =	vld.msk @!p1 [tilespmem:s13+$0x0], $0x1;
	_ =	sdelay $0x4  }
0x196: {  	(v2sf) =	vpush @!p1 v1, $0x0;
	_ =	sdelay $0xe  }
.Ltmp24:
0x197: {  	s3 =	spop @!p1 (v2sf);
	(pc) =	sbr.rel @p2 .LBB2_29-.Ltmp24, $4  }
0x198: {  	p3 =	seq.s32 @!p1 s12, s3  }
0x199: {  	p3 =	por !p3, p1  }
0x19a: {  	s14 =	simm.s32 @p3 $0xFFFFFFFF  }
0x19b: {  	s14 =	smov.u32 @p1 s2  }
.LBB2_30:
0x19c: {  	p1 =	seq.s32 s14, $0xFFFFFFFF  }
.Ltmp25:
0x19d: {  	_ = 	snop;
	(pc) =	sbr.rel @p1 .LBB2_32-.Ltmp25, $1  }
0x19e: {  	_ =	sdelay $0x3  }
0x19f: {  	s0 =	sshll.u32 s11, $0x7  }
0x1a0: {  	s0 =	sand.u32 $0x3FFFFF80, s0  }
0x1a1: {  	v0 =	vld [tilespmem:s0+$0xF238];
	_ =	sdelay $0x2  }
0x1a2: {  	s2 =	sshll.u32 s14, $0x9  }
0x1a3: {  	s2 =	sshra.s32 s2, $0x2  }
0x1a4: {  	[tilespmem:s2+$0xF238] =	vst.add.f32.msk $0xffff, v0  }
0x1a5: {  	v0 =	vld [tilespmem:s0+$0xF248];
	_ =	sdelay $0x4  }
0x1a6: {  	[tilespmem:s2+$0xF248] =	vst.add.f32.msk $0xffff, v0  }
0x1a7: {  	v0 =	vld [tilespmem:s0+$0xF258];
	_ =	sdelay $0x4  }
0x1a8: {  	[tilespmem:s2+$0xF258] =	vst.add.f32.msk $0xffff, v0  }
0x1a9: {  	v0 =	vld [tilespmem:s0+$0xF268];
	_ =	sdelay $0x4  }
0x1aa: {  	[tilespmem:s2+$0xF268] =	vst.add.f32.msk $0xffff, v0  }
0x1ab: {  	v0 =	vld [tilespmem:s0+$0xF278];
	_ =	sdelay $0x4  }
0x1ac: {  	[tilespmem:s2+$0xF278] =	vst.add.f32.msk $0xffff, v0  }
0x1ad: {  	v0 =	vld [tilespmem:s0+$0xF288];
	_ =	sdelay $0x4  }
0x1ae: {  	[tilespmem:s2+$0xF288] =	vst.add.f32.msk $0xffff, v0  }
0x1af: {  	v0 =	vld [tilespmem:s0+$0xF298];
	_ =	sdelay $0x4  }
0x1b0: {  	[tilespmem:s2+$0xF298] =	vst.add.f32.msk $0xffff, v0  }
0x1b1: {  	v0 =	vld [tilespmem:s0+$0xF2A8]  }
.Ltmp26:
0x1b2: {  	_ = 	snop;
	(pc) =	sbr.rel .LBB2_33-.Ltmp26, $2  }
0x1b3: {  	_ =	sdelay $0x2  }
0x1b4: {  	[tilespmem:s2+$0xF2A8] =	vst.add.f32.msk $0xffff, v0  }
.LBB2_34:
0x1b5: {  	s0 =	simm.s32 $0x6;
	p1 =	seq.s32 s6, $0x0  }
0x1b6: {  	[sflag:s0] =	ssyncpa.u1 $0x1;
	v0 =	vimm.s32 @p1 $0xFFFFFFFF  }
0x1b7: {  	s9 =	sadd.s32 $0xFFFFFFFF, s6;
	[tilespmem:$0x10238] =	vst @p1 v0  }
0x1b8: {  	v0 =	vld.msk @!p1 [tilespmem:s9+$0xF218], $0x1;
	_ =	sdelay $0x1  }
0x1b9: {  	v1 =	vld.msk @!p1 [tilespmem:$0xF218], $0x1;
	_ =	sdelay $0x2  }
0x1ba: {  	p2 =	seq.s32 @!p1 s9, $0x0;
	v0 =	vbroadcast @!p1 v0, $0x0  }
0x1bb: {  	vm0 =	vmmov @!p1 $0x1;
	p2 =	por !p2, p1  }
0x1bc: {  	v1 =	vnsel @!p1 vm0, $0xFFFFFFFF, v1;
	vm0 =	vcmask @!p1 $0x308;
	v0 =	vpsel !p2, $0xFFFFFFFF, v0  }
0x1bd: {  	p2 =	sne.s32 @!p1 s8, s7;
	v0 =	vsel @!p1 vm0, v1, v0  }
0x1be: {  	s0 =	simm.s32 @!p1 $0xF238;
	s2 =	simm.s32 @!p1 $0x0;
	p3 =	por !p2, p1;
	[tilespmem:$0x10238] =	vst @!p1 v0  }
0x1bf: {  	[spmem:s2] =	stream.linear.scatter @!p1 [tilespmem:s0], [sflag:$0x1], $0x80, $0x38;
	[tilespmem:$0x1F6F8] =	vst v63  }
0x1c0: {  	s0 =	sshll.u32 @!p3 s9, $0x9  }
0x1c1: {  	s0 =	sshra.s32 @!p3 s0, $0x2  }
0x1c2: {  	s2 =	simm.s32 @!p3 $0x80;
	s0 =	sadd.s32 @!p3 $0xF238, s0  }
0x1c3: {  	[spmem:s2] =	stream.linear.scatter @!p3 [tilespmem:s0], [sflag:$0x1], $0x80, $0x38;
	[tilespmem:$0x1F6F8] =	vst v63  }
0x1c4: {  	s0 =	simm.s32 @!p3 $0x1  }
0x1c5: {  	_ =	swait.ge @!p3 [sflag:s0], $0x100  }
0x1c6: {  	p1 =	por p2, p1;
	[sflag:s0] =	ssyncset.done @!p3 $0x0  }
0x1c7: {  	[sflag:s0] =	ssyncadd.s32 @!p3 $0xFFFFFF00;
	s0 =	simm.s32 @!p1 $0x1  }
0x1c8: {  	_ =	swait.ge @!p1 [sflag:s0], $0x80  }
0x1c9: {  	s29 =	simm.s32 $0x10238;
	[sflag:s0] =	ssyncset.done @!p1 $0x0  }
0x1ca: {  	s30 =	simm.s32 $0x1000;
	s31 =	simm.s32 $0x1;
	[sflag:s0] =	ssyncadd.s32 @!p1 $0xFFFFFF80  }
0x1cb: {  	[spmem:s30] =	stream.linear.scatter [tilespmem:s29], [sflag:$0x1], $0x10, $0x38;
	[tilespmem:$0x1F6F8] =	vst v63  }
0x1cc: {  	_ =	swait.ge [sflag:s31], $0x10  }
0x1cd: {  	[sflag:s31] =	ssyncset.done $0x0  }
0x1ce: {  	p1 =	seq.s32 s15, $0x0;
	s8 =	rddreg [dreg:$0x1];
	[sflag:s31] =	ssyncadd.s32 $0xFFFFFFF0  }
0x1cf: {  	s2 =	sshll.u32 @p1 s8, $0xE;
	s7 =	rddreg [dreg:$0x2]  }
0x1d0: {  	s0 =	sadd.s32 @p1 $0x15C3C, s2;
	s2 =	sshll.u32 @p1 s7, $0x11  }
0x1d1: {  	_ =	sfence.stream.spmem;
	s0 =	sor.u32 @p1 s2, s0  }
0x1d2: {  	[sflag:s0] =	ssyncadd.remote.s32 @p1 $0x1;
	s0 =	simm.s32 @p1 $0x4  }
0x1d3: {  	s3 =	simm.s32 @!p1 $0x3C;
	s2 =	sand.u32 $0xFFFFFFFE, s8;
	_ =	swait.ge @p1 [sflag:s0], $0x22  }
0x1d4: {  	s4 =	simm.s32 @!p1 $0x0;
	s2 =	sadd.s32 @!p1 $0x4, s2;
	[sflag:s0] =	ssyncset.done @p1 $0x0  }
0x1d5: {  	s5 =	simm.s32 @!p1 $0x100;
	[sflag:s0] =	ssyncadd.s32 @p1 $0xFFFFFFDE;
	s0 =	sshll.u32 @!p1 s2, $0x1A  }
0x1d6: {  	s2 =	sshll.u32 @!p1 s2, $0xD;
	s0 =	sor.u32 @!p1 s0, s7;
	_ =	swait.eq @!p1 [sflag:s3], $0x1  }
0x1d7: {  	s2 =	sor.u32 @!p1 $0x1C04, s2;
	s3 =	simm.s32 @!p1 $0x1C03;
	s0 =	sor.u32 @!p1 $0x80004000, s0  }
0x1d8: {  	[spmem:s5], [sflag:s2] =	dma.general @!p1 [spmem:s4], [sflag:s3], length:$0x20, [dreg:$0x0], stride_count:$0x0, ici_dest:s0, dma_misc:DstOpCode:WRITE  }
0x1d9: {  	p2 =	slt.s32 s9, $0x2;
	s4 =	simm.s32 @!p1 $0x200;
	s5 =	simm.s32 @!p1 $0x202  }
0x1da: {  	[spmem:s5], [sflag:s2] =	dma.general @!p1 [spmem:s4], [sflag:s3], length:$0x2, [dreg:$0x0], stride_count:$0x0, ici_dest:s0, dma_misc:DstOpCode:WRITE  }
.Ltmp27:
0x1db: {  	s0 =	simm.s32 @!p1 $0x3;
	(pc) =	sbr.rel @p2 .LBB2_38-.Ltmp27, $4  }
0x1dc: {  	s2 =	sshll.u32 @!p1 s8, $0xE;
	_ =	swait.ge @!p1 [sflag:s0], $0x22  }
0x1dd: {  	s3 =	sshll.u32 @!p1 s7, $0x11;
	s2 =	sadd.s32 @!p1 $0x11C3C, s2;
	[sflag:s0] =	ssyncset.done @!p1 $0x0  }
0x1de: {  	[sflag:s0] =	ssyncadd.s32 @!p1 $0xFFFFFFDE;
	s0 =	sor.u32 @!p1 s3, s2  }
0x1df: {  	[sflag:s0] =	ssyncadd.remote.s32 @!p1 $0xFFFFFFFF;
	s0 =	simm.s32 $0x0  }
0x1e0: {  	s0 =	simm.s32 $0xF219  }
0x1e1: {  	v0 =	vld.msk [tilespmem:s0+$0x0], $0x1;
	_ =	sdelay $0x4  }
0x1e2: {  	(v2sf) =	vpush v0, $0x0;
	_ =	sdelay $0xb  }
0x1e3: {  	s31 =	sadd.s32 $0xFFFFFFFE, s6  }
0x1e4: {  	s0 =	sadd.s32 $0xFFFFFFFF, s31  }
0x1e5: {  	p2 =	sne.s32 s0, $0x0  }
.Ltmp28:
0x1e6: {  	s2 =	spop (v2sf);
	(pc) =	sbr.rel @!p2 .LBB2_37-.Ltmp28, $4  }
0x1e7: {  	s4 =	simm.s32 $0xF2B8;
	s7 =	simm.s32 $0x0;
	p1 =	sgt.u32 s2, $0x1387F0  }
0x1e8: {  	s5 =	simm.s32 $0x0;
	s6 =	simm.s32 $0xF21A;
	s3 =	sand.u32 @!p1 $0x1FFFF8, s2  }
0x1e9: {  	s2 =	sand.u32 @!p1 $0x7, s2;
	s7 =	simm.s32 @!p1 $0x200;
	s3 =	sadd.s32 @!p1 s1, s3  }
0x1ea: {  	[hbm4b:s3+s2] =	stream.linear.scatter @!p1 [tilespmem:s4], [sflag:$0x5], $0x80, $0x38;
	[tilespmem:$0x1F6F8] =	vst v63  }
.LBB2_36:
0x1eb: {  	v0 =	vld.msk [tilespmem:s6+$0x0], $0x1;
	s0 =	sadd.s32 $0xFFFFFFFF, s0;
	s5 =	sadd.s32 s5, s7  }
0x1ec: {  	p1 =	sne.s32 s0, $0x0;
	_ =	sdelay $0x3  }
0x1ed: {  	(v2sf) =	vpush v0, $0x0;
	_ =	sdelay $0xe  }
.Ltmp29:
0x1ee: {  	s2 =	spop (v2sf);
	(pc) =	sbr.rel @p1 .LBB2_36-.Ltmp29, $4  }
0x1ef: {  	s7 =	simm.s32 $0x0;
	p2 =	sgt.u32 s2, $0x1387F0  }
0x1f0: {  	s4 =	sadd.s32 $0x80, s4;
	s7 =	simm.s32 @!p2 $0x200;
	s3 =	sand.u32 @!p2 $0x1FFFF8, s2  }
0x1f1: {  	s6 =	sadd.s32 $0x1, s6;
	s2 =	sand.u32 @!p2 $0x7, s2;
	s3 =	sadd.s32 @!p2 s1, s3  }
0x1f2: {  	[hbm4b:s3+s2] =	stream.linear.scatter @!p2 [tilespmem:s4], [sflag:$0x5], $0x80, $0x38;
	[tilespmem:$0x1F6F8] =	vst v63  }
.LBB2_37:
0x1f3: {  	s0 =	sadd.s32 s5, s7  }
0x1f4: {  	s0 =	sshrl.u32 s0, $0x2  }
.LBB2_38:
0x1f5: {  	s2 =	simm.s32 $0x5  }
0x1f6: {  	_ =	swait.ge [sflag:s2], s0  }
0x1f7: {  	s31 =	ssub.s32 $0x0, s0;
	[sflag:s2] =	ssyncset.done $0x0  }
0x1f8: {  	[sflag:s2] =	ssyncadd.s32 s31  }
0x1f9: {  	[sflag:s2] =	ssyncpa.u1 $0x1  }
.LBB2_39:
0x1fa: {  	s0 =	sor.u32 s15, s16  }
0x1fb: {  	p1 =	sne.s32 s0, $0x0  }
.Ltmp30:
0x1fc: {  	_ = 	snop;
	(pc) =	sbr.rel @p1 .LBB2_54-.Ltmp30, $3  }
0x1fd: {  	_ =	sdelay $0x1  }
0x1fe: {  	[bflag:$0x0] =	sbarrier.arrive $0xFFFF  }
0x1ff: {  	_ =	sfence  }
0x200: {  	s0 =	simm.s32 $0x7  }
0x201: {  	s2 =	simm.s32 $0x1000;
	s3 =	simm.s32 $0xF218;
	[sflag:s0] =	ssyncpa.u1 $0x0  }
0x202: {  	[tilespmem:s3], [sflag:$0x7] =	stream.linear.gather [spmem:s2], $0x20, $0x38;
	[tilespmem:$0x1F6F8] =	vst v63  }
0x203: {  	s30 =	simm.s32 $0xF238;
	s2 =	simm.s32 $0x0  }
0x204: {  	[tilespmem:s30], [sflag:$0x7] =	stream.linear.gather [spmem:s2], $0x1000, $0x38;
	[tilespmem:$0x1F6F8] =	vst v63  }
.Ltmp31:
0x205: {  	_ = 	snop;
	(pc) =	sbr.rel .LBB2_41-.Ltmp31, $4  }
0x206: {  	_ =	swait.ge [sflag:s0], $0x1020  }
0x207: {  	[sflag:s0] =	ssyncset.done $0x0  }
0x208: {  	s31 =	simm.s32 $0x8;
	[sflag:s0] =	ssyncadd.s32 $0xFFFFEFE0  }
0x209: {  	s3 =	simm.s32 $0x0;
	[sflag:s31] =	ssyncpa.u1 $0x0  }
.LBB2_47:
0x20a: {  	p1 =	slt.u32 s4, $0x1387F1  }
0x20b: {  	s0 =	sand.u32 @p1 $0x1FFFF8, s4  }
0x20c: {  	s4 =	sand.u32 @p1 $0x7, s4;
	s5 =	simm.s32 @p1 $0xF188;
	s0 =	sadd.s32 @p1 s1, s0  }
0x20d: {  	[tilespmem:s5], [sflag:$0x8] =	stream.linear.gather @p1 [hbm4b:s0+s4], $0x80, $0x38;
	[tilespmem:$0x1F6F8] =	vst v63  }
0x20e: {  	s0 =	simm.s32 @p1 $0x8  }
0x20f: {  	_ =	swait.ge @p1 [sflag:s0], $0x80  }
0x210: {  	[sflag:s0] =	ssyncset.done @p1 $0x0  }
0x211: {  	[sflag:s0] =	ssyncadd.s32 @p1 $0xFFFFFF80  }
0x212: {  	v1 =	vld @p1 [tilespmem:$0xF188];
	_ =	sdelay $0x2  }
0x213: {  	s0 =	sshll.u32 @p1 s3, $0x9  }
0x214: {  	s4 =	sshrl.u32 @p1 s0, $0x2  }
0x215: {  	[tilespmem:s4+$0xF238] =	vst.add.f32.msk @p1 $0xffff, v1  }
0x216: {  	v1 =	vld @p1 [tilespmem:$0xF198];
	_ =	sdelay $0x4  }
0x217: {  	[tilespmem:s4+$0xF248] =	vst.add.f32.msk @p1 $0xffff, v1  }
0x218: {  	v1 =	vld @p1 [tilespmem:$0xF1A8];
	_ =	sdelay $0x4  }
0x219: {  	[tilespmem:s4+$0xF258] =	vst.add.f32.msk @p1 $0xffff, v1  }
0x21a: {  	v1 =	vld @p1 [tilespmem:$0xF1B8];
	_ =	sdelay $0x4  }
0x21b: {  	[tilespmem:s4+$0xF268] =	vst.add.f32.msk @p1 $0xffff, v1  }
0x21c: {  	v1 =	vld @p1 [tilespmem:$0xF1C8];
	_ =	sdelay $0x4  }
0x21d: {  	[tilespmem:s4+$0xF278] =	vst.add.f32.msk @p1 $0xffff, v1  }
0x21e: {  	v1 =	vld @p1 [tilespmem:$0xF1D8];
	_ =	sdelay $0x4  }
0x21f: {  	[tilespmem:s4+$0xF288] =	vst.add.f32.msk @p1 $0xffff, v1  }
0x220: {  	v1 =	vld @p1 [tilespmem:$0xF1E8];
	_ =	sdelay $0x4  }
0x221: {  	[tilespmem:s4+$0xF298] =	vst.add.f32.msk @p1 $0xffff, v1  }
0x222: {  	v1 =	vld @p1 [tilespmem:$0xF1F8];
	_ =	sdelay $0x3  }
0x223: {  	s5 =	sshll.u32 @!p1 s3, $0x9  }
0x224: {  	s5 =	smov.u32 @p1 s0;
	[tilespmem:s4+$0xF2A8] =	vst.add.f32.msk @p1 $0xffff, v1  }
0x225: {  	s0 =	sshrl.u32 s5, $0x2;
	[tilespmem:s2+$0xF218] =	vst.msk $0x1, v0  }
0x226: {  	v0 =	vld [tilespmem:s0+$0xF238];
	_ =	sdelay $0x2  }
0x227: {  	s31 =	sshll.u32 s2, $0x9  }
0x228: {  	s4 =	sshra.s32 s31, $0x2  }
0x229: {  	[tilespmem:s4+$0xF238] =	vst v0  }
0x22a: {  	v0 =	vld [tilespmem:s0+$0xF248];
	_ =	sdelay $0x4  }
0x22b: {  	[tilespmem:s4+$0xF248] =	vst v0  }
0x22c: {  	v0 =	vld [tilespmem:s0+$0xF258];
	_ =	sdelay $0x4  }
0x22d: {  	[tilespmem:s4+$0xF258] =	vst v0  }
0x22e: {  	v0 =	vld [tilespmem:s0+$0xF268];
	_ =	sdelay $0x4  }
0x22f: {  	[tilespmem:s4+$0xF268] =	vst v0  }
0x230: {  	v0 =	vld [tilespmem:s0+$0xF278];
	_ =	sdelay $0x4  }
0x231: {  	[tilespmem:s4+$0xF278] =	vst v0  }
0x232: {  	v0 =	vld [tilespmem:s0+$0xF288];
	_ =	sdelay $0x4  }
0x233: {  	[tilespmem:s4+$0xF288] =	vst v0  }
0x234: {  	v0 =	vld [tilespmem:s0+$0xF298];
	_ =	sdelay $0x4  }
0x235: {  	[tilespmem:s4+$0xF298] =	vst v0  }
0x236: {  	v0 =	vld [tilespmem:s0+$0xF2A8];
	_ =	sdelay $0x4  }
0x237: {  	s2 =	sadd.s32 $0x1, s2;
	[tilespmem:s4+$0xF2A8] =	vst v0  }
.LBB2_48:
0x238: {  	s3 =	sadd.s32 $0x1, s3  }
0x239: {  	p1 =	sne.s32 s3, $0x20  }
.Ltmp32:
0x23a: {  	_ = 	snop;
	(pc) =	sbr.rel @!p1 .LBB2_49-.Ltmp32, $1  }
0x23b: {  	_ =	sdelay $0x3  }
.LBB2_41:
0x23c: {  	v0 =	vld.msk [tilespmem:s3+$0xF218], $0x1;
	_ =	sdelay $0x4  }
0x23d: {  	(v2sf) =	vpush v0, $0x0;
	_ =	sdelay $0xe  }
0x23e: {  	s4 =	spop (v2sf)  }
0x23f: {  	p1 =	seq.s32 s4, $0xFFFFFFFF  }
.Ltmp33:
0x240: {  	_ = 	snop;
	(pc) =	sbr.rel @p1 .LBB2_48-.Ltmp33, $1  }
0x241: {  	_ =	sdelay $0x3  }
0x242: {  	p1 =	slt.s32 s2, $0x1  }
.Ltmp34:
0x243: {  	_ = 	snop;
	(pc) =	sbr.rel @p1 .LBB2_47-.Ltmp34, $1  }
0x244: {  	_ =	sdelay $0x3  }
0x245: {  	s5 =	simm.s32 $0xF218;
	p1 =	por $0x0, $0x0  }
0x246: {  	v1 =	vld.msk @!p1 [tilespmem:s5+$0x0], $0x1;
	_ =	sdelay $0x4  }
0x247: {  	(v2sf) =	vpush @!p1 v1, $0x0;
	_ =	sdelay $0xd  }
0x248: {  	p3 =	sne.s32 s2, $0x1  }
.Ltmp35:
0x249: {  	s0 =	spop @!p1 (v2sf);
	(pc) =	sbr.rel @!p3 .LBB2_45-.Ltmp35, $4  }
0x24a: {  	p2 =	seq.s32 @!p1 s4, s0  }
0x24b: {  	s6 =	simm.s32 $0x0;
	p2 =	por !p2, p1  }
0x24c: {  	s7 =	simm.s32 $0xFFFFFFFF;
	s6 =	simm.s32 @p2 $0xFFFFFFFF  }
0x24d: {  	s0 =	simm.s32 $0x1;
	s6 =	smov.u32 @p1 s7  }
.LBB2_44:
0x24e: {  	s7 =	smov.u32 s6;
	p1 =	sne.s32 s6, $0xFFFFFFFF  }
0x24f: {  	s5 =	sadd.s32 $0x1, s5;
	s6 =	smov.u32 s0;
	s0 =	sadd.s32 $0x1, s0  }
0x250: {  	p2 =	sne.s32 s2, s0;
	v1 =	vld.msk @!p1 [tilespmem:s5+$0x0], $0x1;
	_ =	sdelay $0x4  }
0x251: {  	(v2sf) =	vpush @!p1 v1, $0x0;
	_ =	sdelay $0xe  }
.Ltmp36:
0x252: {  	s8 =	spop @!p1 (v2sf);
	(pc) =	sbr.rel @p2 .LBB2_44-.Ltmp36, $4  }
0x253: {  	p3 =	seq.s32 @!p1 s4, s8  }
0x254: {  	p3 =	por !p3, p1  }
0x255: {  	s6 =	simm.s32 @p3 $0xFFFFFFFF  }
0x256: {  	s6 =	smov.u32 @p1 s7  }
.LBB2_45:
0x257: {  	p1 =	seq.s32 s6, $0xFFFFFFFF  }
.Ltmp37:
0x258: {  	_ = 	snop;
	(pc) =	sbr.rel @p1 .LBB2_47-.Ltmp37, $1  }
0x259: {  	_ =	sdelay $0x3  }
0x25a: {  	s0 =	sshll.u32 s3, $0x7  }
0x25b: {  	s0 =	sand.u32 $0x3FFFFF80, s0  }
0x25c: {  	v0 =	vld [tilespmem:s0+$0xF238];
	_ =	sdelay $0x2  }
0x25d: {  	s4 =	sshll.u32 s6, $0x9  }
0x25e: {  	s4 =	sshra.s32 s4, $0x2  }
0x25f: {  	[tilespmem:s4+$0xF238] =	vst.add.f32.msk $0xffff, v0  }
0x260: {  	v0 =	vld [tilespmem:s0+$0xF248];
	_ =	sdelay $0x4  }
0x261: {  	[tilespmem:s4+$0xF248] =	vst.add.f32.msk $0xffff, v0  }
0x262: {  	v0 =	vld [tilespmem:s0+$0xF258];
	_ =	sdelay $0x4  }
0x263: {  	[tilespmem:s4+$0xF258] =	vst.add.f32.msk $0xffff, v0  }
0x264: {  	v0 =	vld [tilespmem:s0+$0xF268];
	_ =	sdelay $0x4  }
0x265: {  	[tilespmem:s4+$0xF268] =	vst.add.f32.msk $0xffff, v0  }
0x266: {  	v0 =	vld [tilespmem:s0+$0xF278];
	_ =	sdelay $0x4  }
0x267: {  	[tilespmem:s4+$0xF278] =	vst.add.f32.msk $0xffff, v0  }
0x268: {  	v0 =	vld [tilespmem:s0+$0xF288];
	_ =	sdelay $0x4  }
0x269: {  	[tilespmem:s4+$0xF288] =	vst.add.f32.msk $0xffff, v0  }
0x26a: {  	v0 =	vld [tilespmem:s0+$0xF298];
	_ =	sdelay $0x4  }
0x26b: {  	[tilespmem:s4+$0xF298] =	vst.add.f32.msk $0xffff, v0  }
0x26c: {  	v0 =	vld [tilespmem:s0+$0xF2A8]  }
.Ltmp38:
0x26d: {  	_ = 	snop;
	(pc) =	sbr.rel .LBB2_48-.Ltmp38, $2  }
0x26e: {  	_ =	sdelay $0x2  }
0x26f: {  	[tilespmem:s4+$0xF2A8] =	vst.add.f32.msk $0xffff, v0  }
.LBB2_49:
0x270: {  	p1 =	slt.s32 s2, $0x1  }
.Ltmp39:
0x271: {  	_ = 	snop;
	(pc) =	sbr.rel @p1 .LBB2_53-.Ltmp39, $3  }
0x272: {  	_ =	sdelay $0x1  }
0x273: {  	s0 =	simm.s32 $0x8  }
0x274: {  	s3 =	simm.s32 $0x0;
	[sflag:s0] =	ssyncpa.u1 $0x1  }
0x275: {  	s0 =	simm.s32 $0xF218  }
0x276: {  	v0 =	vld.msk [tilespmem:s0+$0x0], $0x1;
	_ =	sdelay $0x4  }
0x277: {  	(v2sf) =	vpush v0, $0x0;
	_ =	sdelay $0xe  }
0x278: {  	s0 =	sadd.s32 $0xFFFFFFFF, s2;
	s5 =	spop (v2sf)  }
0x279: {  	p2 =	sne.s32 s0, $0x0;
	p1 =	sgt.u32 s5, $0x1387F0  }
.Ltmp40:
0x27a: {  	s6 =	sand.u32 @!p1 $0x1FFFF8, s5;
	(pc) =	sbr.rel @!p2 .LBB2_52-.Ltmp40, $4  }
0x27b: {  	s4 =	simm.s32 $0xF238;
	s5 =	sand.u32 @!p1 $0x7, s5;
	s2 =	sadd.s32 @!p1 s1, s6  }
0x27c: {  	[hbm4b:s2+s5] =	stream.linear.scatter @!p1 [tilespmem:s4], [sflag:$0x7], $0x80, $0x38;
	[tilespmem:$0x1F6F8] =	vst v63  }
0x27d: {  	s5 =	simm.s32 $0x0  }
0x27e: {  	s2 =	simm.s32 $0xF219;
	s5 =	simm.s32 @!p1 $0x200  }
.LBB2_51:
0x27f: {  	v0 =	vld.msk [tilespmem:s2+$0x0], $0x1;
	s0 =	sadd.s32 $0xFFFFFFFF, s0;
	s3 =	sadd.s32 s3, s5  }
0x280: {  	p1 =	sne.s32 s0, $0x0;
	_ =	sdelay $0x3  }
0x281: {  	(v2sf) =	vpush v0, $0x0;
	_ =	sdelay $0xe  }
.Ltmp41:
0x282: {  	s6 =	spop (v2sf);
	(pc) =	sbr.rel @p1 .LBB2_51-.Ltmp41, $4  }
0x283: {  	s5 =	simm.s32 $0x0;
	p2 =	sgt.u32 s6, $0x1387F0  }
0x284: {  	s4 =	sadd.s32 $0x80, s4;
	s5 =	simm.s32 @!p2 $0x200;
	s7 =	sand.u32 @!p2 $0x1FFFF8, s6  }
0x285: {  	s2 =	sadd.s32 $0x1, s2;
	s6 =	sand.u32 @!p2 $0x7, s6;
	s7 =	sadd.s32 @!p2 s1, s7  }
0x286: {  	[hbm4b:s7+s6] =	stream.linear.scatter @!p2 [tilespmem:s4], [sflag:$0x7], $0x80, $0x38;
	[tilespmem:$0x1F6F8] =	vst v63  }
.LBB2_52:
0x287: {  	s0 =	sadd.s32 s3, s5  }
0x288: {  	s3 =	sshrl.u32 s0, $0x2  }
.LBB2_53:
0x289: {  	s0 =	simm.s32 $0x7  }
0x28a: {  	_ =	swait.ge [sflag:s0], s3  }
0x28b: {  	s1 =	ssub.s32 $0x0, s3;
	[sflag:s0] =	ssyncset.done $0x0  }
0x28c: {  	[sflag:s0] =	ssyncadd.s32 s1  }
0x28d: {  	[sflag:s0] =	ssyncpa.u1 $0x1  }
.LBB2_54:
0x28e: {  	_ =	sfence;
	s0 =	simm.s32 $0x1  }
0x28f: {  	[sflag:s0] =	ssyncpa.u1 $0x1  }
0x290: {  	_ =	strace $0x90000053  }
0x291: {  	[bflag:$0x2] =	sbarrier.arrive $0xFFFF  }
0x292: {  	s0 =	rddreg [dreg:$0x3]  }
0x293: {  	s0 =	sadd.s32 @!p0 $0x100000, s0  }
0x294: {  	[sflag:s0] =	ssyncadd.tile.s32 @!p0 $0x1;
	_ =	shalt  }
.Lfunc_end2:
_tile_overlayer_lowered:
.L_overlay_start_2:
0x295: {  	(tag) =	ssettag $0x2  }
0x296: {  	s0 =	rddreg [dreg:$0x0];
	s2 =	stileid.u32  }
0x297: {  	s1 =	rddreg [dreg:$0x1];
	p0 =	sne.s32 s2, $0x0  }
0x298: {  	s3 =	rddreg [dreg:$0x2];
	[bflag:$0x3] =	sbarrier.arrive $0xFFFF;
	s2 =	simm.s32 @!p0 $0x1C01  }
0x299: {  	[timem:s3], [sflag:s2] =	dma.local @!p0 [hbm:s0], s1  }
0x29a: {  	s0 =	simm.s32 @!p0 $0x1  }
0x29b: {  	_ =	swait.ge @!p0 [sflag:s0], s1  }
0x29c: {  	s1 =	ssub.s32 @!p0 $0x0, s1;
	[sflag:s0] =	ssyncset.done @!p0 $0x0  }
0x29d: {  	[sflag:s0] =	ssyncadd.s32 @!p0 s1  }
0x29e: {  	[bflag:$0x3] =	sbarrier.arrive $0xFFFF  }
0x29f: {  	_ =	shalt  }

// kernel: scatter_offload_async_start
scs
__scs_entry_jumppad:
0x0: {  	(pc) =	sbr.rel $0x88, $3  }
0x1: {  	(tag) =	ssettag $0x0;
	lr =	simm.s32 $0x1  }
0x2: {  	[smem:$0x3F90] =	sst lr;
	_ =	strace $0xD0000000  }
0x3: {  	_ = 	snop  }
0x4: {  	_ = 	snop  }
0x5: {  	_ = 	snop  }
0x6: {  	_ = 	snop  }
0x7: {  	_ = 	snop  }
__scs_overlays_trampoline_lowered:
0x8: {  	[smem:$0x3F9F] =	sst s0  }
0x9: {  	[smem:$0x3FA0] =	sst s1  }
0xa: {  	[smem:$0x3FA1] =	sst s2  }
0xb: {  	[smem:$0x3FA2] =	sst s3  }
0xc: {  	[smem:$0x3FA3] =	sst s4  }
0xd: {  	[smem:$0x3FA4] =	sst s5  }
0xe: {  	[smem:$0x3FA5] =	sst s6  }
0xf: {  	[smem:$0x3FA6] =	sst s7  }
0x10: {  	[smem:$0x3FA7] =	sst s8  }
0x11: {  	[smem:$0x3FA8] =	sst s9;
	s0 =	simm.s32 @!p0 $0x0  }
0x12: {  	s1 =	sld [smem:$0x3F8E];
	s0 =	simm.s32 @p0 $0x1  }
0x13: {  	[smem:$0x3FA9] =	sst s0;
	s0 =	simm.s32 @!p1 $0x0  }
0x14: {  	s2 =	sld [smem:$0x3F8D];
	s0 =	simm.s32 @p1 $0x1  }
0x15: {  	[smem:$0x3FAA] =	sst s0;
	s0 =	simm.s32 @!p2 $0x0  }
0x16: {  	s3 =	sld [smem:$0x3FDB];
	s0 =	simm.s32 @p2 $0x1  }
0x17: {  	s4 =	simm.s32 $0x1BF5;
	[smem:$0x3FAC] =	sst s0  }
0x18: {  	s0 =	sld [smem:$0x3F8F];
	_ =	swait.ge [sflag:s4], $0x0  }
0x19: {  	s7 =	sld [smem:$0x3F90]  }
0x1a: {  	s8 =	sadd.s32 $0xFFFFE003, lr  }
0x1b: {  	s9 =	sadd.s32 $0xFFFFFEF7, lr;
	s5 =	simm.s32 $0xFFFFFFFF;
	p2 =	slt.u32 s8, $0xFFFFF086  }
0x1c: {  	p1 =	slt.u32 s9, $0xF7A;
	s5 =	simm.s32 @!p2 $0x0  }
0x1d: {  	s5 =	simm.s32 @p1 $0x1;
	p0 =	seq.s32 s7, s2  }
0x1e: {  	s7 =	smul.u32 @!p0 $0xF7A, s2;
	p2 =	seq.s32 @!p0 s5, $0x0  }
0x1f: {  	s9 =	smul.u32 $0xF7A, s1;
	s8 =	simm.s32 @!p0 $0x1BF5;
	p2 =	por !p2, p0  }
0x20: {  	[sflag:s8] =	ssyncset.s32 @!p0 $0xFFFFF086;
	s6 =	sadd.s32 @!p0 s3, s7;
	s7 =	simm.s32 @!p0 $0x108  }
0x21: {  	s3 =	sadd.s32 s3, s9;
	s6 =	sadd.s32 @!p0 $0x88, s6;
	s7 =	simm.s32 @p2 $0x1082  }
0x22: {  	[simem:s7], [sflag:s8] =	dma.local @!p0 [hbm:s6], $0xF7A  }
0x23: {  	s9 =	sor.u32 $0xD0000000, s2;
	s6 =	simm.s32 $0x108;
	_ =	swait.ge @!p0 [sflag:s8], $0x0  }
0x24: {  	s3 =	sadd.s32 $0x88, s3;
	s6 =	simm.s32 @!p1 $0x1082;
	[sflag:s4] =	ssyncset.s32 $0xFFFFF086  }
0x25: {  	[simem:s6], [sflag:s4] =	dma.local [hbm:s3], $0xF7A  }
0x26: {  	[smem:$0x3F90] =	sst s1;
	(tag) =	ssettag s2;
	_ =	strace s9  }
0x27: {  	s1 =	sld [smem:$0x3FA0]  }
0x28: {  	s2 =	sld [smem:$0x3FA1]  }
0x29: {  	s4 =	sld [smem:$0x3FA3]  }
0x2a: {  	p0 =	seq.s32 s5, $0x0;
	s5 =	sld [smem:$0x3FA4]  }
0x2b: {  	s6 =	sld [smem:$0x3FA5]  }
0x2c: {  	s7 =	sld [smem:$0x3FA6]  }
0x2d: {  	s3 =	simm.s32 $0x108;
	s8 =	sld [smem:$0x3FA7]  }
0x2e: {  	s3 =	simm.s32 @!p0 $0x1082;
	s9 =	sld [smem:$0x3FA8]  }
0x2f: {  	lr =	sadd.s32 s0, s3;
	s0 =	sld [smem:$0x3F9F]  }
0x30: {  	s3 =	sld [smem:$0x3FA2]  }
0x31: {  	[smem:$0x3FAB] =	sst s10  }
0x32: {  	s10 =	sld [smem:$0x3FA9];
	_ =	sdelay $0x3  }
0x33: {  	p0 =	seq.s32 s10, $0x1;
	s10 =	sld [smem:$0x3FAB];
	_ =	sdelay $0x3  }
0x34: {  	[smem:$0x3FAB] =	sst s10  }
0x35: {  	s10 =	sld [smem:$0x3FAA];
	_ =	sdelay $0x3  }
0x36: {  	p1 =	seq.s32 s10, $0x1;
	s10 =	sld [smem:$0x3FAB];
	_ =	sdelay $0x3  }
0x37: {  	[smem:$0x3FAB] =	sst s10  }
0x38: {  	s10 =	sld [smem:$0x3FAC]  }
0x39: {  	_ = 	snop;
	(pc) =	sbr.ind lr, $3  }
0x3a: {  	_ = 	snop  }
0x3b: {  	_ = 	snop  }
0x3c: {  	p2 =	seq.s32 s10, $0x1;
	s10 =	sld [smem:$0x3FAB]  }
0x3d: {  	_ =	shalt  }
0x3e: {  	_ =	shalt  }
0x3f: {  	_ =	shalt  }
0x40: {  	_ =	shalt  }
0x41: {  	_ =	shalt  }
0x42: {  	_ =	shalt  }
0x43: {  	_ =	shalt  }
0x44: {  	_ =	shalt  }
0x45: {  	_ =	shalt  }
0x46: {  	_ =	shalt  }
0x47: {  	_ =	shalt  }
0x48: {  	_ =	shalt  }
0x49: {  	_ =	shalt  }
0x4a: {  	_ =	shalt  }
0x4b: {  	_ =	shalt  }
0x4c: {  	_ =	shalt  }
0x4d: {  	_ =	shalt  }
0x4e: {  	_ =	shalt  }
0x4f: {  	_ =	shalt  }
0x50: {  	_ =	shalt  }
0x51: {  	_ =	shalt  }
0x52: {  	_ =	shalt  }
0x53: {  	_ =	shalt  }
0x54: {  	_ =	shalt  }
0x55: {  	_ =	shalt  }
0x56: {  	_ =	shalt  }
0x57: {  	_ =	shalt  }
0x58: {  	_ =	shalt  }
0x59: {  	_ =	shalt  }
0x5a: {  	_ =	shalt  }
0x5b: {  	_ =	shalt  }
0x5c: {  	_ =	shalt  }
0x5d: {  	_ =	shalt  }
0x5e: {  	_ =	shalt  }
0x5f: {  	_ =	shalt  }
0x60: {  	_ =	shalt  }
0x61: {  	_ =	shalt  }
0x62: {  	_ =	shalt  }
0x63: {  	_ =	shalt  }
0x64: {  	_ =	shalt  }
0x65: {  	_ =	shalt  }
0x66: {  	_ =	shalt  }
0x67: {  	_ =	shalt  }
0x68: {  	_ =	shalt  }
0x69: {  	_ =	shalt  }
0x6a: {  	_ =	shalt  }
0x6b: {  	_ =	shalt  }
0x6c: {  	_ =	shalt  }
0x6d: {  	_ =	shalt  }
0x6e: {  	_ =	shalt  }
0x6f: {  	_ =	shalt  }
0x70: {  	_ =	shalt  }
0x71: {  	_ =	shalt  }
0x72: {  	_ =	shalt  }
0x73: {  	_ =	shalt  }
0x74: {  	_ =	shalt  }
0x75: {  	_ =	shalt  }
0x76: {  	_ =	shalt  }
0x77: {  	_ =	shalt  }
0x78: {  	_ =	shalt  }
0x79: {  	_ =	shalt  }
0x7a: {  	_ =	shalt  }
0x7b: {  	_ =	shalt  }
0x7c: {  	_ =	shalt  }
0x7d: {  	_ =	shalt  }
0x7e: {  	_ =	shalt  }
0x7f: {  	_ =	shalt  }
0x80: {  	_ =	shalt  }
0x81: {  	_ =	shalt  }
0x82: {  	_ =	shalt  }
0x83: {  	_ =	shalt  }
0x84: {  	_ =	shalt  }
0x85: {  	_ =	shalt  }
0x86: {  	_ =	shalt  }
0x87: {  	_ =	shalt  }
.Lfunc_end0:
.L_simem_size_0:
called_computation_lowered:
.L_overlay_start_0:
0x88: {  	s2 =	sld [smem:$0x3FD9]  }
0x89: {  	s3 =	sld [smem:$0x3FFE];
	_ =	sdelay $0x1  }
0x8a: {  	s1 =	srdreg.scid  }
0x8b: {  	s0 =	sand.u32 $0x1, s1  }
0x8c: {  	s15 =	sshll.u32 s0, $0xA;
	s2 =	sadd.s32 s3, s2  }
0x8d: {  	s2 =	sadd.s32 s2, s15  }
0x8e: {  	[smem:$0x3FB7] =	sst s2  }
0x8f: {  	_ = 	snop  }
0x90: {  	(tm) =	ssettm $0x1  }
0x91: {  	s16 =	sld [smem:$0x3FFB];
	_ =	sdelay $0x3  }
0x92: {  	_ =	strace s16  }
0x93: {  	s2 =	sld [smem:$0x3FFC];
	_ =	sdelay $0x3  }
0x94: {  	_ =	strace s2  }
0x95: {  	s2 =	sld [smem:$0x3FFD];
	_ =	sdelay $0x3  }
0x96: {  	_ =	strace s2  }
0x97: {  	_ =	strace $0x8FFFFFFF  }
0x98: {  	s17 =	sld [smem:$0x3FDB];
	_ =	sdelay $0x1  }
0x99: {  	s18 =	simm.s32 $_scs_section_size  }
0x9a: {  	s4 =	simm.s32 $_size__tile_overlayer_lowered;
	s5 =	simm.s32 $_tile_overlayer_lowered  }
0x9b: {  	s21 =	simm.s32 $0x1BFF;
	s20 =	sshll.u32 s5, $0x1;
	s2 =	sadd.s32 s18, s17  }
0x9c: {  	s6 =	simm.s32 $0x0;
	s19 =	sshll.u32 s4, $0x1;
	s4 =	sadd.s32 s20, s2  }
0x9d: {  	[timem:s6], [sflag:s21] =	dma.local [hbm:s4], s19  }
0x9e: {  	_ =	swait.ge [sflag:s21], s19  }
0x9f: {  	s3 =	ssub.s32 $0x0, s19;
	[sflag:s21] =	ssyncset.done $0x0  }
0xa0: {  	[sflag:s21] =	ssyncadd.s32 s3;
	_ =	sdelay $0x1  }
0xa1: {  	s22 =	simm.s32 $0x1B8B  }
0xa2: {  	_ =	swait.ge [sflag:s22], $0x1  }
0xa3: {  	[sflag:s22] =	ssyncset.done $0x0  }
0xa4: {  	s23 =	sld [smem:$0x3FFE];
	[sflag:s22] =	ssyncadd.s32 $0xFFFFFFFF  }
0xa5: {  	s25 =	simm.s32 $0x1B8E;
	s24 =	sld [smem:$0x0]  }
0xa6: {  	s26 =	simm.s32 $execute0_lowered;
	[smem:$0x3FD2] =	sst s25  }
0xa7: {  	s5 =	sshll.u32 s26, $0x1;
	_ =	strace $0x8000004C;
	[dreg:$0x1] =	wrdreg $0xFFFFFFFF  }
0xa8: {  	s28 =	simm.s32 $_size_execute0_lowered;
	s2 =	sadd.s32 s2, s5;
	[dreg:$0x0] =	wrdreg $0x0  }
0xa9: {  	s5 =	sshll.u32 s28, $0x1;
	[dreg:$0x2] =	wrdreg s2  }
0xaa: {  	[dreg:$0x3] =	wrdreg s5  }
0xab: {  	[dreg:$0x4] =	wrdreg $0xC0  }
0xac: {  	_ =	task [dreg:s6], $0x5FFFF  }
0xad: {  	[dreg:$0x1] =	wrdreg $0xFFFFFFFF  }
0xae: {  	[dreg:$0x0] =	wrdreg $0x60  }
0xaf: {  	[dreg:$0x2] =	wrdreg s23  }
0xb0: {  	[dreg:$0x3] =	wrdreg s1  }
0xb1: {  	[dreg:$0x4] =	wrdreg s24  }
0xb2: {  	[dreg:$0x5] =	wrdreg $0x9  }
0xb3: {  	_ =	task.clear_ibuf [dreg:s6], $0x6FFFF;
	_ =	strace $0x9000004C  }
0xb4: {  	s29 =	simm.s32 $0x9;
	_ =	strace $0x8000004E  }
0xb5: {  	_ =	swait.ge [sflag:s29], $0x1  }
0xb6: {  	[sflag:s29] =	ssyncadd.s32 $0xFFFFFFFF  }
0xb7: {  	_ =	strace $0x9000004E  }
0xb8: {  	_ =	sfence  }
0xb9: {  	s30 =	sld [smem:$0x0];
	_ =	sdelay $0x2  }
0xba: {  	s31 =	sshll.u32 s1, $0xD;
	s1 =	sshrl.u32 s1, $0x2  }
0xbb: {  	s3 =	sand.u32 $0x4000, s31;
	s1 =	sadd.s32 s1, s30  }
0xbc: {  	s0 =	sor.u32 s3, s0;
	s1 =	sshll.u32 s1, $0x11  }
0xbd: {  	s0 =	sor.u32 s1, s0  }
0xbe: {  	s0 =	sadd.s32 $0x8F2B, s0  }
0xbf: {  	[sflag:s0] =	ssyncadd.remote.s32 $0x1  }
0xc0: {  	_ =	sfence.sel $0xFFFF  }
0xc1: {  	[dreg:$0x0] =	wrdreg $0xFFFFFFFF;
	(pc) =	sbr.abs _section_cstart, $3  }
0xc2: {  	[dreg:$0x1] =	wrdreg $0xFFFFFFFF  }
0xc3: {  	_ =	task.clear_ibuf [dreg:s6], $0x2FFFF;
	_ =	strace $0x9FFFFFFF  }
0xc4: {  	(tm) =	ssettm $0x7FFFFFFF  }
0xc5: {  	_ =	shalt  }
tec
execute0_lowered:
.L_overlay_start_1:
0x0: {  	(tag) =	ssettag $0x1  }
0x1: {  	s2 =	rddreg [dreg:$0x0]  }
0x2: {  	s3 =	rddreg [dreg:$0x1];
	_ =	strace $0x8000004D;
	s0 =	simm.s32 $0x1  }
0x3: {  	v0 =	vimm.s32 $0x0;
	[sflag:s0] =	ssyncpa.u1 $0x0;
	s0 =	simm.s32 $0x108  }
0x4: {  	[tilespmem:s0+$0x70] =	vst v0  }
0x5: {  	[tilespmem:s0+$0x60] =	vst v0  }
0x6: {  	[tilespmem:s0+$0x50] =	vst v0  }
0x7: {  	[tilespmem:s0+$0x40] =	vst v0  }
0x8: {  	s1 =	sadd.s32 $0x54A00, s2;
	[tilespmem:s0+$0x30] =	vst v0  }
0x9: {  	s15 =	sadd.s32 $0x2C5A00, s2;
	s6 =	sadd.s32 $0x2E36E00, s2;
	[tilespmem:s0+$0x20] =	vst v0  }
0xa: {  	s14 =	sadd.s32 $0x315A00, s2;
	s5 =	sand.u32 $0x1, s3;
	s3 =	simm.s32 $0x40;
	[tilespmem:s0+$0x10] =	vst v0  }
.LBB2_1:
0xb: {  	s3 =	sadd.s32 $0x40, s3;
	[tilespmem:s0+$0x0] =	vst v0;
	s0 =	sadd.s32 $0x80, s0  }
0xc: {  	p0 =	slt.u32 s3, $0x3C40;
	[tilespmem:s0+$0x70] =	vst v0  }
0xd: {  	[tilespmem:s0+$0x60] =	vst v0  }
.Ltmp0:
0xe: {  	[tilespmem:s0+$0x50] =	vst v0;
	(pc) =	sbr.rel @p0 .LBB2_1-.Ltmp0, $4  }
0xf: {  	[tilespmem:s0+$0x40] =	vst v0  }
0x10: {  	[tilespmem:s0+$0x30] =	vst v0  }
0x11: {  	[tilespmem:s0+$0x20] =	vst v0  }
0x12: {  	[tilespmem:s0+$0x10] =	vst v0  }
0x13: {  	s9 =	stileid.u32  }
0x14: {  	s2 =	smul.u32 $0x155, s9  }
0x15: {  	s3 =	smin.u32 s9, $0x6  }
0x16: {  	s2 =	sadd.s32 s3, s2  }
0x17: {  	p0 =	slt.u32 s9, $0x6;
	s7 =	smul.u32 $0xF0, s2;
	s2 =	simm.s32 $0x140A0  }
0x18: {  	s2 =	simm.s32 @!p0 $0x13FB0  }
0x19: {  	s2 =	sadd.s32 s2, s7  }
0x1a: {  	s8 =	smin.u32 s2, $0x140000  }
0x1b: {  	s2 =	ssub.s32 s8, s7  }
0x1c: {  	p0 =	sgt.s32 s2, $0x0  }
0x1d: {  	s29 =	simm.s32 $0x2;
	s10 =	simm.s32 $0x9;
	s2 =	simm.s32 @!p0 $0x0  }
0x1e: {  	s4 =	simm.s32 $0xA;
	s11 =	simm.s32 $0xB;
	s28 =	smulhi.u32 $0x88888889, s2  }
0x1f: {  	[dreg:$0x4] =	wrdreg s5;
	s31 =	smul.u32 $0x28000, s5;
	s12 =	simm.s32 $0x1  }
0x20: {  	s22 =	simm.s32 $0x0;
	s18 =	simm.s32 $0xC;
	s30 =	sshrl.u32 s28, $0x7  }
0x21: {  	s20 =	simm.s32 $0x0;
	s21 =	simm.s32 $0x0;
	s3 =	smul.u32 $0xF0, s30  }
.Ltmp1:
0x22: {  	[tilespmem:s0+$0x0] =	vst v0;
	v0 =	vimm.s32 $0xFFFFFFFF;
	[sflag:s29] =	ssyncpa.u1 $0x0;
	s16 =	sshll.u32 s9, $0x8;
	(pc) =	sbr.rel .LBB2_3-.Ltmp1, $4  }
0x23: {  	[tilespmem:$0xF208] =	vst v0;
	[sflag:s10] =	ssyncpa.u1 $0x0;
	p0 =	sne.s32 s2, s3;
	s2 =	simm.s32 $0x1  }
0x24: {  	s14 =	sadd.s32 s31, s14;
	[sflag:s4] =	ssyncpa.u1 $0x0;
	s2 =	simm.s32 @!p0 $0x0  }
0x25: {  	s15 =	sadd.s32 s31, s15;
	[sflag:s11] =	ssyncpa.u1 $0x0;
	s13 =	sadd.s32 s2, s30  }
0x26: {  	v0 =	vlaneseq.u32;
	s19 =	smov.u32 s7;
	p0 =	por $0x0, $0x0;
	s17 =	sadd.s32 $0x1, s13  }
.LBB2_18:
0x27: {  	s0 =	sshrl.u32 s31, $0x2  }
.LBB2_20:
0x28: {  	_ =	swait.ge [sflag:s18], s0  }
0x29: {  	s31 =	ssub.s32 $0x0, s0;
	v1 =	vmov s24;
	vm0 =	veq.s32 v0, $0x0;
	[sflag:s18] =	ssyncset.done $0x0  }
0x2a: {  	vm15 =	veq.s32 v0, $0x2;
	v1 =	vsel vm0, s30, v1;
	[sflag:s18] =	ssyncadd.s32 s31  }
0x2b: {  	v1 =	vsel vm15, s22, v1;
	[sflag:s18] =	ssyncpa.u1 $0x1  }
0x2c: {  	[tilespmem:$0xF208] =	vst v1  }
.LBB2_21:
0x2d: {  	s0 =	sadd.s32 $0xF0, s19  }
0x2e: {  	s2 =	smov.u32 s7;
	p1 =	slt.s32 s0, s8  }
0x2f: {  	s2 =	smov.u32 @p1 s0;
	p1 =	sne.s32 s21, s17  }
.Ltmp2:
0x30: {  	_ = 	snop;
	(pc) =	sbr.rel @!p1 .LBB2_22-.Ltmp2, $3  }
0x31: {  	_ =	sdelay $0x1  }
0x32: {  	s22 =	smov.u32 s20;
	s31 =	sadd.s32 $0x1, s21;
	s20 =	smov.u32 s19  }
0x33: {  	p0 =	por !p0, !p0;
	s21 =	smov.u32 s31;
	s19 =	smov.u32 s2  }
.LBB2_3:
0x34: {  	p1 =	sge.u32 s21, s13  }
0x35: {  	s0 =	smulhi.u32 @!p1 $0xAAAAAAAB, s21  }
0x36: {  	s2 =	smov.u32 s19;
	p2 =	sgt.s32 @!p1 s19, $0x13FF10  }
0x37: {  	s3 =	sshra.s32 @!p1 s19, $0x1F;
	p2 =	por !p2, p1;
	s0 =	sshrl.u32 @!p1 s0, $0x1  }
0x38: {  	s3 =	sand.u32 @!p1 s3, s19;
	s2 =	simm.s32 @p2 $0x13FF10;
	s0 =	smul.u32 @!p1 $0x3, s0  }
0x39: {  	s2 =	ssub.s32 @!p1 s2, s3  }
0x3a: {  	s2 =	sadd.s32 @!p1 $0xFFEC00F0, s2;
	s0 =	ssub.s32 @!p1 s21, s0  }
0x3b: {  	s3 =	sshll.u32 @!p1 s2, $0x2;
	p2 =	sgt.s32 @!p1 s2, $0xEF;
	s0 =	smul.u32 @!p1 $0x3C0, s0  }
0x3c: {  	s4 =	sand.u32 @!p1 $0x7, s19;
	s2 =	ssub.s32 @!p1 $0x3C0, s3;
	p2 =	por !p2, p1  }
0x3d: {  	s3 =	sshrl.u32 @!p1 s19, $0x3;
	s2 =	sshrl.u32 @!p1 s2, $0x2;
	s0 =	sshrl.u32 @!p1 s0, $0x2  }
0x3e: {  	s3 =	sadd.s32 @!p1 s3, s14;
	s2 =	simm.s32 @!p2 $0x0;
	s0 =	sadd.s32 @!p1 $0x10248, s0  }
0x3f: {  	[tilespmem:s0], [sflag:$0xA] =	stream.linear.gather @!p1 [hbm4b:s3+s4], s2, $0x38;
	[tilespmem:$0x1F6F8] =	vst v63  }
0x40: {  	s0 =	sadd.s32 $0xFFFFFFFF, s21  }
0x41: {  	p1 =	sge.u32 s0, s13  }
0x42: {  	p2 =	sgt.s32 @!p1 s20, $0x13FF10  }
0x43: {  	s2 =	smov.u32 s20;
	s3 =	sshra.s32 @!p1 s20, $0x1F;
	p2 =	por !p2, p1  }
0x44: {  	s3 =	sand.u32 @!p1 s3, s20;
	s2 =	simm.s32 @p2 $0x13FF10  }
0x45: {  	s2 =	ssub.s32 @!p1 s2, s3  }
0x46: {  	s2 =	sadd.s32 @!p1 $0xFFEC00F0, s2  }
0x47: {  	s4 =	sand.u32 @!p1 $0x1, s0;
	s3 =	sshll.u32 @!p1 s2, $0x2  }
0x48: {  	p2 =	sgt.s32 @!p1 s2, $0xEF;
	s2 =	ssub.s32 @!p1 $0x3C0, s3;
	s3 =	smulhi.u32 @!p1 $0xAAAAAAAB, s0  }
0x49: {  	s23 =	smul.u32 @!p1 $0x3C0, s4;
	p2 =	por !p2, p1;
	s2 =	sshrl.u32 @!p1 s2, $0x2  }
0x4a: {  	s5 =	simm.s32 @!p1 $0xA;
	s2 =	simm.s32 @!p2 $0x0;
	s3 =	sshrl.u32 @!p1 s3, $0x1  }
0x4b: {  	s23 =	sshrl.u32 @!p1 s23, $0x2;
	_ =	swait.ge @!p1 [sflag:s5], s2;
	s3 =	smul.u32 @!p1 $0x3, s3  }
0x4c: {  	s23 =	sadd.s32 @!p1 $0x10518, s23;
	s24 =	ssub.s32 @!p1 $0x0, s2;
	[sflag:s5] =	ssyncset.done @!p1 $0x0  }
0x4d: {  	[sflag:s5] =	ssyncadd.s32 @!p1 s24;
	s5 =	sshrl.u32 @!p1 s20, $0x3;
	s0 =	ssub.s32 @!p1 s0, s3  }
0x4e: {  	s24 =	sand.u32 @!p1 $0x7, s20;
	s5 =	sadd.s32 @!p1 s5, s15;
	s0 =	smul.u32 @!p1 $0x3C0, s0  }
0x4f: {  	[tilespmem:s23], [sflag:$0xB] =	stream.linear.gather @!p1 [hbm4b:s5+s24], s2, $0x38;
	[tilespmem:$0x1F6F8] =	vst v63  }
0x50: {  	s3 =	ssub.s32 @!p1 $0x140000, s20;
	s2 =	smul.u32 @!p1 $0x1E000, s4  }
0x51: {  	p2 =	slt.s32 @!p1 s3, $0xF0  }
0x52: {  	p2 =	por !p2, p1;
	s0 =	sshrl.u32 @!p1 s0, $0x2;
	s2 =	sshrl.u32 @!p1 s2, $0x2  }
0x53: {  	s3 =	simm.s32 @p2 $0xF0;
	s0 =	sadd.s32 @!p1 $0x10248, s0;
	s2 =	sor.u32 @!p1 $0x106F8, s2  }
0x54: {  	[tilespmem:s2], [sflag:$0x9] =	stream.indirect.gather @!p1 [hbm4b:s6+s3], $0x80, s0, s3, $0xb8;
	[tilespmem:$0x1F6F8] =	vst v63  }
0x55: {  	p1 =	slt.u32 s21, $0x2  }
.Ltmp3:
0x56: {  	_ = 	snop;
	(pc) =	sbr.rel @p1 .LBB2_21-.Ltmp3, $1  }
0x57: {  	_ =	sdelay $0x3  }
0x58: {  	p1 =	sgt.s32 s22, $0x13FF10  }
0x59: {  	s0 =	smov.u32 s22;
	s2 =	sshra.s32 s22, $0x1F;
	s3 =	ssub.s32 $0x140000, s22  }
0x5a: {  	s0 =	simm.s32 @!p1 $0x13FF10;
	s2 =	sand.u32 s2, s22;
	p1 =	slt.s32 s3, $0xF0  }
0x5b: {  	s0 =	ssub.s32 s0, s2;
	s3 =	simm.s32 @!p1 $0xF0  }
0x5c: {  	s0 =	sadd.s32 $0xFFEC00F0, s0;
	s25 =	sshll.u32 s3, $0x7  }
0x5d: {  	s26 =	sshll.u32 s0, $0x2;
	s2 =	sand.u32 $0x3FFFFF80, s25  }
0x5e: {  	p1 =	sgt.s32 s0, $0xEF;
	s29 =	ssub.s32 $0x3C0, s26;
	_ =	swait.ge [sflag:s10], s2  }
0x5f: {  	s2 =	ssub.s32 $0x0, s2;
	[sflag:s10] =	ssyncset.done $0x0;
	s0 =	sshrl.u32 s29, $0x2  }
0x60: {  	[sflag:s10] =	ssyncadd.s32 s2;
	s0 =	simm.s32 @p1 $0x0  }
0x61: {  	_ =	swait.ge [sflag:s11], s0  }
0x62: {  	s0 =	ssub.s32 $0x0, s0;
	[sflag:s11] =	ssyncset.done $0x0  }
0x63: {  	[sflag:s11] =	ssyncadd.s32 s0  }
0x64: {  	v1 =	vld [tilespmem:$0xF208];
	_ =	sdelay $0x4  }
0x65: {  	(v2sf) =	vpush v1, $0x0  }
0x66: {  	(v2sf) =	vpush v1, $0x1  }
0x67: {  	(v2sf) =	vpush v1, $0x2;
	_ =	sdelay $0x3  }
0x68: {  	s0 =	sadd.s32 $0xF0, s22  }
0x69: {  	s2 =	ssub.s32 $0x280000, s22;
	p1 =	slt.s32 s8, s0  }
0x6a: {  	s0 =	smov.u32 @p1 s8;
	p1 =	sgt.s32 s2, $0x0  }
0x6b: {  	s26 =	ssub.s32 s0, s22;
	s2 =	simm.s32 @!p1 $0x0  }
0x6c: {  	p1 =	slt.s32 s2, s26  }
0x6d: {  	s26 =	smov.u32 @p1 s2  }
0x6e: {  	s25 =	simm.s32 $0x1;
	p1 =	slt.s32 s26, $0x1  }
.Ltmp4:
0x6f: {  	s25 =	simm.s32 @!p0 $0x0;
	(pc) =	sbr.rel @p1 .LBB2_8-.Ltmp4, $4  }
0x70: {  	s31 =	smul.u32 $0x3C0, s25  }
0x71: {  	s28 =	spop (v2sf)  }
0x72: {  	s0 =	sshrl.u32 s31, $0x2;
	s30 =	spop (v2sf)  }
0x73: {  	s23 =	sadd.s32 $0x10518, s0;
	s22 =	spop (v2sf)  }
0x74: {  	s0 =	smin.u32 s26, $0x10  }
0x75: {  	v1 =	vmov s0  }
0x76: {  	p2 =	sgt.s32 s26, $0x10;
	vm1 =	vgt.u32 v1, v0  }
.Ltmp5:
0x77: {  	_ = 	snop;
	(pc) =	sbr.rel @!p2 .LBB2_7-.Ltmp5, $2  }
0x78: {  	_ =	sdelay $0x2  }
0x79: {  	s4 =	simm.s32 $0x10;
	s24 =	sadd.s32 $0xFFFFFFF0, s26;
	s0 =	smov.u32 s23;
	vm0 =	vmmov vm1  }
.LBB2_6:
0x7a: {  	s2 =	smin.u32 s24, $0x10;
	s4 =	sadd.s32 $0x10, s4;
	v1 =	vld.msk [tilespmem:s0+$0x0 ss:$0x1], vm1  }
0x7b: {  	v2 =	vmov s2;
	p2 =	slt.s32 s4, s26  }
0x7c: {  	vm1 =	vgt.u32 v2, v0  }
.Ltmp6:
0x7d: {  	(pc) =	sbr.rel @p2 .LBB2_6-.Ltmp6, $3  }
0x7e: {  	_ =	sdelay $0x1  }
0x7f: {  	v1 =	vshll.u32 v1, $0x4  }
0x80: {  	s24 =	sadd.s32 $0xFFFFFFF0, s24;
	[tilespmem:s0+$0x0] =	vst.msk vm0, v1;
	s0 =	sadd.s32 $0x10, s0;
	vm0 =	vmmov vm1  }
.LBB2_7:
0x81: {  	_ =	sdelay $0x4  }
0x82: {  	v1 =	vld.msk [tilespmem:s0+$0x0 ss:$0x1], vm1;
	_ =	sdelay $0x4  }
0x83: {  	v1 =	vshll.u32 v1, $0x4  }
0x84: {  	[tilespmem:s0+$0x0] =	vst.msk vm0, v1  }
.LBB2_8:
0x85: {  	s0 =	sand.u32 $0x1, s21  }
0x86: {  	s0 =	smul.u32 $0xF0, s0  }
0x87: {  	p2 =	sne.s32 s30, $0xFFFFFFFF  }
0x88: {  	v1 =	vld.msk @!p2 [tilespmem:s0+$0x10518], $0x1;
	_ =	sdelay $0x4  }
0x89: {  	(v2sf) =	vpush @!p2 v1, $0x0;
	_ =	sdelay $0xc  }
.Ltmp7:
0x8a: {  	_ = 	snop;
	(pc) =	sbr.rel @p1 .LBB2_19-.Ltmp7, $4  }
0x8b: {  	_ = 	snop  }
0x8c: {  	s29 =	spop @!p2 (v2sf)  }
0x8d: {  	s22 =	simm.s32 @!p2 $0x0;
	s24 =	smov.u32 s29  }
0x8e: {  	[sflag:s18] =	ssyncpa.u1 $0x0;
	s29 =	smov.u32 @p2 s28;
	s24 =	smov.u32 @p2 s30  }
0x8f: {  	v1 =	vld.msk [tilespmem:s23+$0x0], $0x1;
	_ =	sdelay $0x4  }
0x90: {  	(v2sf) =	vpush v1, $0x0;
	_ =	sdelay $0xe  }
0x91: {  	s2 =	smul.u32 $0x1E000, s25;
	s0 =	spop (v2sf)  }
0x92: {  	s26 =	ssub.s32 $0x0, s26;
	p1 =	seq.s32 s29, s0  }
0x93: {  	s30 =	sadd.s32 $0x1, s26;
	s2 =	sshrl.u32 s2, $0x2;
	p2 =	sgt.s32 @!p1 s29, $0x0  }
0x94: {  	s25 =	sor.u32 $0x10738, s2;
	s2 =	smov.u32 s29;
	p2 =	por !p2, p1  }
0x95: {  	s2 =	simm.s32 @p2 $0x0;
	p2 =	seq.s32 s30, $0x0  }
.Ltmp8:
0x96: {  	_ = 	snop;
	(pc) =	sbr.rel @p2 .LBB2_11-.Ltmp8, $4  }
0x97: {  	_ = 	snop  }
0x98: {  	s28 =	simm.s32 $0x0;
	s31 =	sadd.s32 $0x1, s23;
	s2 =	smin.u32 @!p1 s2, $0x1387F0  }
0x99: {  	s4 =	simm.s32 @!p1 $0x1;
	s5 =	simm.s32 @!p1 $0x7988;
	s3 =	sand.u32 @!p1 $0x1FFFF8, s2  }
0x9a: {  	s4 =	smov.u32 @p1 s28;
	s2 =	sand.u32 @!p1 $0x7, s2;
	s3 =	sadd.s32 @!p1 s1, s3  }
.LBB2_10:
0x9b: {  	s9 =	smov.u32 s4  }
0x9c: {  	[tilespmem:s5], [sflag:$0x2] =	stream.linear.gather @!p1 [hbm4b:s3+s2], $0x80, $0x38;
	[tilespmem:$0x1F6F8] =	vst v63  }
0x9d: {  	s30 =	sadd.s32 $0x1, s30;
	s2 =	smov.u32 s0;
	v1 =	vld.msk [tilespmem:s31+$0x0], $0x1  }
0x9e: {  	p2 =	seq.s32 s30, $0x0;
	_ =	sdelay $0x3  }
0x9f: {  	(v2sf) =	vpush v1, $0x0;
	_ =	sdelay $0xe  }
0xa0: {  	s0 =	spop (v2sf)  }
0xa1: {  	p1 =	seq.s32 s2, s0  }
0xa2: {  	p3 =	sgt.s32 @!p1 s2, $0x0;
	s3 =	sshll.u32 @!p1 s4, $0x9;
	s4 =	sadd.s32 @!p1 $0x1, s4  }
.Ltmp9:
0xa3: {  	p3 =	por !p3, p1;
	s3 =	sshra.s32 @!p1 s3, $0x2;
	(pc) =	sbr.rel @!p2 .LBB2_10-.Ltmp9, $4  }
0xa4: {  	s4 =	smov.u32 @p1 s9;
	s2 =	simm.s32 @p3 $0x0;
	s5 =	sadd.s32 @!p1 $0x7988, s3  }
0xa5: {  	s2 =	smin.u32 @!p1 s2, $0x1387F0  }
0xa6: {  	s3 =	sand.u32 @!p1 $0x1FFFF8, s2;
	s2 =	sand.u32 @!p1 $0x7, s2  }
0xa7: {  	s31 =	sadd.s32 $0x1, s31;
	s3 =	sadd.s32 @!p1 s1, s3  }
.LBB2_11:
0xa8: {  	[tilespmem:s5], [sflag:$0x2] =	stream.linear.gather @!p1 [hbm4b:s3+s2], $0x80, $0x38;
	[tilespmem:$0x1F6F8] =	vst v63  }
.Ltmp10:
0xa9: {  	s0 =	sshll.u32 s4, $0x7;
	(pc) =	sbr.rel .LBB2_12-.Ltmp10, $4  }
0xaa: {  	s30 =	simm.s32 $0x2;
	s0 =	sand.u32 $0x3FFFFF80, s0  }
0xab: {  	_ =	swait.ge [sflag:s30], s0  }
0xac: {  	s0 =	ssub.s32 $0x0, s0;
	[sflag:s30] =	ssyncset.done $0x0  }
0xad: {  	s31 =	simm.s32 $0x0;
	[sflag:s30] =	ssyncadd.s32 s0  }
.LBB2_13:
0xae: {  	v1 =	vld [tilespmem:s25+$0xFFFFFFC0];
	_ =	sdelay $0x3  }
0xaf: {  	s0 =	sshra.s32 s0, $0x2  }
0xb0: {  	[tilespmem:s0+$0x108] =	vst.add.f32.msk $0xffff, v1  }
0xb1: {  	v1 =	vld [tilespmem:s25+$0xFFFFFFD0];
	_ =	sdelay $0x4  }
0xb2: {  	[tilespmem:s0+$0x118] =	vst.add.f32.msk $0xffff, v1  }
0xb3: {  	v1 =	vld [tilespmem:s25+$0xFFFFFFE0];
	_ =	sdelay $0x4  }
0xb4: {  	[tilespmem:s0+$0x128] =	vst.add.f32.msk $0xffff, v1  }
0xb5: {  	v1 =	vld [tilespmem:s25+$0xFFFFFFF0];
	_ =	sdelay $0x4  }
0xb6: {  	[tilespmem:s0+$0x138] =	vst.add.f32.msk $0xffff, v1  }
0xb7: {  	v1 =	vld [tilespmem:s25+$0x0];
	_ =	sdelay $0x4  }
0xb8: {  	[tilespmem:s0+$0x148] =	vst.add.f32.msk $0xffff, v1  }
0xb9: {  	v1 =	vld [tilespmem:s25+$0x10];
	_ =	sdelay $0x4  }
0xba: {  	[tilespmem:s0+$0x158] =	vst.add.f32.msk $0xffff, v1  }
0xbb: {  	v1 =	vld [tilespmem:s25+$0x20];
	_ =	sdelay $0x4  }
0xbc: {  	[tilespmem:s0+$0x168] =	vst.add.f32.msk $0xffff, v1  }
0xbd: {  	v1 =	vld [tilespmem:s25+$0x30];
	_ =	sdelay $0x4  }
0xbe: {  	[tilespmem:s0+$0x178] =	vst.add.f32.msk $0xffff, v1  }
.LBB2_17:
0xbf: {  	s26 =	sadd.s32 $0x1, s26  }
0xc0: {  	p1 =	seq.s32 s26, $0x0  }
.Ltmp11:
0xc1: {  	_ = 	snop;
	(pc) =	sbr.rel @p1 .LBB2_18-.Ltmp11, $2  }
0xc2: {  	_ =	sdelay $0x2  }
0xc3: {  	s23 =	sadd.s32 $0x1, s23;
	s25 =	sadd.s32 $0x80, s25;
	s29 =	smov.u32 s30  }
.LBB2_12:
0xc4: {  	v1 =	vld.msk [tilespmem:s23+$0x0], $0x1;
	_ =	sdelay $0x4  }
0xc5: {  	(v2sf) =	vpush v1, $0x0;
	_ =	sdelay $0xe  }
0xc6: {  	s30 =	spop (v2sf)  }
0xc7: {  	p1 =	sne.s32 s29, s30  }
.Ltmp12:
0xc8: {  	_ = 	snop;
	(pc) =	sbr.rel @!p1 .LBB2_13-.Ltmp12, $2  }
0xc9: {  	_ =	sdelay $0x2  }
0xca: {  	s0 =	sshll.u32 s22, $0x9  }
0xcb: {  	p1 =	seq.s32 s29, s24  }
.Ltmp13:
0xcc: {  	_ = 	snop;
	(pc) =	sbr.rel @!p1 .LBB2_15-.Ltmp13, $1  }
0xcd: {  	_ =	sdelay $0x3  }
0xce: {  	s0 =	sshra.s32 s0, $0x2  }
.Ltmp14:
0xcf: {  	s0 =	sadd.s32 $0x108, s0;
	(pc) =	sbr.rel .LBB2_16-.Ltmp14, $4  }
0xd0: {  	[spmem:s16] =	stream.linear.scatter [tilespmem:s0], [sflag:$0x1], $0x80, $0x38;
	[tilespmem:$0x1F6F8] =	vst v63  }
0xd1: {  	_ =	swait.ge [sflag:s12], $0x80  }
0xd2: {  	[sflag:s12] =	ssyncset.done $0x0  }
0xd3: {  	[sflag:s12] =	ssyncadd.s32 $0xFFFFFF80  }
.LBB2_15:
0xd4: {  	s2 =	sshll.u32 s28, $0x9  }
0xd5: {  	s2 =	sshra.s32 s2, $0x2  }
0xd6: {  	v1 =	vld [tilespmem:s2+$0x7988];
	_ =	sdelay $0x3  }
0xd7: {  	s0 =	sshra.s32 s0, $0x2  }
0xd8: {  	[tilespmem:s0+$0x108] =	vst.add.f32.msk $0xffff, v1  }
0xd9: {  	v1 =	vld [tilespmem:s2+$0x7998];
	_ =	sdelay $0x4  }
0xda: {  	[tilespmem:s0+$0x118] =	vst.add.f32.msk $0xffff, v1  }
0xdb: {  	v1 =	vld [tilespmem:s2+$0x79A8];
	_ =	sdelay $0x4  }
0xdc: {  	[tilespmem:s0+$0x128] =	vst.add.f32.msk $0xffff, v1  }
0xdd: {  	v1 =	vld [tilespmem:s2+$0x79B8];
	_ =	sdelay $0x4  }
0xde: {  	[tilespmem:s0+$0x138] =	vst.add.f32.msk $0xffff, v1  }
0xdf: {  	v1 =	vld [tilespmem:s2+$0x79C8];
	_ =	sdelay $0x4  }
0xe0: {  	[tilespmem:s0+$0x148] =	vst.add.f32.msk $0xffff, v1  }
0xe1: {  	v1 =	vld [tilespmem:s2+$0x79D8];
	_ =	sdelay $0x4  }
0xe2: {  	[tilespmem:s0+$0x158] =	vst.add.f32.msk $0xffff, v1  }
0xe3: {  	v1 =	vld [tilespmem:s2+$0x79E8];
	_ =	sdelay $0x4  }
0xe4: {  	[tilespmem:s0+$0x168] =	vst.add.f32.msk $0xffff, v1  }
0xe5: {  	v1 =	vld [tilespmem:s2+$0x79F8];
	_ =	sdelay $0x2  }
0xe6: {  	p1 =	sgt.u32 s29, $0x1387F0  }
0xe7: {  	s2 =	sand.u32 @!p1 $0x1FFFF8, s29  }
0xe8: {  	s3 =	sadd.s32 $0x108, s0;
	[tilespmem:s0+$0x178] =	vst.add.f32.msk $0xffff, v1;
	s0 =	sadd.s32 @!p1 s1, s2;
	s2 =	sand.u32 @!p1 $0x7, s29  }
0xe9: {  	[hbm4b:s0+s2] =	stream.linear.scatter @!p1 [tilespmem:s3], [sflag:$0xC], $0x80, $0x38;
	[tilespmem:$0x1F6F8] =	vst v63  }
0xea: {  	s0 =	simm.s32 $0x0  }
0xeb: {  	s0 =	simm.s32 @!p1 $0x200  }
0xec: {  	s31 =	sadd.s32 s0, s31  }
.LBB2_16:
0xed: {  	s0 =	sadd.s32 $0x1, s22  }
0xee: {  	s2 =	smulhi.u32 $0x88888889, s0;
	_ =	sdelay $0x1  }
0xef: {  	v1 =	vld [tilespmem:s25+$0xFFFFFFC0];
	s2 =	sshrl.u32 s2, $0x7  }
0xf0: {  	s2 =	smul.u32 $0xF0, s2;
	_ =	sdelay $0x1  }
0xf1: {  	s22 =	ssub.s32 s0, s2  }
0xf2: {  	s0 =	sshll.u32 s22, $0x7  }
0xf3: {  	[tilespmem:s0+$0x108] =	vst v1  }
0xf4: {  	v1 =	vld [tilespmem:s25+$0xFFFFFFD0];
	_ =	sdelay $0x4  }
0xf5: {  	[tilespmem:s0+$0x118] =	vst v1  }
0xf6: {  	v1 =	vld [tilespmem:s25+$0xFFFFFFE0];
	_ =	sdelay $0x4  }
0xf7: {  	[tilespmem:s0+$0x128] =	vst v1  }
0xf8: {  	v1 =	vld [tilespmem:s25+$0xFFFFFFF0];
	_ =	sdelay $0x4  }
0xf9: {  	[tilespmem:s0+$0x138] =	vst v1  }
0xfa: {  	v1 =	vld [tilespmem:s25+$0x0];
	_ =	sdelay $0x4  }
0xfb: {  	[tilespmem:s0+$0x148] =	vst v1  }
0xfc: {  	v1 =	vld [tilespmem:s25+$0x10];
	_ =	sdelay $0x4  }
0xfd: {  	[tilespmem:s0+$0x158] =	vst v1  }
0xfe: {  	v1 =	vld [tilespmem:s25+$0x20];
	_ =	sdelay $0x4  }
0xff: {  	[tilespmem:s0+$0x168] =	vst v1  }
0x100: {  	v1 =	vld [tilespmem:s25+$0x30]  }
.Ltmp15:
0x101: {  	_ = 	snop;
	(pc) =	sbr.rel .LBB2_17-.Ltmp15, $2  }
0x102: {  	_ =	sdelay $0x2  }
0x103: {  	s28 =	sadd.s32 $0x1, s28;
	[tilespmem:s0+$0x178] =	vst v1  }
.LBB2_19:
.Ltmp16:
0x104: {  	(pc) =	sbr.rel .LBB2_20-.Ltmp16, $4  }
0x105: {  	_ = 	snop  }
0x106: {  	s0 =	simm.s32 $0x2  }
0x107: {  	_ =	swait.ge [sflag:s0], $0x0  }
0x108: {  	s30 =	smov.u32 s29;
	[sflag:s0] =	ssyncset.done $0x0;
	s0 =	simm.s32 $0x0  }
.LBB2_22:
0x109: {  	_ =	sfence.sel $0x180000  }
0x10a: {  	s0 =	simm.s32 $0x9;
	[bflag:$0x0] =	sbarrier.arrive $0xFFFF  }
0x10b: {  	s24 =	simm.s32 $0xA;
	[sflag:s0] =	ssyncpa.u1 $0x1  }
0x10c: {  	s25 =	simm.s32 $0xB;
	[sflag:s24] =	ssyncpa.u1 $0x1  }
0x10d: {  	s26 =	simm.s32 $0x2;
	[sflag:s25] =	ssyncpa.u1 $0x1  }
0x10e: {  	[sflag:s26] =	ssyncpa.u1 $0x1  }
0x10f: {  	v0 =	vld [tilespmem:$0xF208];
	_ =	sdelay $0x4  }
0x110: {  	(v2sf) =	vpush v0, $0x0  }
0x111: {  	(v2sf) =	vpush v0, $0x1;
	_ =	sdelay $0x1  }
0x112: {  	(v2sf) =	vpush v0, $0x2;
	_ =	sdelay $0xb  }
0x113: {  	s0 =	spop (v2sf)  }
0x114: {  	s2 =	spop (v2sf)  }
0x115: {  	s3 =	smov.u32 s0;
	p0 =	sne.s32 s0, s2  }
0x116: {  	s4 =	spop (v2sf);
	s3 =	simm.s32 @!p0 $0xFFFFFFFF  }
0x117: {  	v2 =	vimm.s32 $0x1;
	v3 =	vlaneseq.u32;
	p0 =	seq.s32 s4, $0xFFFFFFFF;
	v1 =	vmov s3  }
0x118: {  	s16 =	stileid.u32;
	v0 =	vperm.xlane v0, v2;
	p1 =	sne.s32 @!p0 s0, s2;
	v1 =	vperm.xlane v1, v3  }
0x119: {  	vm0 =	vcmask $0x3F04;
	s6 =	simm.s32 $0xF208;
	s0 =	simm.s32 @!p0 $0x1;
	p1 =	por !p1, p0  }
0x11a: {  	s3 =	sshll.u32 s16, $0x1;
	s2 =	sshll.u32 @!p0 s4, $0x9;
	s0 =	simm.s32 @p1 $0x0;
	v0 =	vsel vm0, v1, v0  }
0x11b: {  	s5 =	sor.u32 $0x1000, s3;
	s2 =	sshra.s32 @!p0 s2, $0x2;
	s0 =	sor.u32 @!p0 s0, s3;
	[tilespmem:$0xF208] =	vst v0  }
0x11c: {  	[spmem:s5] =	stream.linear.scatter [tilespmem:s6], [sflag:$0x1], $0x2, $0x38;
	[tilespmem:$0x1F6F8] =	vst v63  }
0x11d: {  	s2 =	sadd.s32 @!p0 $0x108, s2;
	s0 =	sshll.u32 @!p0 s0, $0x7  }
0x11e: {  	[spmem:s0] =	stream.linear.scatter @!p0 [tilespmem:s2], [sflag:$0x1], $0x80, $0x38;
	[tilespmem:$0x1F6F8] =	vst v63  }
0x11f: {  	s0 =	simm.s32 @!p0 $0x82  }
0x120: {  	s28 =	simm.s32 $0x1;
	s0 =	simm.s32 @p0 $0x2  }
0x121: {  	_ =	swait.ge [sflag:s28], s0  }
0x122: {  	s0 =	ssub.s32 $0x0, s0;
	[sflag:s28] =	ssyncset.done $0x0  }
0x123: {  	p0 =	sne.s32 s16, $0x0;
	[sflag:s28] =	ssyncadd.s32 s0  }
.Ltmp17:
0x124: {  	_ =	sfence.stream.spmem;
	(pc) =	sbr.rel @p0 .LBB2_39-.Ltmp17, $4  }
0x125: {  	s29 =	simm.s32 $0x3;
	[bflag:$0x0] =	sbarrier.arrive $0xFFFF  }
0x126: {  	s30 =	simm.s32 $0x4;
	[sflag:s29] =	ssyncpa.u1 $0x1  }
0x127: {  	s31 =	simm.s32 $0x3C;
	[sflag:s30] =	ssyncpa.u1 $0x1  }
0x128: {  	s15 =	rddreg [dreg:$0x4];
	[sflag:s31] =	ssyncpa.u1 $0x1  }
0x129: {  	_ =	sfence.stream.spmem;
	s0 =	simm.s32 $0x5  }
0x12a: {  	s2 =	simm.s32 $0x1000;
	s3 =	simm.s32 $0xF218;
	[sflag:s0] =	ssyncpa.u1 $0x0  }
0x12b: {  	[tilespmem:s3], [sflag:$0x5] =	stream.linear.gather [spmem:s2], $0x20, $0x38;
	[tilespmem:$0x1F6F8] =	vst v63  }
0x12c: {  	s26 =	simm.s32 $0x0;
	s28 =	simm.s32 $0xF238  }
0x12d: {  	[tilespmem:s28], [sflag:$0x5] =	stream.linear.gather [spmem:s26], $0x1000, $0x38;
	[tilespmem:$0x1F6F8] =	vst v63  }
0x12e: {  	_ =	swait.ge [sflag:s0], $0x1020  }
0x12f: {  	[sflag:s0] =	ssyncset.done $0x0  }
0x130: {  	s29 =	simm.s32 $0x0;
	[sflag:s0] =	ssyncadd.s32 $0xFFFFEFE0  }
0x131: {  	v0 =	vld.msk [tilespmem:s29+$0xF218], $0x1;
	_ =	sdelay $0x1  }
0x132: {  	s30 =	simm.s32 $0x1  }
0x133: {  	v1 =	vld.msk [tilespmem:s30+$0xF218], $0x1;
	_ =	sdelay $0x1  }
0x134: {  	(v2sf) =	vpush v0, $0x0;
	_ =	sdelay $0x2  }
0x135: {  	(v2sf) =	vpush v1, $0x0;
	_ =	sdelay $0x2  }
0x136: {  	s31 =	simm.s32 $0x2  }
0x137: {  	v0 =	vld.msk [tilespmem:s31+$0xF218], $0x1;
	_ =	sdelay $0x2  }
0x138: {  	s4 =	simm.s32 $0xFFFFFFFF;
	s5 =	simm.s32 $0xFFFFFFFF;
	s0 =	simm.s32 $0xC  }
.LBB2_24:
0x139: {  	s2 =	smov.u32 s5;
	s3 =	smov.u32 s4  }
0x13a: {  	s4 =	sshra.s32 s0, $0x2;
	p1 =	sne.s32 s0, $0x7C;
	s0 =	sadd.s32 $0x4, s0;
	(v2sf) =	vpush v0, $0x0  }
0x13b: {  	v0 =	vld.msk [tilespmem:s4+$0xF218], $0x1  }
.Ltmp18:
0x13c: {  	(pc) =	sbr.rel @p1 .LBB2_24-.Ltmp18, $4  }
0x13d: {  	s5 =	spop (v2sf)  }
0x13e: {  	p2 =	sne.s32 s3, $0xFFFFFFFF;
	s4 =	smov.u32 s5  }
0x13f: {  	p3 =	seq.s32 s5, $0xFFFFFFFF;
	s4 =	smov.u32 @p2 s3  }
0x140: {  	s5 =	smov.u32 @p3 s2;
	s4 =	smov.u32 @p3 s3  }
0x141: {  	(v2sf) =	vpush v0, $0x0;
	_ =	sdelay $0x8  }
0x142: {  	s0 =	spop (v2sf)  }
0x143: {  	p1 =	sne.s32 s4, $0xFFFFFFFF;
	s2 =	smov.u32 s0  }
0x144: {  	s9 =	simm.s32 $0x6;
	p2 =	seq.s32 s0, $0xFFFFFFFF;
	s2 =	smov.u32 @p1 s4  }
0x145: {  	s6 =	simm.s32 $0x0;
	s2 =	smov.u32 @p2 s4;
	s3 =	spop (v2sf)  }
0x146: {  	s0 =	smov.u32 @p2 s5;
	p1 =	sne.s32 s2, $0xFFFFFFFF;
	s4 =	smov.u32 s3  }
.Ltmp19:
0x147: {  	p2 =	seq.s32 s3, $0xFFFFFFFF;
	s4 =	smov.u32 @p1 s2;
	(pc) =	sbr.rel .LBB2_26-.Ltmp19, $4  }
0x148: {  	s10 =	simm.s32 $0xF188;
	s4 =	smov.u32 @p2 s2;
	s7 =	spop (v2sf)  }
0x149: {  	s11 =	simm.s32 $0x0;
	p1 =	sne.s32 s4, $0xFFFFFFFF;
	s8 =	smov.u32 s7  }
0x14a: {  	s3 =	smov.u32 @p2 s0;
	p2 =	seq.s32 s7, $0xFFFFFFFF;
	s8 =	smov.u32 @p1 s4  }
0x14b: {  	[sflag:s9] =	ssyncpa.u1 $0x0;
	s7 =	smov.u32 @p2 s3;
	s8 =	smov.u32 @p2 s4  }
.LBB2_32:
0x14c: {  	p1 =	sgt.u32 s12, $0x1387F0  }
0x14d: {  	p2 =	seq.s32 @!p1 s12, s8  }
0x14e: {  	p1 =	por p1, p2  }
0x14f: {  	p2 =	sne.s32 @!p1 s12, s7  }
0x150: {  	p1 =	por p1, !p2  }
0x151: {  	s0 =	sshll.u32 @p1 s11, $0x9  }
0x152: {  	s0 =	sand.u32 @!p1 $0x1FFFF8, s12  }
0x153: {  	s2 =	sand.u32 @!p1 $0x7, s12;
	s0 =	sadd.s32 @!p1 s1, s0  }
0x154: {  	[tilespmem:s10], [sflag:$0x6] =	stream.linear.gather @!p1 [hbm4b:s0+s2], $0x80, $0x38;
	[tilespmem:$0x1F6F8] =	vst v63  }
0x155: {  	_ =	swait.ge @!p1 [sflag:s9], $0x80  }
0x156: {  	[sflag:s9] =	ssyncset.done @!p1 $0x0  }
0x157: {  	[sflag:s9] =	ssyncadd.s32 @!p1 $0xFFFFFF80  }
0x158: {  	v1 =	vld @!p1 [tilespmem:$0xF188];
	_ =	sdelay $0x2  }
0x159: {  	s0 =	sshll.u32 @!p1 s11, $0x9  }
0x15a: {  	s2 =	sshrl.u32 @!p1 s0, $0x2  }
0x15b: {  	[tilespmem:s2+$0xF238] =	vst.add.f32.msk @!p1 $0xffff, v1  }
0x15c: {  	v1 =	vld @!p1 [tilespmem:$0xF198];
	_ =	sdelay $0x4  }
0x15d: {  	[tilespmem:s2+$0xF248] =	vst.add.f32.msk @!p1 $0xffff, v1  }
0x15e: {  	v1 =	vld @!p1 [tilespmem:$0xF1A8];
	_ =	sdelay $0x4  }
0x15f: {  	[tilespmem:s2+$0xF258] =	vst.add.f32.msk @!p1 $0xffff, v1  }
0x160: {  	v1 =	vld @!p1 [tilespmem:$0xF1B8];
	_ =	sdelay $0x4  }
0x161: {  	[tilespmem:s2+$0xF268] =	vst.add.f32.msk @!p1 $0xffff, v1  }
0x162: {  	v1 =	vld @!p1 [tilespmem:$0xF1C8];
	_ =	sdelay $0x4  }
0x163: {  	[tilespmem:s2+$0xF278] =	vst.add.f32.msk @!p1 $0xffff, v1  }
0x164: {  	v1 =	vld @!p1 [tilespmem:$0xF1D8];
	_ =	sdelay $0x4  }
0x165: {  	[tilespmem:s2+$0xF288] =	vst.add.f32.msk @!p1 $0xffff, v1  }
0x166: {  	v1 =	vld @!p1 [tilespmem:$0xF1E8];
	_ =	sdelay $0x4  }
0x167: {  	[tilespmem:s2+$0xF298] =	vst.add.f32.msk @!p1 $0xffff, v1  }
0x168: {  	v1 =	vld @!p1 [tilespmem:$0xF1F8];
	_ =	sdelay $0x4  }
0x169: {  	[tilespmem:s2+$0xF2A8] =	vst.add.f32.msk @!p1 $0xffff, v1  }
0x16a: {  	s0 =	sshrl.u32 s0, $0x2;
	[tilespmem:s6+$0xF218] =	vst.msk $0x1, v0  }
0x16b: {  	v0 =	vld [tilespmem:s0+$0xF238];
	_ =	sdelay $0x2  }
0x16c: {  	s31 =	sshll.u32 s6, $0x9  }
0x16d: {  	s2 =	sshra.s32 s31, $0x2  }
0x16e: {  	[tilespmem:s2+$0xF238] =	vst v0  }
0x16f: {  	v0 =	vld [tilespmem:s0+$0xF248];
	_ =	sdelay $0x4  }
0x170: {  	[tilespmem:s2+$0xF248] =	vst v0  }
0x171: {  	v0 =	vld [tilespmem:s0+$0xF258];
	_ =	sdelay $0x4  }
0x172: {  	[tilespmem:s2+$0xF258] =	vst v0  }
0x173: {  	v0 =	vld [tilespmem:s0+$0xF268];
	_ =	sdelay $0x4  }
0x174: {  	[tilespmem:s2+$0xF268] =	vst v0  }
0x175: {  	v0 =	vld [tilespmem:s0+$0xF278];
	_ =	sdelay $0x4  }
0x176: {  	[tilespmem:s2+$0xF278] =	vst v0  }
0x177: {  	v0 =	vld [tilespmem:s0+$0xF288];
	_ =	sdelay $0x4  }
0x178: {  	[tilespmem:s2+$0xF288] =	vst v0  }
0x179: {  	v0 =	vld [tilespmem:s0+$0xF298];
	_ =	sdelay $0x4  }
0x17a: {  	[tilespmem:s2+$0xF298] =	vst v0  }
0x17b: {  	v0 =	vld [tilespmem:s0+$0xF2A8];
	_ =	sdelay $0x4  }
0x17c: {  	s6 =	sadd.s32 $0x1, s6;
	[tilespmem:s2+$0xF2A8] =	vst v0  }
.LBB2_33:
0x17d: {  	s11 =	sadd.s32 $0x1, s11  }
0x17e: {  	p1 =	sne.s32 s11, $0x20  }
.Ltmp20:
0x17f: {  	_ = 	snop;
	(pc) =	sbr.rel @!p1 .LBB2_34-.Ltmp20, $1  }
0x180: {  	_ =	sdelay $0x3  }
.LBB2_26:
0x181: {  	v0 =	vld.msk [tilespmem:s11+$0xF218], $0x1;
	_ =	sdelay $0x4  }
0x182: {  	(v2sf) =	vpush v0, $0x0;
	_ =	sdelay $0xe  }
0x183: {  	s12 =	spop (v2sf)  }
0x184: {  	p1 =	seq.s32 s12, $0xFFFFFFFF  }
.Ltmp21:
0x185: {  	_ = 	snop;
	(pc) =	sbr.rel @p1 .LBB2_33-.Ltmp21, $1  }
0x186: {  	_ =	sdelay $0x3  }
0x187: {  	p1 =	slt.s32 s6, $0x1  }
.Ltmp22:
0x188: {  	_ = 	snop;
	(pc) =	sbr.rel @p1 .LBB2_32-.Ltmp22, $1  }
0x189: {  	_ =	sdelay $0x3  }
0x18a: {  	s13 =	simm.s32 $0xF218;
	p1 =	por $0x0, $0x0  }
0x18b: {  	v1 =	vld.msk @!p1 [tilespmem:s13+$0x0], $0x1;
	_ =	sdelay $0x4  }
0x18c: {  	(v2sf) =	vpush @!p1 v1, $0x0;
	_ =	sdelay $0xd  }
0x18d: {  	p3 =	sne.s32 s6, $0x1  }
.Ltmp23:
0x18e: {  	s0 =	spop @!p1 (v2sf);
	(pc) =	sbr.rel @!p3 .LBB2_30-.Ltmp23, $4  }
0x18f: {  	p2 =	seq.s32 @!p1 s12, s0  }
0x190: {  	s14 =	simm.s32 $0x0;
	p2 =	por !p2, p1  }
0x191: {  	s2 =	simm.s32 $0xFFFFFFFF;
	s14 =	simm.s32 @p2 $0xFFFFFFFF  }
0x192: {  	s0 =	simm.s32 $0x1;
	s14 =	smov.u32 @p1 s2  }
.LBB2_29:
0x193: {  	s2 =	smov.u32 s14;
	p1 =	sne.s32 s14, $0xFFFFFFFF  }
0x194: {  	s13 =	sadd.s32 $0x1, s13;
	s14 =	smov.u32 s0;
	s0 =	sadd.s32 $0x1, s0  }
0x195: {  	p2 =	sne.s32 s6, s0;
	v1 =	vld.msk @!p1 [tilespmem:s13+$0x0], $0x1;
	_ =	sdelay $0x4  }
0x196: {  	(v2sf) =	vpush @!p1 v1, $0x0;
	_ =	sdelay $0xe  }
.Ltmp24:
0x197: {  	s3 =	spop @!p1 (v2sf);
	(pc) =	sbr.rel @p2 .LBB2_29-.Ltmp24, $4  }
0x198: {  	p3 =	seq.s32 @!p1 s12, s3  }
0x199: {  	p3 =	por !p3, p1  }
0x19a: {  	s14 =	simm.s32 @p3 $0xFFFFFFFF  }
0x19b: {  	s14 =	smov.u32 @p1 s2  }
.LBB2_30:
0x19c: {  	p1 =	seq.s32 s14, $0xFFFFFFFF  }
.Ltmp25:
0x19d: {  	_ = 	snop;
	(pc) =	sbr.rel @p1 .LBB2_32-.Ltmp25, $1  }
0x19e: {  	_ =	sdelay $0x3  }
0x19f: {  	s0 =	sshll.u32 s11, $0x7  }
0x1a0: {  	s0 =	sand.u32 $0x3FFFFF80, s0  }
0x1a1: {  	v0 =	vld [tilespmem:s0+$0xF238];
	_ =	sdelay $0x2  }
0x1a2: {  	s2 =	sshll.u32 s14, $0x9  }
0x1a3: {  	s2 =	sshra.s32 s2, $0x2  }
0x1a4: {  	[tilespmem:s2+$0xF238] =	vst.add.f32.msk $0xffff, v0  }
0x1a5: {  	v0 =	vld [tilespmem:s0+$0xF248];
	_ =	sdelay $0x4  }
0x1a6: {  	[tilespmem:s2+$0xF248] =	vst.add.f32.msk $0xffff, v0  }
0x1a7: {  	v0 =	vld [tilespmem:s0+$0xF258];
	_ =	sdelay $0x4  }
0x1a8: {  	[tilespmem:s2+$0xF258] =	vst.add.f32.msk $0xffff, v0  }
0x1a9: {  	v0 =	vld [tilespmem:s0+$0xF268];
	_ =	sdelay $0x4  }
0x1aa: {  	[tilespmem:s2+$0xF268] =	vst.add.f32.msk $0xffff, v0  }
0x1ab: {  	v0 =	vld [tilespmem:s0+$0xF278];
	_ =	sdelay $0x4  }
0x1ac: {  	[tilespmem:s2+$0xF278] =	vst.add.f32.msk $0xffff, v0  }
0x1ad: {  	v0 =	vld [tilespmem:s0+$0xF288];
	_ =	sdelay $0x4  }
0x1ae: {  	[tilespmem:s2+$0xF288] =	vst.add.f32.msk $0xffff, v0  }
0x1af: {  	v0 =	vld [tilespmem:s0+$0xF298];
	_ =	sdelay $0x4  }
0x1b0: {  	[tilespmem:s2+$0xF298] =	vst.add.f32.msk $0xffff, v0  }
0x1b1: {  	v0 =	vld [tilespmem:s0+$0xF2A8]  }
.Ltmp26:
0x1b2: {  	_ = 	snop;
	(pc) =	sbr.rel .LBB2_33-.Ltmp26, $2  }
0x1b3: {  	_ =	sdelay $0x2  }
0x1b4: {  	[tilespmem:s2+$0xF2A8] =	vst.add.f32.msk $0xffff, v0  }
.LBB2_34:
0x1b5: {  	s0 =	simm.s32 $0x6;
	p1 =	seq.s32 s6, $0x0  }
0x1b6: {  	[sflag:s0] =	ssyncpa.u1 $0x1;
	v0 =	vimm.s32 @p1 $0xFFFFFFFF  }
0x1b7: {  	s9 =	sadd.s32 $0xFFFFFFFF, s6;
	[tilespmem:$0x10238] =	vst @p1 v0  }
0x1b8: {  	v0 =	vld.msk @!p1 [tilespmem:s9+$0xF218], $0x1;
	_ =	sdelay $0x1  }
0x1b9: {  	v1 =	vld.msk @!p1 [tilespmem:$0xF218], $0x1;
	_ =	sdelay $0x2  }
0x1ba: {  	p2 =	seq.s32 @!p1 s9, $0x0;
	v0 =	vbroadcast @!p1 v0, $0x0  }
0x1bb: {  	vm0 =	vmmov @!p1 $0x1;
	p2 =	por !p2, p1  }
0x1bc: {  	v1 =	vnsel @!p1 vm0, $0xFFFFFFFF, v1;
	vm0 =	vcmask @!p1 $0x308;
	v0 =	vpsel !p2, $0xFFFFFFFF, v0  }
0x1bd: {  	p2 =	sne.s32 @!p1 s8, s7;
	v0 =	vsel @!p1 vm0, v1, v0  }
0x1be: {  	s0 =	simm.s32 @!p1 $0xF238;
	s2 =	simm.s32 @!p1 $0x0;
	p3 =	por !p2, p1;
	[tilespmem:$0x10238] =	vst @!p1 v0  }
0x1bf: {  	[spmem:s2] =	stream.linear.scatter @!p1 [tilespmem:s0], [sflag:$0x1], $0x80, $0x38;
	[tilespmem:$0x1F6F8] =	vst v63  }
0x1c0: {  	s0 =	sshll.u32 @!p3 s9, $0x9  }
0x1c1: {  	s0 =	sshra.s32 @!p3 s0, $0x2  }
0x1c2: {  	s2 =	simm.s32 @!p3 $0x80;
	s0 =	sadd.s32 @!p3 $0xF238, s0  }
0x1c3: {  	[spmem:s2] =	stream.linear.scatter @!p3 [tilespmem:s0], [sflag:$0x1], $0x80, $0x38;
	[tilespmem:$0x1F6F8] =	vst v63  }
0x1c4: {  	s0 =	simm.s32 @!p3 $0x1  }
0x1c5: {  	_ =	swait.ge @!p3 [sflag:s0], $0x100  }
0x1c6: {  	p1 =	por p2, p1;
	[sflag:s0] =	ssyncset.done @!p3 $0x0  }
0x1c7: {  	[sflag:s0] =	ssyncadd.s32 @!p3 $0xFFFFFF00;
	s0 =	simm.s32 @!p1 $0x1  }
0x1c8: {  	_ =	swait.ge @!p1 [sflag:s0], $0x80  }
0x1c9: {  	s29 =	simm.s32 $0x10238;
	[sflag:s0] =	ssyncset.done @!p1 $0x0  }
0x1ca: {  	s30 =	simm.s32 $0x1000;
	s31 =	simm.s32 $0x1;
	[sflag:s0] =	ssyncadd.s32 @!p1 $0xFFFFFF80  }
0x1cb: {  	[spmem:s30] =	stream.linear.scatter [tilespmem:s29], [sflag:$0x1], $0x10, $0x38;
	[tilespmem:$0x1F6F8] =	vst v63  }
0x1cc: {  	_ =	swait.ge [sflag:s31], $0x10  }
0x1cd: {  	[sflag:s31] =	ssyncset.done $0x0  }
0x1ce: {  	p1 =	seq.s32 s15, $0x0;
	s8 =	rddreg [dreg:$0x1];
	[sflag:s31] =	ssyncadd.s32 $0xFFFFFFF0  }
0x1cf: {  	s2 =	sshll.u32 @p1 s8, $0xE;
	s7 =	rddreg [dreg:$0x2]  }
0x1d0: {  	s0 =	sadd.s32 @p1 $0x15C3C, s2;
	s2 =	sshll.u32 @p1 s7, $0x11  }
0x1d1: {  	_ =	sfence.stream.spmem;
	s0 =	sor.u32 @p1 s2, s0  }
0x1d2: {  	[sflag:s0] =	ssyncadd.remote.s32 @p1 $0x1;
	s0 =	simm.s32 @p1 $0x4  }
0x1d3: {  	s3 =	simm.s32 @!p1 $0x3C;
	s2 =	sand.u32 $0xFFFFFFFE, s8;
	_ =	swait.ge @p1 [sflag:s0], $0x22  }
0x1d4: {  	s4 =	simm.s32 @!p1 $0x0;
	s2 =	sadd.s32 @!p1 $0x4, s2;
	[sflag:s0] =	ssyncset.done @p1 $0x0  }
0x1d5: {  	s5 =	simm.s32 @!p1 $0x100;
	[sflag:s0] =	ssyncadd.s32 @p1 $0xFFFFFFDE;
	s0 =	sshll.u32 @!p1 s2, $0x1A  }
0x1d6: {  	s2 =	sshll.u32 @!p1 s2, $0xD;
	s0 =	sor.u32 @!p1 s0, s7;
	_ =	swait.eq @!p1 [sflag:s3], $0x1  }
0x1d7: {  	s2 =	sor.u32 @!p1 $0x1C04, s2;
	s3 =	simm.s32 @!p1 $0x1C03;
	s0 =	sor.u32 @!p1 $0x80004000, s0  }
0x1d8: {  	[spmem:s5], [sflag:s2] =	dma.general @!p1 [spmem:s4], [sflag:s3], length:$0x20, [dreg:$0x0], stride_count:$0x0, ici_dest:s0, dma_misc:DstOpCode:WRITE  }
0x1d9: {  	p2 =	slt.s32 s9, $0x2;
	s4 =	simm.s32 @!p1 $0x200;
	s5 =	simm.s32 @!p1 $0x202  }
0x1da: {  	[spmem:s5], [sflag:s2] =	dma.general @!p1 [spmem:s4], [sflag:s3], length:$0x2, [dreg:$0x0], stride_count:$0x0, ici_dest:s0, dma_misc:DstOpCode:WRITE  }
.Ltmp27:
0x1db: {  	s0 =	simm.s32 @!p1 $0x3;
	(pc) =	sbr.rel @p2 .LBB2_38-.Ltmp27, $4  }
0x1dc: {  	s2 =	sshll.u32 @!p1 s8, $0xE;
	_ =	swait.ge @!p1 [sflag:s0], $0x22  }
0x1dd: {  	s3 =	sshll.u32 @!p1 s7, $0x11;
	s2 =	sadd.s32 @!p1 $0x11C3C, s2;
	[sflag:s0] =	ssyncset.done @!p1 $0x0  }
0x1de: {  	[sflag:s0] =	ssyncadd.s32 @!p1 $0xFFFFFFDE;
	s0 =	sor.u32 @!p1 s3, s2  }
0x1df: {  	[sflag:s0] =	ssyncadd.remote.s32 @!p1 $0xFFFFFFFF;
	s0 =	simm.s32 $0x0  }
0x1e0: {  	s0 =	simm.s32 $0xF219  }
0x1e1: {  	v0 =	vld.msk [tilespmem:s0+$0x0], $0x1;
	_ =	sdelay $0x4  }
0x1e2: {  	(v2sf) =	vpush v0, $0x0;
	_ =	sdelay $0xb  }
0x1e3: {  	s31 =	sadd.s32 $0xFFFFFFFE, s6  }
0x1e4: {  	s0 =	sadd.s32 $0xFFFFFFFF, s31  }
0x1e5: {  	p2 =	sne.s32 s0, $0x0  }
.Ltmp28:
0x1e6: {  	s2 =	spop (v2sf);
	(pc) =	sbr.rel @!p2 .LBB2_37-.Ltmp28, $4  }
0x1e7: {  	s4 =	simm.s32 $0xF2B8;
	s7 =	simm.s32 $0x0;
	p1 =	sgt.u32 s2, $0x1387F0  }
0x1e8: {  	s5 =	simm.s32 $0x0;
	s6 =	simm.s32 $0xF21A;
	s3 =	sand.u32 @!p1 $0x1FFFF8, s2  }
0x1e9: {  	s2 =	sand.u32 @!p1 $0x7, s2;
	s7 =	simm.s32 @!p1 $0x200;
	s3 =	sadd.s32 @!p1 s1, s3  }
0x1ea: {  	[hbm4b:s3+s2] =	stream.linear.scatter @!p1 [tilespmem:s4], [sflag:$0x5], $0x80, $0x38;
	[tilespmem:$0x1F6F8] =	vst v63  }
.LBB2_36:
0x1eb: {  	v0 =	vld.msk [tilespmem:s6+$0x0], $0x1;
	s0 =	sadd.s32 $0xFFFFFFFF, s0;
	s5 =	sadd.s32 s5, s7  }
0x1ec: {  	p1 =	sne.s32 s0, $0x0;
	_ =	sdelay $0x3  }
0x1ed: {  	(v2sf) =	vpush v0, $0x0;
	_ =	sdelay $0xe  }
.Ltmp29:
0x1ee: {  	s2 =	spop (v2sf);
	(pc) =	sbr.rel @p1 .LBB2_36-.Ltmp29, $4  }
0x1ef: {  	s7 =	simm.s32 $0x0;
	p2 =	sgt.u32 s2, $0x1387F0  }
0x1f0: {  	s4 =	sadd.s32 $0x80, s4;
	s7 =	simm.s32 @!p2 $0x200;
	s3 =	sand.u32 @!p2 $0x1FFFF8, s2  }
0x1f1: {  	s6 =	sadd.s32 $0x1, s6;
	s2 =	sand.u32 @!p2 $0x7, s2;
	s3 =	sadd.s32 @!p2 s1, s3  }
0x1f2: {  	[hbm4b:s3+s2] =	stream.linear.scatter @!p2 [tilespmem:s4], [sflag:$0x5], $0x80, $0x38;
	[tilespmem:$0x1F6F8] =	vst v63  }
.LBB2_37:
0x1f3: {  	s0 =	sadd.s32 s5, s7  }
0x1f4: {  	s0 =	sshrl.u32 s0, $0x2  }
.LBB2_38:
0x1f5: {  	s2 =	simm.s32 $0x5  }
0x1f6: {  	_ =	swait.ge [sflag:s2], s0  }
0x1f7: {  	s31 =	ssub.s32 $0x0, s0;
	[sflag:s2] =	ssyncset.done $0x0  }
0x1f8: {  	[sflag:s2] =	ssyncadd.s32 s31  }
0x1f9: {  	[sflag:s2] =	ssyncpa.u1 $0x1  }
.LBB2_39:
0x1fa: {  	s0 =	sor.u32 s15, s16  }
0x1fb: {  	p1 =	sne.s32 s0, $0x0  }
.Ltmp30:
0x1fc: {  	_ = 	snop;
	(pc) =	sbr.rel @p1 .LBB2_54-.Ltmp30, $3  }
0x1fd: {  	_ =	sdelay $0x1  }
0x1fe: {  	[bflag:$0x0] =	sbarrier.arrive $0xFFFF  }
0x1ff: {  	_ =	sfence  }
0x200: {  	s0 =	simm.s32 $0x7  }
0x201: {  	s2 =	simm.s32 $0x1000;
	s3 =	simm.s32 $0xF218;
	[sflag:s0] =	ssyncpa.u1 $0x0  }
0x202: {  	[tilespmem:s3], [sflag:$0x7] =	stream.linear.gather [spmem:s2], $0x20, $0x38;
	[tilespmem:$0x1F6F8] =	vst v63  }
0x203: {  	s30 =	simm.s32 $0xF238;
	s2 =	simm.s32 $0x0  }
0x204: {  	[tilespmem:s30], [sflag:$0x7] =	stream.linear.gather [spmem:s2], $0x1000, $0x38;
	[tilespmem:$0x1F6F8] =	vst v63  }
.Ltmp31:
0x205: {  	_ = 	snop;
	(pc) =	sbr.rel .LBB2_41-.Ltmp31, $4  }
0x206: {  	_ =	swait.ge [sflag:s0], $0x1020  }
0x207: {  	[sflag:s0] =	ssyncset.done $0x0  }
0x208: {  	s31 =	simm.s32 $0x8;
	[sflag:s0] =	ssyncadd.s32 $0xFFFFEFE0  }
0x209: {  	s3 =	simm.s32 $0x0;
	[sflag:s31] =	ssyncpa.u1 $0x0  }
.LBB2_47:
0x20a: {  	p1 =	slt.u32 s4, $0x1387F1  }
0x20b: {  	s0 =	sand.u32 @p1 $0x1FFFF8, s4  }
0x20c: {  	s4 =	sand.u32 @p1 $0x7, s4;
	s5 =	simm.s32 @p1 $0xF188;
	s0 =	sadd.s32 @p1 s1, s0  }
0x20d: {  	[tilespmem:s5], [sflag:$0x8] =	stream.linear.gather @p1 [hbm4b:s0+s4], $0x80, $0x38;
	[tilespmem:$0x1F6F8] =	vst v63  }
0x20e: {  	s0 =	simm.s32 @p1 $0x8  }
0x20f: {  	_ =	swait.ge @p1 [sflag:s0], $0x80  }
0x210: {  	[sflag:s0] =	ssyncset.done @p1 $0x0  }
0x211: {  	[sflag:s0] =	ssyncadd.s32 @p1 $0xFFFFFF80  }
0x212: {  	v1 =	vld @p1 [tilespmem:$0xF188];
	_ =	sdelay $0x2  }
0x213: {  	s0 =	sshll.u32 @p1 s3, $0x9  }
0x214: {  	s4 =	sshrl.u32 @p1 s0, $0x2  }
0x215: {  	[tilespmem:s4+$0xF238] =	vst.add.f32.msk @p1 $0xffff, v1  }
0x216: {  	v1 =	vld @p1 [tilespmem:$0xF198];
	_ =	sdelay $0x4  }
0x217: {  	[tilespmem:s4+$0xF248] =	vst.add.f32.msk @p1 $0xffff, v1  }
0x218: {  	v1 =	vld @p1 [tilespmem:$0xF1A8];
	_ =	sdelay $0x4  }
0x219: {  	[tilespmem:s4+$0xF258] =	vst.add.f32.msk @p1 $0xffff, v1  }
0x21a: {  	v1 =	vld @p1 [tilespmem:$0xF1B8];
	_ =	sdelay $0x4  }
0x21b: {  	[tilespmem:s4+$0xF268] =	vst.add.f32.msk @p1 $0xffff, v1  }
0x21c: {  	v1 =	vld @p1 [tilespmem:$0xF1C8];
	_ =	sdelay $0x4  }
0x21d: {  	[tilespmem:s4+$0xF278] =	vst.add.f32.msk @p1 $0xffff, v1  }
0x21e: {  	v1 =	vld @p1 [tilespmem:$0xF1D8];
	_ =	sdelay $0x4  }
0x21f: {  	[tilespmem:s4+$0xF288] =	vst.add.f32.msk @p1 $0xffff, v1  }
0x220: {  	v1 =	vld @p1 [tilespmem:$0xF1E8];
	_ =	sdelay $0x4  }
0x221: {  	[tilespmem:s4+$0xF298] =	vst.add.f32.msk @p1 $0xffff, v1  }
0x222: {  	v1 =	vld @p1 [tilespmem:$0xF1F8];
	_ =	sdelay $0x3  }
0x223: {  	s5 =	sshll.u32 @!p1 s3, $0x9  }
0x224: {  	s5 =	smov.u32 @p1 s0;
	[tilespmem:s4+$0xF2A8] =	vst.add.f32.msk @p1 $0xffff, v1  }
0x225: {  	s0 =	sshrl.u32 s5, $0x2;
	[tilespmem:s2+$0xF218] =	vst.msk $0x1, v0  }
0x226: {  	v0 =	vld [tilespmem:s0+$0xF238];
	_ =	sdelay $0x2  }
0x227: {  	s31 =	sshll.u32 s2, $0x9  }
0x228: {  	s4 =	sshra.s32 s31, $0x2  }
0x229: {  	[tilespmem:s4+$0xF238] =	vst v0  }
0x22a: {  	v0 =	vld [tilespmem:s0+$0xF248];
	_ =	sdelay $0x4  }
0x22b: {  	[tilespmem:s4+$0xF248] =	vst v0  }
0x22c: {  	v0 =	vld [tilespmem:s0+$0xF258];
	_ =	sdelay $0x4  }
0x22d: {  	[tilespmem:s4+$0xF258] =	vst v0  }
0x22e: {  	v0 =	vld [tilespmem:s0+$0xF268];
	_ =	sdelay $0x4  }
0x22f: {  	[tilespmem:s4+$0xF268] =	vst v0  }
0x230: {  	v0 =	vld [tilespmem:s0+$0xF278];
	_ =	sdelay $0x4  }
0x231: {  	[tilespmem:s4+$0xF278] =	vst v0  }
0x232: {  	v0 =	vld [tilespmem:s0+$0xF288];
	_ =	sdelay $0x4  }
0x233: {  	[tilespmem:s4+$0xF288] =	vst v0  }
0x234: {  	v0 =	vld [tilespmem:s0+$0xF298];
	_ =	sdelay $0x4  }
0x235: {  	[tilespmem:s4+$0xF298] =	vst v0  }
0x236: {  	v0 =	vld [tilespmem:s0+$0xF2A8];
	_ =	sdelay $0x4  }
0x237: {  	s2 =	sadd.s32 $0x1, s2;
	[tilespmem:s4+$0xF2A8] =	vst v0  }
.LBB2_48:
0x238: {  	s3 =	sadd.s32 $0x1, s3  }
0x239: {  	p1 =	sne.s32 s3, $0x20  }
.Ltmp32:
0x23a: {  	_ = 	snop;
	(pc) =	sbr.rel @!p1 .LBB2_49-.Ltmp32, $1  }
0x23b: {  	_ =	sdelay $0x3  }
.LBB2_41:
0x23c: {  	v0 =	vld.msk [tilespmem:s3+$0xF218], $0x1;
	_ =	sdelay $0x4  }
0x23d: {  	(v2sf) =	vpush v0, $0x0;
	_ =	sdelay $0xe  }
0x23e: {  	s4 =	spop (v2sf)  }
0x23f: {  	p1 =	seq.s32 s4, $0xFFFFFFFF  }
.Ltmp33:
0x240: {  	_ = 	snop;
	(pc) =	sbr.rel @p1 .LBB2_48-.Ltmp33, $1  }
0x241: {  	_ =	sdelay $0x3  }
0x242: {  	p1 =	slt.s32 s2, $0x1  }
.Ltmp34:
0x243: {  	_ = 	snop;
	(pc) =	sbr.rel @p1 .LBB2_47-.Ltmp34, $1  }
0x244: {  	_ =	sdelay $0x3  }
0x245: {  	s5 =	simm.s32 $0xF218;
	p1 =	por $0x0, $0x0  }
0x246: {  	v1 =	vld.msk @!p1 [tilespmem:s5+$0x0], $0x1;
	_ =	sdelay $0x4  }
0x247: {  	(v2sf) =	vpush @!p1 v1, $0x0;
	_ =	sdelay $0xd  }
0x248: {  	p3 =	sne.s32 s2, $0x1  }
.Ltmp35:
0x249: {  	s0 =	spop @!p1 (v2sf);
	(pc) =	sbr.rel @!p3 .LBB2_45-.Ltmp35, $4  }
0x24a: {  	p2 =	seq.s32 @!p1 s4, s0  }
0x24b: {  	s6 =	simm.s32 $0x0;
	p2 =	por !p2, p1  }
0x24c: {  	s7 =	simm.s32 $0xFFFFFFFF;
	s6 =	simm.s32 @p2 $0xFFFFFFFF  }
0x24d: {  	s0 =	simm.s32 $0x1;
	s6 =	smov.u32 @p1 s7  }
.LBB2_44:
0x24e: {  	s7 =	smov.u32 s6;
	p1 =	sne.s32 s6, $0xFFFFFFFF  }
0x24f: {  	s5 =	sadd.s32 $0x1, s5;
	s6 =	smov.u32 s0;
	s0 =	sadd.s32 $0x1, s0  }
0x250: {  	p2 =	sne.s32 s2, s0;
	v1 =	vld.msk @!p1 [tilespmem:s5+$0x0], $0x1;
	_ =	sdelay $0x4  }
0x251: {  	(v2sf) =	vpush @!p1 v1, $0x0;
	_ =	sdelay $0xe  }
.Ltmp36:
0x252: {  	s8 =	spop @!p1 (v2sf);
	(pc) =	sbr.rel @p2 .LBB2_44-.Ltmp36, $4  }
0x253: {  	p3 =	seq.s32 @!p1 s4, s8  }
0x254: {  	p3 =	por !p3, p1  }
0x255: {  	s6 =	simm.s32 @p3 $0xFFFFFFFF  }
0x256: {  	s6 =	smov.u32 @p1 s7  }
.LBB2_45:
0x257: {  	p1 =	seq.s32 s6, $0xFFFFFFFF  }
.Ltmp37:
0x258: {  	_ = 	snop;
	(pc) =	sbr.rel @p1 .LBB2_47-.Ltmp37, $1  }
0x259: {  	_ =	sdelay $0x3  }
0x25a: {  	s0 =	sshll.u32 s3, $0x7  }
0x25b: {  	s0 =	sand.u32 $0x3FFFFF80, s0  }
0x25c: {  	v0 =	vld [tilespmem:s0+$0xF238];
	_ =	sdelay $0x2  }
0x25d: {  	s4 =	sshll.u32 s6, $0x9  }
0x25e: {  	s4 =	sshra.s32 s4, $0x2  }
0x25f: {  	[tilespmem:s4+$0xF238] =	vst.add.f32.msk $0xffff, v0  }
0x260: {  	v0 =	vld [tilespmem:s0+$0xF248];
	_ =	sdelay $0x4  }
0x261: {  	[tilespmem:s4+$0xF248] =	vst.add.f32.msk $0xffff, v0  }
0x262: {  	v0 =	vld [tilespmem:s0+$0xF258];
	_ =	sdelay $0x4  }
0x263: {  	[tilespmem:s4+$0xF258] =	vst.add.f32.msk $0xffff, v0  }
0x264: {  	v0 =	vld [tilespmem:s0+$0xF268];
	_ =	sdelay $0x4  }
0x265: {  	[tilespmem:s4+$0xF268] =	vst.add.f32.msk $0xffff, v0  }
0x266: {  	v0 =	vld [tilespmem:s0+$0xF278];
	_ =	sdelay $0x4  }
0x267: {  	[tilespmem:s4+$0xF278] =	vst.add.f32.msk $0xffff, v0  }
0x268: {  	v0 =	vld [tilespmem:s0+$0xF288];
	_ =	sdelay $0x4  }
0x269: {  	[tilespmem:s4+$0xF288] =	vst.add.f32.msk $0xffff, v0  }
0x26a: {  	v0 =	vld [tilespmem:s0+$0xF298];
	_ =	sdelay $0x4  }
0x26b: {  	[tilespmem:s4+$0xF298] =	vst.add.f32.msk $0xffff, v0  }
0x26c: {  	v0 =	vld [tilespmem:s0+$0xF2A8]  }
.Ltmp38:
0x26d: {  	_ = 	snop;
	(pc) =	sbr.rel .LBB2_48-.Ltmp38, $2  }
0x26e: {  	_ =	sdelay $0x2  }
0x26f: {  	[tilespmem:s4+$0xF2A8] =	vst.add.f32.msk $0xffff, v0  }
.LBB2_49:
0x270: {  	p1 =	slt.s32 s2, $0x1  }
.Ltmp39:
0x271: {  	_ = 	snop;
	(pc) =	sbr.rel @p1 .LBB2_53-.Ltmp39, $3  }
0x272: {  	_ =	sdelay $0x1  }
0x273: {  	s0 =	simm.s32 $0x8  }
0x274: {  	s3 =	simm.s32 $0x0;
	[sflag:s0] =	ssyncpa.u1 $0x1  }
0x275: {  	s0 =	simm.s32 $0xF218  }
0x276: {  	v0 =	vld.msk [tilespmem:s0+$0x0], $0x1;
	_ =	sdelay $0x4  }
0x277: {  	(v2sf) =	vpush v0, $0x0;
	_ =	sdelay $0xe  }
0x278: {  	s0 =	sadd.s32 $0xFFFFFFFF, s2;
	s5 =	spop (v2sf)  }
0x279: {  	p2 =	sne.s32 s0, $0x0;
	p1 =	sgt.u32 s5, $0x1387F0  }
.Ltmp40:
0x27a: {  	s6 =	sand.u32 @!p1 $0x1FFFF8, s5;
	(pc) =	sbr.rel @!p2 .LBB2_52-.Ltmp40, $4  }
0x27b: {  	s4 =	simm.s32 $0xF238;
	s5 =	sand.u32 @!p1 $0x7, s5;
	s2 =	sadd.s32 @!p1 s1, s6  }
0x27c: {  	[hbm4b:s2+s5] =	stream.linear.scatter @!p1 [tilespmem:s4], [sflag:$0x7], $0x80, $0x38;
	[tilespmem:$0x1F6F8] =	vst v63  }
0x27d: {  	s5 =	simm.s32 $0x0  }
0x27e: {  	s2 =	simm.s32 $0xF219;
	s5 =	simm.s32 @!p1 $0x200  }
.LBB2_51:
0x27f: {  	v0 =	vld.msk [tilespmem:s2+$0x0], $0x1;
	s0 =	sadd.s32 $0xFFFFFFFF, s0;
	s3 =	sadd.s32 s3, s5  }
0x280: {  	p1 =	sne.s32 s0, $0x0;
	_ =	sdelay $0x3  }
0x281: {  	(v2sf) =	vpush v0, $0x0;
	_ =	sdelay $0xe  }
.Ltmp41:
0x282: {  	s6 =	spop (v2sf);
	(pc) =	sbr.rel @p1 .LBB2_51-.Ltmp41, $4  }
0x283: {  	s5 =	simm.s32 $0x0;
	p2 =	sgt.u32 s6, $0x1387F0  }
0x284: {  	s4 =	sadd.s32 $0x80, s4;
	s5 =	simm.s32 @!p2 $0x200;
	s7 =	sand.u32 @!p2 $0x1FFFF8, s6  }
0x285: {  	s2 =	sadd.s32 $0x1, s2;
	s6 =	sand.u32 @!p2 $0x7, s6;
	s7 =	sadd.s32 @!p2 s1, s7  }
0x286: {  	[hbm4b:s7+s6] =	stream.linear.scatter @!p2 [tilespmem:s4], [sflag:$0x7], $0x80, $0x38;
	[tilespmem:$0x1F6F8] =	vst v63  }
.LBB2_52:
0x287: {  	s0 =	sadd.s32 s3, s5  }
0x288: {  	s3 =	sshrl.u32 s0, $0x2  }
.LBB2_53:
0x289: {  	s0 =	simm.s32 $0x7  }
0x28a: {  	_ =	swait.ge [sflag:s0], s3  }
0x28b: {  	s1 =	ssub.s32 $0x0, s3;
	[sflag:s0] =	ssyncset.done $0x0  }
0x28c: {  	[sflag:s0] =	ssyncadd.s32 s1  }
0x28d: {  	[sflag:s0] =	ssyncpa.u1 $0x1  }
.LBB2_54:
0x28e: {  	_ =	sfence;
	s0 =	simm.s32 $0x1  }
0x28f: {  	[sflag:s0] =	ssyncpa.u1 $0x1  }
0x290: {  	_ =	strace $0x9000004D  }
0x291: {  	[bflag:$0x2] =	sbarrier.arrive $0xFFFF  }
0x292: {  	s0 =	rddreg [dreg:$0x3]  }
0x293: {  	s0 =	sadd.s32 @!p0 $0x100000, s0  }
0x294: {  	[sflag:s0] =	ssyncadd.tile.s32 @!p0 $0x1;
	_ =	shalt  }
.Lfunc_end2:
_tile_overlayer_lowered:
.L_overlay_start_2:
0x295: {  	(tag) =	ssettag $0x2  }
0x296: {  	s0 =	rddreg [dreg:$0x0];
	s2 =	stileid.u32  }
0x297: {  	s1 =	rddreg [dreg:$0x1];
	p0 =	sne.s32 s2, $0x0  }
0x298: {  	s3 =	rddreg [dreg:$0x2];
	[bflag:$0x3] =	sbarrier.arrive $0xFFFF;
	s2 =	simm.s32 @!p0 $0x1C01  }
0x299: {  	[timem:s3], [sflag:s2] =	dma.local @!p0 [hbm:s0], s1  }
0x29a: {  	s0 =	simm.s32 @!p0 $0x1  }
0x29b: {  	_ =	swait.ge @!p0 [sflag:s0], s1  }
0x29c: {  	s1 =	ssub.s32 @!p0 $0x0, s1;
	[sflag:s0] =	ssyncset.done @!p0 $0x0  }
0x29d: {  	[sflag:s0] =	ssyncadd.s32 @!p0 s1  }
0x29e: {  	[bflag:$0x3] =	sbarrier.arrive $0xFFFF  }
0x29f: {  	_ =	shalt  }

</sc_bundles>
